<compile_context>
chip_gen: v7x
topology: tpu7x:2x2x1
jax: 0.10.2.dev20260603
libtpu: 0.0.44.dev20260713+nightly
codegen_flags: <defaults>
</compile_context>

<pallas_src>
import functools

import jax
import jax.numpy as jnp
from jax import lax
from jax.experimental import pallas as pl
from jax.experimental.pallas import tpu as pltpu
from jax.experimental.pallas import tpu_sc as plsc

N_NODES = 10000
N_EDGES = 160000
D_FEAT = 256
HALF = D_FEAT // 2

NC = 2
NS = 16
LANES = 16

PAD_N = 10240
RPT = PAD_N // NS
ZROWS = 128

E_PER_TILE = N_EDGES // NS
CHUNK = 100
N_CHUNKS = E_PER_TILE // CHUNK

_f32 = jnp.float32
_i32 = jnp.int32

GRP = 10
N_GRPS = N_CHUNKS // GRP
ZB_ROWS = 8


def _sc_mesh():
    return plsc.VectorSubcoreMesh(core_axis_name="c", subcore_axis_name="s")


def _deg_body(dst_hbm, deg_out_a, deg_out_b, idx_d, ones_v, zb, deg_sp,
              zsem, dsem):
    c = lax.axis_index("c")
    s = lax.axis_index("s")

    pltpu.sync_copy(dst_hbm.at[s], idx_d)

    one16 = jnp.full((LANES,), 1.0, dtype=_f32)
    zero16 = jnp.zeros((LANES,), dtype=_f32)

    def fill(i, carry):
        for j in range(HALF // LANES):
            ones_v[i, pl.ds(j * LANES, LANES)] = one16
        return carry

    lax.fori_loop(0, CHUNK, fill, 0)

    def fillz(i, carry):
        for j in range(HALF // LANES):
            zb[i, pl.ds(j * LANES, LANES)] = zero16
        return carry

    lax.fori_loop(0, ZB_ROWS, fillz, 0)

    def zshare(k, carry):
        cps = [
            pltpu.async_copy(
                zb,
                deg_sp.at[pl.ds(s * RPT + (8 * k + u) * ZB_ROWS, ZB_ROWS)],
                zsem,
            )
            for u in range(8)
        ]
        for cp in cps:
            cp.wait()
        return carry

    lax.fori_loop(0, (RPT // ZB_ROWS) // 8, zshare, 0)
    plsc.subcore_barrier()

    half_chunks = N_CHUNKS // 2
    base = c * half_chunks

    def chunk_step(g, carry):
        cps = [
            pltpu.async_copy(
                ones_v, deg_sp.at[idx_d.at[base + g * GRP + u]], dsem,
                add=True,
            )
            for u in range(GRP)
        ]
        for cp in cps:
            cp.wait()
        return carry

    lax.fori_loop(0, half_chunks // GRP, chunk_step, 0)
    plsc.subcore_barrier()

    @pl.when(c == 0)
    def _():
        pltpu.sync_copy(deg_sp.at[pl.ds(s * RPT, RPT)],
                        deg_out_a.at[pl.ds(s * RPT, RPT)])

    @pl.when(c == 1)
    def _():
        pltpu.sync_copy(deg_sp.at[pl.ds(s * RPT, RPT)],
                        deg_out_b.at[pl.ds(s * RPT, RPT)])


_deg_kernel = functools.partial(
    pl.kernel,
    out_type=(
        jax.ShapeDtypeStruct((PAD_N, HALF), _f32),
        jax.ShapeDtypeStruct((PAD_N, HALF), _f32),
    ),
    mesh=_sc_mesh(),
    scratch_types=[
        pltpu.VMEM((N_CHUNKS, CHUNK), _i32),
        pltpu.VMEM((CHUNK, HALF), _f32),
        pltpu.VMEM((ZB_ROWS, HALF), _f32),
        pltpu.VMEM_SHARED((PAD_N, HALF), _f32),
        pltpu.SemaphoreType.DMA,
        pltpu.SemaphoreType.DMA,
    ],
)(_deg_body)


NBUF = 3


def _agg_body(h0_hbm, h1_hbm, src_hbm, dst_hbm, agg0_out, agg1_out,
              idx_s0, idx_d0, idx_s1, idx_d1, rows_a, rows_b, rows_c,
              zb, agg_sp,
              gsem_a, gsem_b, gsem_c, ssem_a, ssem_b, ssem_c,
              isem0, isem1, zsem):
    c = lax.axis_index("c")
    s = lax.axis_index("s")

    pltpu.async_copy(src_hbm.at[s, 0], idx_s0, isem0)
    pltpu.async_copy(dst_hbm.at[s, 0], idx_d0, isem0)

    zero16 = jnp.zeros((LANES,), dtype=_f32)

    def zrow(i, carry):
        for j in range(HALF // LANES):
            zb[i, pl.ds(j * LANES, LANES)] = zero16
        return carry

    lax.fori_loop(0, ZB_ROWS, zrow, 0)

    def zshare(k, carry):
        cps = [
            pltpu.async_copy(
                zb,
                agg_sp.at[pl.ds(s * RPT + (8 * k + u) * ZB_ROWS, ZB_ROWS)],
                zsem,
            )
            for u in range(8)
        ]
        for cp in cps:
            cp.wait()
        return carry

    lax.fori_loop(0, (RPT // ZB_ROWS) // 8, zshare, 0)
    plsc.subcore_barrier()

    rows = (rows_a, rows_b, rows_c)
    gsem = (gsem_a, gsem_b, gsem_c)
    ssem = (ssem_a, ssem_b, ssem_c)

    def chunk_pipeline(h_hbm, idx_s, idx_d):
        gd = [None] * NBUF
        sd = [None] * NBUF
        gd[0] = pltpu.async_copy(h_hbm.at[idx_s.at[0]], rows[0], gsem[0])
        gd[1] = pltpu.async_copy(h_hbm.at[idx_s.at[1]], rows[1], gsem[1])
        for j in range(GRP):
            b = j % NBUF
            if j + 2 < GRP:
                nb = (j + 2) % NBUF
                if sd[nb] is not None:
                    sd[nb].wait()
                    sd[nb] = None
                gd[nb] = pltpu.async_copy(h_hbm.at[idx_s.at[j + 2]],
                                          rows[nb], gsem[nb])
            gd[b].wait()
            sd[b] = pltpu.async_copy(rows[b], agg_sp.at[idx_d.at[j]],
                                     ssem[b], add=True)
        for b in range(NBUF):
            if sd[b] is not None:
                sd[b].wait()

    def do_pass(h_hbm, out_hbm):
        def pair_step(k, carry):
            g_a = 2 * k
            g_b = g_a + 1
            pltpu.make_async_copy(src_hbm.at[s, g_a], idx_s0, isem0).wait()
            pltpu.make_async_copy(dst_hbm.at[s, g_a], idx_d0, isem0).wait()
            cp_bs = pltpu.async_copy(src_hbm.at[s, g_b], idx_s1, isem1)
            cp_bd = pltpu.async_copy(dst_hbm.at[s, g_b], idx_d1, isem1)
            chunk_pipeline(h_hbm, idx_s0, idx_d0)

            @pl.when(g_a + 2 < N_GRPS)
            def _():
                pltpu.async_copy(src_hbm.at[s, g_a + 2], idx_s0, isem0)
                pltpu.async_copy(dst_hbm.at[s, g_a + 2], idx_d0, isem0)

            cp_bs.wait()
            cp_bd.wait()
            chunk_pipeline(h_hbm, idx_s1, idx_d1)
            return carry

        lax.fori_loop(0, N_GRPS // 2, pair_step, 0)
        if N_GRPS % 2:
            g_t = N_GRPS - 1
            pltpu.make_async_copy(src_hbm.at[s, g_t], idx_s0, isem0).wait()
            pltpu.make_async_copy(dst_hbm.at[s, g_t], idx_d0, isem0).wait()
            chunk_pipeline(h_hbm, idx_s0, idx_d0)
        plsc.subcore_barrier()
        pltpu.sync_copy(agg_sp.at[pl.ds(s * RPT, RPT)],
                        out_hbm.at[pl.ds(s * RPT, RPT)])

    @pl.when(c == 0)
    def _():
        do_pass(h0_hbm, agg0_out)

    @pl.when(c == 1)
    def _():
        do_pass(h1_hbm, agg1_out)


_agg_kernel = functools.partial(
    pl.kernel,
    out_type=(
        jax.ShapeDtypeStruct((PAD_N, HALF), _f32),
        jax.ShapeDtypeStruct((PAD_N, HALF), _f32),
    ),
    mesh=_sc_mesh(),
    scratch_types=[
        pltpu.VMEM((GRP, CHUNK), _i32),
        pltpu.VMEM((GRP, CHUNK), _i32),
        pltpu.VMEM((GRP, CHUNK), _i32),
        pltpu.VMEM((GRP, CHUNK), _i32),
        pltpu.VMEM((CHUNK, HALF), _f32),
        pltpu.VMEM((CHUNK, HALF), _f32),
        pltpu.VMEM((CHUNK, HALF), _f32),
        pltpu.VMEM((ZB_ROWS, HALF), _f32),
        pltpu.VMEM_SHARED((PAD_N, HALF), _f32),
        pltpu.SemaphoreType.DMA,
        pltpu.SemaphoreType.DMA,
        pltpu.SemaphoreType.DMA,
        pltpu.SemaphoreType.DMA,
        pltpu.SemaphoreType.DMA,
        pltpu.SemaphoreType.DMA,
        pltpu.SemaphoreType.DMA,
        pltpu.SemaphoreType.DMA,
        pltpu.SemaphoreType.DMA,
    ],
)(_agg_body)


ROW_BLK = 1000


def _update_body(a0_ref, a1_ref, dega_ref, degb_ref, w_ref, y0_ref, y1_ref):
    deg = dega_ref[:, 0:1] + degb_ref[:, 0:1]
    inv = 1.0 / jnp.maximum(deg, 1.0)
    a0 = a0_ref[...] * inv
    a1 = a1_ref[...] * inv
    y = jnp.dot(a0, w_ref[0:HALF, :], preferred_element_type=_f32)
    y = y + jnp.dot(a1, w_ref[HALF:D_FEAT, :], preferred_element_type=_f32)
    y = jnp.maximum(y, 0.0)
    y0_ref[...] = y[:, 0:HALF]
    y1_ref[...] = y[:, HALF:D_FEAT]


def _tc_update(agg0, agg1, deg_a, deg_b, W):
    grid = (N_NODES // ROW_BLK,)
    return pl.pallas_call(
        _update_body,
        grid=grid,
        in_specs=[
            pl.BlockSpec((ROW_BLK, HALF), lambda i: (i, 0)),
            pl.BlockSpec((ROW_BLK, HALF), lambda i: (i, 0)),
            pl.BlockSpec((ROW_BLK, HALF), lambda i: (i, 0)),
            pl.BlockSpec((ROW_BLK, HALF), lambda i: (i, 0)),
            pl.BlockSpec((D_FEAT, D_FEAT), lambda i: (0, 0)),
        ],
        out_specs=[
            pl.BlockSpec((ROW_BLK, HALF), lambda i: (i, 0)),
            pl.BlockSpec((ROW_BLK, HALF), lambda i: (i, 0)),
        ],
        out_shape=[
            jax.ShapeDtypeStruct((N_NODES, HALF), _f32),
            jax.ShapeDtypeStruct((N_NODES, HALF), _f32),
        ],
    )(agg0, agg1, deg_a, deg_b, W)


def kernel(x, edge_index, W, num_iterations):
    src = edge_index[0].astype(_i32).reshape(NS, N_GRPS, GRP, CHUNK)
    dst = edge_index[1].astype(_i32).reshape(NS, N_GRPS, GRP, CHUNK)
    dst2 = dst.reshape(NS, N_CHUNKS, CHUNK)

    deg_a, deg_b = _deg_kernel(dst2)

    def body(t, carry):
        h0, h1 = carry
        agg0, agg1 = _agg_kernel(h0, h1, src, dst)
        y0, y1 = _tc_update(agg0, agg1, deg_a, deg_b, W)
        return (y0, y1)

    h0, h1 = lax.fori_loop(
        0, num_iterations, body, (x[:, :HALF], x[:, HALF:])
    )
    return jnp.concatenate([h0, h1], axis=1)

# --- scband reference (transcript-rebuilt; emitter-appended) ---
"""Pipeline reference for scband-graph-66194035966450 (READ-ONLY COPY).

The authoritative reference and input builder live on the scoring server;
editing this copy changes nothing except your own understanding.
"""

import jax, jax.numpy as jnp
import numpy as np

N_NODES = 10000
N_EDGES = 160000
D_FEAT = 256


def setup_inputs(seed: int = 0) -> dict:
    key = jax.random.key(seed)
    k1, k2, k3 = jax.random.split(key, 3)
    x = jax.random.normal(k1, (N_NODES, D_FEAT), dtype=jnp.float32)
    edge_index = jax.random.randint(k2, (2, N_EDGES), 0, N_NODES, dtype=jnp.int64)
    # Learned update weight (the 'update' step of the abstract Graph, realized
    # as a linear transform + relu on the aggregated messages).
    W = jax.random.normal(k3, (D_FEAT, D_FEAT), dtype=jnp.float32) * 0.05
    return {"x": x, "edge_index": edge_index, "W": W, "num_iterations": 2}


def reference(x, edge_index, W, num_iterations):
    # Concrete realization of the abstract message-passing Graph:
    #   message_pass: each node sends its state along every outgoing edge
    #   aggregate:    mean over incoming messages (segment-sum / degree)
    #   update:       linear transform + relu, replacing the node state
    src = edge_index[0]
    dst = edge_index[1]
    n = x.shape[0]
    deg = jax.ops.segment_sum(jnp.ones((src.shape[0], 1), dtype=x.dtype), dst,
                              num_segments=n)
    deg = jnp.maximum(deg, 1.0)

    def body(t, h):
        msgs = jnp.take(h, src, axis=0)                       # gather (message_pass)
        agg = jax.ops.segment_sum(msgs, dst, num_segments=n)  # aggregate
        agg = agg / deg                                       # mean aggregation
        return jax.nn.relu(agg @ W)                           # update

    h = jax.lax.fori_loop(0, num_iterations, body, x)
    return h

if __name__ == "__main__":
    import jax
    _d = setup_inputs()
    print(jax.jit(kernel)(*tuple(_d.values())))

</pallas_src>

<mosaic_0001>
#map = affine_map<(d0, d1) -> (0, 0)>
#map1 = affine_map<(d0, d1) -> (0, 0, 0, 0)>
module attributes {stable_mosaic.version = 14 : i64} {
  func.func @_agg_body(%arg0: i32, %arg1: i32, %arg2: memref<10000x128xf32, #tpu.memory_space<hbm>>, %arg3: memref<10000x128xf32, #tpu.memory_space<hbm>>, %arg4: memref<16x10x10x100xi32, #tpu.memory_space<hbm>>, %arg5: memref<16x10x10x100xi32, #tpu.memory_space<hbm>>, %arg6: memref<10240x128xf32, #tpu.memory_space<hbm>>, %arg7: memref<10240x128xf32, #tpu.memory_space<hbm>>, %arg8: memref<10x100xi32, #tpu.memory_space<vmem>>, %arg9: memref<10x100xi32, #tpu.memory_space<vmem>>, %arg10: memref<10x100xi32, #tpu.memory_space<vmem>>, %arg11: memref<10x100xi32, #tpu.memory_space<vmem>>, %arg12: memref<100x128xf32, #tpu.memory_space<vmem>>, %arg13: memref<100x128xf32, #tpu.memory_space<vmem>>, %arg14: memref<100x128xf32, #tpu.memory_space<vmem>>, %arg15: memref<8x128xf32, #tpu.memory_space<vmem>>, %arg16: memref<10240x128xf32, #tpu.memory_space<vmem_shared>>, %arg17: memref<!tpu.dma_semaphore, #tpu.memory_space<semaphore_mem>>, %arg18: memref<!tpu.dma_semaphore, #tpu.memory_space<semaphore_mem>>, %arg19: memref<!tpu.dma_semaphore, #tpu.memory_space<semaphore_mem>>, %arg20: memref<!tpu.dma_semaphore, #tpu.memory_space<semaphore_mem>>, %arg21: memref<!tpu.dma_semaphore, #tpu.memory_space<semaphore_mem>>, %arg22: memref<!tpu.dma_semaphore, #tpu.memory_space<semaphore_mem>>, %arg23: memref<!tpu.dma_semaphore, #tpu.memory_space<semaphore_mem>>, %arg24: memref<!tpu.dma_semaphore, #tpu.memory_space<semaphore_mem>>, %arg25: memref<!tpu.dma_semaphore, #tpu.memory_space<semaphore_mem>>) attributes {dimension_semantics = [#tpu.dimension_semantics<core_parallel>, #tpu.dimension_semantics<subcore_parallel>], iteration_bounds = array<i64: 2, 16>, scalar_prefetch = 0 : i64, scratch_operands = 18 : i64, tpu.core_type = #tpu.core_type<sc_vector_subcore>, window_params = [{transform_indices = #map}, {transform_indices = #map}, {transform_indices = #map1}, {transform_indices = #map1}, {transform_indices = #map}, {transform_indices = #map}]} {
    %dma_start3A = arith.constant 0 : i32
    %dma_start3A_0 = arith.constant 0 : i32
    %dma_start3A_1 = arith.constant 0 : i32
    %dma_start3A_2 = tpu.memref_slice %arg4[%arg1, %dma_start3A, %dma_start3A_0, %dma_start3A_1] : memref<16x10x10x100xi32, #tpu.memory_space<hbm>> -> memref<1x1x10x100xi32, #tpu.memory_space<hbm>>
    %dma_start3A_3 = tpu.memref_squeeze %dma_start3A_2 : memref<1x1x10x100xi32, #tpu.memory_space<hbm>> -> memref<10x100xi32, #tpu.memory_space<hbm>>
    %dma_start3A_4 = arith.constant 0 : i32
    %dma_start3A_5 = arith.constant 0 : i32
    %dma_start3A_6 = tpu.memref_slice %arg4[%arg1, %dma_start3A, %dma_start3A_4, %dma_start3A_5] : memref<16x10x10x100xi32, #tpu.memory_space<hbm>> -> memref<1x1x10x100xi32, #tpu.memory_space<hbm>>
    %dma_start3A_7 = tpu.memref_squeeze %dma_start3A_6 : memref<1x1x10x100xi32, #tpu.memory_space<hbm>> -> memref<10x100xi32, #tpu.memory_space<hbm>>
    tpu.enqueue_dma source(%dma_start3A_7 : memref<10x100xi32, #tpu.memory_space<hbm>>) target(%arg8 : memref<10x100xi32, #tpu.memory_space<vmem>>) target_semaphore(%arg23 : memref<!tpu.dma_semaphore, #tpu.memory_space<semaphore_mem>>)
    %dma_start3A_8 = arith.constant 0 : i32
    %dma_start3A_9 = arith.constant 0 : i32
    %dma_start3A_10 = arith.constant 0 : i32
    %dma_start3A_11 = tpu.memref_slice %arg5[%arg1, %dma_start3A_8, %dma_start3A_9, %dma_start3A_10] : memref<16x10x10x100xi32, #tpu.memory_space<hbm>> -> memref<1x1x10x100xi32, #tpu.memory_space<hbm>>
    %dma_start3A_12 = tpu.memref_squeeze %dma_start3A_11 : memref<1x1x10x100xi32, #tpu.memory_space<hbm>> -> memref<10x100xi32, #tpu.memory_space<hbm>>
    %dma_start3A_13 = arith.constant 0 : i32
    %dma_start3A_14 = arith.constant 0 : i32
    %dma_start3A_15 = tpu.memref_slice %arg5[%arg1, %dma_start3A_8, %dma_start3A_13, %dma_start3A_14] : memref<16x10x10x100xi32, #tpu.memory_space<hbm>> -> memref<1x1x10x100xi32, #tpu.memory_space<hbm>>
    %dma_start3A_16 = tpu.memref_squeeze %dma_start3A_15 : memref<1x1x10x100xi32, #tpu.memory_space<hbm>> -> memref<10x100xi32, #tpu.memory_space<hbm>>
    tpu.enqueue_dma source(%dma_start3A_16 : memref<10x100xi32, #tpu.memory_space<hbm>>) target(%arg9 : memref<10x100xi32, #tpu.memory_space<vmem>>) target_semaphore(%arg23 : memref<!tpu.dma_semaphore, #tpu.memory_space<semaphore_mem>>)
    %broadcast_in_dim3A = arith.constant 0.000000e+00 : f32
    %broadcast_in_dim3A_17 = vector.broadcast %broadcast_in_dim3A : f32 to vector<16xf32>
    %scan3A = arith.constant 0 : i32
    %scan3A_18 = arith.constant 0 : i32
    %scan3A_19 = arith.constant 8 : i32
    %scan3A_20 = arith.addi %scan3A_18, %scan3A_19 : i32
    %scan3A_21 = arith.constant 1 : i32
    scf.for %scan3A_36 = %scan3A_18 to %scan3A_20 step %scan3A_21  : i32 {
      %swap3A = arith.index_cast %scan3A_36 : i32 to index
      %swap3A_37 = arith.constant 0 : index
      %swap3A_38 = tpu.vector_load %arg15[%swap3A, %swap3A_37] {strides = array<i32>} : memref<8x128xf32, #tpu.memory_space<vmem>>, vector<1x16xf32>,
      %swap3A_39 = vector.shape_cast %swap3A_38 : vector<1x16xf32> to vector<16xf32>
      %swap3A_40 = vector.shape_cast %broadcast_in_dim3A_17 : vector<16xf32> to vector<1x16xf32>
      tpu.vector_store %arg15[%swap3A, %swap3A_37], %swap3A_40 {strides = array<i32>} : memref<8x128xf32, #tpu.memory_space<vmem>>, vector<1x16xf32>,
      %swap3A_41 = arith.index_cast %scan3A_36 : i32 to index
      %swap3A_42 = arith.constant 16 : index
      %swap3A_43 = tpu.vector_load %arg15[%swap3A_41, %swap3A_42] {strides = array<i32>} : memref<8x128xf32, #tpu.memory_space<vmem>>, vector<1x16xf32>,
      %swap3A_44 = vector.shape_cast %swap3A_43 : vector<1x16xf32> to vector<16xf32>
      %swap3A_45 = vector.shape_cast %broadcast_in_dim3A_17 : vector<16xf32> to vector<1x16xf32>
      tpu.vector_store %arg15[%swap3A_41, %swap3A_42], %swap3A_45 {strides = array<i32>} : memref<8x128xf32, #tpu.memory_space<vmem>>, vector<1x16xf32>,
      %swap3A_46 = arith.index_cast %scan3A_36 : i32 to index
      %swap3A_47 = arith.constant 32 : index
      %swap3A_48 = tpu.vector_load %arg15[%swap3A_46, %swap3A_47] {strides = array<i32>} : memref<8x128xf32, #tpu.memory_space<vmem>>, vector<1x16xf32>,
      %swap3A_49 = vector.shape_cast %swap3A_48 : vector<1x16xf32> to vector<16xf32>
      %swap3A_50 = vector.shape_cast %broadcast_in_dim3A_17 : vector<16xf32> to vector<1x16xf32>
      tpu.vector_store %arg15[%swap3A_46, %swap3A_47], %swap3A_50 {strides = array<i32>} : memref<8x128xf32, #tpu.memory_space<vmem>>, vector<1x16xf32>,
      %swap3A_51 = arith.index_cast %scan3A_36 : i32 to index
      %swap3A_52 = arith.constant 48 : index
      %swap3A_53 = tpu.vector_load %arg15[%swap3A_51, %swap3A_52] {strides = array<i32>} : memref<8x128xf32, #tpu.memory_space<vmem>>, vector<1x16xf32>,
      %swap3A_54 = vector.shape_cast %swap3A_53 : vector<1x16xf32> to vector<16xf32>
      %swap3A_55 = vector.shape_cast %broadcast_in_dim3A_17 : vector<16xf32> to vector<1x16xf32>
      tpu.vector_store %arg15[%swap3A_51, %swap3A_52], %swap3A_55 {strides = array<i32>} : memref<8x128xf32, #tpu.memory_space<vmem>>, vector<1x16xf32>,
      %swap3A_56 = arith.index_cast %scan3A_36 : i32 to index
      %swap3A_57 = arith.constant 64 : index
      %swap3A_58 = tpu.vector_load %arg15[%swap3A_56, %swap3A_57] {strides = array<i32>} : memref<8x128xf32, #tpu.memory_space<vmem>>, vector<1x16xf32>,
      %swap3A_59 = vector.shape_cast %swap3A_58 : vector<1x16xf32> to vector<16xf32>
      %swap3A_60 = vector.shape_cast %broadcast_in_dim3A_17 : vector<16xf32> to vector<1x16xf32>
      tpu.vector_store %arg15[%swap3A_56, %swap3A_57], %swap3A_60 {strides = array<i32>} : memref<8x128xf32, #tpu.memory_space<vmem>>, vector<1x16xf32>,
      %swap3A_61 = arith.index_cast %scan3A_36 : i32 to index
      %swap3A_62 = arith.constant 80 : index
      %swap3A_63 = tpu.vector_load %arg15[%swap3A_61, %swap3A_62] {strides = array<i32>} : memref<8x128xf32, #tpu.memory_space<vmem>>, vector<1x16xf32>,
      %swap3A_64 = vector.shape_cast %swap3A_63 : vector<1x16xf32> to vector<16xf32>
      %swap3A_65 = vector.shape_cast %broadcast_in_dim3A_17 : vector<16xf32> to vector<1x16xf32>
      tpu.vector_store %arg15[%swap3A_61, %swap3A_62], %swap3A_65 {strides = array<i32>} : memref<8x128xf32, #tpu.memory_space<vmem>>, vector<1x16xf32>,
      %swap3A_66 = arith.index_cast %scan3A_36 : i32 to index
      %swap3A_67 = arith.constant 96 : index
      %swap3A_68 = tpu.vector_load %arg15[%swap3A_66, %swap3A_67] {strides = array<i32>} : memref<8x128xf32, #tpu.memory_space<vmem>>, vector<1x16xf32>,
      %swap3A_69 = vector.shape_cast %swap3A_68 : vector<1x16xf32> to vector<16xf32>
      %swap3A_70 = vector.shape_cast %broadcast_in_dim3A_17 : vector<16xf32> to vector<1x16xf32>
      tpu.vector_store %arg15[%swap3A_66, %swap3A_67], %swap3A_70 {strides = array<i32>} : memref<8x128xf32, #tpu.memory_space<vmem>>, vector<1x16xf32>,
      %swap3A_71 = arith.index_cast %scan3A_36 : i32 to index
      %swap3A_72 = arith.constant 112 : index
      %swap3A_73 = tpu.vector_load %arg15[%swap3A_71, %swap3A_72] {strides = array<i32>} : memref<8x128xf32, #tpu.memory_space<vmem>>, vector<1x16xf32>,
      %swap3A_74 = vector.shape_cast %swap3A_73 : vector<1x16xf32> to vector<16xf32>
      %swap3A_75 = vector.shape_cast %broadcast_in_dim3A_17 : vector<16xf32> to vector<1x16xf32>
      tpu.vector_store %arg15[%swap3A_71, %swap3A_72], %swap3A_75 {strides = array<i32>} : memref<8x128xf32, #tpu.memory_space<vmem>>, vector<1x16xf32>,
    }
    %scan3A_22 = arith.constant 8 : i32
    %scan3A_23 = arith.constant 0 : i32
    %scan3A_24 = arith.constant 0 : i32
    %scan3A_25 = arith.constant 10 : i32
    %scan3A_26 = arith.addi %scan3A_24, %scan3A_25 : i32
    %scan3A_27 = arith.constant 1 : i32
    scf.for %scan3A_36 = %scan3A_24 to %scan3A_26 step %scan3A_27  : i32 {
      %mul3A = arith.constant 640 : i32
      %mul3A_37 = arith.muli %arg1, %mul3A : i32
      %mul3A_38 = arith.constant 8 : i32
      %mul3A_39 = arith.muli %mul3A_38, %scan3A_36 : i32
      %add3A = arith.constant 0 : i32
      %add3A_40 = arith.addi %mul3A_39, %add3A : i32
      %mul3A_41 = arith.constant 8 : i32
      %mul3A_42 = arith.muli %add3A_40, %mul3A_41 : i32
      %add3A_43 = arith.addi %mul3A_37, %mul3A_42 : i32
      %dma_start3A_44 = arith.constant 0 : i32
      %dma_start3A_45 = tpu.memref_slice %arg16[%add3A_43, %dma_start3A_44] : memref<10240x128xf32, #tpu.memory_space<vmem_shared>> -> memref<8x128xf32, #tpu.memory_space<vmem_shared>>
      %dma_start3A_46 = arith.constant 0 : i32
      %dma_start3A_47 = tpu.memref_slice %arg16[%add3A_43, %dma_start3A_46] : memref<10240x128xf32, #tpu.memory_space<vmem_shared>> -> memref<8x128xf32, #tpu.memory_space<vmem_shared>>
      tpu.enqueue_dma source(%arg15 : memref<8x128xf32, #tpu.memory_space<vmem>>) target(%dma_start3A_47 : memref<8x128xf32, #tpu.memory_space<vmem_shared>>) target_semaphore(%arg25 : memref<!tpu.dma_semaphore, #tpu.memory_space<semaphore_mem>>)
      %mul3A_48 = arith.constant 640 : i32
      %mul3A_49 = arith.muli %arg1, %mul3A_48 : i32
      %mul3A_50 = arith.constant 8 : i32
      %mul3A_51 = arith.muli %mul3A_50, %scan3A_36 : i32
      %add3A_52 = arith.constant 1 : i32
      %add3A_53 = arith.addi %mul3A_51, %add3A_52 : i32
      %mul3A_54 = arith.constant 8 : i32
      %mul3A_55 = arith.muli %add3A_53, %mul3A_54 : i32
      %add3A_56 = arith.addi %mul3A_49, %mul3A_55 : i32
      %dma_start3A_57 = arith.constant 0 : i32
      %dma_start3A_58 = tpu.memref_slice %arg16[%add3A_56, %dma_start3A_57] : memref<10240x128xf32, #tpu.memory_space<vmem_shared>> -> memref<8x128xf32, #tpu.memory_space<vmem_shared>>
      %dma_start3A_59 = arith.constant 0 : i32
      %dma_start3A_60 = tpu.memref_slice %arg16[%add3A_56, %dma_start3A_59] : memref<10240x128xf32, #tpu.memory_space<vmem_shared>> -> memref<8x128xf32, #tpu.memory_space<vmem_shared>>
      tpu.enqueue_dma source(%arg15 : memref<8x128xf32, #tpu.memory_space<vmem>>) target(%dma_start3A_60 : memref<8x128xf32, #tpu.memory_space<vmem_shared>>) target_semaphore(%arg25 : memref<!tpu.dma_semaphore, #tpu.memory_space<semaphore_mem>>)
      %mul3A_61 = arith.constant 640 : i32
      %mul3A_62 = arith.muli %arg1, %mul3A_61 : i32
      %mul3A_63 = arith.constant 8 : i32
      %mul3A_64 = arith.muli %mul3A_63, %scan3A_36 : i32
      %add3A_65 = arith.constant 2 : i32
      %add3A_66 = arith.addi %mul3A_64, %add3A_65 : i32
      %mul3A_67 = arith.constant 8 : i32
      %mul3A_68 = arith.muli %add3A_66, %mul3A_67 : i32
      %add3A_69 = arith.addi %mul3A_62, %mul3A_68 : i32
      %dma_start3A_70 = arith.constant 0 : i32
      %dma_start3A_71 = tpu.memref_slice %arg16[%add3A_69, %dma_start3A_70] : memref<10240x128xf32, #tpu.memory_space<vmem_shared>> -> memref<8x128xf32, #tpu.memory_space<vmem_shared>>
      %dma_start3A_72 = arith.constant 0 : i32
      %dma_start3A_73 = tpu.memref_slice %arg16[%add3A_69, %dma_start3A_72] : memref<10240x128xf32, #tpu.memory_space<vmem_shared>> -> memref<8x128xf32, #tpu.memory_space<vmem_shared>>
      tpu.enqueue_dma source(%arg15 : memref<8x128xf32, #tpu.memory_space<vmem>>) target(%dma_start3A_73 : memref<8x128xf32, #tpu.memory_space<vmem_shared>>) target_semaphore(%arg25 : memref<!tpu.dma_semaphore, #tpu.memory_space<semaphore_mem>>)
      %mul3A_74 = arith.constant 640 : i32
      %mul3A_75 = arith.muli %arg1, %mul3A_74 : i32
      %mul3A_76 = arith.constant 8 : i32
      %mul3A_77 = arith.muli %mul3A_76, %scan3A_36 : i32
      %add3A_78 = arith.constant 3 : i32
      %add3A_79 = arith.addi %mul3A_77, %add3A_78 : i32
      %mul3A_80 = arith.constant 8 : i32
      %mul3A_81 = arith.muli %add3A_79, %mul3A_80 : i32
      %add3A_82 = arith.addi %mul3A_75, %mul3A_81 : i32
      %dma_start3A_83 = arith.constant 0 : i32
      %dma_start3A_84 = tpu.memref_slice %arg16[%add3A_82, %dma_start3A_83] : memref<10240x128xf32, #tpu.memory_space<vmem_shared>> -> memref<8x128xf32, #tpu.memory_space<vmem_shared>>
      %dma_start3A_85 = arith.constant 0 : i32
      %dma_start3A_86 = tpu.memref_slice %arg16[%add3A_82, %dma_start3A_85] : memref<10240x128xf32, #tpu.memory_space<vmem_shared>> -> memref<8x128xf32, #tpu.memory_space<vmem_shared>>
      tpu.enqueue_dma source(%arg15 : memref<8x128xf32, #tpu.memory_space<vmem>>) target(%dma_start3A_86 : memref<8x128xf32, #tpu.memory_space<vmem_shared>>) target_semaphore(%arg25 : memref<!tpu.dma_semaphore, #tpu.memory_space<semaphore_mem>>)
      %mul3A_87 = arith.constant 640 : i32
      %mul3A_88 = arith.muli %arg1, %mul3A_87 : i32
      %mul3A_89 = arith.constant 8 : i32
      %mul3A_90 = arith.muli %mul3A_89, %scan3A_36 : i32
      %add3A_91 = arith.constant 4 : i32
      %add3A_92 = arith.addi %mul3A_90, %add3A_91 : i32
      %mul3A_93 = arith.constant 8 : i32
      %mul3A_94 = arith.muli %add3A_92, %mul3A_93 : i32
      %add3A_95 = arith.addi %mul3A_88, %mul3A_94 : i32
      %dma_start3A_96 = arith.constant 0 : i32
      %dma_start3A_97 = tpu.memref_slice %arg16[%add3A_95, %dma_start3A_96] : memref<10240x128xf32, #tpu.memory_space<vmem_shared>> -> memref<8x128xf32, #tpu.memory_space<vmem_shared>>
      %dma_start3A_98 = arith.constant 0 : i32
      %dma_start3A_99 = tpu.memref_slice %arg16[%add3A_95, %dma_start3A_98] : memref<10240x128xf32, #tpu.memory_space<vmem_shared>> -> memref<8x128xf32, #tpu.memory_space<vmem_shared>>
      tpu.enqueue_dma source(%arg15 : memref<8x128xf32, #tpu.memory_space<vmem>>) target(%dma_start3A_99 : memref<8x128xf32, #tpu.memory_space<vmem_shared>>) target_semaphore(%arg25 : memref<!tpu.dma_semaphore, #tpu.memory_space<semaphore_mem>>)
      %mul3A_100 = arith.constant 640 : i32
      %mul3A_101 = arith.muli %arg1, %mul3A_100 : i32
      %mul3A_102 = arith.constant 8 : i32
      %mul3A_103 = arith.muli %mul3A_102, %scan3A_36 : i32
      %add3A_104 = arith.constant 5 : i32
      %add3A_105 = arith.addi %mul3A_103, %add3A_104 : i32
      %mul3A_106 = arith.constant 8 : i32
      %mul3A_107 = arith.muli %add3A_105, %mul3A_106 : i32
      %add3A_108 = arith.addi %mul3A_101, %mul3A_107 : i32
      %dma_start3A_109 = arith.constant 0 : i32
      %dma_start3A_110 = tpu.memref_slice %arg16[%add3A_108, %dma_start3A_109] : memref<10240x128xf32, #tpu.memory_space<vmem_shared>> -> memref<8x128xf32, #tpu.memory_space<vmem_shared>>
      %dma_start3A_111 = arith.constant 0 : i32
      %dma_start3A_112 = tpu.memref_slice %arg16[%add3A_108, %dma_start3A_111] : memref<10240x128xf32, #tpu.memory_space<vmem_shared>> -> memref<8x128xf32, #tpu.memory_space<vmem_shared>>
      tpu.enqueue_dma source(%arg15 : memref<8x128xf32, #tpu.memory_space<vmem>>) target(%dma_start3A_112 : memref<8x128xf32, #tpu.memory_space<vmem_shared>>) target_semaphore(%arg25 : memref<!tpu.dma_semaphore, #tpu.memory_space<semaphore_mem>>)
      %mul3A_113 = arith.constant 640 : i32
      %mul3A_114 = arith.muli %arg1, %mul3A_113 : i32
      %mul3A_115 = arith.constant 8 : i32
      %mul3A_116 = arith.muli %mul3A_115, %scan3A_36 : i32
      %add3A_117 = arith.constant 6 : i32
      %add3A_118 = arith.addi %mul3A_116, %add3A_117 : i32
      %mul3A_119 = arith.constant 8 : i32
      %mul3A_120 = arith.muli %add3A_118, %mul3A_119 : i32
      %add3A_121 = arith.addi %mul3A_114, %mul3A_120 : i32
      %dma_start3A_122 = arith.constant 0 : i32
      %dma_start3A_123 = tpu.memref_slice %arg16[%add3A_121, %dma_start3A_122] : memref<10240x128xf32, #tpu.memory_space<vmem_shared>> -> memref<8x128xf32, #tpu.memory_space<vmem_shared>>
      %dma_start3A_124 = arith.constant 0 : i32
      %dma_start3A_125 = tpu.memref_slice %arg16[%add3A_121, %dma_start3A_124] : memref<10240x128xf32, #tpu.memory_space<vmem_shared>> -> memref<8x128xf32, #tpu.memory_space<vmem_shared>>
      tpu.enqueue_dma source(%arg15 : memref<8x128xf32, #tpu.memory_space<vmem>>) target(%dma_start3A_125 : memref<8x128xf32, #tpu.memory_space<vmem_shared>>) target_semaphore(%arg25 : memref<!tpu.dma_semaphore, #tpu.memory_space<semaphore_mem>>)
      %mul3A_126 = arith.constant 640 : i32
      %mul3A_127 = arith.muli %arg1, %mul3A_126 : i32
      %mul3A_128 = arith.constant 8 : i32
      %mul3A_129 = arith.muli %mul3A_128, %scan3A_36 : i32
      %add3A_130 = arith.constant 7 : i32
      %add3A_131 = arith.addi %mul3A_129, %add3A_130 : i32
      %mul3A_132 = arith.constant 8 : i32
      %mul3A_133 = arith.muli %add3A_131, %mul3A_132 : i32
      %add3A_134 = arith.addi %mul3A_127, %mul3A_133 : i32
      %dma_start3A_135 = arith.constant 0 : i32
      %dma_start3A_136 = tpu.memref_slice %arg16[%add3A_134, %dma_start3A_135] : memref<10240x128xf32, #tpu.memory_space<vmem_shared>> -> memref<8x128xf32, #tpu.memory_space<vmem_shared>>
      %dma_start3A_137 = arith.constant 0 : i32
      %dma_start3A_138 = tpu.memref_slice %arg16[%add3A_134, %dma_start3A_137] : memref<10240x128xf32, #tpu.memory_space<vmem_shared>> -> memref<8x128xf32, #tpu.memory_space<vmem_shared>>
      tpu.enqueue_dma source(%arg15 : memref<8x128xf32, #tpu.memory_space<vmem>>) target(%dma_start3A_138 : memref<8x128xf32, #tpu.memory_space<vmem_shared>>) target_semaphore(%arg25 : memref<!tpu.dma_semaphore, #tpu.memory_space<semaphore_mem>>)
      %dma_wait3A = arith.constant 0 : i32
      %dma_wait3A_139 = tpu.memref_slice %arg16[%add3A_43, %dma_wait3A] : memref<10240x128xf32, #tpu.memory_space<vmem_shared>> -> memref<8x128xf32, #tpu.memory_space<vmem_shared>>
      %dma_wait3A_140 = arith.constant 0 : i32
      %dma_wait3A_141 = tpu.memref_slice %arg16[%add3A_43, %dma_wait3A_140] : memref<10240x128xf32, #tpu.memory_space<vmem_shared>> -> memref<8x128xf32, #tpu.memory_space<vmem_shared>>
      tpu.wait_dma2 semaphore(%arg25 : memref<!tpu.dma_semaphore, #tpu.memory_space<semaphore_mem>>) src(%arg15 : memref<8x128xf32, #tpu.memory_space<vmem>>) dst(%dma_wait3A_141 : memref<8x128xf32, #tpu.memory_space<vmem_shared>>)
      %dma_wait3A_142 = arith.constant 0 : i32
      %dma_wait3A_143 = tpu.memref_slice %arg16[%add3A_56, %dma_wait3A_142] : memref<10240x128xf32, #tpu.memory_space<vmem_shared>> -> memref<8x128xf32, #tpu.memory_space<vmem_shared>>
      %dma_wait3A_144 = arith.constant 0 : i32
      %dma_wait3A_145 = tpu.memref_slice %arg16[%add3A_56, %dma_wait3A_144] : memref<10240x128xf32, #tpu.memory_space<vmem_shared>> -> memref<8x128xf32, #tpu.memory_space<vmem_shared>>
      tpu.wait_dma2 semaphore(%arg25 : memref<!tpu.dma_semaphore, #tpu.memory_space<semaphore_mem>>) src(%arg15 : memref<8x128xf32, #tpu.memory_space<vmem>>) dst(%dma_wait3A_145 : memref<8x128xf32, #tpu.memory_space<vmem_shared>>)
      %dma_wait3A_146 = arith.constant 0 : i32
      %dma_wait3A_147 = tpu.memref_slice %arg16[%add3A_69, %dma_wait3A_146] : memref<10240x128xf32, #tpu.memory_space<vmem_shared>> -> memref<8x128xf32, #tpu.memory_space<vmem_shared>>
      %dma_wait3A_148 = arith.constant 0 : i32
      %dma_wait3A_149 = tpu.memref_slice %arg16[%add3A_69, %dma_wait3A_148] : memref<10240x128xf32, #tpu.memory_space<vmem_shared>> -> memref<8x128xf32, #tpu.memory_space<vmem_shared>>
      tpu.wait_dma2 semaphore(%arg25 : memref<!tpu.dma_semaphore, #tpu.memory_space<semaphore_mem>>) src(%arg15 : memref<8x128xf32, #tpu.memory_space<vmem>>) dst(%dma_wait3A_149 : memref<8x128xf32, #tpu.memory_space<vmem_shared>>)
      %dma_wait3A_150 = arith.constant 0 : i32
      %dma_wait3A_151 = tpu.memref_slice %arg16[%add3A_82, %dma_wait3A_150] : memref<10240x128xf32, #tpu.memory_space<vmem_shared>> -> memref<8x128xf32, #tpu.memory_space<vmem_shared>>
      %dma_wait3A_152 = arith.constant 0 : i32
      %dma_wait3A_153 = tpu.memref_slice %arg16[%add3A_82, %dma_wait3A_152] : memref<10240x128xf32, #tpu.memory_space<vmem_shared>> -> memref<8x128xf32, #tpu.memory_space<vmem_shared>>
      tpu.wait_dma2 semaphore(%arg25 : memref<!tpu.dma_semaphore, #tpu.memory_space<semaphore_mem>>) src(%arg15 : memref<8x128xf32, #tpu.memory_space<vmem>>) dst(%dma_wait3A_153 : memref<8x128xf32, #tpu.memory_space<vmem_shared>>)
      %dma_wait3A_154 = arith.constant 0 : i32
      %dma_wait3A_155 = tpu.memref_slice %arg16[%add3A_95, %dma_wait3A_154] : memref<10240x128xf32, #tpu.memory_space<vmem_shared>> -> memref<8x128xf32, #tpu.memory_space<vmem_shared>>
      %dma_wait3A_156 = arith.constant 0 : i32
      %dma_wait3A_157 = tpu.memref_slice %arg16[%add3A_95, %dma_wait3A_156] : memref<10240x128xf32, #tpu.memory_space<vmem_shared>> -> memref<8x128xf32, #tpu.memory_space<vmem_shared>>
      tpu.wait_dma2 semaphore(%arg25 : memref<!tpu.dma_semaphore, #tpu.memory_space<semaphore_mem>>) src(%arg15 : memref<8x128xf32, #tpu.memory_space<vmem>>) dst(%dma_wait3A_157 : memref<8x128xf32, #tpu.memory_space<vmem_shared>>)
      %dma_wait3A_158 = arith.constant 0 : i32
      %dma_wait3A_159 = tpu.memref_slice %arg16[%add3A_108, %dma_wait3A_158] : memref<10240x128xf32, #tpu.memory_space<vmem_shared>> -> memref<8x128xf32, #tpu.memory_space<vmem_shared>>
      %dma_wait3A_160 = arith.constant 0 : i32
      %dma_wait3A_161 = tpu.memref_slice %arg16[%add3A_108, %dma_wait3A_160] : memref<10240x128xf32, #tpu.memory_space<vmem_shared>> -> memref<8x128xf32, #tpu.memory_space<vmem_shared>>
      tpu.wait_dma2 semaphore(%arg25 : memref<!tpu.dma_semaphore, #tpu.memory_space<semaphore_mem>>) src(%arg15 : memref<8x128xf32, #tpu.memory_space<vmem>>) dst(%dma_wait3A_161 : memref<8x128xf32, #tpu.memory_space<vmem_shared>>)
      %dma_wait3A_162 = arith.constant 0 : i32
      %dma_wait3A_163 = tpu.memref_slice %arg16[%add3A_121, %dma_wait3A_162] : memref<10240x128xf32, #tpu.memory_space<vmem_shared>> -> memref<8x128xf32, #tpu.memory_space<vmem_shared>>
      %dma_wait3A_164 = arith.constant 0 : i32
      %dma_wait3A_165 = tpu.memref_slice %arg16[%add3A_121, %dma_wait3A_164] : memref<10240x128xf32, #tpu.memory_space<vmem_shared>> -> memref<8x128xf32, #tpu.memory_space<vmem_shared>>
      tpu.wait_dma2 semaphore(%arg25 : memref<!tpu.dma_semaphore, #tpu.memory_space<semaphore_mem>>) src(%arg15 : memref<8x128xf32, #tpu.memory_space<vmem>>) dst(%dma_wait3A_165 : memref<8x128xf32, #tpu.memory_space<vmem_shared>>)
      %dma_wait3A_166 = arith.constant 0 : i32
      %dma_wait3A_167 = tpu.memref_slice %arg16[%add3A_134, %dma_wait3A_166] : memref<10240x128xf32, #tpu.memory_space<vmem_shared>> -> memref<8x128xf32, #tpu.memory_space<vmem_shared>>
      %dma_wait3A_168 = arith.constant 0 : i32
      %dma_wait3A_169 = tpu.memref_slice %arg16[%add3A_134, %dma_wait3A_168] : memref<10240x128xf32, #tpu.memory_space<vmem_shared>> -> memref<8x128xf32, #tpu.memory_space<vmem_shared>>
      tpu.wait_dma2 semaphore(%arg25 : memref<!tpu.dma_semaphore, #tpu.memory_space<semaphore_mem>>) src(%arg15 : memref<8x128xf32, #tpu.memory_space<vmem>>) dst(%dma_wait3A_169 : memref<8x128xf32, #tpu.memory_space<vmem_shared>>)
    }
    %scan3A_28 = arith.constant 10 : i32
    %barrier3A = arith.constant 0 : index
    tpu.barrier barrier_id(%barrier3A)
    %eq3A = arith.constant 0 : i32
    %eq3A_29 = arith.cmpi eq, %arg0, %eq3A : i32
    %convert_element_type3A = arith.extui %eq3A_29 : i1 to i32
    %cond3A = arith.constant 0 : i32
    %cond3A_30 = arith.cmpi ne, %convert_element_type3A, %cond3A : i32
    scf.if %cond3A_30 {
      %scan3A_36 = arith.constant 0 : i32
      %scan3A_37 = arith.constant 0 : i32
      %scan3A_38 = arith.constant 5 : i32
      %scan3A_39 = arith.addi %scan3A_37, %scan3A_38 : i32
      %scan3A_40 = arith.constant 1 : i32
      scf.for %scan3A_46 = %scan3A_37 to %scan3A_39 step %scan3A_40  : i32 {
        %mul3A_47 = arith.constant 2 : i32
        %mul3A_48 = arith.muli %mul3A_47, %scan3A_46 : i32
        %add3A = arith.constant 1 : i32
        %add3A_49 = arith.addi %mul3A_48, %add3A : i32
        %dma_wait3A = arith.constant 0 : i32
        %dma_wait3A_50 = arith.constant 0 : i32
        %dma_wait3A_51 = tpu.memref_slice %arg4[%arg1, %mul3A_48, %dma_wait3A, %dma_wait3A_50] : memref<16x10x10x100xi32, #tpu.memory_space<hbm>> -> memref<1x1x10x100xi32, #tpu.memory_space<hbm>>
        %dma_wait3A_52 = tpu.memref_squeeze %dma_wait3A_51 : memref<1x1x10x100xi32, #tpu.memory_space<hbm>> -> memref<10x100xi32, #tpu.memory_space<hbm>>
        %dma_wait3A_53 = arith.constant 0 : i32
        %dma_wait3A_54 = arith.constant 0 : i32
        %dma_wait3A_55 = tpu.memref_slice %arg4[%arg1, %mul3A_48, %dma_wait3A_53, %dma_wait3A_54] : memref<16x10x10x100xi32, #tpu.memory_space<hbm>> -> memref<1x1x10x100xi32, #tpu.memory_space<hbm>>
        %dma_wait3A_56 = tpu.memref_squeeze %dma_wait3A_55 : memref<1x1x10x100xi32, #tpu.memory_space<hbm>> -> memref<10x100xi32, #tpu.memory_space<hbm>>
        tpu.wait_dma2 semaphore(%arg23 : memref<!tpu.dma_semaphore, #tpu.memory_space<semaphore_mem>>) src(%dma_wait3A_56 : memref<10x100xi32, #tpu.memory_space<hbm>>) dst(%arg8 : memref<10x100xi32, #tpu.memory_space<vmem>>)
        %dma_wait3A_57 = arith.constant 0 : i32
        %dma_wait3A_58 = arith.constant 0 : i32
        %dma_wait3A_59 = tpu.memref_slice %arg5[%arg1, %mul3A_48, %dma_wait3A_57, %dma_wait3A_58] : memref<16x10x10x100xi32, #tpu.memory_space<hbm>> -> memref<1x1x10x100xi32, #tpu.memory_space<hbm>>
        %dma_wait3A_60 = tpu.memref_squeeze %dma_wait3A_59 : memref<1x1x10x100xi32, #tpu.memory_space<hbm>> -> memref<10x100xi32, #tpu.memory_space<hbm>>
        %dma_wait3A_61 = arith.constant 0 : i32
        %dma_wait3A_62 = arith.constant 0 : i32
        %dma_wait3A_63 = tpu.memref_slice %arg5[%arg1, %mul3A_48, %dma_wait3A_61, %dma_wait3A_62] : memref<16x10x10x100xi32, #tpu.memory_space<hbm>> -> memref<1x1x10x100xi32, #tpu.memory_space<hbm>>
        %dma_wait3A_64 = tpu.memref_squeeze %dma_wait3A_63 : memref<1x1x10x100xi32, #tpu.memory_space<hbm>> -> memref<10x100xi32, #tpu.memory_space<hbm>>
        tpu.wait_dma2 semaphore(%arg23 : memref<!tpu.dma_semaphore, #tpu.memory_space<semaphore_mem>>) src(%dma_wait3A_64 : memref<10x100xi32, #tpu.memory_space<hbm>>) dst(%arg9 : memref<10x100xi32, #tpu.memory_space<vmem>>)
        %dma_start3A_65 = arith.constant 0 : i32
        %dma_start3A_66 = arith.constant 0 : i32
        %dma_start3A_67 = tpu.memref_slice %arg4[%arg1, %add3A_49, %dma_start3A_65, %dma_start3A_66] : memref<16x10x10x100xi32, #tpu.memory_space<hbm>> -> memref<1x1x10x100xi32, #tpu.memory_space<hbm>>
        %dma_start3A_68 = tpu.memref_squeeze %dma_start3A_67 : memref<1x1x10x100xi32, #tpu.memory_space<hbm>> -> memref<10x100xi32, #tpu.memory_space<hbm>>
        %dma_start3A_69 = arith.constant 0 : i32
        %dma_start3A_70 = arith.constant 0 : i32
        %dma_start3A_71 = tpu.memref_slice %arg4[%arg1, %add3A_49, %dma_start3A_69, %dma_start3A_70] : memref<16x10x10x100xi32, #tpu.memory_space<hbm>> -> memref<1x1x10x100xi32, #tpu.memory_space<hbm>>
        %dma_start3A_72 = tpu.memref_squeeze %dma_start3A_71 : memref<1x1x10x100xi32, #tpu.memory_space<hbm>> -> memref<10x100xi32, #tpu.memory_space<hbm>>
        tpu.enqueue_dma source(%dma_start3A_72 : memref<10x100xi32, #tpu.memory_space<hbm>>) target(%arg10 : memref<10x100xi32, #tpu.memory_space<vmem>>) target_semaphore(%arg24 : memref<!tpu.dma_semaphore, #tpu.memory_space<semaphore_mem>>)
        %dma_start3A_73 = arith.constant 0 : i32
        %dma_start3A_74 = arith.constant 0 : i32
        %dma_start3A_75 = tpu.memref_slice %arg5[%arg1, %add3A_49, %dma_start3A_73, %dma_start3A_74] : memref<16x10x10x100xi32, #tpu.memory_space<hbm>> -> memref<1x1x10x100xi32, #tpu.memory_space<hbm>>
        %dma_start3A_76 = tpu.memref_squeeze %dma_start3A_75 : memref<1x1x10x100xi32, #tpu.memory_space<hbm>> -> memref<10x100xi32, #tpu.memory_space<hbm>>
        %dma_start3A_77 = arith.constant 0 : i32
        %dma_start3A_78 = arith.constant 0 : i32
        %dma_start3A_79 = tpu.memref_slice %arg5[%arg1, %add3A_49, %dma_start3A_77, %dma_start3A_78] : memref<16x10x10x100xi32, #tpu.memory_space<hbm>> -> memref<1x1x10x100xi32, #tpu.memory_space<hbm>>
        %dma_start3A_80 = tpu.memref_squeeze %dma_start3A_79 : memref<1x1x10x100xi32, #tpu.memory_space<hbm>> -> memref<10x100xi32, #tpu.memory_space<hbm>>
        tpu.enqueue_dma source(%dma_start3A_80 : memref<10x100xi32, #tpu.memory_space<hbm>>) target(%arg11 : memref<10x100xi32, #tpu.memory_space<vmem>>) target_semaphore(%arg24 : memref<!tpu.dma_semaphore, #tpu.memory_space<semaphore_mem>>)
        %dma_start3A_81 = arith.constant 0 : i32
        %dma_start3A_82 = arith.constant 0 : i32
        %dma_start3A_83 = tpu.memref_slice %arg8[%dma_start3A_81, %dma_start3A_82] : memref<10x100xi32, #tpu.memory_space<vmem>> -> memref<1x100xi32, #tpu.memory_space<vmem>>
        %dma_start3A_84 = tpu.memref_squeeze %dma_start3A_83 : memref<1x100xi32, #tpu.memory_space<vmem>> -> memref<100xi32, #tpu.memory_space<vmem>>
        %dma_start3A_85 = arith.constant 0 : i32
        %dma_start3A_86 = arith.constant 0 : i32
        %dma_start3A_87 = tpu.memref_slice %arg2[%dma_start3A_85, %dma_start3A_86] : memref<10000x128xf32, #tpu.memory_space<hbm>> -> memref<10000x128xf32, #tpu.memory_space<hbm>>
        tpu.enqueue_indirect_dma source(%dma_start3A_87 : memref<10000x128xf32, #tpu.memory_space<hbm>>) target(%arg12 : memref<100x128xf32, #tpu.memory_space<vmem>>) offsets(%dma_start3A_84 : memref<100xi32, #tpu.memory_space<vmem>>) semaphore(%arg17 : memref<!tpu.dma_semaphore, #tpu.memory_space<semaphore_mem>>)
        %dma_start3A_88 = arith.constant 1 : i32
        %dma_start3A_89 = arith.constant 0 : i32
        %dma_start3A_90 = tpu.memref_slice %arg8[%dma_start3A_88, %dma_start3A_89] : memref<10x100xi32, #tpu.memory_space<vmem>> -> memref<1x100xi32, #tpu.memory_space<vmem>>
        %dma_start3A_91 = tpu.memref_squeeze %dma_start3A_90 : memref<1x100xi32, #tpu.memory_space<vmem>> -> memref<100xi32, #tpu.memory_space<vmem>>
        %dma_start3A_92 = arith.constant 0 : i32
        %dma_start3A_93 = arith.constant 0 : i32
        %dma_start3A_94 = tpu.memref_slice %arg2[%dma_start3A_92, %dma_start3A_93] : memref<10000x128xf32, #tpu.memory_space<hbm>> -> memref<10000x128xf32, #tpu.memory_space<hbm>>
        tpu.enqueue_indirect_dma source(%dma_start3A_94 : memref<10000x128xf32, #tpu.memory_space<hbm>>) target(%arg13 : memref<100x128xf32, #tpu.memory_space<vmem>>) offsets(%dma_start3A_91 : memref<100xi32, #tpu.memory_space<vmem>>) semaphore(%arg18 : memref<!tpu.dma_semaphore, #tpu.memory_space<semaphore_mem>>)
        %dma_start3A_95 = arith.constant 2 : i32
        %dma_start3A_96 = arith.constant 0 : i32
        %dma_start3A_97 = tpu.memref_slice %arg8[%dma_start3A_95, %dma_start3A_96] : memref<10x100xi32, #tpu.memory_space<vmem>> -> memref<1x100xi32, #tpu.memory_space<vmem>>
        %dma_start3A_98 = tpu.memref_squeeze %dma_start3A_97 : memref<1x100xi32, #tpu.memory_space<vmem>> -> memref<100xi32, #tpu.memory_space<vmem>>
        %dma_start3A_99 = arith.constant 0 : i32
        %dma_start3A_100 = arith.constant 0 : i32
        %dma_start3A_101 = tpu.memref_slice %arg2[%dma_start3A_99, %dma_start3A_100] : memref<10000x128xf32, #tpu.memory_space<hbm>> -> memref<10000x128xf32, #tpu.memory_space<hbm>>
        tpu.enqueue_indirect_dma source(%dma_start3A_101 : memref<10000x128xf32, #tpu.memory_space<hbm>>) target(%arg14 : memref<100x128xf32, #tpu.memory_space<vmem>>) offsets(%dma_start3A_98 : memref<100xi32, #tpu.memory_space<vmem>>) semaphore(%arg19 : memref<!tpu.dma_semaphore, #tpu.memory_space<semaphore_mem>>)
        %dma_wait3A_102 = arith.constant 0 : i32
        %dma_wait3A_103 = arith.constant 0 : i32
        %dma_wait3A_104 = tpu.memref_slice %arg8[%dma_wait3A_102, %dma_wait3A_103] : memref<10x100xi32, #tpu.memory_space<vmem>> -> memref<1x100xi32, #tpu.memory_space<vmem>>
        %dma_wait3A_105 = tpu.memref_squeeze %dma_wait3A_104 : memref<1x100xi32, #tpu.memory_space<vmem>> -> memref<100xi32, #tpu.memory_space<vmem>>
        %dma_wait3A_106 = arith.constant 0 : i32
        %dma_wait3A_107 = arith.constant 0 : i32
        %dma_wait3A_108 = tpu.memref_slice %arg2[%dma_wait3A_106, %dma_wait3A_107] : memref<10000x128xf32, #tpu.memory_space<hbm>> -> memref<10000x128xf32, #tpu.memory_space<hbm>>
        tpu.wait_indirect_dma semaphore(%arg17 : memref<!tpu.dma_semaphore, #tpu.memory_space<semaphore_mem>>) src(%dma_wait3A_108 : memref<10000x128xf32, #tpu.memory_space<hbm>>) dst(%arg12 : memref<100x128xf32, #tpu.memory_space<vmem>>)
        %dma_start3A_109 = arith.constant 0 : i32
        %dma_start3A_110 = arith.constant 0 : i32
        %dma_start3A_111 = tpu.memref_slice %arg9[%dma_start3A_109, %dma_start3A_110] : memref<10x100xi32, #tpu.memory_space<vmem>> -> memref<1x100xi32, #tpu.memory_space<vmem>>
        %dma_start3A_112 = tpu.memref_squeeze %dma_start3A_111 : memref<1x100xi32, #tpu.memory_space<vmem>> -> memref<100xi32, #tpu.memory_space<vmem>>
        %dma_start3A_113 = arith.constant 0 : i32
        %dma_start3A_114 = arith.constant 0 : i32
        %dma_start3A_115 = tpu.memref_slice %arg16[%dma_start3A_113, %dma_start3A_114] : memref<10240x128xf32, #tpu.memory_space<vmem_shared>> -> memref<10240x128xf32, #tpu.memory_space<vmem_shared>>
        tpu.enqueue_indirect_dma source(%arg12 : memref<100x128xf32, #tpu.memory_space<vmem>>) target(%dma_start3A_115 : memref<10240x128xf32, #tpu.memory_space<vmem_shared>>) offsets(%dma_start3A_112 : memref<100xi32, #tpu.memory_space<vmem>>) semaphore(%arg20 : memref<!tpu.dma_semaphore, #tpu.memory_space<semaphore_mem>>) {add = true}
        %dma_wait3A_116 = arith.constant 0 : i32
        %dma_wait3A_117 = arith.constant 0 : i32
        %dma_wait3A_118 = tpu.memref_slice %arg9[%dma_wait3A_116, %dma_wait3A_117] : memref<10x100xi32, #tpu.memory_space<vmem>> -> memref<1x100xi32, #tpu.memory_space<vmem>>
        %dma_wait3A_119 = tpu.memref_squeeze %dma_wait3A_118 : memref<1x100xi32, #tpu.memory_space<vmem>> -> memref<100xi32, #tpu.memory_space<vmem>>
        %dma_wait3A_120 = arith.constant 0 : i32
        %dma_wait3A_121 = arith.constant 0 : i32
        %dma_wait3A_122 = tpu.memref_slice %arg16[%dma_wait3A_120, %dma_wait3A_121] : memref<10240x128xf32, #tpu.memory_space<vmem_shared>> -> memref<10240x128xf32, #tpu.memory_space<vmem_shared>>
        tpu.wait_indirect_dma semaphore(%arg20 : memref<!tpu.dma_semaphore, #tpu.memory_space<semaphore_mem>>) src(%arg12 : memref<100x128xf32, #tpu.memory_space<vmem>>) dst(%dma_wait3A_122 : memref<10240x128xf32, #tpu.memory_space<vmem_shared>>)
        %dma_start3A_123 = arith.constant 3 : i32
        %dma_start3A_124 = arith.constant 0 : i32
        %dma_start3A_125 = tpu.memref_slice %arg8[%dma_start3A_123, %dma_start3A_124] : memref<10x100xi32, #tpu.memory_space<vmem>> -> memref<1x100xi32, #tpu.memory_space<vmem>>
        %dma_start3A_126 = tpu.memref_squeeze %dma_start3A_125 : memref<1x100xi32, #tpu.memory_space<vmem>> -> memref<100xi32, #tpu.memory_space<vmem>>
        %dma_start3A_127 = arith.constant 0 : i32
        %dma_start3A_128 = arith.constant 0 : i32
        %dma_start3A_129 = tpu.memref_slice %arg2[%dma_start3A_127, %dma_start3A_128] : memref<10000x128xf32, #tpu.memory_space<hbm>> -> memref<10000x128xf32, #tpu.memory_space<hbm>>
        tpu.enqueue_indirect_dma source(%dma_start3A_129 : memref<10000x128xf32, #tpu.memory_space<hbm>>) target(%arg12 : memref<100x128xf32, #tpu.memory_space<vmem>>) offsets(%dma_start3A_126 : memref<100xi32, #tpu.memory_space<vmem>>) semaphore(%arg17 : memref<!tpu.dma_semaphore, #tpu.memory_space<semaphore_mem>>)
        %dma_wait3A_130 = arith.constant 1 : i32
        %dma_wait3A_131 = arith.constant 0 : i32
        %dma_wait3A_132 = tpu.memref_slice %arg8[%dma_wait3A_130, %dma_wait3A_131] : memref<10x100xi32, #tpu.memory_space<vmem>> -> memref<1x100xi32, #tpu.memory_space<vmem>>
        %dma_wait3A_133 = tpu.memref_squeeze %dma_wait3A_132 : memref<1x100xi32, #tpu.memory_space<vmem>> -> memref<100xi32, #tpu.memory_space<vmem>>
        %dma_wait3A_134 = arith.constant 0 : i32
        %dma_wait3A_135 = arith.constant 0 : i32
        %dma_wait3A_136 = tpu.memref_slice %arg2[%dma_wait3A_134, %dma_wait3A_135] : memref<10000x128xf32, #tpu.memory_space<hbm>> -> memref<10000x128xf32, #tpu.memory_space<hbm>>
        tpu.wait_indirect_dma semaphore(%arg18 : memref<!tpu.dma_semaphore, #tpu.memory_space<semaphore_mem>>) src(%dma_wait3A_136 : memref<10000x128xf32, #tpu.memory_space<hbm>>) dst(%arg13 : memref<100x128xf32, #tpu.memory_space<vmem>>)
        %dma_start3A_137 = arith.constant 1 : i32
        %dma_start3A_138 = arith.constant 0 : i32
        %dma_start3A_139 = tpu.memref_slice %arg9[%dma_start3A_137, %dma_start3A_138] : memref<10x100xi32, #tpu.memory_space<vmem>> -> memref<1x100xi32, #tpu.memory_space<vmem>>
        %dma_start3A_140 = tpu.memref_squeeze %dma_start3A_139 : memref<1x100xi32, #tpu.memory_space<vmem>> -> memref<100xi32, #tpu.memory_space<vmem>>
        %dma_start3A_141 = arith.constant 0 : i32
        %dma_start3A_142 = arith.constant 0 : i32
        %dma_start3A_143 = tpu.memref_slice %arg16[%dma_start3A_141, %dma_start3A_142] : memref<10240x128xf32, #tpu.memory_space<vmem_shared>> -> memref<10240x128xf32, #tpu.memory_space<vmem_shared>>
        tpu.enqueue_indirect_dma source(%arg13 : memref<100x128xf32, #tpu.memory_space<vmem>>) target(%dma_start3A_143 : memref<10240x128xf32, #tpu.memory_space<vmem_shared>>) offsets(%dma_start3A_140 : memref<100xi32, #tpu.memory_space<vmem>>) semaphore(%arg21 : memref<!tpu.dma_semaphore, #tpu.memory_space<semaphore_mem>>) {add = true}
        %dma_wait3A_144 = arith.constant 1 : i32
        %dma_wait3A_145 = arith.constant 0 : i32
        %dma_wait3A_146 = tpu.memref_slice %arg9[%dma_wait3A_144, %dma_wait3A_145] : memref<10x100xi32, #tpu.memory_space<vmem>> -> memref<1x100xi32, #tpu.memory_space<vmem>>
        %dma_wait3A_147 = tpu.memref_squeeze %dma_wait3A_146 : memref<1x100xi32, #tpu.memory_space<vmem>> -> memref<100xi32, #tpu.memory_space<vmem>>
        %dma_wait3A_148 = arith.constant 0 : i32
        %dma_wait3A_149 = arith.constant 0 : i32
        %dma_wait3A_150 = tpu.memref_slice %arg16[%dma_wait3A_148, %dma_wait3A_149] : memref<10240x128xf32, #tpu.memory_space<vmem_shared>> -> memref<10240x128xf32, #tpu.memory_space<vmem_shared>>
        tpu.wait_indirect_dma semaphore(%arg21 : memref<!tpu.dma_semaphore, #tpu.memory_space<semaphore_mem>>) src(%arg13 : memref<100x128xf32, #tpu.memory_space<vmem>>) dst(%dma_wait3A_150 : memref<10240x128xf32, #tpu.memory_space<vmem_shared>>)
        %dma_start3A_151 = arith.constant 4 : i32
        %dma_start3A_152 = arith.constant 0 : i32
        %dma_start3A_153 = tpu.memref_slice %arg8[%dma_start3A_151, %dma_start3A_152] : memref<10x100xi32, #tpu.memory_space<vmem>> -> memref<1x100xi32, #tpu.memory_space<vmem>>
        %dma_start3A_154 = tpu.memref_squeeze %dma_start3A_153 : memref<1x100xi32, #tpu.memory_space<vmem>> -> memref<100xi32, #tpu.memory_space<vmem>>
        %dma_start3A_155 = arith.constant 0 : i32
        %dma_start3A_156 = arith.constant 0 : i32
        %dma_start3A_157 = tpu.memref_slice %arg2[%dma_start3A_155, %dma_start3A_156] : memref<10000x128xf32, #tpu.memory_space<hbm>> -> memref<10000x128xf32, #tpu.memory_space<hbm>>
        tpu.enqueue_indirect_dma source(%dma_start3A_157 : memref<10000x128xf32, #tpu.memory_space<hbm>>) target(%arg13 : memref<100x128xf32, #tpu.memory_space<vmem>>) offsets(%dma_start3A_154 : memref<100xi32, #tpu.memory_space<vmem>>) semaphore(%arg18 : memref<!tpu.dma_semaphore, #tpu.memory_space<semaphore_mem>>)
        %dma_wait3A_158 = arith.constant 2 : i32
        %dma_wait3A_159 = arith.constant 0 : i32
        %dma_wait3A_160 = tpu.memref_slice %arg8[%dma_wait3A_158, %dma_wait3A_159] : memref<10x100xi32, #tpu.memory_space<vmem>> -> memref<1x100xi32, #tpu.memory_space<vmem>>
        %dma_wait3A_161 = tpu.memref_squeeze %dma_wait3A_160 : memref<1x100xi32, #tpu.memory_space<vmem>> -> memref<100xi32, #tpu.memory_space<vmem>>
        %dma_wait3A_162 = arith.constant 0 : i32
        %dma_wait3A_163 = arith.constant 0 : i32
        %dma_wait3A_164 = tpu.memref_slice %arg2[%dma_wait3A_162, %dma_wait3A_163] : memref<10000x128xf32, #tpu.memory_space<hbm>> -> memref<10000x128xf32, #tpu.memory_space<hbm>>
        tpu.wait_indirect_dma semaphore(%arg19 : memref<!tpu.dma_semaphore, #tpu.memory_space<semaphore_mem>>) src(%dma_wait3A_164 : memref<10000x128xf32, #tpu.memory_space<hbm>>) dst(%arg14 : memref<100x128xf32, #tpu.memory_space<vmem>>)
        %dma_start3A_165 = arith.constant 2 : i32
        %dma_start3A_166 = arith.constant 0 : i32
        %dma_start3A_167 = tpu.memref_slice %arg9[%dma_start3A_165, %dma_start3A_166] : memref<10x100xi32, #tpu.memory_space<vmem>> -> memref<1x100xi32, #tpu.memory_space<vmem>>
        %dma_start3A_168 = tpu.memref_squeeze %dma_start3A_167 : memref<1x100xi32, #tpu.memory_space<vmem>> -> memref<100xi32, #tpu.memory_space<vmem>>
        %dma_start3A_169 = arith.constant 0 : i32
        %dma_start3A_170 = arith.constant 0 : i32
        %dma_start3A_171 = tpu.memref_slice %arg16[%dma_start3A_169, %dma_start3A_170] : memref<10240x128xf32, #tpu.memory_space<vmem_shared>> -> memref<10240x128xf32, #tpu.memory_space<vmem_shared>>
        tpu.enqueue_indirect_dma source(%arg14 : memref<100x128xf32, #tpu.memory_space<vmem>>) target(%dma_start3A_171 : memref<10240x128xf32, #tpu.memory_space<vmem_shared>>) offsets(%dma_start3A_168 : memref<100xi32, #tpu.memory_space<vmem>>) semaphore(%arg22 : memref<!tpu.dma_semaphore, #tpu.memory_space<semaphore_mem>>) {add = true}
        %dma_wait3A_172 = arith.constant 2 : i32
        %dma_wait3A_173 = arith.constant 0 : i32
        %dma_wait3A_174 = tpu.memref_slice %arg9[%dma_wait3A_172, %dma_wait3A_173] : memref<10x100xi32, #tpu.memory_space<vmem>> -> memref<1x100xi32, #tpu.memory_space<vmem>>
        %dma_wait3A_175 = tpu.memref_squeeze %dma_wait3A_174 : memref<1x100xi32, #tpu.memory_space<vmem>> -> memref<100xi32, #tpu.memory_space<vmem>>
        %dma_wait3A_176 = arith.constant 0 : i32
        %dma_wait3A_177 = arith.constant 0 : i32
        %dma_wait3A_178 = tpu.memref_slice %arg16[%dma_wait3A_176, %dma_wait3A_177] : memref<10240x128xf32, #tpu.memory_space<vmem_shared>> -> memref<10240x128xf32, #tpu.memory_space<vmem_shared>>
        tpu.wait_indirect_dma semaphore(%arg22 : memref<!tpu.dma_semaphore, #tpu.memory_space<semaphore_mem>>) src(%arg14 : memref<100x128xf32, #tpu.memory_space<vmem>>) dst(%dma_wait3A_178 : memref<10240x128xf32, #tpu.memory_space<vmem_shared>>)
        %dma_start3A_179 = arith.constant 5 : i32
        %dma_start3A_180 = arith.constant 0 : i32
        %dma_start3A_181 = tpu.memref_slice %arg8[%dma_start3A_179, %dma_start3A_180] : memref<10x100xi32, #tpu.memory_space<vmem>> -> memref<1x100xi32, #tpu.memory_space<vmem>>
        %dma_start3A_182 = tpu.memref_squeeze %dma_start3A_181 : memref<1x100xi32, #tpu.memory_space<vmem>> -> memref<100xi32, #tpu.memory_space<vmem>>
        %dma_start3A_183 = arith.constant 0 : i32
        %dma_start3A_184 = arith.constant 0 : i32
        %dma_start3A_185 = tpu.memref_slice %arg2[%dma_start3A_183, %dma_start3A_184] : memref<10000x128xf32, #tpu.memory_space<hbm>> -> memref<10000x128xf32, #tpu.memory_space<hbm>>
        tpu.enqueue_indirect_dma source(%dma_start3A_185 : memref<10000x128xf32, #tpu.memory_space<hbm>>) target(%arg14 : memref<100x128xf32, #tpu.memory_space<vmem>>) offsets(%dma_start3A_182 : memref<100xi32, #tpu.memory_space<vmem>>) semaphore(%arg19 : memref<!tpu.dma_semaphore, #tpu.memory_space<semaphore_mem>>)
        %dma_wait3A_186 = arith.constant 3 : i32
        %dma_wait3A_187 = arith.constant 0 : i32
        %dma_wait3A_188 = tpu.memref_slice %arg8[%dma_wait3A_186, %dma_wait3A_187] : memref<10x100xi32, #tpu.memory_space<vmem>> -> memref<1x100xi32, #tpu.memory_space<vmem>>
        %dma_wait3A_189 = tpu.memref_squeeze %dma_wait3A_188 : memref<1x100xi32, #tpu.memory_space<vmem>> -> memref<100xi32, #tpu.memory_space<vmem>>
        %dma_wait3A_190 = arith.constant 0 : i32
        %dma_wait3A_191 = arith.constant 0 : i32
        %dma_wait3A_192 = tpu.memref_slice %arg2[%dma_wait3A_190, %dma_wait3A_191] : memref<10000x128xf32, #tpu.memory_space<hbm>> -> memref<10000x128xf32, #tpu.memory_space<hbm>>
        tpu.wait_indirect_dma semaphore(%arg17 : memref<!tpu.dma_semaphore, #tpu.memory_space<semaphore_mem>>) src(%dma_wait3A_192 : memref<10000x128xf32, #tpu.memory_space<hbm>>) dst(%arg12 : memref<100x128xf32, #tpu.memory_space<vmem>>)
        %dma_start3A_193 = arith.constant 3 : i32
        %dma_start3A_194 = arith.constant 0 : i32
        %dma_start3A_195 = tpu.memref_slice %arg9[%dma_start3A_193, %dma_start3A_194] : memref<10x100xi32, #tpu.memory_space<vmem>> -> memref<1x100xi32, #tpu.memory_space<vmem>>
        %dma_start3A_196 = tpu.memref_squeeze %dma_start3A_195 : memref<1x100xi32, #tpu.memory_space<vmem>> -> memref<100xi32, #tpu.memory_space<vmem>>
        %dma_start3A_197 = arith.constant 0 : i32
        %dma_start3A_198 = arith.constant 0 : i32
        %dma_start3A_199 = tpu.memref_slice %arg16[%dma_start3A_197, %dma_start3A_198] : memref<10240x128xf32, #tpu.memory_space<vmem_shared>> -> memref<10240x128xf32, #tpu.memory_space<vmem_shared>>
        tpu.enqueue_indirect_dma source(%arg12 : memref<100x128xf32, #tpu.memory_space<vmem>>) target(%dma_start3A_199 : memref<10240x128xf32, #tpu.memory_space<vmem_shared>>) offsets(%dma_start3A_196 : memref<100xi32, #tpu.memory_space<vmem>>) semaphore(%arg20 : memref<!tpu.dma_semaphore, #tpu.memory_space<semaphore_mem>>) {add = true}
        %dma_wait3A_200 = arith.constant 3 : i32
        %dma_wait3A_201 = arith.constant 0 : i32
        %dma_wait3A_202 = tpu.memref_slice %arg9[%dma_wait3A_200, %dma_wait3A_201] : memref<10x100xi32, #tpu.memory_space<vmem>> -> memref<1x100xi32, #tpu.memory_space<vmem>>
        %dma_wait3A_203 = tpu.memref_squeeze %dma_wait3A_202 : memref<1x100xi32, #tpu.memory_space<vmem>> -> memref<100xi32, #tpu.memory_space<vmem>>
        %dma_wait3A_204 = arith.constant 0 : i32
        %dma_wait3A_205 = arith.constant 0 : i32
        %dma_wait3A_206 = tpu.memref_slice %arg16[%dma_wait3A_204, %dma_wait3A_205] : memref<10240x128xf32, #tpu.memory_space<vmem_shared>> -> memref<10240x128xf32, #tpu.memory_space<vmem_shared>>
        tpu.wait_indirect_dma semaphore(%arg20 : memref<!tpu.dma_semaphore, #tpu.memory_space<semaphore_mem>>) src(%arg12 : memref<100x128xf32, #tpu.memory_space<vmem>>) dst(%dma_wait3A_206 : memref<10240x128xf32, #tpu.memory_space<vmem_shared>>)
        %dma_start3A_207 = arith.constant 6 : i32
        %dma_start3A_208 = arith.constant 0 : i32
        %dma_start3A_209 = tpu.memref_slice %arg8[%dma_start3A_207, %dma_start3A_208] : memref<10x100xi32, #tpu.memory_space<vmem>> -> memref<1x100xi32, #tpu.memory_space<vmem>>
        %dma_start3A_210 = tpu.memref_squeeze %dma_start3A_209 : memref<1x100xi32, #tpu.memory_space<vmem>> -> memref<100xi32, #tpu.memory_space<vmem>>
        %dma_start3A_211 = arith.constant 0 : i32
        %dma_start3A_212 = arith.constant 0 : i32
        %dma_start3A_213 = tpu.memref_slice %arg2[%dma_start3A_211, %dma_start3A_212] : memref<10000x128xf32, #tpu.memory_space<hbm>> -> memref<10000x128xf32, #tpu.memory_space<hbm>>
        tpu.enqueue_indirect_dma source(%dma_start3A_213 : memref<10000x128xf32, #tpu.memory_space<hbm>>) target(%arg12 : memref<100x128xf32, #tpu.memory_space<vmem>>) offsets(%dma_start3A_210 : memref<100xi32, #tpu.memory_space<vmem>>) semaphore(%arg17 : memref<!tpu.dma_semaphore, #tpu.memory_space<semaphore_mem>>)
        %dma_wait3A_214 = arith.constant 4 : i32
        %dma_wait3A_215 = arith.constant 0 : i32
        %dma_wait3A_216 = tpu.memref_slice %arg8[%dma_wait3A_214, %dma_wait3A_215] : memref<10x100xi32, #tpu.memory_space<vmem>> -> memref<1x100xi32, #tpu.memory_space<vmem>>
        %dma_wait3A_217 = tpu.memref_squeeze %dma_wait3A_216 : memref<1x100xi32, #tpu.memory_space<vmem>> -> memref<100xi32, #tpu.memory_space<vmem>>
        %dma_wait3A_218 = arith.constant 0 : i32
        %dma_wait3A_219 = arith.constant 0 : i32
        %dma_wait3A_220 = tpu.memref_slice %arg2[%dma_wait3A_218, %dma_wait3A_219] : memref<10000x128xf32, #tpu.memory_space<hbm>> -> memref<10000x128xf32, #tpu.memory_space<hbm>>
        tpu.wait_indirect_dma semaphore(%arg18 : memref<!tpu.dma_semaphore, #tpu.memory_space<semaphore_mem>>) src(%dma_wait3A_220 : memref<10000x128xf32, #tpu.memory_space<hbm>>) dst(%arg13 : memref<100x128xf32, #tpu.memory_space<vmem>>)
        %dma_start3A_221 = arith.constant 4 : i32
        %dma_start3A_222 = arith.constant 0 : i32
        %dma_start3A_223 = tpu.memref_slice %arg9[%dma_start3A_221, %dma_start3A_222] : memref<10x100xi32, #tpu.memory_space<vmem>> -> memref<1x100xi32, #tpu.memory_space<vmem>>
        %dma_start3A_224 = tpu.memref_squeeze %dma_start3A_223 : memref<1x100xi32, #tpu.memory_space<vmem>> -> memref<100xi32, #tpu.memory_space<vmem>>
        %dma_start3A_225 = arith.constant 0 : i32
        %dma_start3A_226 = arith.constant 0 : i32
        %dma_start3A_227 = tpu.memref_slice %arg16[%dma_start3A_225, %dma_start3A_226] : memref<10240x128xf32, #tpu.memory_space<vmem_shared>> -> memref<10240x128xf32, #tpu.memory_space<vmem_shared>>
        tpu.enqueue_indirect_dma source(%arg13 : memref<100x128xf32, #tpu.memory_space<vmem>>) target(%dma_start3A_227 : memref<10240x128xf32, #tpu.memory_space<vmem_shared>>) offsets(%dma_start3A_224 : memref<100xi32, #tpu.memory_space<vmem>>) semaphore(%arg21 : memref<!tpu.dma_semaphore, #tpu.memory_space<semaphore_mem>>) {add = true}
        %dma_wait3A_228 = arith.constant 4 : i32
        %dma_wait3A_229 = arith.constant 0 : i32
        %dma_wait3A_230 = tpu.memref_slice %arg9[%dma_wait3A_228, %dma_wait3A_229] : memref<10x100xi32, #tpu.memory_space<vmem>> -> memref<1x100xi32, #tpu.memory_space<vmem>>
        %dma_wait3A_231 = tpu.memref_squeeze %dma_wait3A_230 : memref<1x100xi32, #tpu.memory_space<vmem>> -> memref<100xi32, #tpu.memory_space<vmem>>
        %dma_wait3A_232 = arith.constant 0 : i32
        %dma_wait3A_233 = arith.constant 0 : i32
        %dma_wait3A_234 = tpu.memref_slice %arg16[%dma_wait3A_232, %dma_wait3A_233] : memref<10240x128xf32, #tpu.memory_space<vmem_shared>> -> memref<10240x128xf32, #tpu.memory_space<vmem_shared>>
        tpu.wait_indirect_dma semaphore(%arg21 : memref<!tpu.dma_semaphore, #tpu.memory_space<semaphore_mem>>) src(%arg13 : memref<100x128xf32, #tpu.memory_space<vmem>>) dst(%dma_wait3A_234 : memref<10240x128xf32, #tpu.memory_space<vmem_shared>>)
        %dma_start3A_235 = arith.constant 7 : i32
        %dma_start3A_236 = arith.constant 0 : i32
        %dma_start3A_237 = tpu.memref_slice %arg8[%dma_start3A_235, %dma_start3A_236] : memref<10x100xi32, #tpu.memory_space<vmem>> -> memref<1x100xi32, #tpu.memory_space<vmem>>
        %dma_start3A_238 = tpu.memref_squeeze %dma_start3A_237 : memref<1x100xi32, #tpu.memory_space<vmem>> -> memref<100xi32, #tpu.memory_space<vmem>>
        %dma_start3A_239 = arith.constant 0 : i32
        %dma_start3A_240 = arith.constant 0 : i32
        %dma_start3A_241 = tpu.memref_slice %arg2[%dma_start3A_239, %dma_start3A_240] : memref<10000x128xf32, #tpu.memory_space<hbm>> -> memref<10000x128xf32, #tpu.memory_space<hbm>>
        tpu.enqueue_indirect_dma source(%dma_start3A_241 : memref<10000x128xf32, #tpu.memory_space<hbm>>) target(%arg13 : memref<100x128xf32, #tpu.memory_space<vmem>>) offsets(%dma_start3A_238 : memref<100xi32, #tpu.memory_space<vmem>>) semaphore(%arg18 : memref<!tpu.dma_semaphore, #tpu.memory_space<semaphore_mem>>)
        %dma_wait3A_242 = arith.constant 5 : i32
        %dma_wait3A_243 = arith.constant 0 : i32
        %dma_wait3A_244 = tpu.memref_slice %arg8[%dma_wait3A_242, %dma_wait3A_243] : memref<10x100xi32, #tpu.memory_space<vmem>> -> memref<1x100xi32, #tpu.memory_space<vmem>>
        %dma_wait3A_245 = tpu.memref_squeeze %dma_wait3A_244 : memref<1x100xi32, #tpu.memory_space<vmem>> -> memref<100xi32, #tpu.memory_space<vmem>>
        %dma_wait3A_246 = arith.constant 0 : i32
        %dma_wait3A_247 = arith.constant 0 : i32
        %dma_wait3A_248 = tpu.memref_slice %arg2[%dma_wait3A_246, %dma_wait3A_247] : memref<10000x128xf32, #tpu.memory_space<hbm>> -> memref<10000x128xf32, #tpu.memory_space<hbm>>
        tpu.wait_indirect_dma semaphore(%arg19 : memref<!tpu.dma_semaphore, #tpu.memory_space<semaphore_mem>>) src(%dma_wait3A_248 : memref<10000x128xf32, #tpu.memory_space<hbm>>) dst(%arg14 : memref<100x128xf32, #tpu.memory_space<vmem>>)
        %dma_start3A_249 = arith.constant 5 : i32
        %dma_start3A_250 = arith.constant 0 : i32
        %dma_start3A_251 = tpu.memref_slice %arg9[%dma_start3A_249, %dma_start3A_250] : memref<10x100xi32, #tpu.memory_space<vmem>> -> memref<1x100xi32, #tpu.memory_space<vmem>>
        %dma_start3A_252 = tpu.memref_squeeze %dma_start3A_251 : memref<1x100xi32, #tpu.memory_space<vmem>> -> memref<100xi32, #tpu.memory_space<vmem>>
        %dma_start3A_253 = arith.constant 0 : i32
        %dma_start3A_254 = arith.constant 0 : i32
        %dma_start3A_255 = tpu.memref_slice %arg16[%dma_start3A_253, %dma_start3A_254] : memref<10240x128xf32, #tpu.memory_space<vmem_shared>> -> memref<10240x128xf32, #tpu.memory_space<vmem_shared>>
        tpu.enqueue_indirect_dma source(%arg14 : memref<100x128xf32, #tpu.memory_space<vmem>>) target(%dma_start3A_255 : memref<10240x128xf32, #tpu.memory_space<vmem_shared>>) offsets(%dma_start3A_252 : memref<100xi32, #tpu.memory_space<vmem>>) semaphore(%arg22 : memref<!tpu.dma_semaphore, #tpu.memory_space<semaphore_mem>>) {add = true}
        %dma_wait3A_256 = arith.constant 5 : i32
        %dma_wait3A_257 = arith.constant 0 : i32
        %dma_wait3A_258 = tpu.memref_slice %arg9[%dma_wait3A_256, %dma_wait3A_257] : memref<10x100xi32, #tpu.memory_space<vmem>> -> memref<1x100xi32, #tpu.memory_space<vmem>>
        %dma_wait3A_259 = tpu.memref_squeeze %dma_wait3A_258 : memref<1x100xi32, #tpu.memory_space<vmem>> -> memref<100xi32, #tpu.memory_space<vmem>>
        %dma_wait3A_260 = arith.constant 0 : i32
        %dma_wait3A_261 = arith.constant 0 : i32
        %dma_wait3A_262 = tpu.memref_slice %arg16[%dma_wait3A_260, %dma_wait3A_261] : memref<10240x128xf32, #tpu.memory_space<vmem_shared>> -> memref<10240x128xf32, #tpu.memory_space<vmem_shared>>
        tpu.wait_indirect_dma semaphore(%arg22 : memref<!tpu.dma_semaphore, #tpu.memory_space<semaphore_mem>>) src(%arg14 : memref<100x128xf32, #tpu.memory_space<vmem>>) dst(%dma_wait3A_262 : memref<10240x128xf32, #tpu.memory_space<vmem_shared>>)
        %dma_start3A_263 = arith.constant 8 : i32
        %dma_start3A_264 = arith.constant 0 : i32
        %dma_start3A_265 = tpu.memref_slice %arg8[%dma_start3A_263, %dma_start3A_264] : memref<10x100xi32, #tpu.memory_space<vmem>> -> memref<1x100xi32, #tpu.memory_space<vmem>>
        %dma_start3A_266 = tpu.memref_squeeze %dma_start3A_265 : memref<1x100xi32, #tpu.memory_space<vmem>> -> memref<100xi32, #tpu.memory_space<vmem>>
        %dma_start3A_267 = arith.constant 0 : i32
        %dma_start3A_268 = arith.constant 0 : i32
        %dma_start3A_269 = tpu.memref_slice %arg2[%dma_start3A_267, %dma_start3A_268] : memref<10000x128xf32, #tpu.memory_space<hbm>> -> memref<10000x128xf32, #tpu.memory_space<hbm>>
        tpu.enqueue_indirect_dma source(%dma_start3A_269 : memref<10000x128xf32, #tpu.memory_space<hbm>>) target(%arg14 : memref<100x128xf32, #tpu.memory_space<vmem>>) offsets(%dma_start3A_266 : memref<100xi32, #tpu.memory_space<vmem>>) semaphore(%arg19 : memref<!tpu.dma_semaphore, #tpu.memory_space<semaphore_mem>>)
        %dma_wait3A_270 = arith.constant 6 : i32
        %dma_wait3A_271 = arith.constant 0 : i32
        %dma_wait3A_272 = tpu.memref_slice %arg8[%dma_wait3A_270, %dma_wait3A_271] : memref<10x100xi32, #tpu.memory_space<vmem>> -> memref<1x100xi32, #tpu.memory_space<vmem>>
        %dma_wait3A_273 = tpu.memref_squeeze %dma_wait3A_272 : memref<1x100xi32, #tpu.memory_space<vmem>> -> memref<100xi32, #tpu.memory_space<vmem>>
        %dma_wait3A_274 = arith.constant 0 : i32
        %dma_wait3A_275 = arith.constant 0 : i32
        %dma_wait3A_276 = tpu.memref_slice %arg2[%dma_wait3A_274, %dma_wait3A_275] : memref<10000x128xf32, #tpu.memory_space<hbm>> -> memref<10000x128xf32, #tpu.memory_space<hbm>>
        tpu.wait_indirect_dma semaphore(%arg17 : memref<!tpu.dma_semaphore, #tpu.memory_space<semaphore_mem>>) src(%dma_wait3A_276 : memref<10000x128xf32, #tpu.memory_space<hbm>>) dst(%arg12 : memref<100x128xf32, #tpu.memory_space<vmem>>)
        %dma_start3A_277 = arith.constant 6 : i32
        %dma_start3A_278 = arith.constant 0 : i32
        %dma_start3A_279 = tpu.memref_slice %arg9[%dma_start3A_277, %dma_start3A_278] : memref<10x100xi32, #tpu.memory_space<vmem>> -> memref<1x100xi32, #tpu.memory_space<vmem>>
        %dma_start3A_280 = tpu.memref_squeeze %dma_start3A_279 : memref<1x100xi32, #tpu.memory_space<vmem>> -> memref<100xi32, #tpu.memory_space<vmem>>
        %dma_start3A_281 = arith.constant 0 : i32
        %dma_start3A_282 = arith.constant 0 : i32
        %dma_start3A_283 = tpu.memref_slice %arg16[%dma_start3A_281, %dma_start3A_282] : memref<10240x128xf32, #tpu.memory_space<vmem_shared>> -> memref<10240x128xf32, #tpu.memory_space<vmem_shared>>
        tpu.enqueue_indirect_dma source(%arg12 : memref<100x128xf32, #tpu.memory_space<vmem>>) target(%dma_start3A_283 : memref<10240x128xf32, #tpu.memory_space<vmem_shared>>) offsets(%dma_start3A_280 : memref<100xi32, #tpu.memory_space<vmem>>) semaphore(%arg20 : memref<!tpu.dma_semaphore, #tpu.memory_space<semaphore_mem>>) {add = true}
        %dma_wait3A_284 = arith.constant 6 : i32
        %dma_wait3A_285 = arith.constant 0 : i32
        %dma_wait3A_286 = tpu.memref_slice %arg9[%dma_wait3A_284, %dma_wait3A_285] : memref<10x100xi32, #tpu.memory_space<vmem>> -> memref<1x100xi32, #tpu.memory_space<vmem>>
        %dma_wait3A_287 = tpu.memref_squeeze %dma_wait3A_286 : memref<1x100xi32, #tpu.memory_space<vmem>> -> memref<100xi32, #tpu.memory_space<vmem>>
        %dma_wait3A_288 = arith.constant 0 : i32
        %dma_wait3A_289 = arith.constant 0 : i32
        %dma_wait3A_290 = tpu.memref_slice %arg16[%dma_wait3A_288, %dma_wait3A_289] : memref<10240x128xf32, #tpu.memory_space<vmem_shared>> -> memref<10240x128xf32, #tpu.memory_space<vmem_shared>>
        tpu.wait_indirect_dma semaphore(%arg20 : memref<!tpu.dma_semaphore, #tpu.memory_space<semaphore_mem>>) src(%arg12 : memref<100x128xf32, #tpu.memory_space<vmem>>) dst(%dma_wait3A_290 : memref<10240x128xf32, #tpu.memory_space<vmem_shared>>)
        %dma_start3A_291 = arith.constant 9 : i32
        %dma_start3A_292 = arith.constant 0 : i32
        %dma_start3A_293 = tpu.memref_slice %arg8[%dma_start3A_291, %dma_start3A_292] : memref<10x100xi32, #tpu.memory_space<vmem>> -> memref<1x100xi32, #tpu.memory_space<vmem>>
        %dma_start3A_294 = tpu.memref_squeeze %dma_start3A_293 : memref<1x100xi32, #tpu.memory_space<vmem>> -> memref<100xi32, #tpu.memory_space<vmem>>
        %dma_start3A_295 = arith.constant 0 : i32
        %dma_start3A_296 = arith.constant 0 : i32
        %dma_start3A_297 = tpu.memref_slice %arg2[%dma_start3A_295, %dma_start3A_296] : memref<10000x128xf32, #tpu.memory_space<hbm>> -> memref<10000x128xf32, #tpu.memory_space<hbm>>
        tpu.enqueue_indirect_dma source(%dma_start3A_297 : memref<10000x128xf32, #tpu.memory_space<hbm>>) target(%arg12 : memref<100x128xf32, #tpu.memory_space<vmem>>) offsets(%dma_start3A_294 : memref<100xi32, #tpu.memory_space<vmem>>) semaphore(%arg17 : memref<!tpu.dma_semaphore, #tpu.memory_space<semaphore_mem>>)
        %dma_wait3A_298 = arith.constant 7 : i32
        %dma_wait3A_299 = arith.constant 0 : i32
        %dma_wait3A_300 = tpu.memref_slice %arg8[%dma_wait3A_298, %dma_wait3A_299] : memref<10x100xi32, #tpu.memory_space<vmem>> -> memref<1x100xi32, #tpu.memory_space<vmem>>
        %dma_wait3A_301 = tpu.memref_squeeze %dma_wait3A_300 : memref<1x100xi32, #tpu.memory_space<vmem>> -> memref<100xi32, #tpu.memory_space<vmem>>
        %dma_wait3A_302 = arith.constant 0 : i32
        %dma_wait3A_303 = arith.constant 0 : i32
        %dma_wait3A_304 = tpu.memref_slice %arg2[%dma_wait3A_302, %dma_wait3A_303] : memref<10000x128xf32, #tpu.memory_space<hbm>> -> memref<10000x128xf32, #tpu.memory_space<hbm>>
        tpu.wait_indirect_dma semaphore(%arg18 : memref<!tpu.dma_semaphore, #tpu.memory_space<semaphore_mem>>) src(%dma_wait3A_304 : memref<10000x128xf32, #tpu.memory_space<hbm>>) dst(%arg13 : memref<100x128xf32, #tpu.memory_space<vmem>>)
        %dma_start3A_305 = arith.constant 7 : i32
        %dma_start3A_306 = arith.constant 0 : i32
        %dma_start3A_307 = tpu.memref_slice %arg9[%dma_start3A_305, %dma_start3A_306] : memref<10x100xi32, #tpu.memory_space<vmem>> -> memref<1x100xi32, #tpu.memory_space<vmem>>
        %dma_start3A_308 = tpu.memref_squeeze %dma_start3A_307 : memref<1x100xi32, #tpu.memory_space<vmem>> -> memref<100xi32, #tpu.memory_space<vmem>>
        %dma_start3A_309 = arith.constant 0 : i32
        %dma_start3A_310 = arith.constant 0 : i32
        %dma_start3A_311 = tpu.memref_slice %arg16[%dma_start3A_309, %dma_start3A_310] : memref<10240x128xf32, #tpu.memory_space<vmem_shared>> -> memref<10240x128xf32, #tpu.memory_space<vmem_shared>>
        tpu.enqueue_indirect_dma source(%arg13 : memref<100x128xf32, #tpu.memory_space<vmem>>) target(%dma_start3A_311 : memref<10240x128xf32, #tpu.memory_space<vmem_shared>>) offsets(%dma_start3A_308 : memref<100xi32, #tpu.memory_space<vmem>>) semaphore(%arg21 : memref<!tpu.dma_semaphore, #tpu.memory_space<semaphore_mem>>) {add = true}
        %dma_wait3A_312 = arith.constant 8 : i32
        %dma_wait3A_313 = arith.constant 0 : i32
        %dma_wait3A_314 = tpu.memref_slice %arg8[%dma_wait3A_312, %dma_wait3A_313] : memref<10x100xi32, #tpu.memory_space<vmem>> -> memref<1x100xi32, #tpu.memory_space<vmem>>
        %dma_wait3A_315 = tpu.memref_squeeze %dma_wait3A_314 : memref<1x100xi32, #tpu.memory_space<vmem>> -> memref<100xi32, #tpu.memory_space<vmem>>
        %dma_wait3A_316 = arith.constant 0 : i32
        %dma_wait3A_317 = arith.constant 0 : i32
        %dma_wait3A_318 = tpu.memref_slice %arg2[%dma_wait3A_316, %dma_wait3A_317] : memref<10000x128xf32, #tpu.memory_space<hbm>> -> memref<10000x128xf32, #tpu.memory_space<hbm>>
        tpu.wait_indirect_dma semaphore(%arg19 : memref<!tpu.dma_semaphore, #tpu.memory_space<semaphore_mem>>) src(%dma_wait3A_318 : memref<10000x128xf32, #tpu.memory_space<hbm>>) dst(%arg14 : memref<100x128xf32, #tpu.memory_space<vmem>>)
        %dma_start3A_319 = arith.constant 8 : i32
        %dma_start3A_320 = arith.constant 0 : i32
        %dma_start3A_321 = tpu.memref_slice %arg9[%dma_start3A_319, %dma_start3A_320] : memref<10x100xi32, #tpu.memory_space<vmem>> -> memref<1x100xi32, #tpu.memory_space<vmem>>
        %dma_start3A_322 = tpu.memref_squeeze %dma_start3A_321 : memref<1x100xi32, #tpu.memory_space<vmem>> -> memref<100xi32, #tpu.memory_space<vmem>>
        %dma_start3A_323 = arith.constant 0 : i32
        %dma_start3A_324 = arith.constant 0 : i32
        %dma_start3A_325 = tpu.memref_slice %arg16[%dma_start3A_323, %dma_start3A_324] : memref<10240x128xf32, #tpu.memory_space<vmem_shared>> -> memref<10240x128xf32, #tpu.memory_space<vmem_shared>>
        tpu.enqueue_indirect_dma source(%arg14 : memref<100x128xf32, #tpu.memory_space<vmem>>) target(%dma_start3A_325 : memref<10240x128xf32, #tpu.memory_space<vmem_shared>>) offsets(%dma_start3A_322 : memref<100xi32, #tpu.memory_space<vmem>>) semaphore(%arg22 : memref<!tpu.dma_semaphore, #tpu.memory_space<semaphore_mem>>) {add = true}
        %dma_wait3A_326 = arith.constant 9 : i32
        %dma_wait3A_327 = arith.constant 0 : i32
        %dma_wait3A_328 = tpu.memref_slice %arg8[%dma_wait3A_326, %dma_wait3A_327] : memref<10x100xi32, #tpu.memory_space<vmem>> -> memref<1x100xi32, #tpu.memory_space<vmem>>
        %dma_wait3A_329 = tpu.memref_squeeze %dma_wait3A_328 : memref<1x100xi32, #tpu.memory_space<vmem>> -> memref<100xi32, #tpu.memory_space<vmem>>
        %dma_wait3A_330 = arith.constant 0 : i32
        %dma_wait3A_331 = arith.constant 0 : i32
        %dma_wait3A_332 = tpu.memref_slice %arg2[%dma_wait3A_330, %dma_wait3A_331] : memref<10000x128xf32, #tpu.memory_space<hbm>> -> memref<10000x128xf32, #tpu.memory_space<hbm>>
        tpu.wait_indirect_dma semaphore(%arg17 : memref<!tpu.dma_semaphore, #tpu.memory_space<semaphore_mem>>) src(%dma_wait3A_332 : memref<10000x128xf32, #tpu.memory_space<hbm>>) dst(%arg12 : memref<100x128xf32, #tpu.memory_space<vmem>>)
        %dma_start3A_333 = arith.constant 9 : i32
        %dma_start3A_334 = arith.constant 0 : i32
        %dma_start3A_335 = tpu.memref_slice %arg9[%dma_start3A_333, %dma_start3A_334] : memref<10x100xi32, #tpu.memory_space<vmem>> -> memref<1x100xi32, #tpu.memory_space<vmem>>
        %dma_start3A_336 = tpu.memref_squeeze %dma_start3A_335 : memref<1x100xi32, #tpu.memory_space<vmem>> -> memref<100xi32, #tpu.memory_space<vmem>>
        %dma_start3A_337 = arith.constant 0 : i32
        %dma_start3A_338 = arith.constant 0 : i32
        %dma_start3A_339 = tpu.memref_slice %arg16[%dma_start3A_337, %dma_start3A_338] : memref<10240x128xf32, #tpu.memory_space<vmem_shared>> -> memref<10240x128xf32, #tpu.memory_space<vmem_shared>>
        tpu.enqueue_indirect_dma source(%arg12 : memref<100x128xf32, #tpu.memory_space<vmem>>) target(%dma_start3A_339 : memref<10240x128xf32, #tpu.memory_space<vmem_shared>>) offsets(%dma_start3A_336 : memref<100xi32, #tpu.memory_space<vmem>>) semaphore(%arg20 : memref<!tpu.dma_semaphore, #tpu.memory_space<semaphore_mem>>) {add = true}
        %dma_wait3A_340 = arith.constant 9 : i32
        %dma_wait3A_341 = arith.constant 0 : i32
        %dma_wait3A_342 = tpu.memref_slice %arg9[%dma_wait3A_340, %dma_wait3A_341] : memref<10x100xi32, #tpu.memory_space<vmem>> -> memref<1x100xi32, #tpu.memory_space<vmem>>
        %dma_wait3A_343 = tpu.memref_squeeze %dma_wait3A_342 : memref<1x100xi32, #tpu.memory_space<vmem>> -> memref<100xi32, #tpu.memory_space<vmem>>
        %dma_wait3A_344 = arith.constant 0 : i32
        %dma_wait3A_345 = arith.constant 0 : i32
        %dma_wait3A_346 = tpu.memref_slice %arg16[%dma_wait3A_344, %dma_wait3A_345] : memref<10240x128xf32, #tpu.memory_space<vmem_shared>> -> memref<10240x128xf32, #tpu.memory_space<vmem_shared>>
        tpu.wait_indirect_dma semaphore(%arg20 : memref<!tpu.dma_semaphore, #tpu.memory_space<semaphore_mem>>) src(%arg12 : memref<100x128xf32, #tpu.memory_space<vmem>>) dst(%dma_wait3A_346 : memref<10240x128xf32, #tpu.memory_space<vmem_shared>>)
        %dma_wait3A_347 = arith.constant 7 : i32
        %dma_wait3A_348 = arith.constant 0 : i32
        %dma_wait3A_349 = tpu.memref_slice %arg9[%dma_wait3A_347, %dma_wait3A_348] : memref<10x100xi32, #tpu.memory_space<vmem>> -> memref<1x100xi32, #tpu.memory_space<vmem>>
        %dma_wait3A_350 = tpu.memref_squeeze %dma_wait3A_349 : memref<1x100xi32, #tpu.memory_space<vmem>> -> memref<100xi32, #tpu.memory_space<vmem>>
        %dma_wait3A_351 = arith.constant 0 : i32
        %dma_wait3A_352 = arith.constant 0 : i32
        %dma_wait3A_353 = tpu.memref_slice %arg16[%dma_wait3A_351, %dma_wait3A_352] : memref<10240x128xf32, #tpu.memory_space<vmem_shared>> -> memref<10240x128xf32, #tpu.memory_space<vmem_shared>>
        tpu.wait_indirect_dma semaphore(%arg21 : memref<!tpu.dma_semaphore, #tpu.memory_space<semaphore_mem>>) src(%arg13 : memref<100x128xf32, #tpu.memory_space<vmem>>) dst(%dma_wait3A_353 : memref<10240x128xf32, #tpu.memory_space<vmem_shared>>)
        %dma_wait3A_354 = arith.constant 8 : i32
        %dma_wait3A_355 = arith.constant 0 : i32
        %dma_wait3A_356 = tpu.memref_slice %arg9[%dma_wait3A_354, %dma_wait3A_355] : memref<10x100xi32, #tpu.memory_space<vmem>> -> memref<1x100xi32, #tpu.memory_space<vmem>>
        %dma_wait3A_357 = tpu.memref_squeeze %dma_wait3A_356 : memref<1x100xi32, #tpu.memory_space<vmem>> -> memref<100xi32, #tpu.memory_space<vmem>>
        %dma_wait3A_358 = arith.constant 0 : i32
        %dma_wait3A_359 = arith.constant 0 : i32
        %dma_wait3A_360 = tpu.memref_slice %arg16[%dma_wait3A_358, %dma_wait3A_359] : memref<10240x128xf32, #tpu.memory_space<vmem_shared>> -> memref<10240x128xf32, #tpu.memory_space<vmem_shared>>
        tpu.wait_indirect_dma semaphore(%arg22 : memref<!tpu.dma_semaphore, #tpu.memory_space<semaphore_mem>>) src(%arg14 : memref<100x128xf32, #tpu.memory_space<vmem>>) dst(%dma_wait3A_360 : memref<10240x128xf32, #tpu.memory_space<vmem_shared>>)
        %add3A_361 = arith.constant 2 : i32
        %add3A_362 = arith.addi %mul3A_48, %add3A_361 : i32
        %lt3A = arith.constant 10 : i32
        %lt3A_363 = arith.cmpi slt, %add3A_362, %lt3A : i32
        %convert_element_type3A_364 = arith.extui %lt3A_363 : i1 to i32
        %cond3A_365 = arith.constant 0 : i32
        %cond3A_366 = arith.cmpi ne, %convert_element_type3A_364, %cond3A_365 : i32
        scf.if %cond3A_366 {
          %add3A_663 = arith.constant 2 : i32
          %add3A_664 = arith.addi %mul3A_48, %add3A_663 : i32
          %dma_start3A_665 = arith.constant 0 : i32
          %dma_start3A_666 = arith.constant 0 : i32
          %dma_start3A_667 = tpu.memref_slice %arg4[%arg1, %add3A_664, %dma_start3A_665, %dma_start3A_666] : memref<16x10x10x100xi32, #tpu.memory_space<hbm>> -> memref<1x1x10x100xi32, #tpu.memory_space<hbm>>
          %dma_start3A_668 = tpu.memref_squeeze %dma_start3A_667 : memref<1x1x10x100xi32, #tpu.memory_space<hbm>> -> memref<10x100xi32, #tpu.memory_space<hbm>>
          %dma_start3A_669 = arith.constant 0 : i32
          %dma_start3A_670 = arith.constant 0 : i32
          %dma_start3A_671 = tpu.memref_slice %arg4[%arg1, %add3A_664, %dma_start3A_669, %dma_start3A_670] : memref<16x10x10x100xi32, #tpu.memory_space<hbm>> -> memref<1x1x10x100xi32, #tpu.memory_space<hbm>>
          %dma_start3A_672 = tpu.memref_squeeze %dma_start3A_671 : memref<1x1x10x100xi32, #tpu.memory_space<hbm>> -> memref<10x100xi32, #tpu.memory_space<hbm>>
          tpu.enqueue_dma source(%dma_start3A_672 : memref<10x100xi32, #tpu.memory_space<hbm>>) target(%arg8 : memref<10x100xi32, #tpu.memory_space<vmem>>) target_semaphore(%arg23 : memref<!tpu.dma_semaphore, #tpu.memory_space<semaphore_mem>>)
          %add3A_673 = arith.constant 2 : i32
          %add3A_674 = arith.addi %mul3A_48, %add3A_673 : i32
          %dma_start3A_675 = arith.constant 0 : i32
          %dma_start3A_676 = arith.constant 0 : i32
          %dma_start3A_677 = tpu.memref_slice %arg5[%arg1, %add3A_674, %dma_start3A_675, %dma_start3A_676] : memref<16x10x10x100xi32, #tpu.memory_space<hbm>> -> memref<1x1x10x100xi32, #tpu.memory_space<hbm>>
          %dma_start3A_678 = tpu.memref_squeeze %dma_start3A_677 : memref<1x1x10x100xi32, #tpu.memory_space<hbm>> -> memref<10x100xi32, #tpu.memory_space<hbm>>
          %dma_start3A_679 = arith.constant 0 : i32
          %dma_start3A_680 = arith.constant 0 : i32
          %dma_start3A_681 = tpu.memref_slice %arg5[%arg1, %add3A_674, %dma_start3A_679, %dma_start3A_680] : memref<16x10x10x100xi32, #tpu.memory_space<hbm>> -> memref<1x1x10x100xi32, #tpu.memory_space<hbm>>
          %dma_start3A_682 = tpu.memref_squeeze %dma_start3A_681 : memref<1x1x10x100xi32, #tpu.memory_space<hbm>> -> memref<10x100xi32, #tpu.memory_space<hbm>>
          tpu.enqueue_dma source(%dma_start3A_682 : memref<10x100xi32, #tpu.memory_space<hbm>>) target(%arg9 : memref<10x100xi32, #tpu.memory_space<vmem>>) target_semaphore(%arg23 : memref<!tpu.dma_semaphore, #tpu.memory_space<semaphore_mem>>)
        } else {
        }
        %dma_wait3A_367 = arith.constant 0 : i32
        %dma_wait3A_368 = arith.constant 0 : i32
        %dma_wait3A_369 = tpu.memref_slice %arg4[%arg1, %add3A_49, %dma_wait3A_367, %dma_wait3A_368] : memref<16x10x10x100xi32, #tpu.memory_space<hbm>> -> memref<1x1x10x100xi32, #tpu.memory_space<hbm>>
        %dma_wait3A_370 = tpu.memref_squeeze %dma_wait3A_369 : memref<1x1x10x100xi32, #tpu.memory_space<hbm>> -> memref<10x100xi32, #tpu.memory_space<hbm>>
        %dma_wait3A_371 = arith.constant 0 : i32
        %dma_wait3A_372 = arith.constant 0 : i32
        %dma_wait3A_373 = tpu.memref_slice %arg4[%arg1, %add3A_49, %dma_wait3A_371, %dma_wait3A_372] : memref<16x10x10x100xi32, #tpu.memory_space<hbm>> -> memref<1x1x10x100xi32, #tpu.memory_space<hbm>>
        %dma_wait3A_374 = tpu.memref_squeeze %dma_wait3A_373 : memref<1x1x10x100xi32, #tpu.memory_space<hbm>> -> memref<10x100xi32, #tpu.memory_space<hbm>>
        tpu.wait_dma2 semaphore(%arg24 : memref<!tpu.dma_semaphore, #tpu.memory_space<semaphore_mem>>) src(%dma_wait3A_374 : memref<10x100xi32, #tpu.memory_space<hbm>>) dst(%arg10 : memref<10x100xi32, #tpu.memory_space<vmem>>)
        %dma_wait3A_375 = arith.constant 0 : i32
        %dma_wait3A_376 = arith.constant 0 : i32
        %dma_wait3A_377 = tpu.memref_slice %arg5[%arg1, %add3A_49, %dma_wait3A_375, %dma_wait3A_376] : memref<16x10x10x100xi32, #tpu.memory_space<hbm>> -> memref<1x1x10x100xi32, #tpu.memory_space<hbm>>
        %dma_wait3A_378 = tpu.memref_squeeze %dma_wait3A_377 : memref<1x1x10x100xi32, #tpu.memory_space<hbm>> -> memref<10x100xi32, #tpu.memory_space<hbm>>
        %dma_wait3A_379 = arith.constant 0 : i32
        %dma_wait3A_380 = arith.constant 0 : i32
        %dma_wait3A_381 = tpu.memref_slice %arg5[%arg1, %add3A_49, %dma_wait3A_379, %dma_wait3A_380] : memref<16x10x10x100xi32, #tpu.memory_space<hbm>> -> memref<1x1x10x100xi32, #tpu.memory_space<hbm>>
        %dma_wait3A_382 = tpu.memref_squeeze %dma_wait3A_381 : memref<1x1x10x100xi32, #tpu.memory_space<hbm>> -> memref<10x100xi32, #tpu.memory_space<hbm>>
        tpu.wait_dma2 semaphore(%arg24 : memref<!tpu.dma_semaphore, #tpu.memory_space<semaphore_mem>>) src(%dma_wait3A_382 : memref<10x100xi32, #tpu.memory_space<hbm>>) dst(%arg11 : memref<10x100xi32, #tpu.memory_space<vmem>>)
        %dma_start3A_383 = arith.constant 0 : i32
        %dma_start3A_384 = arith.constant 0 : i32
        %dma_start3A_385 = tpu.memref_slice %arg10[%dma_start3A_383, %dma_start3A_384] : memref<10x100xi32, #tpu.memory_space<vmem>> -> memref<1x100xi32, #tpu.memory_space<vmem>>
        %dma_start3A_386 = tpu.memref_squeeze %dma_start3A_385 : memref<1x100xi32, #tpu.memory_space<vmem>> -> memref<100xi32, #tpu.memory_space<vmem>>
        %dma_start3A_387 = arith.constant 0 : i32
        %dma_start3A_388 = arith.constant 0 : i32
        %dma_start3A_389 = tpu.memref_slice %arg2[%dma_start3A_387, %dma_start3A_388] : memref<10000x128xf32, #tpu.memory_space<hbm>> -> memref<10000x128xf32, #tpu.memory_space<hbm>>
        tpu.enqueue_indirect_dma source(%dma_start3A_389 : memref<10000x128xf32, #tpu.memory_space<hbm>>) target(%arg12 : memref<100x128xf32, #tpu.memory_space<vmem>>) offsets(%dma_start3A_386 : memref<100xi32, #tpu.memory_space<vmem>>) semaphore(%arg17 : memref<!tpu.dma_semaphore, #tpu.memory_space<semaphore_mem>>)
        %dma_start3A_390 = arith.constant 1 : i32
        %dma_start3A_391 = arith.constant 0 : i32
        %dma_start3A_392 = tpu.memref_slice %arg10[%dma_start3A_390, %dma_start3A_391] : memref<10x100xi32, #tpu.memory_space<vmem>> -> memref<1x100xi32, #tpu.memory_space<vmem>>
        %dma_start3A_393 = tpu.memref_squeeze %dma_start3A_392 : memref<1x100xi32, #tpu.memory_space<vmem>> -> memref<100xi32, #tpu.memory_space<vmem>>
        %dma_start3A_394 = arith.constant 0 : i32
        %dma_start3A_395 = arith.constant 0 : i32
        %dma_start3A_396 = tpu.memref_slice %arg2[%dma_start3A_394, %dma_start3A_395] : memref<10000x128xf32, #tpu.memory_space<hbm>> -> memref<10000x128xf32, #tpu.memory_space<hbm>>
        tpu.enqueue_indirect_dma source(%dma_start3A_396 : memref<10000x128xf32, #tpu.memory_space<hbm>>) target(%arg13 : memref<100x128xf32, #tpu.memory_space<vmem>>) offsets(%dma_start3A_393 : memref<100xi32, #tpu.memory_space<vmem>>) semaphore(%arg18 : memref<!tpu.dma_semaphore, #tpu.memory_space<semaphore_mem>>)
        %dma_start3A_397 = arith.constant 2 : i32
        %dma_start3A_398 = arith.constant 0 : i32
        %dma_start3A_399 = tpu.memref_slice %arg10[%dma_start3A_397, %dma_start3A_398] : memref<10x100xi32, #tpu.memory_space<vmem>> -> memref<1x100xi32, #tpu.memory_space<vmem>>
        %dma_start3A_400 = tpu.memref_squeeze %dma_start3A_399 : memref<1x100xi32, #tpu.memory_space<vmem>> -> memref<100xi32, #tpu.memory_space<vmem>>
        %dma_start3A_401 = arith.constant 0 : i32
        %dma_start3A_402 = arith.constant 0 : i32
        %dma_start3A_403 = tpu.memref_slice %arg2[%dma_start3A_401, %dma_start3A_402] : memref<10000x128xf32, #tpu.memory_space<hbm>> -> memref<10000x128xf32, #tpu.memory_space<hbm>>
        tpu.enqueue_indirect_dma source(%dma_start3A_403 : memref<10000x128xf32, #tpu.memory_space<hbm>>) target(%arg14 : memref<100x128xf32, #tpu.memory_space<vmem>>) offsets(%dma_start3A_400 : memref<100xi32, #tpu.memory_space<vmem>>) semaphore(%arg19 : memref<!tpu.dma_semaphore, #tpu.memory_space<semaphore_mem>>)
        %dma_wait3A_404 = arith.constant 0 : i32
        %dma_wait3A_405 = arith.constant 0 : i32
        %dma_wait3A_406 = tpu.memref_slice %arg10[%dma_wait3A_404, %dma_wait3A_405] : memref<10x100xi32, #tpu.memory_space<vmem>> -> memref<1x100xi32, #tpu.memory_space<vmem>>
        %dma_wait3A_407 = tpu.memref_squeeze %dma_wait3A_406 : memref<1x100xi32, #tpu.memory_space<vmem>> -> memref<100xi32, #tpu.memory_space<vmem>>
        %dma_wait3A_408 = arith.constant 0 : i32
        %dma_wait3A_409 = arith.constant 0 : i32
        %dma_wait3A_410 = tpu.memref_slice %arg2[%dma_wait3A_408, %dma_wait3A_409] : memref<10000x128xf32, #tpu.memory_space<hbm>> -> memref<10000x128xf32, #tpu.memory_space<hbm>>
        tpu.wait_indirect_dma semaphore(%arg17 : memref<!tpu.dma_semaphore, #tpu.memory_space<semaphore_mem>>) src(%dma_wait3A_410 : memref<10000x128xf32, #tpu.memory_space<hbm>>) dst(%arg12 : memref<100x128xf32, #tpu.memory_space<vmem>>)
        %dma_start3A_411 = arith.constant 0 : i32
        %dma_start3A_412 = arith.constant 0 : i32
        %dma_start3A_413 = tpu.memref_slice %arg11[%dma_start3A_411, %dma_start3A_412] : memref<10x100xi32, #tpu.memory_space<vmem>> -> memref<1x100xi32, #tpu.memory_space<vmem>>
        %dma_start3A_414 = tpu.memref_squeeze %dma_start3A_413 : memref<1x100xi32, #tpu.memory_space<vmem>> -> memref<100xi32, #tpu.memory_space<vmem>>
        %dma_start3A_415 = arith.constant 0 : i32
        %dma_start3A_416 = arith.constant 0 : i32
        %dma_start3A_417 = tpu.memref_slice %arg16[%dma_start3A_415, %dma_start3A_416] : memref<10240x128xf32, #tpu.memory_space<vmem_shared>> -> memref<10240x128xf32, #tpu.memory_space<vmem_shared>>
        tpu.enqueue_indirect_dma source(%arg12 : memref<100x128xf32, #tpu.memory_space<vmem>>) target(%dma_start3A_417 : memref<10240x128xf32, #tpu.memory_space<vmem_shared>>) offsets(%dma_start3A_414 : memref<100xi32, #tpu.memory_space<vmem>>) semaphore(%arg20 : memref<!tpu.dma_semaphore, #tpu.memory_space<semaphore_mem>>) {add = true}
        %dma_wait3A_418 = arith.constant 0 : i32
        %dma_wait3A_419 = arith.constant 0 : i32
        %dma_wait3A_420 = tpu.memref_slice %arg11[%dma_wait3A_418, %dma_wait3A_419] : memref<10x100xi32, #tpu.memory_space<vmem>> -> memref<1x100xi32, #tpu.memory_space<vmem>>
        %dma_wait3A_421 = tpu.memref_squeeze %dma_wait3A_420 : memref<1x100xi32, #tpu.memory_space<vmem>> -> memref<100xi32, #tpu.memory_space<vmem>>
        %dma_wait3A_422 = arith.constant 0 : i32
        %dma_wait3A_423 = arith.constant 0 : i32
        %dma_wait3A_424 = tpu.memref_slice %arg16[%dma_wait3A_422, %dma_wait3A_423] : memref<10240x128xf32, #tpu.memory_space<vmem_shared>> -> memref<10240x128xf32, #tpu.memory_space<vmem_shared>>
        tpu.wait_indirect_dma semaphore(%arg20 : memref<!tpu.dma_semaphore, #tpu.memory_space<semaphore_mem>>) src(%arg12 : memref<100x128xf32, #tpu.memory_space<vmem>>) dst(%dma_wait3A_424 : memref<10240x128xf32, #tpu.memory_space<vmem_shared>>)
        %dma_start3A_425 = arith.constant 3 : i32
        %dma_start3A_426 = arith.constant 0 : i32
        %dma_start3A_427 = tpu.memref_slice %arg10[%dma_start3A_425, %dma_start3A_426] : memref<10x100xi32, #tpu.memory_space<vmem>> -> memref<1x100xi32, #tpu.memory_space<vmem>>
        %dma_start3A_428 = tpu.memref_squeeze %dma_start3A_427 : memref<1x100xi32, #tpu.memory_space<vmem>> -> memref<100xi32, #tpu.memory_space<vmem>>
        %dma_start3A_429 = arith.constant 0 : i32
        %dma_start3A_430 = arith.constant 0 : i32
        %dma_start3A_431 = tpu.memref_slice %arg2[%dma_start3A_429, %dma_start3A_430] : memref<10000x128xf32, #tpu.memory_space<hbm>> -> memref<10000x128xf32, #tpu.memory_space<hbm>>
        tpu.enqueue_indirect_dma source(%dma_start3A_431 : memref<10000x128xf32, #tpu.memory_space<hbm>>) target(%arg12 : memref<100x128xf32, #tpu.memory_space<vmem>>) offsets(%dma_start3A_428 : memref<100xi32, #tpu.memory_space<vmem>>) semaphore(%arg17 : memref<!tpu.dma_semaphore, #tpu.memory_space<semaphore_mem>>)
        %dma_wait3A_432 = arith.constant 1 : i32
        %dma_wait3A_433 = arith.constant 0 : i32
        %dma_wait3A_434 = tpu.memref_slice %arg10[%dma_wait3A_432, %dma_wait3A_433] : memref<10x100xi32, #tpu.memory_space<vmem>> -> memref<1x100xi32, #tpu.memory_space<vmem>>
        %dma_wait3A_435 = tpu.memref_squeeze %dma_wait3A_434 : memref<1x100xi32, #tpu.memory_space<vmem>> -> memref<100xi32, #tpu.memory_space<vmem>>
        %dma_wait3A_436 = arith.constant 0 : i32
        %dma_wait3A_437 = arith.constant 0 : i32
        %dma_wait3A_438 = tpu.memref_slice %arg2[%dma_wait3A_436, %dma_wait3A_437] : memref<10000x128xf32, #tpu.memory_space<hbm>> -> memref<10000x128xf32, #tpu.memory_space<hbm>>
        tpu.wait_indirect_dma semaphore(%arg18 : memref<!tpu.dma_semaphore, #tpu.memory_space<semaphore_mem>>) src(%dma_wait3A_438 : memref<10000x128xf32, #tpu.memory_space<hbm>>) dst(%arg13 : memref<100x128xf32, #tpu.memory_space<vmem>>)
        %dma_start3A_439 = arith.constant 1 : i32
        %dma_start3A_440 = arith.constant 0 : i32
        %dma_start3A_441 = tpu.memref_slice %arg11[%dma_start3A_439, %dma_start3A_440] : memref<10x100xi32, #tpu.memory_space<vmem>> -> memref<1x100xi32, #tpu.memory_space<vmem>>
        %dma_start3A_442 = tpu.memref_squeeze %dma_start3A_441 : memref<1x100xi32, #tpu.memory_space<vmem>> -> memref<100xi32, #tpu.memory_space<vmem>>
        %dma_start3A_443 = arith.constant 0 : i32
        %dma_start3A_444 = arith.constant 0 : i32
        %dma_start3A_445 = tpu.memref_slice %arg16[%dma_start3A_443, %dma_start3A_444] : memref<10240x128xf32, #tpu.memory_space<vmem_shared>> -> memref<10240x128xf32, #tpu.memory_space<vmem_shared>>
        tpu.enqueue_indirect_dma source(%arg13 : memref<100x128xf32, #tpu.memory_space<vmem>>) target(%dma_start3A_445 : memref<10240x128xf32, #tpu.memory_space<vmem_shared>>) offsets(%dma_start3A_442 : memref<100xi32, #tpu.memory_space<vmem>>) semaphore(%arg21 : memref<!tpu.dma_semaphore, #tpu.memory_space<semaphore_mem>>) {add = true}
        %dma_wait3A_446 = arith.constant 1 : i32
        %dma_wait3A_447 = arith.constant 0 : i32
        %dma_wait3A_448 = tpu.memref_slice %arg11[%dma_wait3A_446, %dma_wait3A_447] : memref<10x100xi32, #tpu.memory_space<vmem>> -> memref<1x100xi32, #tpu.memory_space<vmem>>
        %dma_wait3A_449 = tpu.memref_squeeze %dma_wait3A_448 : memref<1x100xi32, #tpu.memory_space<vmem>> -> memref<100xi32, #tpu.memory_space<vmem>>
        %dma_wait3A_450 = arith.constant 0 : i32
        %dma_wait3A_451 = arith.constant 0 : i32
        %dma_wait3A_452 = tpu.memref_slice %arg16[%dma_wait3A_450, %dma_wait3A_451] : memref<10240x128xf32, #tpu.memory_space<vmem_shared>> -> memref<10240x128xf32, #tpu.memory_space<vmem_shared>>
        tpu.wait_indirect_dma semaphore(%arg21 : memref<!tpu.dma_semaphore, #tpu.memory_space<semaphore_mem>>) src(%arg13 : memref<100x128xf32, #tpu.memory_space<vmem>>) dst(%dma_wait3A_452 : memref<10240x128xf32, #tpu.memory_space<vmem_shared>>)
        %dma_start3A_453 = arith.constant 4 : i32
        %dma_start3A_454 = arith.constant 0 : i32
        %dma_start3A_455 = tpu.memref_slice %arg10[%dma_start3A_453, %dma_start3A_454] : memref<10x100xi32, #tpu.memory_space<vmem>> -> memref<1x100xi32, #tpu.memory_space<vmem>>
        %dma_start3A_456 = tpu.memref_squeeze %dma_start3A_455 : memref<1x100xi32, #tpu.memory_space<vmem>> -> memref<100xi32, #tpu.memory_space<vmem>>
        %dma_start3A_457 = arith.constant 0 : i32
        %dma_start3A_458 = arith.constant 0 : i32
        %dma_start3A_459 = tpu.memref_slice %arg2[%dma_start3A_457, %dma_start3A_458] : memref<10000x128xf32, #tpu.memory_space<hbm>> -> memref<10000x128xf32, #tpu.memory_space<hbm>>
        tpu.enqueue_indirect_dma source(%dma_start3A_459 : memref<10000x128xf32, #tpu.memory_space<hbm>>) target(%arg13 : memref<100x128xf32, #tpu.memory_space<vmem>>) offsets(%dma_start3A_456 : memref<100xi32, #tpu.memory_space<vmem>>) semaphore(%arg18 : memref<!tpu.dma_semaphore, #tpu.memory_space<semaphore_mem>>)
        %dma_wait3A_460 = arith.constant 2 : i32
        %dma_wait3A_461 = arith.constant 0 : i32
        %dma_wait3A_462 = tpu.memref_slice %arg10[%dma_wait3A_460, %dma_wait3A_461] : memref<10x100xi32, #tpu.memory_space<vmem>> -> memref<1x100xi32, #tpu.memory_space<vmem>>
        %dma_wait3A_463 = tpu.memref_squeeze %dma_wait3A_462 : memref<1x100xi32, #tpu.memory_space<vmem>> -> memref<100xi32, #tpu.memory_space<vmem>>
        %dma_wait3A_464 = arith.constant 0 : i32
        %dma_wait3A_465 = arith.constant 0 : i32
        %dma_wait3A_466 = tpu.memref_slice %arg2[%dma_wait3A_464, %dma_wait3A_465] : memref<10000x128xf32, #tpu.memory_space<hbm>> -> memref<10000x128xf32, #tpu.memory_space<hbm>>
        tpu.wait_indirect_dma semaphore(%arg19 : memref<!tpu.dma_semaphore, #tpu.memory_space<semaphore_mem>>) src(%dma_wait3A_466 : memref<10000x128xf32, #tpu.memory_space<hbm>>) dst(%arg14 : memref<100x128xf32, #tpu.memory_space<vmem>>)
        %dma_start3A_467 = arith.constant 2 : i32
        %dma_start3A_468 = arith.constant 0 : i32
        %dma_start3A_469 = tpu.memref_slice %arg11[%dma_start3A_467, %dma_start3A_468] : memref<10x100xi32, #tpu.memory_space<vmem>> -> memref<1x100xi32, #tpu.memory_space<vmem>>
        %dma_start3A_470 = tpu.memref_squeeze %dma_start3A_469 : memref<1x100xi32, #tpu.memory_space<vmem>> -> memref<100xi32, #tpu.memory_space<vmem>>
        %dma_start3A_471 = arith.constant 0 : i32
        %dma_start3A_472 = arith.constant 0 : i32
        %dma_start3A_473 = tpu.memref_slice %arg16[%dma_start3A_471, %dma_start3A_472] : memref<10240x128xf32, #tpu.memory_space<vmem_shared>> -> memref<10240x128xf32, #tpu.memory_space<vmem_shared>>
        tpu.enqueue_indirect_dma source(%arg14 : memref<100x128xf32, #tpu.memory_space<vmem>>) target(%dma_start3A_473 : memref<10240x128xf32, #tpu.memory_space<vmem_shared>>) offsets(%dma_start3A_470 : memref<100xi32, #tpu.memory_space<vmem>>) semaphore(%arg22 : memref<!tpu.dma_semaphore, #tpu.memory_space<semaphore_mem>>) {add = true}
        %dma_wait3A_474 = arith.constant 2 : i32
        %dma_wait3A_475 = arith.constant 0 : i32
        %dma_wait3A_476 = tpu.memref_slice %arg11[%dma_wait3A_474, %dma_wait3A_475] : memref<10x100xi32, #tpu.memory_space<vmem>> -> memref<1x100xi32, #tpu.memory_space<vmem>>
        %dma_wait3A_477 = tpu.memref_squeeze %dma_wait3A_476 : memref<1x100xi32, #tpu.memory_space<vmem>> -> memref<100xi32, #tpu.memory_space<vmem>>
        %dma_wait3A_478 = arith.constant 0 : i32
        %dma_wait3A_479 = arith.constant 0 : i32
        %dma_wait3A_480 = tpu.memref_slice %arg16[%dma_wait3A_478, %dma_wait3A_479] : memref<10240x128xf32, #tpu.memory_space<vmem_shared>> -> memref<10240x128xf32, #tpu.memory_space<vmem_shared>>
        tpu.wait_indirect_dma semaphore(%arg22 : memref<!tpu.dma_semaphore, #tpu.memory_space<semaphore_mem>>) src(%arg14 : memref<100x128xf32, #tpu.memory_space<vmem>>) dst(%dma_wait3A_480 : memref<10240x128xf32, #tpu.memory_space<vmem_shared>>)
        %dma_start3A_481 = arith.constant 5 : i32
        %dma_start3A_482 = arith.constant 0 : i32
        %dma_start3A_483 = tpu.memref_slice %arg10[%dma_start3A_481, %dma_start3A_482] : memref<10x100xi32, #tpu.memory_space<vmem>> -> memref<1x100xi32, #tpu.memory_space<vmem>>
        %dma_start3A_484 = tpu.memref_squeeze %dma_start3A_483 : memref<1x100xi32, #tpu.memory_space<vmem>> -> memref<100xi32, #tpu.memory_space<vmem>>
        %dma_start3A_485 = arith.constant 0 : i32
        %dma_start3A_486 = arith.constant 0 : i32
        %dma_start3A_487 = tpu.memref_slice %arg2[%dma_start3A_485, %dma_start3A_486] : memref<10000x128xf32, #tpu.memory_space<hbm>> -> memref<10000x128xf32, #tpu.memory_space<hbm>>
        tpu.enqueue_indirect_dma source(%dma_start3A_487 : memref<10000x128xf32, #tpu.memory_space<hbm>>) target(%arg14 : memref<100x128xf32, #tpu.memory_space<vmem>>) offsets(%dma_start3A_484 : memref<100xi32, #tpu.memory_space<vmem>>) semaphore(%arg19 : memref<!tpu.dma_semaphore, #tpu.memory_space<semaphore_mem>>)
        %dma_wait3A_488 = arith.constant 3 : i32
        %dma_wait3A_489 = arith.constant 0 : i32
        %dma_wait3A_490 = tpu.memref_slice %arg10[%dma_wait3A_488, %dma_wait3A_489] : memref<10x100xi32, #tpu.memory_space<vmem>> -> memref<1x100xi32, #tpu.memory_space<vmem>>
        %dma_wait3A_491 = tpu.memref_squeeze %dma_wait3A_490 : memref<1x100xi32, #tpu.memory_space<vmem>> -> memref<100xi32, #tpu.memory_space<vmem>>
        %dma_wait3A_492 = arith.constant 0 : i32
        %dma_wait3A_493 = arith.constant 0 : i32
        %dma_wait3A_494 = tpu.memref_slice %arg2[%dma_wait3A_492, %dma_wait3A_493] : memref<10000x128xf32, #tpu.memory_space<hbm>> -> memref<10000x128xf32, #tpu.memory_space<hbm>>
        tpu.wait_indirect_dma semaphore(%arg17 : memref<!tpu.dma_semaphore, #tpu.memory_space<semaphore_mem>>) src(%dma_wait3A_494 : memref<10000x128xf32, #tpu.memory_space<hbm>>) dst(%arg12 : memref<100x128xf32, #tpu.memory_space<vmem>>)
        %dma_start3A_495 = arith.constant 3 : i32
        %dma_start3A_496 = arith.constant 0 : i32
        %dma_start3A_497 = tpu.memref_slice %arg11[%dma_start3A_495, %dma_start3A_496] : memref<10x100xi32, #tpu.memory_space<vmem>> -> memref<1x100xi32, #tpu.memory_space<vmem>>
        %dma_start3A_498 = tpu.memref_squeeze %dma_start3A_497 : memref<1x100xi32, #tpu.memory_space<vmem>> -> memref<100xi32, #tpu.memory_space<vmem>>
        %dma_start3A_499 = arith.constant 0 : i32
        %dma_start3A_500 = arith.constant 0 : i32
        %dma_start3A_501 = tpu.memref_slice %arg16[%dma_start3A_499, %dma_start3A_500] : memref<10240x128xf32, #tpu.memory_space<vmem_shared>> -> memref<10240x128xf32, #tpu.memory_space<vmem_shared>>
        tpu.enqueue_indirect_dma source(%arg12 : memref<100x128xf32, #tpu.memory_space<vmem>>) target(%dma_start3A_501 : memref<10240x128xf32, #tpu.memory_space<vmem_shared>>) offsets(%dma_start3A_498 : memref<100xi32, #tpu.memory_space<vmem>>) semaphore(%arg20 : memref<!tpu.dma_semaphore, #tpu.memory_space<semaphore_mem>>) {add = true}
        %dma_wait3A_502 = arith.constant 3 : i32
        %dma_wait3A_503 = arith.constant 0 : i32
        %dma_wait3A_504 = tpu.memref_slice %arg11[%dma_wait3A_502, %dma_wait3A_503] : memref<10x100xi32, #tpu.memory_space<vmem>> -> memref<1x100xi32, #tpu.memory_space<vmem>>
        %dma_wait3A_505 = tpu.memref_squeeze %dma_wait3A_504 : memref<1x100xi32, #tpu.memory_space<vmem>> -> memref<100xi32, #tpu.memory_space<vmem>>
        %dma_wait3A_506 = arith.constant 0 : i32
        %dma_wait3A_507 = arith.constant 0 : i32
        %dma_wait3A_508 = tpu.memref_slice %arg16[%dma_wait3A_506, %dma_wait3A_507] : memref<10240x128xf32, #tpu.memory_space<vmem_shared>> -> memref<10240x128xf32, #tpu.memory_space<vmem_shared>>
        tpu.wait_indirect_dma semaphore(%arg20 : memref<!tpu.dma_semaphore, #tpu.memory_space<semaphore_mem>>) src(%arg12 : memref<100x128xf32, #tpu.memory_space<vmem>>) dst(%dma_wait3A_508 : memref<10240x128xf32, #tpu.memory_space<vmem_shared>>)
        %dma_start3A_509 = arith.constant 6 : i32
        %dma_start3A_510 = arith.constant 0 : i32
        %dma_start3A_511 = tpu.memref_slice %arg10[%dma_start3A_509, %dma_start3A_510] : memref<10x100xi32, #tpu.memory_space<vmem>> -> memref<1x100xi32, #tpu.memory_space<vmem>>
        %dma_start3A_512 = tpu.memref_squeeze %dma_start3A_511 : memref<1x100xi32, #tpu.memory_space<vmem>> -> memref<100xi32, #tpu.memory_space<vmem>>
        %dma_start3A_513 = arith.constant 0 : i32
        %dma_start3A_514 = arith.constant 0 : i32
        %dma_start3A_515 = tpu.memref_slice %arg2[%dma_start3A_513, %dma_start3A_514] : memref<10000x128xf32, #tpu.memory_space<hbm>> -> memref<10000x128xf32, #tpu.memory_space<hbm>>
        tpu.enqueue_indirect_dma source(%dma_start3A_515 : memref<10000x128xf32, #tpu.memory_space<hbm>>) target(%arg12 : memref<100x128xf32, #tpu.memory_space<vmem>>) offsets(%dma_start3A_512 : memref<100xi32, #tpu.memory_space<vmem>>) semaphore(%arg17 : memref<!tpu.dma_semaphore, #tpu.memory_space<semaphore_mem>>)
        %dma_wait3A_516 = arith.constant 4 : i32
        %dma_wait3A_517 = arith.constant 0 : i32
        %dma_wait3A_518 = tpu.memref_slice %arg10[%dma_wait3A_516, %dma_wait3A_517] : memref<10x100xi32, #tpu.memory_space<vmem>> -> memref<1x100xi32, #tpu.memory_space<vmem>>
        %dma_wait3A_519 = tpu.memref_squeeze %dma_wait3A_518 : memref<1x100xi32, #tpu.memory_space<vmem>> -> memref<100xi32, #tpu.memory_space<vmem>>
        %dma_wait3A_520 = arith.constant 0 : i32
        %dma_wait3A_521 = arith.constant 0 : i32
        %dma_wait3A_522 = tpu.memref_slice %arg2[%dma_wait3A_520, %dma_wait3A_521] : memref<10000x128xf32, #tpu.memory_space<hbm>> -> memref<10000x128xf32, #tpu.memory_space<hbm>>
        tpu.wait_indirect_dma semaphore(%arg18 : memref<!tpu.dma_semaphore, #tpu.memory_space<semaphore_mem>>) src(%dma_wait3A_522 : memref<10000x128xf32, #tpu.memory_space<hbm>>) dst(%arg13 : memref<100x128xf32, #tpu.memory_space<vmem>>)
        %dma_start3A_523 = arith.constant 4 : i32
        %dma_start3A_524 = arith.constant 0 : i32
        %dma_start3A_525 = tpu.memref_slice %arg11[%dma_start3A_523, %dma_start3A_524] : memref<10x100xi32, #tpu.memory_space<vmem>> -> memref<1x100xi32, #tpu.memory_space<vmem>>
        %dma_start3A_526 = tpu.memref_squeeze %dma_start3A_525 : memref<1x100xi32, #tpu.memory_space<vmem>> -> memref<100xi32, #tpu.memory_space<vmem>>
        %dma_start3A_527 = arith.constant 0 : i32
        %dma_start3A_528 = arith.constant 0 : i32
        %dma_start3A_529 = tpu.memref_slice %arg16[%dma_start3A_527, %dma_start3A_528] : memref<10240x128xf32, #tpu.memory_space<vmem_shared>> -> memref<10240x128xf32, #tpu.memory_space<vmem_shared>>
        tpu.enqueue_indirect_dma source(%arg13 : memref<100x128xf32, #tpu.memory_space<vmem>>) target(%dma_start3A_529 : memref<10240x128xf32, #tpu.memory_space<vmem_shared>>) offsets(%dma_start3A_526 : memref<100xi32, #tpu.memory_space<vmem>>) semaphore(%arg21 : memref<!tpu.dma_semaphore, #tpu.memory_space<semaphore_mem>>) {add = true}
        %dma_wait3A_530 = arith.constant 4 : i32
        %dma_wait3A_531 = arith.constant 0 : i32
        %dma_wait3A_532 = tpu.memref_slice %arg11[%dma_wait3A_530, %dma_wait3A_531] : memref<10x100xi32, #tpu.memory_space<vmem>> -> memref<1x100xi32, #tpu.memory_space<vmem>>
        %dma_wait3A_533 = tpu.memref_squeeze %dma_wait3A_532 : memref<1x100xi32, #tpu.memory_space<vmem>> -> memref<100xi32, #tpu.memory_space<vmem>>
        %dma_wait3A_534 = arith.constant 0 : i32
        %dma_wait3A_535 = arith.constant 0 : i32
        %dma_wait3A_536 = tpu.memref_slice %arg16[%dma_wait3A_534, %dma_wait3A_535] : memref<10240x128xf32, #tpu.memory_space<vmem_shared>> -> memref<10240x128xf32, #tpu.memory_space<vmem_shared>>
        tpu.wait_indirect_dma semaphore(%arg21 : memref<!tpu.dma_semaphore, #tpu.memory_space<semaphore_mem>>) src(%arg13 : memref<100x128xf32, #tpu.memory_space<vmem>>) dst(%dma_wait3A_536 : memref<10240x128xf32, #tpu.memory_space<vmem_shared>>)
        %dma_start3A_537 = arith.constant 7 : i32
        %dma_start3A_538 = arith.constant 0 : i32
        %dma_start3A_539 = tpu.memref_slice %arg10[%dma_start3A_537, %dma_start3A_538] : memref<10x100xi32, #tpu.memory_space<vmem>> -> memref<1x100xi32, #tpu.memory_space<vmem>>
        %dma_start3A_540 = tpu.memref_squeeze %dma_start3A_539 : memref<1x100xi32, #tpu.memory_space<vmem>> -> memref<100xi32, #tpu.memory_space<vmem>>
        %dma_start3A_541 = arith.constant 0 : i32
        %dma_start3A_542 = arith.constant 0 : i32
        %dma_start3A_543 = tpu.memref_slice %arg2[%dma_start3A_541, %dma_start3A_542] : memref<10000x128xf32, #tpu.memory_space<hbm>> -> memref<10000x128xf32, #tpu.memory_space<hbm>>
        tpu.enqueue_indirect_dma source(%dma_start3A_543 : memref<10000x128xf32, #tpu.memory_space<hbm>>) target(%arg13 : memref<100x128xf32, #tpu.memory_space<vmem>>) offsets(%dma_start3A_540 : memref<100xi32, #tpu.memory_space<vmem>>) semaphore(%arg18 : memref<!tpu.dma_semaphore, #tpu.memory_space<semaphore_mem>>)
        %dma_wait3A_544 = arith.constant 5 : i32
        %dma_wait3A_545 = arith.constant 0 : i32
        %dma_wait3A_546 = tpu.memref_slice %arg10[%dma_wait3A_544, %dma_wait3A_545] : memref<10x100xi32, #tpu.memory_space<vmem>> -> memref<1x100xi32, #tpu.memory_space<vmem>>
        %dma_wait3A_547 = tpu.memref_squeeze %dma_wait3A_546 : memref<1x100xi32, #tpu.memory_space<vmem>> -> memref<100xi32, #tpu.memory_space<vmem>>
        %dma_wait3A_548 = arith.constant 0 : i32
        %dma_wait3A_549 = arith.constant 0 : i32
        %dma_wait3A_550 = tpu.memref_slice %arg2[%dma_wait3A_548, %dma_wait3A_549] : memref<10000x128xf32, #tpu.memory_space<hbm>> -> memref<10000x128xf32, #tpu.memory_space<hbm>>
        tpu.wait_indirect_dma semaphore(%arg19 : memref<!tpu.dma_semaphore, #tpu.memory_space<semaphore_mem>>) src(%dma_wait3A_550 : memref<10000x128xf32, #tpu.memory_space<hbm>>) dst(%arg14 : memref<100x128xf32, #tpu.memory_space<vmem>>)
        %dma_start3A_551 = arith.constant 5 : i32
        %dma_start3A_552 = arith.constant 0 : i32
        %dma_start3A_553 = tpu.memref_slice %arg11[%dma_start3A_551, %dma_start3A_552] : memref<10x100xi32, #tpu.memory_space<vmem>> -> memref<1x100xi32, #tpu.memory_space<vmem>>
        %dma_start3A_554 = tpu.memref_squeeze %dma_start3A_553 : memref<1x100xi32, #tpu.memory_space<vmem>> -> memref<100xi32, #tpu.memory_space<vmem>>
        %dma_start3A_555 = arith.constant 0 : i32
        %dma_start3A_556 = arith.constant 0 : i32
        %dma_start3A_557 = tpu.memref_slice %arg16[%dma_start3A_555, %dma_start3A_556] : memref<10240x128xf32, #tpu.memory_space<vmem_shared>> -> memref<10240x128xf32, #tpu.memory_space<vmem_shared>>
        tpu.enqueue_indirect_dma source(%arg14 : memref<100x128xf32, #tpu.memory_space<vmem>>) target(%dma_start3A_557 : memref<10240x128xf32, #tpu.memory_space<vmem_shared>>) offsets(%dma_start3A_554 : memref<100xi32, #tpu.memory_space<vmem>>) semaphore(%arg22 : memref<!tpu.dma_semaphore, #tpu.memory_space<semaphore_mem>>) {add = true}
        %dma_wait3A_558 = arith.constant 5 : i32
        %dma_wait3A_559 = arith.constant 0 : i32
        %dma_wait3A_560 = tpu.memref_slice %arg11[%dma_wait3A_558, %dma_wait3A_559] : memref<10x100xi32, #tpu.memory_space<vmem>> -> memref<1x100xi32, #tpu.memory_space<vmem>>
        %dma_wait3A_561 = tpu.memref_squeeze %dma_wait3A_560 : memref<1x100xi32, #tpu.memory_space<vmem>> -> memref<100xi32, #tpu.memory_space<vmem>>
        %dma_wait3A_562 = arith.constant 0 : i32
        %dma_wait3A_563 = arith.constant 0 : i32
        %dma_wait3A_564 = tpu.memref_slice %arg16[%dma_wait3A_562, %dma_wait3A_563] : memref<10240x128xf32, #tpu.memory_space<vmem_shared>> -> memref<10240x128xf32, #tpu.memory_space<vmem_shared>>
        tpu.wait_indirect_dma semaphore(%arg22 : memref<!tpu.dma_semaphore, #tpu.memory_space<semaphore_mem>>) src(%arg14 : memref<100x128xf32, #tpu.memory_space<vmem>>) dst(%dma_wait3A_564 : memref<10240x128xf32, #tpu.memory_space<vmem_shared>>)
        %dma_start3A_565 = arith.constant 8 : i32
        %dma_start3A_566 = arith.constant 0 : i32
        %dma_start3A_567 = tpu.memref_slice %arg10[%dma_start3A_565, %dma_start3A_566] : memref<10x100xi32, #tpu.memory_space<vmem>> -> memref<1x100xi32, #tpu.memory_space<vmem>>
        %dma_start3A_568 = tpu.memref_squeeze %dma_start3A_567 : memref<1x100xi32, #tpu.memory_space<vmem>> -> memref<100xi32, #tpu.memory_space<vmem>>
        %dma_start3A_569 = arith.constant 0 : i32
        %dma_start3A_570 = arith.constant 0 : i32
        %dma_start3A_571 = tpu.memref_slice %arg2[%dma_start3A_569, %dma_start3A_570] : memref<10000x128xf32, #tpu.memory_space<hbm>> -> memref<10000x128xf32, #tpu.memory_space<hbm>>
        tpu.enqueue_indirect_dma source(%dma_start3A_571 : memref<10000x128xf32, #tpu.memory_space<hbm>>) target(%arg14 : memref<100x128xf32, #tpu.memory_space<vmem>>) offsets(%dma_start3A_568 : memref<100xi32, #tpu.memory_space<vmem>>) semaphore(%arg19 : memref<!tpu.dma_semaphore, #tpu.memory_space<semaphore_mem>>)
        %dma_wait3A_572 = arith.constant 6 : i32
        %dma_wait3A_573 = arith.constant 0 : i32
        %dma_wait3A_574 = tpu.memref_slice %arg10[%dma_wait3A_572, %dma_wait3A_573] : memref<10x100xi32, #tpu.memory_space<vmem>> -> memref<1x100xi32, #tpu.memory_space<vmem>>
        %dma_wait3A_575 = tpu.memref_squeeze %dma_wait3A_574 : memref<1x100xi32, #tpu.memory_space<vmem>> -> memref<100xi32, #tpu.memory_space<vmem>>
        %dma_wait3A_576 = arith.constant 0 : i32
        %dma_wait3A_577 = arith.constant 0 : i32
        %dma_wait3A_578 = tpu.memref_slice %arg2[%dma_wait3A_576, %dma_wait3A_577] : memref<10000x128xf32, #tpu.memory_space<hbm>> -> memref<10000x128xf32, #tpu.memory_space<hbm>>
        tpu.wait_indirect_dma semaphore(%arg17 : memref<!tpu.dma_semaphore, #tpu.memory_space<semaphore_mem>>) src(%dma_wait3A_578 : memref<10000x128xf32, #tpu.memory_space<hbm>>) dst(%arg12 : memref<100x128xf32, #tpu.memory_space<vmem>>)
        %dma_start3A_579 = arith.constant 6 : i32
        %dma_start3A_580 = arith.constant 0 : i32
        %dma_start3A_581 = tpu.memref_slice %arg11[%dma_start3A_579, %dma_start3A_580] : memref<10x100xi32, #tpu.memory_space<vmem>> -> memref<1x100xi32, #tpu.memory_space<vmem>>
        %dma_start3A_582 = tpu.memref_squeeze %dma_start3A_581 : memref<1x100xi32, #tpu.memory_space<vmem>> -> memref<100xi32, #tpu.memory_space<vmem>>
        %dma_start3A_583 = arith.constant 0 : i32
        %dma_start3A_584 = arith.constant 0 : i32
        %dma_start3A_585 = tpu.memref_slice %arg16[%dma_start3A_583, %dma_start3A_584] : memref<10240x128xf32, #tpu.memory_space<vmem_shared>> -> memref<10240x128xf32, #tpu.memory_space<vmem_shared>>
        tpu.enqueue_indirect_dma source(%arg12 : memref<100x128xf32, #tpu.memory_space<vmem>>) target(%dma_start3A_585 : memref<10240x128xf32, #tpu.memory_space<vmem_shared>>) offsets(%dma_start3A_582 : memref<100xi32, #tpu.memory_space<vmem>>) semaphore(%arg20 : memref<!tpu.dma_semaphore, #tpu.memory_space<semaphore_mem>>) {add = true}
        %dma_wait3A_586 = arith.constant 6 : i32
        %dma_wait3A_587 = arith.constant 0 : i32
        %dma_wait3A_588 = tpu.memref_slice %arg11[%dma_wait3A_586, %dma_wait3A_587] : memref<10x100xi32, #tpu.memory_space<vmem>> -> memref<1x100xi32, #tpu.memory_space<vmem>>
        %dma_wait3A_589 = tpu.memref_squeeze %dma_wait3A_588 : memref<1x100xi32, #tpu.memory_space<vmem>> -> memref<100xi32, #tpu.memory_space<vmem>>
        %dma_wait3A_590 = arith.constant 0 : i32
        %dma_wait3A_591 = arith.constant 0 : i32
        %dma_wait3A_592 = tpu.memref_slice %arg16[%dma_wait3A_590, %dma_wait3A_591] : memref<10240x128xf32, #tpu.memory_space<vmem_shared>> -> memref<10240x128xf32, #tpu.memory_space<vmem_shared>>
        tpu.wait_indirect_dma semaphore(%arg20 : memref<!tpu.dma_semaphore, #tpu.memory_space<semaphore_mem>>) src(%arg12 : memref<100x128xf32, #tpu.memory_space<vmem>>) dst(%dma_wait3A_592 : memref<10240x128xf32, #tpu.memory_space<vmem_shared>>)
        %dma_start3A_593 = arith.constant 9 : i32
        %dma_start3A_594 = arith.constant 0 : i32
        %dma_start3A_595 = tpu.memref_slice %arg10[%dma_start3A_593, %dma_start3A_594] : memref<10x100xi32, #tpu.memory_space<vmem>> -> memref<1x100xi32, #tpu.memory_space<vmem>>
        %dma_start3A_596 = tpu.memref_squeeze %dma_start3A_595 : memref<1x100xi32, #tpu.memory_space<vmem>> -> memref<100xi32, #tpu.memory_space<vmem>>
        %dma_start3A_597 = arith.constant 0 : i32
        %dma_start3A_598 = arith.constant 0 : i32
        %dma_start3A_599 = tpu.memref_slice %arg2[%dma_start3A_597, %dma_start3A_598] : memref<10000x128xf32, #tpu.memory_space<hbm>> -> memref<10000x128xf32, #tpu.memory_space<hbm>>
        tpu.enqueue_indirect_dma source(%dma_start3A_599 : memref<10000x128xf32, #tpu.memory_space<hbm>>) target(%arg12 : memref<100x128xf32, #tpu.memory_space<vmem>>) offsets(%dma_start3A_596 : memref<100xi32, #tpu.memory_space<vmem>>) semaphore(%arg17 : memref<!tpu.dma_semaphore, #tpu.memory_space<semaphore_mem>>)
        %dma_wait3A_600 = arith.constant 7 : i32
        %dma_wait3A_601 = arith.constant 0 : i32
        %dma_wait3A_602 = tpu.memref_slice %arg10[%dma_wait3A_600, %dma_wait3A_601] : memref<10x100xi32, #tpu.memory_space<vmem>> -> memref<1x100xi32, #tpu.memory_space<vmem>>
        %dma_wait3A_603 = tpu.memref_squeeze %dma_wait3A_602 : memref<1x100xi32, #tpu.memory_space<vmem>> -> memref<100xi32, #tpu.memory_space<vmem>>
        %dma_wait3A_604 = arith.constant 0 : i32
        %dma_wait3A_605 = arith.constant 0 : i32
        %dma_wait3A_606 = tpu.memref_slice %arg2[%dma_wait3A_604, %dma_wait3A_605] : memref<10000x128xf32, #tpu.memory_space<hbm>> -> memref<10000x128xf32, #tpu.memory_space<hbm>>
        tpu.wait_indirect_dma semaphore(%arg18 : memref<!tpu.dma_semaphore, #tpu.memory_space<semaphore_mem>>) src(%dma_wait3A_606 : memref<10000x128xf32, #tpu.memory_space<hbm>>) dst(%arg13 : memref<100x128xf32, #tpu.memory_space<vmem>>)
        %dma_start3A_607 = arith.constant 7 : i32
        %dma_start3A_608 = arith.constant 0 : i32
        %dma_start3A_609 = tpu.memref_slice %arg11[%dma_start3A_607, %dma_start3A_608] : memref<10x100xi32, #tpu.memory_space<vmem>> -> memref<1x100xi32, #tpu.memory_space<vmem>>
        %dma_start3A_610 = tpu.memref_squeeze %dma_start3A_609 : memref<1x100xi32, #tpu.memory_space<vmem>> -> memref<100xi32, #tpu.memory_space<vmem>>
        %dma_start3A_611 = arith.constant 0 : i32
        %dma_start3A_612 = arith.constant 0 : i32
        %dma_start3A_613 = tpu.memref_slice %arg16[%dma_start3A_611, %dma_start3A_612] : memref<10240x128xf32, #tpu.memory_space<vmem_shared>> -> memref<10240x128xf32, #tpu.memory_space<vmem_shared>>
        tpu.enqueue_indirect_dma source(%arg13 : memref<100x128xf32, #tpu.memory_space<vmem>>) target(%dma_start3A_613 : memref<10240x128xf32, #tpu.memory_space<vmem_shared>>) offsets(%dma_start3A_610 : memref<100xi32, #tpu.memory_space<vmem>>) semaphore(%arg21 : memref<!tpu.dma_semaphore, #tpu.memory_space<semaphore_mem>>) {add = true}
        %dma_wait3A_614 = arith.constant 8 : i32
        %dma_wait3A_615 = arith.constant 0 : i32
        %dma_wait3A_616 = tpu.memref_slice %arg10[%dma_wait3A_614, %dma_wait3A_615] : memref<10x100xi32, #tpu.memory_space<vmem>> -> memref<1x100xi32, #tpu.memory_space<vmem>>
        %dma_wait3A_617 = tpu.memref_squeeze %dma_wait3A_616 : memref<1x100xi32, #tpu.memory_space<vmem>> -> memref<100xi32, #tpu.memory_space<vmem>>
        %dma_wait3A_618 = arith.constant 0 : i32
        %dma_wait3A_619 = arith.constant 0 : i32
        %dma_wait3A_620 = tpu.memref_slice %arg2[%dma_wait3A_618, %dma_wait3A_619] : memref<10000x128xf32, #tpu.memory_space<hbm>> -> memref<10000x128xf32, #tpu.memory_space<hbm>>
        tpu.wait_indirect_dma semaphore(%arg19 : memref<!tpu.dma_semaphore, #tpu.memory_space<semaphore_mem>>) src(%dma_wait3A_620 : memref<10000x128xf32, #tpu.memory_space<hbm>>) dst(%arg14 : memref<100x128xf32, #tpu.memory_space<vmem>>)
        %dma_start3A_621 = arith.constant 8 : i32
        %dma_start3A_622 = arith.constant 0 : i32
        %dma_start3A_623 = tpu.memref_slice %arg11[%dma_start3A_621, %dma_start3A_622] : memref<10x100xi32, #tpu.memory_space<vmem>> -> memref<1x100xi32, #tpu.memory_space<vmem>>
        %dma_start3A_624 = tpu.memref_squeeze %dma_start3A_623 : memref<1x100xi32, #tpu.memory_space<vmem>> -> memref<100xi32, #tpu.memory_space<vmem>>
        %dma_start3A_625 = arith.constant 0 : i32
        %dma_start3A_626 = arith.constant 0 : i32
        %dma_start3A_627 = tpu.memref_slice %arg16[%dma_start3A_625, %dma_start3A_626] : memref<10240x128xf32, #tpu.memory_space<vmem_shared>> -> memref<10240x128xf32, #tpu.memory_space<vmem_shared>>
        tpu.enqueue_indirect_dma source(%arg14 : memref<100x128xf32, #tpu.memory_space<vmem>>) target(%dma_start3A_627 : memref<10240x128xf32, #tpu.memory_space<vmem_shared>>) offsets(%dma_start3A_624 : memref<100xi32, #tpu.memory_space<vmem>>) semaphore(%arg22 : memref<!tpu.dma_semaphore, #tpu.memory_space<semaphore_mem>>) {add = true}
        %dma_wait3A_628 = arith.constant 9 : i32
        %dma_wait3A_629 = arith.constant 0 : i32
        %dma_wait3A_630 = tpu.memref_slice %arg10[%dma_wait3A_628, %dma_wait3A_629] : memref<10x100xi32, #tpu.memory_space<vmem>> -> memref<1x100xi32, #tpu.memory_space<vmem>>
        %dma_wait3A_631 = tpu.memref_squeeze %dma_wait3A_630 : memref<1x100xi32, #tpu.memory_space<vmem>> -> memref<100xi32, #tpu.memory_space<vmem>>
        %dma_wait3A_632 = arith.constant 0 : i32
        %dma_wait3A_633 = arith.constant 0 : i32
        %dma_wait3A_634 = tpu.memref_slice %arg2[%dma_wait3A_632, %dma_wait3A_633] : memref<10000x128xf32, #tpu.memory_space<hbm>> -> memref<10000x128xf32, #tpu.memory_space<hbm>>
        tpu.wait_indirect_dma semaphore(%arg17 : memref<!tpu.dma_semaphore, #tpu.memory_space<semaphore_mem>>) src(%dma_wait3A_634 : memref<10000x128xf32, #tpu.memory_space<hbm>>) dst(%arg12 : memref<100x128xf32, #tpu.memory_space<vmem>>)
        %dma_start3A_635 = arith.constant 9 : i32
        %dma_start3A_636 = arith.constant 0 : i32
        %dma_start3A_637 = tpu.memref_slice %arg11[%dma_start3A_635, %dma_start3A_636] : memref<10x100xi32, #tpu.memory_space<vmem>> -> memref<1x100xi32, #tpu.memory_space<vmem>>
        %dma_start3A_638 = tpu.memref_squeeze %dma_start3A_637 : memref<1x100xi32, #tpu.memory_space<vmem>> -> memref<100xi32, #tpu.memory_space<vmem>>
        %dma_start3A_639 = arith.constant 0 : i32
        %dma_start3A_640 = arith.constant 0 : i32
        %dma_start3A_641 = tpu.memref_slice %arg16[%dma_start3A_639, %dma_start3A_640] : memref<10240x128xf32, #tpu.memory_space<vmem_shared>> -> memref<10240x128xf32, #tpu.memory_space<vmem_shared>>
        tpu.enqueue_indirect_dma source(%arg12 : memref<100x128xf32, #tpu.memory_space<vmem>>) target(%dma_start3A_641 : memref<10240x128xf32, #tpu.memory_space<vmem_shared>>) offsets(%dma_start3A_638 : memref<100xi32, #tpu.memory_space<vmem>>) semaphore(%arg20 : memref<!tpu.dma_semaphore, #tpu.memory_space<semaphore_mem>>) {add = true}
        %dma_wait3A_642 = arith.constant 9 : i32
        %dma_wait3A_643 = arith.constant 0 : i32
        %dma_wait3A_644 = tpu.memref_slice %arg11[%dma_wait3A_642, %dma_wait3A_643] : memref<10x100xi32, #tpu.memory_space<vmem>> -> memref<1x100xi32, #tpu.memory_space<vmem>>
        %dma_wait3A_645 = tpu.memref_squeeze %dma_wait3A_644 : memref<1x100xi32, #tpu.memory_space<vmem>> -> memref<100xi32, #tpu.memory_space<vmem>>
        %dma_wait3A_646 = arith.constant 0 : i32
        %dma_wait3A_647 = arith.constant 0 : i32
        %dma_wait3A_648 = tpu.memref_slice %arg16[%dma_wait3A_646, %dma_wait3A_647] : memref<10240x128xf32, #tpu.memory_space<vmem_shared>> -> memref<10240x128xf32, #tpu.memory_space<vmem_shared>>
        tpu.wait_indirect_dma semaphore(%arg20 : memref<!tpu.dma_semaphore, #tpu.memory_space<semaphore_mem>>) src(%arg12 : memref<100x128xf32, #tpu.memory_space<vmem>>) dst(%dma_wait3A_648 : memref<10240x128xf32, #tpu.memory_space<vmem_shared>>)
        %dma_wait3A_649 = arith.constant 7 : i32
        %dma_wait3A_650 = arith.constant 0 : i32
        %dma_wait3A_651 = tpu.memref_slice %arg11[%dma_wait3A_649, %dma_wait3A_650] : memref<10x100xi32, #tpu.memory_space<vmem>> -> memref<1x100xi32, #tpu.memory_space<vmem>>
        %dma_wait3A_652 = tpu.memref_squeeze %dma_wait3A_651 : memref<1x100xi32, #tpu.memory_space<vmem>> -> memref<100xi32, #tpu.memory_space<vmem>>
        %dma_wait3A_653 = arith.constant 0 : i32
        %dma_wait3A_654 = arith.constant 0 : i32
        %dma_wait3A_655 = tpu.memref_slice %arg16[%dma_wait3A_653, %dma_wait3A_654] : memref<10240x128xf32, #tpu.memory_space<vmem_shared>> -> memref<10240x128xf32, #tpu.memory_space<vmem_shared>>
        tpu.wait_indirect_dma semaphore(%arg21 : memref<!tpu.dma_semaphore, #tpu.memory_space<semaphore_mem>>) src(%arg13 : memref<100x128xf32, #tpu.memory_space<vmem>>) dst(%dma_wait3A_655 : memref<10240x128xf32, #tpu.memory_space<vmem_shared>>)
        %dma_wait3A_656 = arith.constant 8 : i32
        %dma_wait3A_657 = arith.constant 0 : i32
        %dma_wait3A_658 = tpu.memref_slice %arg11[%dma_wait3A_656, %dma_wait3A_657] : memref<10x100xi32, #tpu.memory_space<vmem>> -> memref<1x100xi32, #tpu.memory_space<vmem>>
        %dma_wait3A_659 = tpu.memref_squeeze %dma_wait3A_658 : memref<1x100xi32, #tpu.memory_space<vmem>> -> memref<100xi32, #tpu.memory_space<vmem>>
        %dma_wait3A_660 = arith.constant 0 : i32
        %dma_wait3A_661 = arith.constant 0 : i32
        %dma_wait3A_662 = tpu.memref_slice %arg16[%dma_wait3A_660, %dma_wait3A_661] : memref<10240x128xf32, #tpu.memory_space<vmem_shared>> -> memref<10240x128xf32, #tpu.memory_space<vmem_shared>>
        tpu.wait_indirect_dma semaphore(%arg22 : memref<!tpu.dma_semaphore, #tpu.memory_space<semaphore_mem>>) src(%arg14 : memref<100x128xf32, #tpu.memory_space<vmem>>) dst(%dma_wait3A_662 : memref<10240x128xf32, #tpu.memory_space<vmem_shared>>)
      }
      %scan3A_41 = arith.constant 5 : i32
      %barrier3A_42 = arith.constant 0 : index
      tpu.barrier barrier_id(%barrier3A_42)
      %mul3A = arith.constant 640 : i32
      %mul3A_43 = arith.muli %arg1, %mul3A : i32
      %mul3A_44 = arith.constant 640 : i32
      %mul3A_45 = arith.muli %arg1, %mul3A_44 : i32
      "tpu.region"() ({
        %run_scoped3A = tpu.sem_alloc : memref<!tpu.dma_semaphore, #tpu.memory_space<semaphore_mem>>
        %dma_start3A_46 = arith.constant 0 : i32
        %dma_start3A_47 = tpu.memref_slice %arg6[%mul3A_45, %dma_start3A_46] : memref<10240x128xf32, #tpu.memory_space<hbm>> -> memref<640x128xf32, #tpu.memory_space<hbm>>
        %dma_start3A_48 = arith.constant 0 : i32
        %dma_start3A_49 = tpu.memref_slice %arg16[%mul3A_43, %dma_start3A_48] : memref<10240x128xf32, #tpu.memory_space<vmem_shared>> -> memref<640x128xf32, #tpu.memory_space<vmem_shared>>
        tpu.enqueue_dma source(%dma_start3A_49 : memref<640x128xf32, #tpu.memory_space<vmem_shared>>) target(%dma_start3A_47 : memref<640x128xf32, #tpu.memory_space<hbm>>) target_semaphore(%run_scoped3A : memref<!tpu.dma_semaphore, #tpu.memory_space<semaphore_mem>>)
        %dma_wait3A = arith.constant 0 : i32
        %dma_wait3A_50 = tpu.memref_slice %arg6[%mul3A_45, %dma_wait3A] : memref<10240x128xf32, #tpu.memory_space<hbm>> -> memref<640x128xf32, #tpu.memory_space<hbm>>
        %dma_wait3A_51 = arith.constant 0 : i32
        %dma_wait3A_52 = tpu.memref_slice %arg16[%mul3A_43, %dma_wait3A_51] : memref<10240x128xf32, #tpu.memory_space<vmem_shared>> -> memref<640x128xf32, #tpu.memory_space<vmem_shared>>
        tpu.wait_dma2 semaphore(%run_scoped3A : memref<!tpu.dma_semaphore, #tpu.memory_space<semaphore_mem>>) src(%dma_wait3A_52 : memref<640x128xf32, #tpu.memory_space<vmem_shared>>) dst(%dma_wait3A_50 : memref<640x128xf32, #tpu.memory_space<hbm>>)
        tpu.yield
      }) : () -> ()
    } else {
    }
    %eq3A_31 = arith.constant 1 : i32
    %eq3A_32 = arith.cmpi eq, %arg0, %eq3A_31 : i32
    %convert_element_type3A_33 = arith.extui %eq3A_32 : i1 to i32
    %cond3A_34 = arith.constant 0 : i32
    %cond3A_35 = arith.cmpi ne, %convert_element_type3A_33, %cond3A_34 : i32
    scf.if %cond3A_35 {
      %scan3A_36 = arith.constant 0 : i32
      %scan3A_37 = arith.constant 0 : i32
      %scan3A_38 = arith.constant 5 : i32
      %scan3A_39 = arith.addi %scan3A_37, %scan3A_38 : i32
      %scan3A_40 = arith.constant 1 : i32
      scf.for %scan3A_46 = %scan3A_37 to %scan3A_39 step %scan3A_40  : i32 {
        %mul3A_47 = arith.constant 2 : i32
        %mul3A_48 = arith.muli %mul3A_47, %scan3A_46 : i32
        %add3A = arith.constant 1 : i32
        %add3A_49 = arith.addi %mul3A_48, %add3A : i32
        %dma_wait3A = arith.constant 0 : i32
        %dma_wait3A_50 = arith.constant 0 : i32
        %dma_wait3A_51 = tpu.memref_slice %arg4[%arg1, %mul3A_48, %dma_wait3A, %dma_wait3A_50] : memref<16x10x10x100xi32, #tpu.memory_space<hbm>> -> memref<1x1x10x100xi32, #tpu.memory_space<hbm>>
        %dma_wait3A_52 = tpu.memref_squeeze %dma_wait3A_51 : memref<1x1x10x100xi32, #tpu.memory_space<hbm>> -> memref<10x100xi32, #tpu.memory_space<hbm>>
        %dma_wait3A_53 = arith.constant 0 : i32
        %dma_wait3A_54 = arith.constant 0 : i32
        %dma_wait3A_55 = tpu.memref_slice %arg4[%arg1, %mul3A_48, %dma_wait3A_53, %dma_wait3A_54] : memref<16x10x10x100xi32, #tpu.memory_space<hbm>> -> memref<1x1x10x100xi32, #tpu.memory_space<hbm>>
        %dma_wait3A_56 = tpu.memref_squeeze %dma_wait3A_55 : memref<1x1x10x100xi32, #tpu.memory_space<hbm>> -> memref<10x100xi32, #tpu.memory_space<hbm>>
        tpu.wait_dma2 semaphore(%arg23 : memref<!tpu.dma_semaphore, #tpu.memory_space<semaphore_mem>>) src(%dma_wait3A_56 : memref<10x100xi32, #tpu.memory_space<hbm>>) dst(%arg8 : memref<10x100xi32, #tpu.memory_space<vmem>>)
        %dma_wait3A_57 = arith.constant 0 : i32
        %dma_wait3A_58 = arith.constant 0 : i32
        %dma_wait3A_59 = tpu.memref_slice %arg5[%arg1, %mul3A_48, %dma_wait3A_57, %dma_wait3A_58] : memref<16x10x10x100xi32, #tpu.memory_space<hbm>> -> memref<1x1x10x100xi32, #tpu.memory_space<hbm>>
        %dma_wait3A_60 = tpu.memref_squeeze %dma_wait3A_59 : memref<1x1x10x100xi32, #tpu.memory_space<hbm>> -> memref<10x100xi32, #tpu.memory_space<hbm>>
        %dma_wait3A_61 = arith.constant 0 : i32
        %dma_wait3A_62 = arith.constant 0 : i32
        %dma_wait3A_63 = tpu.memref_slice %arg5[%arg1, %mul3A_48, %dma_wait3A_61, %dma_wait3A_62] : memref<16x10x10x100xi32, #tpu.memory_space<hbm>> -> memref<1x1x10x100xi32, #tpu.memory_space<hbm>>
        %dma_wait3A_64 = tpu.memref_squeeze %dma_wait3A_63 : memref<1x1x10x100xi32, #tpu.memory_space<hbm>> -> memref<10x100xi32, #tpu.memory_space<hbm>>
        tpu.wait_dma2 semaphore(%arg23 : memref<!tpu.dma_semaphore, #tpu.memory_space<semaphore_mem>>) src(%dma_wait3A_64 : memref<10x100xi32, #tpu.memory_space<hbm>>) dst(%arg9 : memref<10x100xi32, #tpu.memory_space<vmem>>)
        %dma_start3A_65 = arith.constant 0 : i32
        %dma_start3A_66 = arith.constant 0 : i32
        %dma_start3A_67 = tpu.memref_slice %arg4[%arg1, %add3A_49, %dma_start3A_65, %dma_start3A_66] : memref<16x10x10x100xi32, #tpu.memory_space<hbm>> -> memref<1x1x10x100xi32, #tpu.memory_space<hbm>>
        %dma_start3A_68 = tpu.memref_squeeze %dma_start3A_67 : memref<1x1x10x100xi32, #tpu.memory_space<hbm>> -> memref<10x100xi32, #tpu.memory_space<hbm>>
        %dma_start3A_69 = arith.constant 0 : i32
        %dma_start3A_70 = arith.constant 0 : i32
        %dma_start3A_71 = tpu.memref_slice %arg4[%arg1, %add3A_49, %dma_start3A_69, %dma_start3A_70] : memref<16x10x10x100xi32, #tpu.memory_space<hbm>> -> memref<1x1x10x100xi32, #tpu.memory_space<hbm>>
        %dma_start3A_72 = tpu.memref_squeeze %dma_start3A_71 : memref<1x1x10x100xi32, #tpu.memory_space<hbm>> -> memref<10x100xi32, #tpu.memory_space<hbm>>
        tpu.enqueue_dma source(%dma_start3A_72 : memref<10x100xi32, #tpu.memory_space<hbm>>) target(%arg10 : memref<10x100xi32, #tpu.memory_space<vmem>>) target_semaphore(%arg24 : memref<!tpu.dma_semaphore, #tpu.memory_space<semaphore_mem>>)
        %dma_start3A_73 = arith.constant 0 : i32
        %dma_start3A_74 = arith.constant 0 : i32
        %dma_start3A_75 = tpu.memref_slice %arg5[%arg1, %add3A_49, %dma_start3A_73, %dma_start3A_74] : memref<16x10x10x100xi32, #tpu.memory_space<hbm>> -> memref<1x1x10x100xi32, #tpu.memory_space<hbm>>
        %dma_start3A_76 = tpu.memref_squeeze %dma_start3A_75 : memref<1x1x10x100xi32, #tpu.memory_space<hbm>> -> memref<10x100xi32, #tpu.memory_space<hbm>>
        %dma_start3A_77 = arith.constant 0 : i32
        %dma_start3A_78 = arith.constant 0 : i32
        %dma_start3A_79 = tpu.memref_slice %arg5[%arg1, %add3A_49, %dma_start3A_77, %dma_start3A_78] : memref<16x10x10x100xi32, #tpu.memory_space<hbm>> -> memref<1x1x10x100xi32, #tpu.memory_space<hbm>>
        %dma_start3A_80 = tpu.memref_squeeze %dma_start3A_79 : memref<1x1x10x100xi32, #tpu.memory_space<hbm>> -> memref<10x100xi32, #tpu.memory_space<hbm>>
        tpu.enqueue_dma source(%dma_start3A_80 : memref<10x100xi32, #tpu.memory_space<hbm>>) target(%arg11 : memref<10x100xi32, #tpu.memory_space<vmem>>) target_semaphore(%arg24 : memref<!tpu.dma_semaphore, #tpu.memory_space<semaphore_mem>>)
        %dma_start3A_81 = arith.constant 0 : i32
        %dma_start3A_82 = arith.constant 0 : i32
        %dma_start3A_83 = tpu.memref_slice %arg8[%dma_start3A_81, %dma_start3A_82] : memref<10x100xi32, #tpu.memory_space<vmem>> -> memref<1x100xi32, #tpu.memory_space<vmem>>
        %dma_start3A_84 = tpu.memref_squeeze %dma_start3A_83 : memref<1x100xi32, #tpu.memory_space<vmem>> -> memref<100xi32, #tpu.memory_space<vmem>>
        %dma_start3A_85 = arith.constant 0 : i32
        %dma_start3A_86 = arith.constant 0 : i32
        %dma_start3A_87 = tpu.memref_slice %arg3[%dma_start3A_85, %dma_start3A_86] : memref<10000x128xf32, #tpu.memory_space<hbm>> -> memref<10000x128xf32, #tpu.memory_space<hbm>>
        tpu.enqueue_indirect_dma source(%dma_start3A_87 : memref<10000x128xf32, #tpu.memory_space<hbm>>) target(%arg12 : memref<100x128xf32, #tpu.memory_space<vmem>>) offsets(%dma_start3A_84 : memref<100xi32, #tpu.memory_space<vmem>>) semaphore(%arg17 : memref<!tpu.dma_semaphore, #tpu.memory_space<semaphore_mem>>)
        %dma_start3A_88 = arith.constant 1 : i32
        %dma_start3A_89 = arith.constant 0 : i32
        %dma_start3A_90 = tpu.memref_slice %arg8[%dma_start3A_88, %dma_start3A_89] : memref<10x100xi32, #tpu.memory_space<vmem>> -> memref<1x100xi32, #tpu.memory_space<vmem>>
        %dma_start3A_91 = tpu.memref_squeeze %dma_start3A_90 : memref<1x100xi32, #tpu.memory_space<vmem>> -> memref<100xi32, #tpu.memory_space<vmem>>
        %dma_start3A_92 = arith.constant 0 : i32
        %dma_start3A_93 = arith.constant 0 : i32
        %dma_start3A_94 = tpu.memref_slice %arg3[%dma_start3A_92, %dma_start3A_93] : memref<10000x128xf32, #tpu.memory_space<hbm>> -> memref<10000x128xf32, #tpu.memory_space<hbm>>
        tpu.enqueue_indirect_dma source(%dma_start3A_94 : memref<10000x128xf32, #tpu.memory_space<hbm>>) target(%arg13 : memref<100x128xf32, #tpu.memory_space<vmem>>) offsets(%dma_start3A_91 : memref<100xi32, #tpu.memory_space<vmem>>) semaphore(%arg18 : memref<!tpu.dma_semaphore, #tpu.memory_space<semaphore_mem>>)
        %dma_start3A_95 = arith.constant 2 : i32
        %dma_start3A_96 = arith.constant 0 : i32
        %dma_start3A_97 = tpu.memref_slice %arg8[%dma_start3A_95, %dma_start3A_96] : memref<10x100xi32, #tpu.memory_space<vmem>> -> memref<1x100xi32, #tpu.memory_space<vmem>>
        %dma_start3A_98 = tpu.memref_squeeze %dma_start3A_97 : memref<1x100xi32, #tpu.memory_space<vmem>> -> memref<100xi32, #tpu.memory_space<vmem>>
        %dma_start3A_99 = arith.constant 0 : i32
        %dma_start3A_100 = arith.constant 0 : i32
        %dma_start3A_101 = tpu.memref_slice %arg3[%dma_start3A_99, %dma_start3A_100] : memref<10000x128xf32, #tpu.memory_space<hbm>> -> memref<10000x128xf32, #tpu.memory_space<hbm>>
        tpu.enqueue_indirect_dma source(%dma_start3A_101 : memref<10000x128xf32, #tpu.memory_space<hbm>>) target(%arg14 : memref<100x128xf32, #tpu.memory_space<vmem>>) offsets(%dma_start3A_98 : memref<100xi32, #tpu.memory_space<vmem>>) semaphore(%arg19 : memref<!tpu.dma_semaphore, #tpu.memory_space<semaphore_mem>>)
        %dma_wait3A_102 = arith.constant 0 : i32
        %dma_wait3A_103 = arith.constant 0 : i32
        %dma_wait3A_104 = tpu.memref_slice %arg8[%dma_wait3A_102, %dma_wait3A_103] : memref<10x100xi32, #tpu.memory_space<vmem>> -> memref<1x100xi32, #tpu.memory_space<vmem>>
        %dma_wait3A_105 = tpu.memref_squeeze %dma_wait3A_104 : memref<1x100xi32, #tpu.memory_space<vmem>> -> memref<100xi32, #tpu.memory_space<vmem>>
        %dma_wait3A_106 = arith.constant 0 : i32
        %dma_wait3A_107 = arith.constant 0 : i32
        %dma_wait3A_108 = tpu.memref_slice %arg3[%dma_wait3A_106, %dma_wait3A_107] : memref<10000x128xf32, #tpu.memory_space<hbm>> -> memref<10000x128xf32, #tpu.memory_space<hbm>>
        tpu.wait_indirect_dma semaphore(%arg17 : memref<!tpu.dma_semaphore, #tpu.memory_space<semaphore_mem>>) src(%dma_wait3A_108 : memref<10000x128xf32, #tpu.memory_space<hbm>>) dst(%arg12 : memref<100x128xf32, #tpu.memory_space<vmem>>)
        %dma_start3A_109 = arith.constant 0 : i32
        %dma_start3A_110 = arith.constant 0 : i32
        %dma_start3A_111 = tpu.memref_slice %arg9[%dma_start3A_109, %dma_start3A_110] : memref<10x100xi32, #tpu.memory_space<vmem>> -> memref<1x100xi32, #tpu.memory_space<vmem>>
        %dma_start3A_112 = tpu.memref_squeeze %dma_start3A_111 : memref<1x100xi32, #tpu.memory_space<vmem>> -> memref<100xi32, #tpu.memory_space<vmem>>
        %dma_start3A_113 = arith.constant 0 : i32
        %dma_start3A_114 = arith.constant 0 : i32
        %dma_start3A_115 = tpu.memref_slice %arg16[%dma_start3A_113, %dma_start3A_114] : memref<10240x128xf32, #tpu.memory_space<vmem_shared>> -> memref<10240x128xf32, #tpu.memory_space<vmem_shared>>
        tpu.enqueue_indirect_dma source(%arg12 : memref<100x128xf32, #tpu.memory_space<vmem>>) target(%dma_start3A_115 : memref<10240x128xf32, #tpu.memory_space<vmem_shared>>) offsets(%dma_start3A_112 : memref<100xi32, #tpu.memory_space<vmem>>) semaphore(%arg20 : memref<!tpu.dma_semaphore, #tpu.memory_space<semaphore_mem>>) {add = true}
        %dma_wait3A_116 = arith.constant 0 : i32
        %dma_wait3A_117 = arith.constant 0 : i32
        %dma_wait3A_118 = tpu.memref_slice %arg9[%dma_wait3A_116, %dma_wait3A_117] : memref<10x100xi32, #tpu.memory_space<vmem>> -> memref<1x100xi32, #tpu.memory_space<vmem>>
        %dma_wait3A_119 = tpu.memref_squeeze %dma_wait3A_118 : memref<1x100xi32, #tpu.memory_space<vmem>> -> memref<100xi32, #tpu.memory_space<vmem>>
        %dma_wait3A_120 = arith.constant 0 : i32
        %dma_wait3A_121 = arith.constant 0 : i32
        %dma_wait3A_122 = tpu.memref_slice %arg16[%dma_wait3A_120, %dma_wait3A_121] : memref<10240x128xf32, #tpu.memory_space<vmem_shared>> -> memref<10240x128xf32, #tpu.memory_space<vmem_shared>>
        tpu.wait_indirect_dma semaphore(%arg20 : memref<!tpu.dma_semaphore, #tpu.memory_space<semaphore_mem>>) src(%arg12 : memref<100x128xf32, #tpu.memory_space<vmem>>) dst(%dma_wait3A_122 : memref<10240x128xf32, #tpu.memory_space<vmem_shared>>)
        %dma_start3A_123 = arith.constant 3 : i32
        %dma_start3A_124 = arith.constant 0 : i32
        %dma_start3A_125 = tpu.memref_slice %arg8[%dma_start3A_123, %dma_start3A_124] : memref<10x100xi32, #tpu.memory_space<vmem>> -> memref<1x100xi32, #tpu.memory_space<vmem>>
        %dma_start3A_126 = tpu.memref_squeeze %dma_start3A_125 : memref<1x100xi32, #tpu.memory_space<vmem>> -> memref<100xi32, #tpu.memory_space<vmem>>
        %dma_start3A_127 = arith.constant 0 : i32
        %dma_start3A_128 = arith.constant 0 : i32
        %dma_start3A_129 = tpu.memref_slice %arg3[%dma_start3A_127, %dma_start3A_128] : memref<10000x128xf32, #tpu.memory_space<hbm>> -> memref<10000x128xf32, #tpu.memory_space<hbm>>
        tpu.enqueue_indirect_dma source(%dma_start3A_129 : memref<10000x128xf32, #tpu.memory_space<hbm>>) target(%arg12 : memref<100x128xf32, #tpu.memory_space<vmem>>) offsets(%dma_start3A_126 : memref<100xi32, #tpu.memory_space<vmem>>) semaphore(%arg17 : memref<!tpu.dma_semaphore, #tpu.memory_space<semaphore_mem>>)
        %dma_wait3A_130 = arith.constant 1 : i32
        %dma_wait3A_131 = arith.constant 0 : i32
        %dma_wait3A_132 = tpu.memref_slice %arg8[%dma_wait3A_130, %dma_wait3A_131] : memref<10x100xi32, #tpu.memory_space<vmem>> -> memref<1x100xi32, #tpu.memory_space<vmem>>
        %dma_wait3A_133 = tpu.memref_squeeze %dma_wait3A_132 : memref<1x100xi32, #tpu.memory_space<vmem>> -> memref<100xi32, #tpu.memory_space<vmem>>
        %dma_wait3A_134 = arith.constant 0 : i32
        %dma_wait3A_135 = arith.constant 0 : i32
        %dma_wait3A_136 = tpu.memref_slice %arg3[%dma_wait3A_134, %dma_wait3A_135] : memref<10000x128xf32, #tpu.memory_space<hbm>> -> memref<10000x128xf32, #tpu.memory_space<hbm>>
        tpu.wait_indirect_dma semaphore(%arg18 : memref<!tpu.dma_semaphore, #tpu.memory_space<semaphore_mem>>) src(%dma_wait3A_136 : memref<10000x128xf32, #tpu.memory_space<hbm>>) dst(%arg13 : memref<100x128xf32, #tpu.memory_space<vmem>>)
        %dma_start3A_137 = arith.constant 1 : i32
        %dma_start3A_138 = arith.constant 0 : i32
        %dma_start3A_139 = tpu.memref_slice %arg9[%dma_start3A_137, %dma_start3A_138] : memref<10x100xi32, #tpu.memory_space<vmem>> -> memref<1x100xi32, #tpu.memory_space<vmem>>
        %dma_start3A_140 = tpu.memref_squeeze %dma_start3A_139 : memref<1x100xi32, #tpu.memory_space<vmem>> -> memref<100xi32, #tpu.memory_space<vmem>>
        %dma_start3A_141 = arith.constant 0 : i32
        %dma_start3A_142 = arith.constant 0 : i32
        %dma_start3A_143 = tpu.memref_slice %arg16[%dma_start3A_141, %dma_start3A_142] : memref<10240x128xf32, #tpu.memory_space<vmem_shared>> -> memref<10240x128xf32, #tpu.memory_space<vmem_shared>>
        tpu.enqueue_indirect_dma source(%arg13 : memref<100x128xf32, #tpu.memory_space<vmem>>) target(%dma_start3A_143 : memref<10240x128xf32, #tpu.memory_space<vmem_shared>>) offsets(%dma_start3A_140 : memref<100xi32, #tpu.memory_space<vmem>>) semaphore(%arg21 : memref<!tpu.dma_semaphore, #tpu.memory_space<semaphore_mem>>) {add = true}
        %dma_wait3A_144 = arith.constant 1 : i32
        %dma_wait3A_145 = arith.constant 0 : i32
        %dma_wait3A_146 = tpu.memref_slice %arg9[%dma_wait3A_144, %dma_wait3A_145] : memref<10x100xi32, #tpu.memory_space<vmem>> -> memref<1x100xi32, #tpu.memory_space<vmem>>
        %dma_wait3A_147 = tpu.memref_squeeze %dma_wait3A_146 : memref<1x100xi32, #tpu.memory_space<vmem>> -> memref<100xi32, #tpu.memory_space<vmem>>
        %dma_wait3A_148 = arith.constant 0 : i32
        %dma_wait3A_149 = arith.constant 0 : i32
        %dma_wait3A_150 = tpu.memref_slice %arg16[%dma_wait3A_148, %dma_wait3A_149] : memref<10240x128xf32, #tpu.memory_space<vmem_shared>> -> memref<10240x128xf32, #tpu.memory_space<vmem_shared>>
        tpu.wait_indirect_dma semaphore(%arg21 : memref<!tpu.dma_semaphore, #tpu.memory_space<semaphore_mem>>) src(%arg13 : memref<100x128xf32, #tpu.memory_space<vmem>>) dst(%dma_wait3A_150 : memref<10240x128xf32, #tpu.memory_space<vmem_shared>>)
        %dma_start3A_151 = arith.constant 4 : i32
        %dma_start3A_152 = arith.constant 0 : i32
        %dma_start3A_153 = tpu.memref_slice %arg8[%dma_start3A_151, %dma_start3A_152] : memref<10x100xi32, #tpu.memory_space<vmem>> -> memref<1x100xi32, #tpu.memory_space<vmem>>
        %dma_start3A_154 = tpu.memref_squeeze %dma_start3A_153 : memref<1x100xi32, #tpu.memory_space<vmem>> -> memref<100xi32, #tpu.memory_space<vmem>>
        %dma_start3A_155 = arith.constant 0 : i32
        %dma_start3A_156 = arith.constant 0 : i32
        %dma_start3A_157 = tpu.memref_slice %arg3[%dma_start3A_155, %dma_start3A_156] : memref<10000x128xf32, #tpu.memory_space<hbm>> -> memref<10000x128xf32, #tpu.memory_space<hbm>>
        tpu.enqueue_indirect_dma source(%dma_start3A_157 : memref<10000x128xf32, #tpu.memory_space<hbm>>) target(%arg13 : memref<100x128xf32, #tpu.memory_space<vmem>>) offsets(%dma_start3A_154 : memref<100xi32, #tpu.memory_space<vmem>>) semaphore(%arg18 : memref<!tpu.dma_semaphore, #tpu.memory_space<semaphore_mem>>)
        %dma_wait3A_158 = arith.constant 2 : i32
        %dma_wait3A_159 = arith.constant 0 : i32
        %dma_wait3A_160 = tpu.memref_slice %arg8[%dma_wait3A_158, %dma_wait3A_159] : memref<10x100xi32, #tpu.memory_space<vmem>> -> memref<1x100xi32, #tpu.memory_space<vmem>>
        %dma_wait3A_161 = tpu.memref_squeeze %dma_wait3A_160 : memref<1x100xi32, #tpu.memory_space<vmem>> -> memref<100xi32, #tpu.memory_space<vmem>>
        %dma_wait3A_162 = arith.constant 0 : i32
        %dma_wait3A_163 = arith.constant 0 : i32
        %dma_wait3A_164 = tpu.memref_slice %arg3[%dma_wait3A_162, %dma_wait3A_163] : memref<10000x128xf32, #tpu.memory_space<hbm>> -> memref<10000x128xf32, #tpu.memory_space<hbm>>
        tpu.wait_indirect_dma semaphore(%arg19 : memref<!tpu.dma_semaphore, #tpu.memory_space<semaphore_mem>>) src(%dma_wait3A_164 : memref<10000x128xf32, #tpu.memory_space<hbm>>) dst(%arg14 : memref<100x128xf32, #tpu.memory_space<vmem>>)
        %dma_start3A_165 = arith.constant 2 : i32
        %dma_start3A_166 = arith.constant 0 : i32
        %dma_start3A_167 = tpu.memref_slice %arg9[%dma_start3A_165, %dma_start3A_166] : memref<10x100xi32, #tpu.memory_space<vmem>> -> memref<1x100xi32, #tpu.memory_space<vmem>>
        %dma_start3A_168 = tpu.memref_squeeze %dma_start3A_167 : memref<1x100xi32, #tpu.memory_space<vmem>> -> memref<100xi32, #tpu.memory_space<vmem>>
        %dma_start3A_169 = arith.constant 0 : i32
        %dma_start3A_170 = arith.constant 0 : i32
        %dma_start3A_171 = tpu.memref_slice %arg16[%dma_start3A_169, %dma_start3A_170] : memref<10240x128xf32, #tpu.memory_space<vmem_shared>> -> memref<10240x128xf32, #tpu.memory_space<vmem_shared>>
        tpu.enqueue_indirect_dma source(%arg14 : memref<100x128xf32, #tpu.memory_space<vmem>>) target(%dma_start3A_171 : memref<10240x128xf32, #tpu.memory_space<vmem_shared>>) offsets(%dma_start3A_168 : memref<100xi32, #tpu.memory_space<vmem>>) semaphore(%arg22 : memref<!tpu.dma_semaphore, #tpu.memory_space<semaphore_mem>>) {add = true}
        %dma_wait3A_172 = arith.constant 2 : i32
        %dma_wait3A_173 = arith.constant 0 : i32
        %dma_wait3A_174 = tpu.memref_slice %arg9[%dma_wait3A_172, %dma_wait3A_173] : memref<10x100xi32, #tpu.memory_space<vmem>> -> memref<1x100xi32, #tpu.memory_space<vmem>>
        %dma_wait3A_175 = tpu.memref_squeeze %dma_wait3A_174 : memref<1x100xi32, #tpu.memory_space<vmem>> -> memref<100xi32, #tpu.memory_space<vmem>>
        %dma_wait3A_176 = arith.constant 0 : i32
        %dma_wait3A_177 = arith.constant 0 : i32
        %dma_wait3A_178 = tpu.memref_slice %arg16[%dma_wait3A_176, %dma_wait3A_177] : memref<10240x128xf32, #tpu.memory_space<vmem_shared>> -> memref<10240x128xf32, #tpu.memory_space<vmem_shared>>
        tpu.wait_indirect_dma semaphore(%arg22 : memref<!tpu.dma_semaphore, #tpu.memory_space<semaphore_mem>>) src(%arg14 : memref<100x128xf32, #tpu.memory_space<vmem>>) dst(%dma_wait3A_178 : memref<10240x128xf32, #tpu.memory_space<vmem_shared>>)
        %dma_start3A_179 = arith.constant 5 : i32
        %dma_start3A_180 = arith.constant 0 : i32
        %dma_start3A_181 = tpu.memref_slice %arg8[%dma_start3A_179, %dma_start3A_180] : memref<10x100xi32, #tpu.memory_space<vmem>> -> memref<1x100xi32, #tpu.memory_space<vmem>>
        %dma_start3A_182 = tpu.memref_squeeze %dma_start3A_181 : memref<1x100xi32, #tpu.memory_space<vmem>> -> memref<100xi32, #tpu.memory_space<vmem>>
        %dma_start3A_183 = arith.constant 0 : i32
        %dma_start3A_184 = arith.constant 0 : i32
        %dma_start3A_185 = tpu.memref_slice %arg3[%dma_start3A_183, %dma_start3A_184] : memref<10000x128xf32, #tpu.memory_space<hbm>> -> memref<10000x128xf32, #tpu.memory_space<hbm>>
        tpu.enqueue_indirect_dma source(%dma_start3A_185 : memref<10000x128xf32, #tpu.memory_space<hbm>>) target(%arg14 : memref<100x128xf32, #tpu.memory_space<vmem>>) offsets(%dma_start3A_182 : memref<100xi32, #tpu.memory_space<vmem>>) semaphore(%arg19 : memref<!tpu.dma_semaphore, #tpu.memory_space<semaphore_mem>>)
        %dma_wait3A_186 = arith.constant 3 : i32
        %dma_wait3A_187 = arith.constant 0 : i32
        %dma_wait3A_188 = tpu.memref_slice %arg8[%dma_wait3A_186, %dma_wait3A_187] : memref<10x100xi32, #tpu.memory_space<vmem>> -> memref<1x100xi32, #tpu.memory_space<vmem>>
        %dma_wait3A_189 = tpu.memref_squeeze %dma_wait3A_188 : memref<1x100xi32, #tpu.memory_space<vmem>> -> memref<100xi32, #tpu.memory_space<vmem>>
        %dma_wait3A_190 = arith.constant 0 : i32
        %dma_wait3A_191 = arith.constant 0 : i32
        %dma_wait3A_192 = tpu.memref_slice %arg3[%dma_wait3A_190, %dma_wait3A_191] : memref<10000x128xf32, #tpu.memory_space<hbm>> -> memref<10000x128xf32, #tpu.memory_space<hbm>>
        tpu.wait_indirect_dma semaphore(%arg17 : memref<!tpu.dma_semaphore, #tpu.memory_space<semaphore_mem>>) src(%dma_wait3A_192 : memref<10000x128xf32, #tpu.memory_space<hbm>>) dst(%arg12 : memref<100x128xf32, #tpu.memory_space<vmem>>)
        %dma_start3A_193 = arith.constant 3 : i32
        %dma_start3A_194 = arith.constant 0 : i32
        %dma_start3A_195 = tpu.memref_slice %arg9[%dma_start3A_193, %dma_start3A_194] : memref<10x100xi32, #tpu.memory_space<vmem>> -> memref<1x100xi32, #tpu.memory_space<vmem>>
        %dma_start3A_196 = tpu.memref_squeeze %dma_start3A_195 : memref<1x100xi32, #tpu.memory_space<vmem>> -> memref<100xi32, #tpu.memory_space<vmem>>
        %dma_start3A_197 = arith.constant 0 : i32
        %dma_start3A_198 = arith.constant 0 : i32
        %dma_start3A_199 = tpu.memref_slice %arg16[%dma_start3A_197, %dma_start3A_198] : memref<10240x128xf32, #tpu.memory_space<vmem_shared>> -> memref<10240x128xf32, #tpu.memory_space<vmem_shared>>
        tpu.enqueue_indirect_dma source(%arg12 : memref<100x128xf32, #tpu.memory_space<vmem>>) target(%dma_start3A_199 : memref<10240x128xf32, #tpu.memory_space<vmem_shared>>) offsets(%dma_start3A_196 : memref<100xi32, #tpu.memory_space<vmem>>) semaphore(%arg20 : memref<!tpu.dma_semaphore, #tpu.memory_space<semaphore_mem>>) {add = true}
        %dma_wait3A_200 = arith.constant 3 : i32
        %dma_wait3A_201 = arith.constant 0 : i32
        %dma_wait3A_202 = tpu.memref_slice %arg9[%dma_wait3A_200, %dma_wait3A_201] : memref<10x100xi32, #tpu.memory_space<vmem>> -> memref<1x100xi32, #tpu.memory_space<vmem>>
        %dma_wait3A_203 = tpu.memref_squeeze %dma_wait3A_202 : memref<1x100xi32, #tpu.memory_space<vmem>> -> memref<100xi32, #tpu.memory_space<vmem>>
        %dma_wait3A_204 = arith.constant 0 : i32
        %dma_wait3A_205 = arith.constant 0 : i32
        %dma_wait3A_206 = tpu.memref_slice %arg16[%dma_wait3A_204, %dma_wait3A_205] : memref<10240x128xf32, #tpu.memory_space<vmem_shared>> -> memref<10240x128xf32, #tpu.memory_space<vmem_shared>>
        tpu.wait_indirect_dma semaphore(%arg20 : memref<!tpu.dma_semaphore, #tpu.memory_space<semaphore_mem>>) src(%arg12 : memref<100x128xf32, #tpu.memory_space<vmem>>) dst(%dma_wait3A_206 : memref<10240x128xf32, #tpu.memory_space<vmem_shared>>)
        %dma_start3A_207 = arith.constant 6 : i32
        %dma_start3A_208 = arith.constant 0 : i32
        %dma_start3A_209 = tpu.memref_slice %arg8[%dma_start3A_207, %dma_start3A_208] : memref<10x100xi32, #tpu.memory_space<vmem>> -> memref<1x100xi32, #tpu.memory_space<vmem>>
        %dma_start3A_210 = tpu.memref_squeeze %dma_start3A_209 : memref<1x100xi32, #tpu.memory_space<vmem>> -> memref<100xi32, #tpu.memory_space<vmem>>
        %dma_start3A_211 = arith.constant 0 : i32
        %dma_start3A_212 = arith.constant 0 : i32
        %dma_start3A_213 = tpu.memref_slice %arg3[%dma_start3A_211, %dma_start3A_212] : memref<10000x128xf32, #tpu.memory_space<hbm>> -> memref<10000x128xf32, #tpu.memory_space<hbm>>
        tpu.enqueue_indirect_dma source(%dma_start3A_213 : memref<10000x128xf32, #tpu.memory_space<hbm>>) target(%arg12 : memref<100x128xf32, #tpu.memory_space<vmem>>) offsets(%dma_start3A_210 : memref<100xi32, #tpu.memory_space<vmem>>) semaphore(%arg17 : memref<!tpu.dma_semaphore, #tpu.memory_space<semaphore_mem>>)
        %dma_wait3A_214 = arith.constant 4 : i32
        %dma_wait3A_215 = arith.constant 0 : i32
        %dma_wait3A_216 = tpu.memref_slice %arg8[%dma_wait3A_214, %dma_wait3A_215] : memref<10x100xi32, #tpu.memory_space<vmem>> -> memref<1x100xi32, #tpu.memory_space<vmem>>
        %dma_wait3A_217 = tpu.memref_squeeze %dma_wait3A_216 : memref<1x100xi32, #tpu.memory_space<vmem>> -> memref<100xi32, #tpu.memory_space<vmem>>
        %dma_wait3A_218 = arith.constant 0 : i32
        %dma_wait3A_219 = arith.constant 0 : i32
        %dma_wait3A_220 = tpu.memref_slice %arg3[%dma_wait3A_218, %dma_wait3A_219] : memref<10000x128xf32, #tpu.memory_space<hbm>> -> memref<10000x128xf32, #tpu.memory_space<hbm>>
        tpu.wait_indirect_dma semaphore(%arg18 : memref<!tpu.dma_semaphore, #tpu.memory_space<semaphore_mem>>) src(%dma_wait3A_220 : memref<10000x128xf32, #tpu.memory_space<hbm>>) dst(%arg13 : memref<100x128xf32, #tpu.memory_space<vmem>>)
        %dma_start3A_221 = arith.constant 4 : i32
        %dma_start3A_222 = arith.constant 0 : i32
        %dma_start3A_223 = tpu.memref_slice %arg9[%dma_start3A_221, %dma_start3A_222] : memref<10x100xi32, #tpu.memory_space<vmem>> -> memref<1x100xi32, #tpu.memory_space<vmem>>
        %dma_start3A_224 = tpu.memref_squeeze %dma_start3A_223 : memref<1x100xi32, #tpu.memory_space<vmem>> -> memref<100xi32, #tpu.memory_space<vmem>>
        %dma_start3A_225 = arith.constant 0 : i32
        %dma_start3A_226 = arith.constant 0 : i32
        %dma_start3A_227 = tpu.memref_slice %arg16[%dma_start3A_225, %dma_start3A_226] : memref<10240x128xf32, #tpu.memory_space<vmem_shared>> -> memref<10240x128xf32, #tpu.memory_space<vmem_shared>>
        tpu.enqueue_indirect_dma source(%arg13 : memref<100x128xf32, #tpu.memory_space<vmem>>) target(%dma_start3A_227 : memref<10240x128xf32, #tpu.memory_space<vmem_shared>>) offsets(%dma_start3A_224 : memref<100xi32, #tpu.memory_space<vmem>>) semaphore(%arg21 : memref<!tpu.dma_semaphore, #tpu.memory_space<semaphore_mem>>) {add = true}
        %dma_wait3A_228 = arith.constant 4 : i32
        %dma_wait3A_229 = arith.constant 0 : i32
        %dma_wait3A_230 = tpu.memref_slice %arg9[%dma_wait3A_228, %dma_wait3A_229] : memref<10x100xi32, #tpu.memory_space<vmem>> -> memref<1x100xi32, #tpu.memory_space<vmem>>
        %dma_wait3A_231 = tpu.memref_squeeze %dma_wait3A_230 : memref<1x100xi32, #tpu.memory_space<vmem>> -> memref<100xi32, #tpu.memory_space<vmem>>
        %dma_wait3A_232 = arith.constant 0 : i32
        %dma_wait3A_233 = arith.constant 0 : i32
        %dma_wait3A_234 = tpu.memref_slice %arg16[%dma_wait3A_232, %dma_wait3A_233] : memref<10240x128xf32, #tpu.memory_space<vmem_shared>> -> memref<10240x128xf32, #tpu.memory_space<vmem_shared>>
        tpu.wait_indirect_dma semaphore(%arg21 : memref<!tpu.dma_semaphore, #tpu.memory_space<semaphore_mem>>) src(%arg13 : memref<100x128xf32, #tpu.memory_space<vmem>>) dst(%dma_wait3A_234 : memref<10240x128xf32, #tpu.memory_space<vmem_shared>>)
        %dma_start3A_235 = arith.constant 7 : i32
        %dma_start3A_236 = arith.constant 0 : i32
        %dma_start3A_237 = tpu.memref_slice %arg8[%dma_start3A_235, %dma_start3A_236] : memref<10x100xi32, #tpu.memory_space<vmem>> -> memref<1x100xi32, #tpu.memory_space<vmem>>
        %dma_start3A_238 = tpu.memref_squeeze %dma_start3A_237 : memref<1x100xi32, #tpu.memory_space<vmem>> -> memref<100xi32, #tpu.memory_space<vmem>>
        %dma_start3A_239 = arith.constant 0 : i32
        %dma_start3A_240 = arith.constant 0 : i32
        %dma_start3A_241 = tpu.memref_slice %arg3[%dma_start3A_239, %dma_start3A_240] : memref<10000x128xf32, #tpu.memory_space<hbm>> -> memref<10000x128xf32, #tpu.memory_space<hbm>>
        tpu.enqueue_indirect_dma source(%dma_start3A_241 : memref<10000x128xf32, #tpu.memory_space<hbm>>) target(%arg13 : memref<100x128xf32, #tpu.memory_space<vmem>>) offsets(%dma_start3A_238 : memref<100xi32, #tpu.memory_space<vmem>>) semaphore(%arg18 : memref<!tpu.dma_semaphore, #tpu.memory_space<semaphore_mem>>)
        %dma_wait3A_242 = arith.constant 5 : i32
        %dma_wait3A_243 = arith.constant 0 : i32
        %dma_wait3A_244 = tpu.memref_slice %arg8[%dma_wait3A_242, %dma_wait3A_243] : memref<10x100xi32, #tpu.memory_space<vmem>> -> memref<1x100xi32, #tpu.memory_space<vmem>>
        %dma_wait3A_245 = tpu.memref_squeeze %dma_wait3A_244 : memref<1x100xi32, #tpu.memory_space<vmem>> -> memref<100xi32, #tpu.memory_space<vmem>>
        %dma_wait3A_246 = arith.constant 0 : i32
        %dma_wait3A_247 = arith.constant 0 : i32
        %dma_wait3A_248 = tpu.memref_slice %arg3[%dma_wait3A_246, %dma_wait3A_247] : memref<10000x128xf32, #tpu.memory_space<hbm>> -> memref<10000x128xf32, #tpu.memory_space<hbm>>
        tpu.wait_indirect_dma semaphore(%arg19 : memref<!tpu.dma_semaphore, #tpu.memory_space<semaphore_mem>>) src(%dma_wait3A_248 : memref<10000x128xf32, #tpu.memory_space<hbm>>) dst(%arg14 : memref<100x128xf32, #tpu.memory_space<vmem>>)
        %dma_start3A_249 = arith.constant 5 : i32
        %dma_start3A_250 = arith.constant 0 : i32
        %dma_start3A_251 = tpu.memref_slice %arg9[%dma_start3A_249, %dma_start3A_250] : memref<10x100xi32, #tpu.memory_space<vmem>> -> memref<1x100xi32, #tpu.memory_space<vmem>>
        %dma_start3A_252 = tpu.memref_squeeze %dma_start3A_251 : memref<1x100xi32, #tpu.memory_space<vmem>> -> memref<100xi32, #tpu.memory_space<vmem>>
        %dma_start3A_253 = arith.constant 0 : i32
        %dma_start3A_254 = arith.constant 0 : i32
        %dma_start3A_255 = tpu.memref_slice %arg16[%dma_start3A_253, %dma_start3A_254] : memref<10240x128xf32, #tpu.memory_space<vmem_shared>> -> memref<10240x128xf32, #tpu.memory_space<vmem_shared>>
        tpu.enqueue_indirect_dma source(%arg14 : memref<100x128xf32, #tpu.memory_space<vmem>>) target(%dma_start3A_255 : memref<10240x128xf32, #tpu.memory_space<vmem_shared>>) offsets(%dma_start3A_252 : memref<100xi32, #tpu.memory_space<vmem>>) semaphore(%arg22 : memref<!tpu.dma_semaphore, #tpu.memory_space<semaphore_mem>>) {add = true}
        %dma_wait3A_256 = arith.constant 5 : i32
        %dma_wait3A_257 = arith.constant 0 : i32
        %dma_wait3A_258 = tpu.memref_slice %arg9[%dma_wait3A_256, %dma_wait3A_257] : memref<10x100xi32, #tpu.memory_space<vmem>> -> memref<1x100xi32, #tpu.memory_space<vmem>>
        %dma_wait3A_259 = tpu.memref_squeeze %dma_wait3A_258 : memref<1x100xi32, #tpu.memory_space<vmem>> -> memref<100xi32, #tpu.memory_space<vmem>>
        %dma_wait3A_260 = arith.constant 0 : i32
        %dma_wait3A_261 = arith.constant 0 : i32
        %dma_wait3A_262 = tpu.memref_slice %arg16[%dma_wait3A_260, %dma_wait3A_261] : memref<10240x128xf32, #tpu.memory_space<vmem_shared>> -> memref<10240x128xf32, #tpu.memory_space<vmem_shared>>
        tpu.wait_indirect_dma semaphore(%arg22 : memref<!tpu.dma_semaphore, #tpu.memory_space<semaphore_mem>>) src(%arg14 : memref<100x128xf32, #tpu.memory_space<vmem>>) dst(%dma_wait3A_262 : memref<10240x128xf32, #tpu.memory_space<vmem_shared>>)
        %dma_start3A_263 = arith.constant 8 : i32
        %dma_start3A_264 = arith.constant 0 : i32
        %dma_start3A_265 = tpu.memref_slice %arg8[%dma_start3A_263, %dma_start3A_264] : memref<10x100xi32, #tpu.memory_space<vmem>> -> memref<1x100xi32, #tpu.memory_space<vmem>>
        %dma_start3A_266 = tpu.memref_squeeze %dma_start3A_265 : memref<1x100xi32, #tpu.memory_space<vmem>> -> memref<100xi32, #tpu.memory_space<vmem>>
        %dma_start3A_267 = arith.constant 0 : i32
        %dma_start3A_268 = arith.constant 0 : i32
        %dma_start3A_269 = tpu.memref_slice %arg3[%dma_start3A_267, %dma_start3A_268] : memref<10000x128xf32, #tpu.memory_space<hbm>> -> memref<10000x128xf32, #tpu.memory_space<hbm>>
        tpu.enqueue_indirect_dma source(%dma_start3A_269 : memref<10000x128xf32, #tpu.memory_space<hbm>>) target(%arg14 : memref<100x128xf32, #tpu.memory_space<vmem>>) offsets(%dma_start3A_266 : memref<100xi32, #tpu.memory_space<vmem>>) semaphore(%arg19 : memref<!tpu.dma_semaphore, #tpu.memory_space<semaphore_mem>>)
        %dma_wait3A_270 = arith.constant 6 : i32
        %dma_wait3A_271 = arith.constant 0 : i32
        %dma_wait3A_272 = tpu.memref_slice %arg8[%dma_wait3A_270, %dma_wait3A_271] : memref<10x100xi32, #tpu.memory_space<vmem>> -> memref<1x100xi32, #tpu.memory_space<vmem>>
        %dma_wait3A_273 = tpu.memref_squeeze %dma_wait3A_272 : memref<1x100xi32, #tpu.memory_space<vmem>> -> memref<100xi32, #tpu.memory_space<vmem>>
        %dma_wait3A_274 = arith.constant 0 : i32
        %dma_wait3A_275 = arith.constant 0 : i32
        %dma_wait3A_276 = tpu.memref_slice %arg3[%dma_wait3A_274, %dma_wait3A_275] : memref<10000x128xf32, #tpu.memory_space<hbm>> -> memref<10000x128xf32, #tpu.memory_space<hbm>>
        tpu.wait_indirect_dma semaphore(%arg17 : memref<!tpu.dma_semaphore, #tpu.memory_space<semaphore_mem>>) src(%dma_wait3A_276 : memref<10000x128xf32, #tpu.memory_space<hbm>>) dst(%arg12 : memref<100x128xf32, #tpu.memory_space<vmem>>)
        %dma_start3A_277 = arith.constant 6 : i32
        %dma_start3A_278 = arith.constant 0 : i32
        %dma_start3A_279 = tpu.memref_slice %arg9[%dma_start3A_277, %dma_start3A_278] : memref<10x100xi32, #tpu.memory_space<vmem>> -> memref<1x100xi32, #tpu.memory_space<vmem>>
        %dma_start3A_280 = tpu.memref_squeeze %dma_start3A_279 : memref<1x100xi32, #tpu.memory_space<vmem>> -> memref<100xi32, #tpu.memory_space<vmem>>
        %dma_start3A_281 = arith.constant 0 : i32
        %dma_start3A_282 = arith.constant 0 : i32
        %dma_start3A_283 = tpu.memref_slice %arg16[%dma_start3A_281, %dma_start3A_282] : memref<10240x128xf32, #tpu.memory_space<vmem_shared>> -> memref<10240x128xf32, #tpu.memory_space<vmem_shared>>
        tpu.enqueue_indirect_dma source(%arg12 : memref<100x128xf32, #tpu.memory_space<vmem>>) target(%dma_start3A_283 : memref<10240x128xf32, #tpu.memory_space<vmem_shared>>) offsets(%dma_start3A_280 : memref<100xi32, #tpu.memory_space<vmem>>) semaphore(%arg20 : memref<!tpu.dma_semaphore, #tpu.memory_space<semaphore_mem>>) {add = true}
        %dma_wait3A_284 = arith.constant 6 : i32
        %dma_wait3A_285 = arith.constant 0 : i32
        %dma_wait3A_286 = tpu.memref_slice %arg9[%dma_wait3A_284, %dma_wait3A_285] : memref<10x100xi32, #tpu.memory_space<vmem>> -> memref<1x100xi32, #tpu.memory_space<vmem>>
        %dma_wait3A_287 = tpu.memref_squeeze %dma_wait3A_286 : memref<1x100xi32, #tpu.memory_space<vmem>> -> memref<100xi32, #tpu.memory_space<vmem>>
        %dma_wait3A_288 = arith.constant 0 : i32
        %dma_wait3A_289 = arith.constant 0 : i32
        %dma_wait3A_290 = tpu.memref_slice %arg16[%dma_wait3A_288, %dma_wait3A_289] : memref<10240x128xf32, #tpu.memory_space<vmem_shared>> -> memref<10240x128xf32, #tpu.memory_space<vmem_shared>>
        tpu.wait_indirect_dma semaphore(%arg20 : memref<!tpu.dma_semaphore, #tpu.memory_space<semaphore_mem>>) src(%arg12 : memref<100x128xf32, #tpu.memory_space<vmem>>) dst(%dma_wait3A_290 : memref<10240x128xf32, #tpu.memory_space<vmem_shared>>)
        %dma_start3A_291 = arith.constant 9 : i32
        %dma_start3A_292 = arith.constant 0 : i32
        %dma_start3A_293 = tpu.memref_slice %arg8[%dma_start3A_291, %dma_start3A_292] : memref<10x100xi32, #tpu.memory_space<vmem>> -> memref<1x100xi32, #tpu.memory_space<vmem>>
        %dma_start3A_294 = tpu.memref_squeeze %dma_start3A_293 : memref<1x100xi32, #tpu.memory_space<vmem>> -> memref<100xi32, #tpu.memory_space<vmem>>
        %dma_start3A_295 = arith.constant 0 : i32
        %dma_start3A_296 = arith.constant 0 : i32
        %dma_start3A_297 = tpu.memref_slice %arg3[%dma_start3A_295, %dma_start3A_296] : memref<10000x128xf32, #tpu.memory_space<hbm>> -> memref<10000x128xf32, #tpu.memory_space<hbm>>
        tpu.enqueue_indirect_dma source(%dma_start3A_297 : memref<10000x128xf32, #tpu.memory_space<hbm>>) target(%arg12 : memref<100x128xf32, #tpu.memory_space<vmem>>) offsets(%dma_start3A_294 : memref<100xi32, #tpu.memory_space<vmem>>) semaphore(%arg17 : memref<!tpu.dma_semaphore, #tpu.memory_space<semaphore_mem>>)
        %dma_wait3A_298 = arith.constant 7 : i32
        %dma_wait3A_299 = arith.constant 0 : i32
        %dma_wait3A_300 = tpu.memref_slice %arg8[%dma_wait3A_298, %dma_wait3A_299] : memref<10x100xi32, #tpu.memory_space<vmem>> -> memref<1x100xi32, #tpu.memory_space<vmem>>
        %dma_wait3A_301 = tpu.memref_squeeze %dma_wait3A_300 : memref<1x100xi32, #tpu.memory_space<vmem>> -> memref<100xi32, #tpu.memory_space<vmem>>
        %dma_wait3A_302 = arith.constant 0 : i32
        %dma_wait3A_303 = arith.constant 0 : i32
        %dma_wait3A_304 = tpu.memref_slice %arg3[%dma_wait3A_302, %dma_wait3A_303] : memref<10000x128xf32, #tpu.memory_space<hbm>> -> memref<10000x128xf32, #tpu.memory_space<hbm>>
        tpu.wait_indirect_dma semaphore(%arg18 : memref<!tpu.dma_semaphore, #tpu.memory_space<semaphore_mem>>) src(%dma_wait3A_304 : memref<10000x128xf32, #tpu.memory_space<hbm>>) dst(%arg13 : memref<100x128xf32, #tpu.memory_space<vmem>>)
        %dma_start3A_305 = arith.constant 7 : i32
        %dma_start3A_306 = arith.constant 0 : i32
        %dma_start3A_307 = tpu.memref_slice %arg9[%dma_start3A_305, %dma_start3A_306] : memref<10x100xi32, #tpu.memory_space<vmem>> -> memref<1x100xi32, #tpu.memory_space<vmem>>
        %dma_start3A_308 = tpu.memref_squeeze %dma_start3A_307 : memref<1x100xi32, #tpu.memory_space<vmem>> -> memref<100xi32, #tpu.memory_space<vmem>>
        %dma_start3A_309 = arith.constant 0 : i32
        %dma_start3A_310 = arith.constant 0 : i32
        %dma_start3A_311 = tpu.memref_slice %arg16[%dma_start3A_309, %dma_start3A_310] : memref<10240x128xf32, #tpu.memory_space<vmem_shared>> -> memref<10240x128xf32, #tpu.memory_space<vmem_shared>>
        tpu.enqueue_indirect_dma source(%arg13 : memref<100x128xf32, #tpu.memory_space<vmem>>) target(%dma_start3A_311 : memref<10240x128xf32, #tpu.memory_space<vmem_shared>>) offsets(%dma_start3A_308 : memref<100xi32, #tpu.memory_space<vmem>>) semaphore(%arg21 : memref<!tpu.dma_semaphore, #tpu.memory_space<semaphore_mem>>) {add = true}
        %dma_wait3A_312 = arith.constant 8 : i32
        %dma_wait3A_313 = arith.constant 0 : i32
        %dma_wait3A_314 = tpu.memref_slice %arg8[%dma_wait3A_312, %dma_wait3A_313] : memref<10x100xi32, #tpu.memory_space<vmem>> -> memref<1x100xi32, #tpu.memory_space<vmem>>
        %dma_wait3A_315 = tpu.memref_squeeze %dma_wait3A_314 : memref<1x100xi32, #tpu.memory_space<vmem>> -> memref<100xi32, #tpu.memory_space<vmem>>
        %dma_wait3A_316 = arith.constant 0 : i32
        %dma_wait3A_317 = arith.constant 0 : i32
        %dma_wait3A_318 = tpu.memref_slice %arg3[%dma_wait3A_316, %dma_wait3A_317] : memref<10000x128xf32, #tpu.memory_space<hbm>> -> memref<10000x128xf32, #tpu.memory_space<hbm>>
        tpu.wait_indirect_dma semaphore(%arg19 : memref<!tpu.dma_semaphore, #tpu.memory_space<semaphore_mem>>) src(%dma_wait3A_318 : memref<10000x128xf32, #tpu.memory_space<hbm>>) dst(%arg14 : memref<100x128xf32, #tpu.memory_space<vmem>>)
        %dma_start3A_319 = arith.constant 8 : i32
        %dma_start3A_320 = arith.constant 0 : i32
        %dma_start3A_321 = tpu.memref_slice %arg9[%dma_start3A_319, %dma_start3A_320] : memref<10x100xi32, #tpu.memory_space<vmem>> -> memref<1x100xi32, #tpu.memory_space<vmem>>
        %dma_start3A_322 = tpu.memref_squeeze %dma_start3A_321 : memref<1x100xi32, #tpu.memory_space<vmem>> -> memref<100xi32, #tpu.memory_space<vmem>>
        %dma_start3A_323 = arith.constant 0 : i32
        %dma_start3A_324 = arith.constant 0 : i32
        %dma_start3A_325 = tpu.memref_slice %arg16[%dma_start3A_323, %dma_start3A_324] : memref<10240x128xf32, #tpu.memory_space<vmem_shared>> -> memref<10240x128xf32, #tpu.memory_space<vmem_shared>>
        tpu.enqueue_indirect_dma source(%arg14 : memref<100x128xf32, #tpu.memory_space<vmem>>) target(%dma_start3A_325 : memref<10240x128xf32, #tpu.memory_space<vmem_shared>>) offsets(%dma_start3A_322 : memref<100xi32, #tpu.memory_space<vmem>>) semaphore(%arg22 : memref<!tpu.dma_semaphore, #tpu.memory_space<semaphore_mem>>) {add = true}
        %dma_wait3A_326 = arith.constant 9 : i32
        %dma_wait3A_327 = arith.constant 0 : i32
        %dma_wait3A_328 = tpu.memref_slice %arg8[%dma_wait3A_326, %dma_wait3A_327] : memref<10x100xi32, #tpu.memory_space<vmem>> -> memref<1x100xi32, #tpu.memory_space<vmem>>
        %dma_wait3A_329 = tpu.memref_squeeze %dma_wait3A_328 : memref<1x100xi32, #tpu.memory_space<vmem>> -> memref<100xi32, #tpu.memory_space<vmem>>
        %dma_wait3A_330 = arith.constant 0 : i32
        %dma_wait3A_331 = arith.constant 0 : i32
        %dma_wait3A_332 = tpu.memref_slice %arg3[%dma_wait3A_330, %dma_wait3A_331] : memref<10000x128xf32, #tpu.memory_space<hbm>> -> memref<10000x128xf32, #tpu.memory_space<hbm>>
        tpu.wait_indirect_dma semaphore(%arg17 : memref<!tpu.dma_semaphore, #tpu.memory_space<semaphore_mem>>) src(%dma_wait3A_332 : memref<10000x128xf32, #tpu.memory_space<hbm>>) dst(%arg12 : memref<100x128xf32, #tpu.memory_space<vmem>>)
        %dma_start3A_333 = arith.constant 9 : i32
        %dma_start3A_334 = arith.constant 0 : i32
        %dma_start3A_335 = tpu.memref_slice %arg9[%dma_start3A_333, %dma_start3A_334] : memref<10x100xi32, #tpu.memory_space<vmem>> -> memref<1x100xi32, #tpu.memory_space<vmem>>
        %dma_start3A_336 = tpu.memref_squeeze %dma_start3A_335 : memref<1x100xi32, #tpu.memory_space<vmem>> -> memref<100xi32, #tpu.memory_space<vmem>>
        %dma_start3A_337 = arith.constant 0 : i32
        %dma_start3A_338 = arith.constant 0 : i32
        %dma_start3A_339 = tpu.memref_slice %arg16[%dma_start3A_337, %dma_start3A_338] : memref<10240x128xf32, #tpu.memory_space<vmem_shared>> -> memref<10240x128xf32, #tpu.memory_space<vmem_shared>>
        tpu.enqueue_indirect_dma source(%arg12 : memref<100x128xf32, #tpu.memory_space<vmem>>) target(%dma_start3A_339 : memref<10240x128xf32, #tpu.memory_space<vmem_shared>>) offsets(%dma_start3A_336 : memref<100xi32, #tpu.memory_space<vmem>>) semaphore(%arg20 : memref<!tpu.dma_semaphore, #tpu.memory_space<semaphore_mem>>) {add = true}
        %dma_wait3A_340 = arith.constant 9 : i32
        %dma_wait3A_341 = arith.constant 0 : i32
        %dma_wait3A_342 = tpu.memref_slice %arg9[%dma_wait3A_340, %dma_wait3A_341] : memref<10x100xi32, #tpu.memory_space<vmem>> -> memref<1x100xi32, #tpu.memory_space<vmem>>
        %dma_wait3A_343 = tpu.memref_squeeze %dma_wait3A_342 : memref<1x100xi32, #tpu.memory_space<vmem>> -> memref<100xi32, #tpu.memory_space<vmem>>
        %dma_wait3A_344 = arith.constant 0 : i32
        %dma_wait3A_345 = arith.constant 0 : i32
        %dma_wait3A_346 = tpu.memref_slice %arg16[%dma_wait3A_344, %dma_wait3A_345] : memref<10240x128xf32, #tpu.memory_space<vmem_shared>> -> memref<10240x128xf32, #tpu.memory_space<vmem_shared>>
        tpu.wait_indirect_dma semaphore(%arg20 : memref<!tpu.dma_semaphore, #tpu.memory_space<semaphore_mem>>) src(%arg12 : memref<100x128xf32, #tpu.memory_space<vmem>>) dst(%dma_wait3A_346 : memref<10240x128xf32, #tpu.memory_space<vmem_shared>>)
        %dma_wait3A_347 = arith.constant 7 : i32
        %dma_wait3A_348 = arith.constant 0 : i32
        %dma_wait3A_349 = tpu.memref_slice %arg9[%dma_wait3A_347, %dma_wait3A_348] : memref<10x100xi32, #tpu.memory_space<vmem>> -> memref<1x100xi32, #tpu.memory_space<vmem>>
        %dma_wait3A_350 = tpu.memref_squeeze %dma_wait3A_349 : memref<1x100xi32, #tpu.memory_space<vmem>> -> memref<100xi32, #tpu.memory_space<vmem>>
        %dma_wait3A_351 = arith.constant 0 : i32
        %dma_wait3A_352 = arith.constant 0 : i32
        %dma_wait3A_353 = tpu.memref_slice %arg16[%dma_wait3A_351, %dma_wait3A_352] : memref<10240x128xf32, #tpu.memory_space<vmem_shared>> -> memref<10240x128xf32, #tpu.memory_space<vmem_shared>>
        tpu.wait_indirect_dma semaphore(%arg21 : memref<!tpu.dma_semaphore, #tpu.memory_space<semaphore_mem>>) src(%arg13 : memref<100x128xf32, #tpu.memory_space<vmem>>) dst(%dma_wait3A_353 : memref<10240x128xf32, #tpu.memory_space<vmem_shared>>)
        %dma_wait3A_354 = arith.constant 8 : i32
        %dma_wait3A_355 = arith.constant 0 : i32
        %dma_wait3A_356 = tpu.memref_slice %arg9[%dma_wait3A_354, %dma_wait3A_355] : memref<10x100xi32, #tpu.memory_space<vmem>> -> memref<1x100xi32, #tpu.memory_space<vmem>>
        %dma_wait3A_357 = tpu.memref_squeeze %dma_wait3A_356 : memref<1x100xi32, #tpu.memory_space<vmem>> -> memref<100xi32, #tpu.memory_space<vmem>>
        %dma_wait3A_358 = arith.constant 0 : i32
        %dma_wait3A_359 = arith.constant 0 : i32
        %dma_wait3A_360 = tpu.memref_slice %arg16[%dma_wait3A_358, %dma_wait3A_359] : memref<10240x128xf32, #tpu.memory_space<vmem_shared>> -> memref<10240x128xf32, #tpu.memory_space<vmem_shared>>
        tpu.wait_indirect_dma semaphore(%arg22 : memref<!tpu.dma_semaphore, #tpu.memory_space<semaphore_mem>>) src(%arg14 : memref<100x128xf32, #tpu.memory_space<vmem>>) dst(%dma_wait3A_360 : memref<10240x128xf32, #tpu.memory_space<vmem_shared>>)
        %add3A_361 = arith.constant 2 : i32
        %add3A_362 = arith.addi %mul3A_48, %add3A_361 : i32
        %lt3A = arith.constant 10 : i32
        %lt3A_363 = arith.cmpi slt, %add3A_362, %lt3A : i32
        %convert_element_type3A_364 = arith.extui %lt3A_363 : i1 to i32
        %cond3A_365 = arith.constant 0 : i32
        %cond3A_366 = arith.cmpi ne, %convert_element_type3A_364, %cond3A_365 : i32
        scf.if %cond3A_366 {
          %add3A_663 = arith.constant 2 : i32
          %add3A_664 = arith.addi %mul3A_48, %add3A_663 : i32
          %dma_start3A_665 = arith.constant 0 : i32
          %dma_start3A_666 = arith.constant 0 : i32
          %dma_start3A_667 = tpu.memref_slice %arg4[%arg1, %add3A_664, %dma_start3A_665, %dma_start3A_666] : memref<16x10x10x100xi32, #tpu.memory_space<hbm>> -> memref<1x1x10x100xi32, #tpu.memory_space<hbm>>
          %dma_start3A_668 = tpu.memref_squeeze %dma_start3A_667 : memref<1x1x10x100xi32, #tpu.memory_space<hbm>> -> memref<10x100xi32, #tpu.memory_space<hbm>>
          %dma_start3A_669 = arith.constant 0 : i32
          %dma_start3A_670 = arith.constant 0 : i32
          %dma_start3A_671 = tpu.memref_slice %arg4[%arg1, %add3A_664, %dma_start3A_669, %dma_start3A_670] : memref<16x10x10x100xi32, #tpu.memory_space<hbm>> -> memref<1x1x10x100xi32, #tpu.memory_space<hbm>>
          %dma_start3A_672 = tpu.memref_squeeze %dma_start3A_671 : memref<1x1x10x100xi32, #tpu.memory_space<hbm>> -> memref<10x100xi32, #tpu.memory_space<hbm>>
          tpu.enqueue_dma source(%dma_start3A_672 : memref<10x100xi32, #tpu.memory_space<hbm>>) target(%arg8 : memref<10x100xi32, #tpu.memory_space<vmem>>) target_semaphore(%arg23 : memref<!tpu.dma_semaphore, #tpu.memory_space<semaphore_mem>>)
          %add3A_673 = arith.constant 2 : i32
          %add3A_674 = arith.addi %mul3A_48, %add3A_673 : i32
          %dma_start3A_675 = arith.constant 0 : i32
          %dma_start3A_676 = arith.constant 0 : i32
          %dma_start3A_677 = tpu.memref_slice %arg5[%arg1, %add3A_674, %dma_start3A_675, %dma_start3A_676] : memref<16x10x10x100xi32, #tpu.memory_space<hbm>> -> memref<1x1x10x100xi32, #tpu.memory_space<hbm>>
          %dma_start3A_678 = tpu.memref_squeeze %dma_start3A_677 : memref<1x1x10x100xi32, #tpu.memory_space<hbm>> -> memref<10x100xi32, #tpu.memory_space<hbm>>
          %dma_start3A_679 = arith.constant 0 : i32
          %dma_start3A_680 = arith.constant 0 : i32
          %dma_start3A_681 = tpu.memref_slice %arg5[%arg1, %add3A_674, %dma_start3A_679, %dma_start3A_680] : memref<16x10x10x100xi32, #tpu.memory_space<hbm>> -> memref<1x1x10x100xi32, #tpu.memory_space<hbm>>
          %dma_start3A_682 = tpu.memref_squeeze %dma_start3A_681 : memref<1x1x10x100xi32, #tpu.memory_space<hbm>> -> memref<10x100xi32, #tpu.memory_space<hbm>>
          tpu.enqueue_dma source(%dma_start3A_682 : memref<10x100xi32, #tpu.memory_space<hbm>>) target(%arg9 : memref<10x100xi32, #tpu.memory_space<vmem>>) target_semaphore(%arg23 : memref<!tpu.dma_semaphore, #tpu.memory_space<semaphore_mem>>)
        } else {
        }
        %dma_wait3A_367 = arith.constant 0 : i32
        %dma_wait3A_368 = arith.constant 0 : i32
        %dma_wait3A_369 = tpu.memref_slice %arg4[%arg1, %add3A_49, %dma_wait3A_367, %dma_wait3A_368] : memref<16x10x10x100xi32, #tpu.memory_space<hbm>> -> memref<1x1x10x100xi32, #tpu.memory_space<hbm>>
        %dma_wait3A_370 = tpu.memref_squeeze %dma_wait3A_369 : memref<1x1x10x100xi32, #tpu.memory_space<hbm>> -> memref<10x100xi32, #tpu.memory_space<hbm>>
        %dma_wait3A_371 = arith.constant 0 : i32
        %dma_wait3A_372 = arith.constant 0 : i32
        %dma_wait3A_373 = tpu.memref_slice %arg4[%arg1, %add3A_49, %dma_wait3A_371, %dma_wait3A_372] : memref<16x10x10x100xi32, #tpu.memory_space<hbm>> -> memref<1x1x10x100xi32, #tpu.memory_space<hbm>>
        %dma_wait3A_374 = tpu.memref_squeeze %dma_wait3A_373 : memref<1x1x10x100xi32, #tpu.memory_space<hbm>> -> memref<10x100xi32, #tpu.memory_space<hbm>>
        tpu.wait_dma2 semaphore(%arg24 : memref<!tpu.dma_semaphore, #tpu.memory_space<semaphore_mem>>) src(%dma_wait3A_374 : memref<10x100xi32, #tpu.memory_space<hbm>>) dst(%arg10 : memref<10x100xi32, #tpu.memory_space<vmem>>)
        %dma_wait3A_375 = arith.constant 0 : i32
        %dma_wait3A_376 = arith.constant 0 : i32
        %dma_wait3A_377 = tpu.memref_slice %arg5[%arg1, %add3A_49, %dma_wait3A_375, %dma_wait3A_376] : memref<16x10x10x100xi32, #tpu.memory_space<hbm>> -> memref<1x1x10x100xi32, #tpu.memory_space<hbm>>
        %dma_wait3A_378 = tpu.memref_squeeze %dma_wait3A_377 : memref<1x1x10x100xi32, #tpu.memory_space<hbm>> -> memref<10x100xi32, #tpu.memory_space<hbm>>
        %dma_wait3A_379 = arith.constant 0 : i32
        %dma_wait3A_380 = arith.constant 0 : i32
        %dma_wait3A_381 = tpu.memref_slice %arg5[%arg1, %add3A_49, %dma_wait3A_379, %dma_wait3A_380] : memref<16x10x10x100xi32, #tpu.memory_space<hbm>> -> memref<1x1x10x100xi32, #tpu.memory_space<hbm>>
        %dma_wait3A_382 = tpu.memref_squeeze %dma_wait3A_381 : memref<1x1x10x100xi32, #tpu.memory_space<hbm>> -> memref<10x100xi32, #tpu.memory_space<hbm>>
        tpu.wait_dma2 semaphore(%arg24 : memref<!tpu.dma_semaphore, #tpu.memory_space<semaphore_mem>>) src(%dma_wait3A_382 : memref<10x100xi32, #tpu.memory_space<hbm>>) dst(%arg11 : memref<10x100xi32, #tpu.memory_space<vmem>>)
        %dma_start3A_383 = arith.constant 0 : i32
        %dma_start3A_384 = arith.constant 0 : i32
        %dma_start3A_385 = tpu.memref_slice %arg10[%dma_start3A_383, %dma_start3A_384] : memref<10x100xi32, #tpu.memory_space<vmem>> -> memref<1x100xi32, #tpu.memory_space<vmem>>
        %dma_start3A_386 = tpu.memref_squeeze %dma_start3A_385 : memref<1x100xi32, #tpu.memory_space<vmem>> -> memref<100xi32, #tpu.memory_space<vmem>>
        %dma_start3A_387 = arith.constant 0 : i32
        %dma_start3A_388 = arith.constant 0 : i32
        %dma_start3A_389 = tpu.memref_slice %arg3[%dma_start3A_387, %dma_start3A_388] : memref<10000x128xf32, #tpu.memory_space<hbm>> -> memref<10000x128xf32, #tpu.memory_space<hbm>>
        tpu.enqueue_indirect_dma source(%dma_start3A_389 : memref<10000x128xf32, #tpu.memory_space<hbm>>) target(%arg12 : memref<100x128xf32, #tpu.memory_space<vmem>>) offsets(%dma_start3A_386 : memref<100xi32, #tpu.memory_space<vmem>>) semaphore(%arg17 : memref<!tpu.dma_semaphore, #tpu.memory_space<semaphore_mem>>)
        %dma_start3A_390 = arith.constant 1 : i32
        %dma_start3A_391 = arith.constant 0 : i32
        %dma_start3A_392 = tpu.memref_slice %arg10[%dma_start3A_390, %dma_start3A_391] : memref<10x100xi32, #tpu.memory_space<vmem>> -> memref<1x100xi32, #tpu.memory_space<vmem>>
        %dma_start3A_393 = tpu.memref_squeeze %dma_start3A_392 : memref<1x100xi32, #tpu.memory_space<vmem>> -> memref<100xi32, #tpu.memory_space<vmem>>
        %dma_start3A_394 = arith.constant 0 : i32
        %dma_start3A_395 = arith.constant 0 : i32
        %dma_start3A_396 = tpu.memref_slice %arg3[%dma_start3A_394, %dma_start3A_395] : memref<10000x128xf32, #tpu.memory_space<hbm>> -> memref<10000x128xf32, #tpu.memory_space<hbm>>
        tpu.enqueue_indirect_dma source(%dma_start3A_396 : memref<10000x128xf32, #tpu.memory_space<hbm>>) target(%arg13 : memref<100x128xf32, #tpu.memory_space<vmem>>) offsets(%dma_start3A_393 : memref<100xi32, #tpu.memory_space<vmem>>) semaphore(%arg18 : memref<!tpu.dma_semaphore, #tpu.memory_space<semaphore_mem>>)
        %dma_start3A_397 = arith.constant 2 : i32
        %dma_start3A_398 = arith.constant 0 : i32
        %dma_start3A_399 = tpu.memref_slice %arg10[%dma_start3A_397, %dma_start3A_398] : memref<10x100xi32, #tpu.memory_space<vmem>> -> memref<1x100xi32, #tpu.memory_space<vmem>>
        %dma_start3A_400 = tpu.memref_squeeze %dma_start3A_399 : memref<1x100xi32, #tpu.memory_space<vmem>> -> memref<100xi32, #tpu.memory_space<vmem>>
        %dma_start3A_401 = arith.constant 0 : i32
        %dma_start3A_402 = arith.constant 0 : i32
        %dma_start3A_403 = tpu.memref_slice %arg3[%dma_start3A_401, %dma_start3A_402] : memref<10000x128xf32, #tpu.memory_space<hbm>> -> memref<10000x128xf32, #tpu.memory_space<hbm>>
        tpu.enqueue_indirect_dma source(%dma_start3A_403 : memref<10000x128xf32, #tpu.memory_space<hbm>>) target(%arg14 : memref<100x128xf32, #tpu.memory_space<vmem>>) offsets(%dma_start3A_400 : memref<100xi32, #tpu.memory_space<vmem>>) semaphore(%arg19 : memref<!tpu.dma_semaphore, #tpu.memory_space<semaphore_mem>>)
        %dma_wait3A_404 = arith.constant 0 : i32
        %dma_wait3A_405 = arith.constant 0 : i32
        %dma_wait3A_406 = tpu.memref_slice %arg10[%dma_wait3A_404, %dma_wait3A_405] : memref<10x100xi32, #tpu.memory_space<vmem>> -> memref<1x100xi32, #tpu.memory_space<vmem>>
        %dma_wait3A_407 = tpu.memref_squeeze %dma_wait3A_406 : memref<1x100xi32, #tpu.memory_space<vmem>> -> memref<100xi32, #tpu.memory_space<vmem>>
        %dma_wait3A_408 = arith.constant 0 : i32
        %dma_wait3A_409 = arith.constant 0 : i32
        %dma_wait3A_410 = tpu.memref_slice %arg3[%dma_wait3A_408, %dma_wait3A_409] : memref<10000x128xf32, #tpu.memory_space<hbm>> -> memref<10000x128xf32, #tpu.memory_space<hbm>>
        tpu.wait_indirect_dma semaphore(%arg17 : memref<!tpu.dma_semaphore, #tpu.memory_space<semaphore_mem>>) src(%dma_wait3A_410 : memref<10000x128xf32, #tpu.memory_space<hbm>>) dst(%arg12 : memref<100x128xf32, #tpu.memory_space<vmem>>)
        %dma_start3A_411 = arith.constant 0 : i32
        %dma_start3A_412 = arith.constant 0 : i32
        %dma_start3A_413 = tpu.memref_slice %arg11[%dma_start3A_411, %dma_start3A_412] : memref<10x100xi32, #tpu.memory_space<vmem>> -> memref<1x100xi32, #tpu.memory_space<vmem>>
        %dma_start3A_414 = tpu.memref_squeeze %dma_start3A_413 : memref<1x100xi32, #tpu.memory_space<vmem>> -> memref<100xi32, #tpu.memory_space<vmem>>
        %dma_start3A_415 = arith.constant 0 : i32
        %dma_start3A_416 = arith.constant 0 : i32
        %dma_start3A_417 = tpu.memref_slice %arg16[%dma_start3A_415, %dma_start3A_416] : memref<10240x128xf32, #tpu.memory_space<vmem_shared>> -> memref<10240x128xf32, #tpu.memory_space<vmem_shared>>
        tpu.enqueue_indirect_dma source(%arg12 : memref<100x128xf32, #tpu.memory_space<vmem>>) target(%dma_start3A_417 : memref<10240x128xf32, #tpu.memory_space<vmem_shared>>) offsets(%dma_start3A_414 : memref<100xi32, #tpu.memory_space<vmem>>) semaphore(%arg20 : memref<!tpu.dma_semaphore, #tpu.memory_space<semaphore_mem>>) {add = true}
        %dma_wait3A_418 = arith.constant 0 : i32
        %dma_wait3A_419 = arith.constant 0 : i32
        %dma_wait3A_420 = tpu.memref_slice %arg11[%dma_wait3A_418, %dma_wait3A_419] : memref<10x100xi32, #tpu.memory_space<vmem>> -> memref<1x100xi32, #tpu.memory_space<vmem>>
        %dma_wait3A_421 = tpu.memref_squeeze %dma_wait3A_420 : memref<1x100xi32, #tpu.memory_space<vmem>> -> memref<100xi32, #tpu.memory_space<vmem>>
        %dma_wait3A_422 = arith.constant 0 : i32
        %dma_wait3A_423 = arith.constant 0 : i32
        %dma_wait3A_424 = tpu.memref_slice %arg16[%dma_wait3A_422, %dma_wait3A_423] : memref<10240x128xf32, #tpu.memory_space<vmem_shared>> -> memref<10240x128xf32, #tpu.memory_space<vmem_shared>>
        tpu.wait_indirect_dma semaphore(%arg20 : memref<!tpu.dma_semaphore, #tpu.memory_space<semaphore_mem>>) src(%arg12 : memref<100x128xf32, #tpu.memory_space<vmem>>) dst(%dma_wait3A_424 : memref<10240x128xf32, #tpu.memory_space<vmem_shared>>)
        %dma_start3A_425 = arith.constant 3 : i32
        %dma_start3A_426 = arith.constant 0 : i32
        %dma_start3A_427 = tpu.memref_slice %arg10[%dma_start3A_425, %dma_start3A_426] : memref<10x100xi32, #tpu.memory_space<vmem>> -> memref<1x100xi32, #tpu.memory_space<vmem>>
        %dma_start3A_428 = tpu.memref_squeeze %dma_start3A_427 : memref<1x100xi32, #tpu.memory_space<vmem>> -> memref<100xi32, #tpu.memory_space<vmem>>
        %dma_start3A_429 = arith.constant 0 : i32
        %dma_start3A_430 = arith.constant 0 : i32
        %dma_start3A_431 = tpu.memref_slice %arg3[%dma_start3A_429, %dma_start3A_430] : memref<10000x128xf32, #tpu.memory_space<hbm>> -> memref<10000x128xf32, #tpu.memory_space<hbm>>
        tpu.enqueue_indirect_dma source(%dma_start3A_431 : memref<10000x128xf32, #tpu.memory_space<hbm>>) target(%arg12 : memref<100x128xf32, #tpu.memory_space<vmem>>) offsets(%dma_start3A_428 : memref<100xi32, #tpu.memory_space<vmem>>) semaphore(%arg17 : memref<!tpu.dma_semaphore, #tpu.memory_space<semaphore_mem>>)
        %dma_wait3A_432 = arith.constant 1 : i32
        %dma_wait3A_433 = arith.constant 0 : i32
        %dma_wait3A_434 = tpu.memref_slice %arg10[%dma_wait3A_432, %dma_wait3A_433] : memref<10x100xi32, #tpu.memory_space<vmem>> -> memref<1x100xi32, #tpu.memory_space<vmem>>
        %dma_wait3A_435 = tpu.memref_squeeze %dma_wait3A_434 : memref<1x100xi32, #tpu.memory_space<vmem>> -> memref<100xi32, #tpu.memory_space<vmem>>
        %dma_wait3A_436 = arith.constant 0 : i32
        %dma_wait3A_437 = arith.constant 0 : i32
        %dma_wait3A_438 = tpu.memref_slice %arg3[%dma_wait3A_436, %dma_wait3A_437] : memref<10000x128xf32, #tpu.memory_space<hbm>> -> memref<10000x128xf32, #tpu.memory_space<hbm>>
        tpu.wait_indirect_dma semaphore(%arg18 : memref<!tpu.dma_semaphore, #tpu.memory_space<semaphore_mem>>) src(%dma_wait3A_438 : memref<10000x128xf32, #tpu.memory_space<hbm>>) dst(%arg13 : memref<100x128xf32, #tpu.memory_space<vmem>>)
        %dma_start3A_439 = arith.constant 1 : i32
        %dma_start3A_440 = arith.constant 0 : i32
        %dma_start3A_441 = tpu.memref_slice %arg11[%dma_start3A_439, %dma_start3A_440] : memref<10x100xi32, #tpu.memory_space<vmem>> -> memref<1x100xi32, #tpu.memory_space<vmem>>
        %dma_start3A_442 = tpu.memref_squeeze %dma_start3A_441 : memref<1x100xi32, #tpu.memory_space<vmem>> -> memref<100xi32, #tpu.memory_space<vmem>>
        %dma_start3A_443 = arith.constant 0 : i32
        %dma_start3A_444 = arith.constant 0 : i32
        %dma_start3A_445 = tpu.memref_slice %arg16[%dma_start3A_443, %dma_start3A_444] : memref<10240x128xf32, #tpu.memory_space<vmem_shared>> -> memref<10240x128xf32, #tpu.memory_space<vmem_shared>>
        tpu.enqueue_indirect_dma source(%arg13 : memref<100x128xf32, #tpu.memory_space<vmem>>) target(%dma_start3A_445 : memref<10240x128xf32, #tpu.memory_space<vmem_shared>>) offsets(%dma_start3A_442 : memref<100xi32, #tpu.memory_space<vmem>>) semaphore(%arg21 : memref<!tpu.dma_semaphore, #tpu.memory_space<semaphore_mem>>) {add = true}
        %dma_wait3A_446 = arith.constant 1 : i32
        %dma_wait3A_447 = arith.constant 0 : i32
        %dma_wait3A_448 = tpu.memref_slice %arg11[%dma_wait3A_446, %dma_wait3A_447] : memref<10x100xi32, #tpu.memory_space<vmem>> -> memref<1x100xi32, #tpu.memory_space<vmem>>
        %dma_wait3A_449 = tpu.memref_squeeze %dma_wait3A_448 : memref<1x100xi32, #tpu.memory_space<vmem>> -> memref<100xi32, #tpu.memory_space<vmem>>
        %dma_wait3A_450 = arith.constant 0 : i32
        %dma_wait3A_451 = arith.constant 0 : i32
        %dma_wait3A_452 = tpu.memref_slice %arg16[%dma_wait3A_450, %dma_wait3A_451] : memref<10240x128xf32, #tpu.memory_space<vmem_shared>> -> memref<10240x128xf32, #tpu.memory_space<vmem_shared>>
        tpu.wait_indirect_dma semaphore(%arg21 : memref<!tpu.dma_semaphore, #tpu.memory_space<semaphore_mem>>) src(%arg13 : memref<100x128xf32, #tpu.memory_space<vmem>>) dst(%dma_wait3A_452 : memref<10240x128xf32, #tpu.memory_space<vmem_shared>>)
        %dma_start3A_453 = arith.constant 4 : i32
        %dma_start3A_454 = arith.constant 0 : i32
        %dma_start3A_455 = tpu.memref_slice %arg10[%dma_start3A_453, %dma_start3A_454] : memref<10x100xi32, #tpu.memory_space<vmem>> -> memref<1x100xi32, #tpu.memory_space<vmem>>
        %dma_start3A_456 = tpu.memref_squeeze %dma_start3A_455 : memref<1x100xi32, #tpu.memory_space<vmem>> -> memref<100xi32, #tpu.memory_space<vmem>>
        %dma_start3A_457 = arith.constant 0 : i32
        %dma_start3A_458 = arith.constant 0 : i32
        %dma_start3A_459 = tpu.memref_slice %arg3[%dma_start3A_457, %dma_start3A_458] : memref<10000x128xf32, #tpu.memory_space<hbm>> -> memref<10000x128xf32, #tpu.memory_space<hbm>>
        tpu.enqueue_indirect_dma source(%dma_start3A_459 : memref<10000x128xf32, #tpu.memory_space<hbm>>) target(%arg13 : memref<100x128xf32, #tpu.memory_space<vmem>>) offsets(%dma_start3A_456 : memref<100xi32, #tpu.memory_space<vmem>>) semaphore(%arg18 : memref<!tpu.dma_semaphore, #tpu.memory_space<semaphore_mem>>)
        %dma_wait3A_460 = arith.constant 2 : i32
        %dma_wait3A_461 = arith.constant 0 : i32
        %dma_wait3A_462 = tpu.memref_slice %arg10[%dma_wait3A_460, %dma_wait3A_461] : memref<10x100xi32, #tpu.memory_space<vmem>> -> memref<1x100xi32, #tpu.memory_space<vmem>>
        %dma_wait3A_463 = tpu.memref_squeeze %dma_wait3A_462 : memref<1x100xi32, #tpu.memory_space<vmem>> -> memref<100xi32, #tpu.memory_space<vmem>>
        %dma_wait3A_464 = arith.constant 0 : i32
        %dma_wait3A_465 = arith.constant 0 : i32
        %dma_wait3A_466 = tpu.memref_slice %arg3[%dma_wait3A_464, %dma_wait3A_465] : memref<10000x128xf32, #tpu.memory_space<hbm>> -> memref<10000x128xf32, #tpu.memory_space<hbm>>
        tpu.wait_indirect_dma semaphore(%arg19 : memref<!tpu.dma_semaphore, #tpu.memory_space<semaphore_mem>>) src(%dma_wait3A_466 : memref<10000x128xf32, #tpu.memory_space<hbm>>) dst(%arg14 : memref<100x128xf32, #tpu.memory_space<vmem>>)
        %dma_start3A_467 = arith.constant 2 : i32
        %dma_start3A_468 = arith.constant 0 : i32
        %dma_start3A_469 = tpu.memref_slice %arg11[%dma_start3A_467, %dma_start3A_468] : memref<10x100xi32, #tpu.memory_space<vmem>> -> memref<1x100xi32, #tpu.memory_space<vmem>>
        %dma_start3A_470 = tpu.memref_squeeze %dma_start3A_469 : memref<1x100xi32, #tpu.memory_space<vmem>> -> memref<100xi32, #tpu.memory_space<vmem>>
        %dma_start3A_471 = arith.constant 0 : i32
        %dma_start3A_472 = arith.constant 0 : i32
        %dma_start3A_473 = tpu.memref_slice %arg16[%dma_start3A_471, %dma_start3A_472] : memref<10240x128xf32, #tpu.memory_space<vmem_shared>> -> memref<10240x128xf32, #tpu.memory_space<vmem_shared>>
        tpu.enqueue_indirect_dma source(%arg14 : memref<100x128xf32, #tpu.memory_space<vmem>>) target(%dma_start3A_473 : memref<10240x128xf32, #tpu.memory_space<vmem_shared>>) offsets(%dma_start3A_470 : memref<100xi32, #tpu.memory_space<vmem>>) semaphore(%arg22 : memref<!tpu.dma_semaphore, #tpu.memory_space<semaphore_mem>>) {add = true}
        %dma_wait3A_474 = arith.constant 2 : i32
        %dma_wait3A_475 = arith.constant 0 : i32
        %dma_wait3A_476 = tpu.memref_slice %arg11[%dma_wait3A_474, %dma_wait3A_475] : memref<10x100xi32, #tpu.memory_space<vmem>> -> memref<1x100xi32, #tpu.memory_space<vmem>>
        %dma_wait3A_477 = tpu.memref_squeeze %dma_wait3A_476 : memref<1x100xi32, #tpu.memory_space<vmem>> -> memref<100xi32, #tpu.memory_space<vmem>>
        %dma_wait3A_478 = arith.constant 0 : i32
        %dma_wait3A_479 = arith.constant 0 : i32
        %dma_wait3A_480 = tpu.memref_slice %arg16[%dma_wait3A_478, %dma_wait3A_479] : memref<10240x128xf32, #tpu.memory_space<vmem_shared>> -> memref<10240x128xf32, #tpu.memory_space<vmem_shared>>
        tpu.wait_indirect_dma semaphore(%arg22 : memref<!tpu.dma_semaphore, #tpu.memory_space<semaphore_mem>>) src(%arg14 : memref<100x128xf32, #tpu.memory_space<vmem>>) dst(%dma_wait3A_480 : memref<10240x128xf32, #tpu.memory_space<vmem_shared>>)
        %dma_start3A_481 = arith.constant 5 : i32
        %dma_start3A_482 = arith.constant 0 : i32
        %dma_start3A_483 = tpu.memref_slice %arg10[%dma_start3A_481, %dma_start3A_482] : memref<10x100xi32, #tpu.memory_space<vmem>> -> memref<1x100xi32, #tpu.memory_space<vmem>>
        %dma_start3A_484 = tpu.memref_squeeze %dma_start3A_483 : memref<1x100xi32, #tpu.memory_space<vmem>> -> memref<100xi32, #tpu.memory_space<vmem>>
        %dma_start3A_485 = arith.constant 0 : i32
        %dma_start3A_486 = arith.constant 0 : i32
        %dma_start3A_487 = tpu.memref_slice %arg3[%dma_start3A_485, %dma_start3A_486] : memref<10000x128xf32, #tpu.memory_space<hbm>> -> memref<10000x128xf32, #tpu.memory_space<hbm>>
        tpu.enqueue_indirect_dma source(%dma_start3A_487 : memref<10000x128xf32, #tpu.memory_space<hbm>>) target(%arg14 : memref<100x128xf32, #tpu.memory_space<vmem>>) offsets(%dma_start3A_484 : memref<100xi32, #tpu.memory_space<vmem>>) semaphore(%arg19 : memref<!tpu.dma_semaphore, #tpu.memory_space<semaphore_mem>>)
        %dma_wait3A_488 = arith.constant 3 : i32
        %dma_wait3A_489 = arith.constant 0 : i32
        %dma_wait3A_490 = tpu.memref_slice %arg10[%dma_wait3A_488, %dma_wait3A_489] : memref<10x100xi32, #tpu.memory_space<vmem>> -> memref<1x100xi32, #tpu.memory_space<vmem>>
        %dma_wait3A_491 = tpu.memref_squeeze %dma_wait3A_490 : memref<1x100xi32, #tpu.memory_space<vmem>> -> memref<100xi32, #tpu.memory_space<vmem>>
        %dma_wait3A_492 = arith.constant 0 : i32
        %dma_wait3A_493 = arith.constant 0 : i32
        %dma_wait3A_494 = tpu.memref_slice %arg3[%dma_wait3A_492, %dma_wait3A_493] : memref<10000x128xf32, #tpu.memory_space<hbm>> -> memref<10000x128xf32, #tpu.memory_space<hbm>>
        tpu.wait_indirect_dma semaphore(%arg17 : memref<!tpu.dma_semaphore, #tpu.memory_space<semaphore_mem>>) src(%dma_wait3A_494 : memref<10000x128xf32, #tpu.memory_space<hbm>>) dst(%arg12 : memref<100x128xf32, #tpu.memory_space<vmem>>)
        %dma_start3A_495 = arith.constant 3 : i32
        %dma_start3A_496 = arith.constant 0 : i32
        %dma_start3A_497 = tpu.memref_slice %arg11[%dma_start3A_495, %dma_start3A_496] : memref<10x100xi32, #tpu.memory_space<vmem>> -> memref<1x100xi32, #tpu.memory_space<vmem>>
        %dma_start3A_498 = tpu.memref_squeeze %dma_start3A_497 : memref<1x100xi32, #tpu.memory_space<vmem>> -> memref<100xi32, #tpu.memory_space<vmem>>
        %dma_start3A_499 = arith.constant 0 : i32
        %dma_start3A_500 = arith.constant 0 : i32
        %dma_start3A_501 = tpu.memref_slice %arg16[%dma_start3A_499, %dma_start3A_500] : memref<10240x128xf32, #tpu.memory_space<vmem_shared>> -> memref<10240x128xf32, #tpu.memory_space<vmem_shared>>
        tpu.enqueue_indirect_dma source(%arg12 : memref<100x128xf32, #tpu.memory_space<vmem>>) target(%dma_start3A_501 : memref<10240x128xf32, #tpu.memory_space<vmem_shared>>) offsets(%dma_start3A_498 : memref<100xi32, #tpu.memory_space<vmem>>) semaphore(%arg20 : memref<!tpu.dma_semaphore, #tpu.memory_space<semaphore_mem>>) {add = true}
        %dma_wait3A_502 = arith.constant 3 : i32
        %dma_wait3A_503 = arith.constant 0 : i32
        %dma_wait3A_504 = tpu.memref_slice %arg11[%dma_wait3A_502, %dma_wait3A_503] : memref<10x100xi32, #tpu.memory_space<vmem>> -> memref<1x100xi32, #tpu.memory_space<vmem>>
        %dma_wait3A_505 = tpu.memref_squeeze %dma_wait3A_504 : memref<1x100xi32, #tpu.memory_space<vmem>> -> memref<100xi32, #tpu.memory_space<vmem>>
        %dma_wait3A_506 = arith.constant 0 : i32
        %dma_wait3A_507 = arith.constant 0 : i32
        %dma_wait3A_508 = tpu.memref_slice %arg16[%dma_wait3A_506, %dma_wait3A_507] : memref<10240x128xf32, #tpu.memory_space<vmem_shared>> -> memref<10240x128xf32, #tpu.memory_space<vmem_shared>>
        tpu.wait_indirect_dma semaphore(%arg20 : memref<!tpu.dma_semaphore, #tpu.memory_space<semaphore_mem>>) src(%arg12 : memref<100x128xf32, #tpu.memory_space<vmem>>) dst(%dma_wait3A_508 : memref<10240x128xf32, #tpu.memory_space<vmem_shared>>)
        %dma_start3A_509 = arith.constant 6 : i32
        %dma_start3A_510 = arith.constant 0 : i32
        %dma_start3A_511 = tpu.memref_slice %arg10[%dma_start3A_509, %dma_start3A_510] : memref<10x100xi32, #tpu.memory_space<vmem>> -> memref<1x100xi32, #tpu.memory_space<vmem>>
        %dma_start3A_512 = tpu.memref_squeeze %dma_start3A_511 : memref<1x100xi32, #tpu.memory_space<vmem>> -> memref<100xi32, #tpu.memory_space<vmem>>
        %dma_start3A_513 = arith.constant 0 : i32
        %dma_start3A_514 = arith.constant 0 : i32
        %dma_start3A_515 = tpu.memref_slice %arg3[%dma_start3A_513, %dma_start3A_514] : memref<10000x128xf32, #tpu.memory_space<hbm>> -> memref<10000x128xf32, #tpu.memory_space<hbm>>
        tpu.enqueue_indirect_dma source(%dma_start3A_515 : memref<10000x128xf32, #tpu.memory_space<hbm>>) target(%arg12 : memref<100x128xf32, #tpu.memory_space<vmem>>) offsets(%dma_start3A_512 : memref<100xi32, #tpu.memory_space<vmem>>) semaphore(%arg17 : memref<!tpu.dma_semaphore, #tpu.memory_space<semaphore_mem>>)
        %dma_wait3A_516 = arith.constant 4 : i32
        %dma_wait3A_517 = arith.constant 0 : i32
        %dma_wait3A_518 = tpu.memref_slice %arg10[%dma_wait3A_516, %dma_wait3A_517] : memref<10x100xi32, #tpu.memory_space<vmem>> -> memref<1x100xi32, #tpu.memory_space<vmem>>
        %dma_wait3A_519 = tpu.memref_squeeze %dma_wait3A_518 : memref<1x100xi32, #tpu.memory_space<vmem>> -> memref<100xi32, #tpu.memory_space<vmem>>
        %dma_wait3A_520 = arith.constant 0 : i32
        %dma_wait3A_521 = arith.constant 0 : i32
        %dma_wait3A_522 = tpu.memref_slice %arg3[%dma_wait3A_520, %dma_wait3A_521] : memref<10000x128xf32, #tpu.memory_space<hbm>> -> memref<10000x128xf32, #tpu.memory_space<hbm>>
        tpu.wait_indirect_dma semaphore(%arg18 : memref<!tpu.dma_semaphore, #tpu.memory_space<semaphore_mem>>) src(%dma_wait3A_522 : memref<10000x128xf32, #tpu.memory_space<hbm>>) dst(%arg13 : memref<100x128xf32, #tpu.memory_space<vmem>>)
        %dma_start3A_523 = arith.constant 4 : i32
        %dma_start3A_524 = arith.constant 0 : i32
        %dma_start3A_525 = tpu.memref_slice %arg11[%dma_start3A_523, %dma_start3A_524] : memref<10x100xi32, #tpu.memory_space<vmem>> -> memref<1x100xi32, #tpu.memory_space<vmem>>
        %dma_start3A_526 = tpu.memref_squeeze %dma_start3A_525 : memref<1x100xi32, #tpu.memory_space<vmem>> -> memref<100xi32, #tpu.memory_space<vmem>>
        %dma_start3A_527 = arith.constant 0 : i32
        %dma_start3A_528 = arith.constant 0 : i32
        %dma_start3A_529 = tpu.memref_slice %arg16[%dma_start3A_527, %dma_start3A_528] : memref<10240x128xf32, #tpu.memory_space<vmem_shared>> -> memref<10240x128xf32, #tpu.memory_space<vmem_shared>>
        tpu.enqueue_indirect_dma source(%arg13 : memref<100x128xf32, #tpu.memory_space<vmem>>) target(%dma_start3A_529 : memref<10240x128xf32, #tpu.memory_space<vmem_shared>>) offsets(%dma_start3A_526 : memref<100xi32, #tpu.memory_space<vmem>>) semaphore(%arg21 : memref<!tpu.dma_semaphore, #tpu.memory_space<semaphore_mem>>) {add = true}
        %dma_wait3A_530 = arith.constant 4 : i32
        %dma_wait3A_531 = arith.constant 0 : i32
        %dma_wait3A_532 = tpu.memref_slice %arg11[%dma_wait3A_530, %dma_wait3A_531] : memref<10x100xi32, #tpu.memory_space<vmem>> -> memref<1x100xi32, #tpu.memory_space<vmem>>
        %dma_wait3A_533 = tpu.memref_squeeze %dma_wait3A_532 : memref<1x100xi32, #tpu.memory_space<vmem>> -> memref<100xi32, #tpu.memory_space<vmem>>
        %dma_wait3A_534 = arith.constant 0 : i32
        %dma_wait3A_535 = arith.constant 0 : i32
        %dma_wait3A_536 = tpu.memref_slice %arg16[%dma_wait3A_534, %dma_wait3A_535] : memref<10240x128xf32, #tpu.memory_space<vmem_shared>> -> memref<10240x128xf32, #tpu.memory_space<vmem_shared>>
        tpu.wait_indirect_dma semaphore(%arg21 : memref<!tpu.dma_semaphore, #tpu.memory_space<semaphore_mem>>) src(%arg13 : memref<100x128xf32, #tpu.memory_space<vmem>>) dst(%dma_wait3A_536 : memref<10240x128xf32, #tpu.memory_space<vmem_shared>>)
        %dma_start3A_537 = arith.constant 7 : i32
        %dma_start3A_538 = arith.constant 0 : i32
        %dma_start3A_539 = tpu.memref_slice %arg10[%dma_start3A_537, %dma_start3A_538] : memref<10x100xi32, #tpu.memory_space<vmem>> -> memref<1x100xi32, #tpu.memory_space<vmem>>
        %dma_start3A_540 = tpu.memref_squeeze %dma_start3A_539 : memref<1x100xi32, #tpu.memory_space<vmem>> -> memref<100xi32, #tpu.memory_space<vmem>>
        %dma_start3A_541 = arith.constant 0 : i32
        %dma_start3A_542 = arith.constant 0 : i32
        %dma_start3A_543 = tpu.memref_slice %arg3[%dma_start3A_541, %dma_start3A_542] : memref<10000x128xf32, #tpu.memory_space<hbm>> -> memref<10000x128xf32, #tpu.memory_space<hbm>>
        tpu.enqueue_indirect_dma source(%dma_start3A_543 : memref<10000x128xf32, #tpu.memory_space<hbm>>) target(%arg13 : memref<100x128xf32, #tpu.memory_space<vmem>>) offsets(%dma_start3A_540 : memref<100xi32, #tpu.memory_space<vmem>>) semaphore(%arg18 : memref<!tpu.dma_semaphore, #tpu.memory_space<semaphore_mem>>)
        %dma_wait3A_544 = arith.constant 5 : i32
        %dma_wait3A_545 = arith.constant 0 : i32
        %dma_wait3A_546 = tpu.memref_slice %arg10[%dma_wait3A_544, %dma_wait3A_545] : memref<10x100xi32, #tpu.memory_space<vmem>> -> memref<1x100xi32, #tpu.memory_space<vmem>>
        %dma_wait3A_547 = tpu.memref_squeeze %dma_wait3A_546 : memref<1x100xi32, #tpu.memory_space<vmem>> -> memref<100xi32, #tpu.memory_space<vmem>>
        %dma_wait3A_548 = arith.constant 0 : i32
        %dma_wait3A_549 = arith.constant 0 : i32
        %dma_wait3A_550 = tpu.memref_slice %arg3[%dma_wait3A_548, %dma_wait3A_549] : memref<10000x128xf32, #tpu.memory_space<hbm>> -> memref<10000x128xf32, #tpu.memory_space<hbm>>
        tpu.wait_indirect_dma semaphore(%arg19 : memref<!tpu.dma_semaphore, #tpu.memory_space<semaphore_mem>>) src(%dma_wait3A_550 : memref<10000x128xf32, #tpu.memory_space<hbm>>) dst(%arg14 : memref<100x128xf32, #tpu.memory_space<vmem>>)
        %dma_start3A_551 = arith.constant 5 : i32
        %dma_start3A_552 = arith.constant 0 : i32
        %dma_start3A_553 = tpu.memref_slice %arg11[%dma_start3A_551, %dma_start3A_552] : memref<10x100xi32, #tpu.memory_space<vmem>> -> memref<1x100xi32, #tpu.memory_space<vmem>>
        %dma_start3A_554 = tpu.memref_squeeze %dma_start3A_553 : memref<1x100xi32, #tpu.memory_space<vmem>> -> memref<100xi32, #tpu.memory_space<vmem>>
        %dma_start3A_555 = arith.constant 0 : i32
        %dma_start3A_556 = arith.constant 0 : i32
        %dma_start3A_557 = tpu.memref_slice %arg16[%dma_start3A_555, %dma_start3A_556] : memref<10240x128xf32, #tpu.memory_space<vmem_shared>> -> memref<10240x128xf32, #tpu.memory_space<vmem_shared>>
        tpu.enqueue_indirect_dma source(%arg14 : memref<100x128xf32, #tpu.memory_space<vmem>>) target(%dma_start3A_557 : memref<10240x128xf32, #tpu.memory_space<vmem_shared>>) offsets(%dma_start3A_554 : memref<100xi32, #tpu.memory_space<vmem>>) semaphore(%arg22 : memref<!tpu.dma_semaphore, #tpu.memory_space<semaphore_mem>>) {add = true}
        %dma_wait3A_558 = arith.constant 5 : i32
        %dma_wait3A_559 = arith.constant 0 : i32
        %dma_wait3A_560 = tpu.memref_slice %arg11[%dma_wait3A_558, %dma_wait3A_559] : memref<10x100xi32, #tpu.memory_space<vmem>> -> memref<1x100xi32, #tpu.memory_space<vmem>>
        %dma_wait3A_561 = tpu.memref_squeeze %dma_wait3A_560 : memref<1x100xi32, #tpu.memory_space<vmem>> -> memref<100xi32, #tpu.memory_space<vmem>>
        %dma_wait3A_562 = arith.constant 0 : i32
        %dma_wait3A_563 = arith.constant 0 : i32
        %dma_wait3A_564 = tpu.memref_slice %arg16[%dma_wait3A_562, %dma_wait3A_563] : memref<10240x128xf32, #tpu.memory_space<vmem_shared>> -> memref<10240x128xf32, #tpu.memory_space<vmem_shared>>
        tpu.wait_indirect_dma semaphore(%arg22 : memref<!tpu.dma_semaphore, #tpu.memory_space<semaphore_mem>>) src(%arg14 : memref<100x128xf32, #tpu.memory_space<vmem>>) dst(%dma_wait3A_564 : memref<10240x128xf32, #tpu.memory_space<vmem_shared>>)
        %dma_start3A_565 = arith.constant 8 : i32
        %dma_start3A_566 = arith.constant 0 : i32
        %dma_start3A_567 = tpu.memref_slice %arg10[%dma_start3A_565, %dma_start3A_566] : memref<10x100xi32, #tpu.memory_space<vmem>> -> memref<1x100xi32, #tpu.memory_space<vmem>>
        %dma_start3A_568 = tpu.memref_squeeze %dma_start3A_567 : memref<1x100xi32, #tpu.memory_space<vmem>> -> memref<100xi32, #tpu.memory_space<vmem>>
        %dma_start3A_569 = arith.constant 0 : i32
        %dma_start3A_570 = arith.constant 0 : i32
        %dma_start3A_571 = tpu.memref_slice %arg3[%dma_start3A_569, %dma_start3A_570] : memref<10000x128xf32, #tpu.memory_space<hbm>> -> memref<10000x128xf32, #tpu.memory_space<hbm>>
        tpu.enqueue_indirect_dma source(%dma_start3A_571 : memref<10000x128xf32, #tpu.memory_space<hbm>>) target(%arg14 : memref<100x128xf32, #tpu.memory_space<vmem>>) offsets(%dma_start3A_568 : memref<100xi32, #tpu.memory_space<vmem>>) semaphore(%arg19 : memref<!tpu.dma_semaphore, #tpu.memory_space<semaphore_mem>>)
        %dma_wait3A_572 = arith.constant 6 : i32
        %dma_wait3A_573 = arith.constant 0 : i32
        %dma_wait3A_574 = tpu.memref_slice %arg10[%dma_wait3A_572, %dma_wait3A_573] : memref<10x100xi32, #tpu.memory_space<vmem>> -> memref<1x100xi32, #tpu.memory_space<vmem>>
        %dma_wait3A_575 = tpu.memref_squeeze %dma_wait3A_574 : memref<1x100xi32, #tpu.memory_space<vmem>> -> memref<100xi32, #tpu.memory_space<vmem>>
        %dma_wait3A_576 = arith.constant 0 : i32
        %dma_wait3A_577 = arith.constant 0 : i32
        %dma_wait3A_578 = tpu.memref_slice %arg3[%dma_wait3A_576, %dma_wait3A_577] : memref<10000x128xf32, #tpu.memory_space<hbm>> -> memref<10000x128xf32, #tpu.memory_space<hbm>>
        tpu.wait_indirect_dma semaphore(%arg17 : memref<!tpu.dma_semaphore, #tpu.memory_space<semaphore_mem>>) src(%dma_wait3A_578 : memref<10000x128xf32, #tpu.memory_space<hbm>>) dst(%arg12 : memref<100x128xf32, #tpu.memory_space<vmem>>)
        %dma_start3A_579 = arith.constant 6 : i32
        %dma_start3A_580 = arith.constant 0 : i32
        %dma_start3A_581 = tpu.memref_slice %arg11[%dma_start3A_579, %dma_start3A_580] : memref<10x100xi32, #tpu.memory_space<vmem>> -> memref<1x100xi32, #tpu.memory_space<vmem>>
        %dma_start3A_582 = tpu.memref_squeeze %dma_start3A_581 : memref<1x100xi32, #tpu.memory_space<vmem>> -> memref<100xi32, #tpu.memory_space<vmem>>
        %dma_start3A_583 = arith.constant 0 : i32
        %dma_start3A_584 = arith.constant 0 : i32
        %dma_start3A_585 = tpu.memref_slice %arg16[%dma_start3A_583, %dma_start3A_584] : memref<10240x128xf32, #tpu.memory_space<vmem_shared>> -> memref<10240x128xf32, #tpu.memory_space<vmem_shared>>
        tpu.enqueue_indirect_dma source(%arg12 : memref<100x128xf32, #tpu.memory_space<vmem>>) target(%dma_start3A_585 : memref<10240x128xf32, #tpu.memory_space<vmem_shared>>) offsets(%dma_start3A_582 : memref<100xi32, #tpu.memory_space<vmem>>) semaphore(%arg20 : memref<!tpu.dma_semaphore, #tpu.memory_space<semaphore_mem>>) {add = true}
        %dma_wait3A_586 = arith.constant 6 : i32
        %dma_wait3A_587 = arith.constant 0 : i32
        %dma_wait3A_588 = tpu.memref_slice %arg11[%dma_wait3A_586, %dma_wait3A_587] : memref<10x100xi32, #tpu.memory_space<vmem>> -> memref<1x100xi32, #tpu.memory_space<vmem>>
        %dma_wait3A_589 = tpu.memref_squeeze %dma_wait3A_588 : memref<1x100xi32, #tpu.memory_space<vmem>> -> memref<100xi32, #tpu.memory_space<vmem>>
        %dma_wait3A_590 = arith.constant 0 : i32
        %dma_wait3A_591 = arith.constant 0 : i32
        %dma_wait3A_592 = tpu.memref_slice %arg16[%dma_wait3A_590, %dma_wait3A_591] : memref<10240x128xf32, #tpu.memory_space<vmem_shared>> -> memref<10240x128xf32, #tpu.memory_space<vmem_shared>>
        tpu.wait_indirect_dma semaphore(%arg20 : memref<!tpu.dma_semaphore, #tpu.memory_space<semaphore_mem>>) src(%arg12 : memref<100x128xf32, #tpu.memory_space<vmem>>) dst(%dma_wait3A_592 : memref<10240x128xf32, #tpu.memory_space<vmem_shared>>)
        %dma_start3A_593 = arith.constant 9 : i32
        %dma_start3A_594 = arith.constant 0 : i32
        %dma_start3A_595 = tpu.memref_slice %arg10[%dma_start3A_593, %dma_start3A_594] : memref<10x100xi32, #tpu.memory_space<vmem>> -> memref<1x100xi32, #tpu.memory_space<vmem>>
        %dma_start3A_596 = tpu.memref_squeeze %dma_start3A_595 : memref<1x100xi32, #tpu.memory_space<vmem>> -> memref<100xi32, #tpu.memory_space<vmem>>
        %dma_start3A_597 = arith.constant 0 : i32
        %dma_start3A_598 = arith.constant 0 : i32
        %dma_start3A_599 = tpu.memref_slice %arg3[%dma_start3A_597, %dma_start3A_598] : memref<10000x128xf32, #tpu.memory_space<hbm>> -> memref<10000x128xf32, #tpu.memory_space<hbm>>
        tpu.enqueue_indirect_dma source(%dma_start3A_599 : memref<10000x128xf32, #tpu.memory_space<hbm>>) target(%arg12 : memref<100x128xf32, #tpu.memory_space<vmem>>) offsets(%dma_start3A_596 : memref<100xi32, #tpu.memory_space<vmem>>) semaphore(%arg17 : memref<!tpu.dma_semaphore, #tpu.memory_space<semaphore_mem>>)
        %dma_wait3A_600 = arith.constant 7 : i32
        %dma_wait3A_601 = arith.constant 0 : i32
        %dma_wait3A_602 = tpu.memref_slice %arg10[%dma_wait3A_600, %dma_wait3A_601] : memref<10x100xi32, #tpu.memory_space<vmem>> -> memref<1x100xi32, #tpu.memory_space<vmem>>
        %dma_wait3A_603 = tpu.memref_squeeze %dma_wait3A_602 : memref<1x100xi32, #tpu.memory_space<vmem>> -> memref<100xi32, #tpu.memory_space<vmem>>
        %dma_wait3A_604 = arith.constant 0 : i32
        %dma_wait3A_605 = arith.constant 0 : i32
        %dma_wait3A_606 = tpu.memref_slice %arg3[%dma_wait3A_604, %dma_wait3A_605] : memref<10000x128xf32, #tpu.memory_space<hbm>> -> memref<10000x128xf32, #tpu.memory_space<hbm>>
        tpu.wait_indirect_dma semaphore(%arg18 : memref<!tpu.dma_semaphore, #tpu.memory_space<semaphore_mem>>) src(%dma_wait3A_606 : memref<10000x128xf32, #tpu.memory_space<hbm>>) dst(%arg13 : memref<100x128xf32, #tpu.memory_space<vmem>>)
        %dma_start3A_607 = arith.constant 7 : i32
        %dma_start3A_608 = arith.constant 0 : i32
        %dma_start3A_609 = tpu.memref_slice %arg11[%dma_start3A_607, %dma_start3A_608] : memref<10x100xi32, #tpu.memory_space<vmem>> -> memref<1x100xi32, #tpu.memory_space<vmem>>
        %dma_start3A_610 = tpu.memref_squeeze %dma_start3A_609 : memref<1x100xi32, #tpu.memory_space<vmem>> -> memref<100xi32, #tpu.memory_space<vmem>>
        %dma_start3A_611 = arith.constant 0 : i32
        %dma_start3A_612 = arith.constant 0 : i32
        %dma_start3A_613 = tpu.memref_slice %arg16[%dma_start3A_611, %dma_start3A_612] : memref<10240x128xf32, #tpu.memory_space<vmem_shared>> -> memref<10240x128xf32, #tpu.memory_space<vmem_shared>>
        tpu.enqueue_indirect_dma source(%arg13 : memref<100x128xf32, #tpu.memory_space<vmem>>) target(%dma_start3A_613 : memref<10240x128xf32, #tpu.memory_space<vmem_shared>>) offsets(%dma_start3A_610 : memref<100xi32, #tpu.memory_space<vmem>>) semaphore(%arg21 : memref<!tpu.dma_semaphore, #tpu.memory_space<semaphore_mem>>) {add = true}
        %dma_wait3A_614 = arith.constant 8 : i32
        %dma_wait3A_615 = arith.constant 0 : i32
        %dma_wait3A_616 = tpu.memref_slice %arg10[%dma_wait3A_614, %dma_wait3A_615] : memref<10x100xi32, #tpu.memory_space<vmem>> -> memref<1x100xi32, #tpu.memory_space<vmem>>
        %dma_wait3A_617 = tpu.memref_squeeze %dma_wait3A_616 : memref<1x100xi32, #tpu.memory_space<vmem>> -> memref<100xi32, #tpu.memory_space<vmem>>
        %dma_wait3A_618 = arith.constant 0 : i32
        %dma_wait3A_619 = arith.constant 0 : i32
        %dma_wait3A_620 = tpu.memref_slice %arg3[%dma_wait3A_618, %dma_wait3A_619] : memref<10000x128xf32, #tpu.memory_space<hbm>> -> memref<10000x128xf32, #tpu.memory_space<hbm>>
        tpu.wait_indirect_dma semaphore(%arg19 : memref<!tpu.dma_semaphore, #tpu.memory_space<semaphore_mem>>) src(%dma_wait3A_620 : memref<10000x128xf32, #tpu.memory_space<hbm>>) dst(%arg14 : memref<100x128xf32, #tpu.memory_space<vmem>>)
        %dma_start3A_621 = arith.constant 8 : i32
        %dma_start3A_622 = arith.constant 0 : i32
        %dma_start3A_623 = tpu.memref_slice %arg11[%dma_start3A_621, %dma_start3A_622] : memref<10x100xi32, #tpu.memory_space<vmem>> -> memref<1x100xi32, #tpu.memory_space<vmem>>
        %dma_start3A_624 = tpu.memref_squeeze %dma_start3A_623 : memref<1x100xi32, #tpu.memory_space<vmem>> -> memref<100xi32, #tpu.memory_space<vmem>>
        %dma_start3A_625 = arith.constant 0 : i32
        %dma_start3A_626 = arith.constant 0 : i32
        %dma_start3A_627 = tpu.memref_slice %arg16[%dma_start3A_625, %dma_start3A_626] : memref<10240x128xf32, #tpu.memory_space<vmem_shared>> -> memref<10240x128xf32, #tpu.memory_space<vmem_shared>>
        tpu.enqueue_indirect_dma source(%arg14 : memref<100x128xf32, #tpu.memory_space<vmem>>) target(%dma_start3A_627 : memref<10240x128xf32, #tpu.memory_space<vmem_shared>>) offsets(%dma_start3A_624 : memref<100xi32, #tpu.memory_space<vmem>>) semaphore(%arg22 : memref<!tpu.dma_semaphore, #tpu.memory_space<semaphore_mem>>) {add = true}
        %dma_wait3A_628 = arith.constant 9 : i32
        %dma_wait3A_629 = arith.constant 0 : i32
        %dma_wait3A_630 = tpu.memref_slice %arg10[%dma_wait3A_628, %dma_wait3A_629] : memref<10x100xi32, #tpu.memory_space<vmem>> -> memref<1x100xi32, #tpu.memory_space<vmem>>
        %dma_wait3A_631 = tpu.memref_squeeze %dma_wait3A_630 : memref<1x100xi32, #tpu.memory_space<vmem>> -> memref<100xi32, #tpu.memory_space<vmem>>
        %dma_wait3A_632 = arith.constant 0 : i32
        %dma_wait3A_633 = arith.constant 0 : i32
        %dma_wait3A_634 = tpu.memref_slice %arg3[%dma_wait3A_632, %dma_wait3A_633] : memref<10000x128xf32, #tpu.memory_space<hbm>> -> memref<10000x128xf32, #tpu.memory_space<hbm>>
        tpu.wait_indirect_dma semaphore(%arg17 : memref<!tpu.dma_semaphore, #tpu.memory_space<semaphore_mem>>) src(%dma_wait3A_634 : memref<10000x128xf32, #tpu.memory_space<hbm>>) dst(%arg12 : memref<100x128xf32, #tpu.memory_space<vmem>>)
        %dma_start3A_635 = arith.constant 9 : i32
        %dma_start3A_636 = arith.constant 0 : i32
        %dma_start3A_637 = tpu.memref_slice %arg11[%dma_start3A_635, %dma_start3A_636] : memref<10x100xi32, #tpu.memory_space<vmem>> -> memref<1x100xi32, #tpu.memory_space<vmem>>
        %dma_start3A_638 = tpu.memref_squeeze %dma_start3A_637 : memref<1x100xi32, #tpu.memory_space<vmem>> -> memref<100xi32, #tpu.memory_space<vmem>>
        %dma_start3A_639 = arith.constant 0 : i32
        %dma_start3A_640 = arith.constant 0 : i32
        %dma_start3A_641 = tpu.memref_slice %arg16[%dma_start3A_639, %dma_start3A_640] : memref<10240x128xf32, #tpu.memory_space<vmem_shared>> -> memref<10240x128xf32, #tpu.memory_space<vmem_shared>>
        tpu.enqueue_indirect_dma source(%arg12 : memref<100x128xf32, #tpu.memory_space<vmem>>) target(%dma_start3A_641 : memref<10240x128xf32, #tpu.memory_space<vmem_shared>>) offsets(%dma_start3A_638 : memref<100xi32, #tpu.memory_space<vmem>>) semaphore(%arg20 : memref<!tpu.dma_semaphore, #tpu.memory_space<semaphore_mem>>) {add = true}
        %dma_wait3A_642 = arith.constant 9 : i32
        %dma_wait3A_643 = arith.constant 0 : i32
        %dma_wait3A_644 = tpu.memref_slice %arg11[%dma_wait3A_642, %dma_wait3A_643] : memref<10x100xi32, #tpu.memory_space<vmem>> -> memref<1x100xi32, #tpu.memory_space<vmem>>
        %dma_wait3A_645 = tpu.memref_squeeze %dma_wait3A_644 : memref<1x100xi32, #tpu.memory_space<vmem>> -> memref<100xi32, #tpu.memory_space<vmem>>
        %dma_wait3A_646 = arith.constant 0 : i32
        %dma_wait3A_647 = arith.constant 0 : i32
        %dma_wait3A_648 = tpu.memref_slice %arg16[%dma_wait3A_646, %dma_wait3A_647] : memref<10240x128xf32, #tpu.memory_space<vmem_shared>> -> memref<10240x128xf32, #tpu.memory_space<vmem_shared>>
        tpu.wait_indirect_dma semaphore(%arg20 : memref<!tpu.dma_semaphore, #tpu.memory_space<semaphore_mem>>) src(%arg12 : memref<100x128xf32, #tpu.memory_space<vmem>>) dst(%dma_wait3A_648 : memref<10240x128xf32, #tpu.memory_space<vmem_shared>>)
        %dma_wait3A_649 = arith.constant 7 : i32
        %dma_wait3A_650 = arith.constant 0 : i32
        %dma_wait3A_651 = tpu.memref_slice %arg11[%dma_wait3A_649, %dma_wait3A_650] : memref<10x100xi32, #tpu.memory_space<vmem>> -> memref<1x100xi32, #tpu.memory_space<vmem>>
        %dma_wait3A_652 = tpu.memref_squeeze %dma_wait3A_651 : memref<1x100xi32, #tpu.memory_space<vmem>> -> memref<100xi32, #tpu.memory_space<vmem>>
        %dma_wait3A_653 = arith.constant 0 : i32
        %dma_wait3A_654 = arith.constant 0 : i32
        %dma_wait3A_655 = tpu.memref_slice %arg16[%dma_wait3A_653, %dma_wait3A_654] : memref<10240x128xf32, #tpu.memory_space<vmem_shared>> -> memref<10240x128xf32, #tpu.memory_space<vmem_shared>>
        tpu.wait_indirect_dma semaphore(%arg21 : memref<!tpu.dma_semaphore, #tpu.memory_space<semaphore_mem>>) src(%arg13 : memref<100x128xf32, #tpu.memory_space<vmem>>) dst(%dma_wait3A_655 : memref<10240x128xf32, #tpu.memory_space<vmem_shared>>)
        %dma_wait3A_656 = arith.constant 8 : i32
        %dma_wait3A_657 = arith.constant 0 : i32
        %dma_wait3A_658 = tpu.memref_slice %arg11[%dma_wait3A_656, %dma_wait3A_657] : memref<10x100xi32, #tpu.memory_space<vmem>> -> memref<1x100xi32, #tpu.memory_space<vmem>>
        %dma_wait3A_659 = tpu.memref_squeeze %dma_wait3A_658 : memref<1x100xi32, #tpu.memory_space<vmem>> -> memref<100xi32, #tpu.memory_space<vmem>>
        %dma_wait3A_660 = arith.constant 0 : i32
        %dma_wait3A_661 = arith.constant 0 : i32
        %dma_wait3A_662 = tpu.memref_slice %arg16[%dma_wait3A_660, %dma_wait3A_661] : memref<10240x128xf32, #tpu.memory_space<vmem_shared>> -> memref<10240x128xf32, #tpu.memory_space<vmem_shared>>
        tpu.wait_indirect_dma semaphore(%arg22 : memref<!tpu.dma_semaphore, #tpu.memory_space<semaphore_mem>>) src(%arg14 : memref<100x128xf32, #tpu.memory_space<vmem>>) dst(%dma_wait3A_662 : memref<10240x128xf32, #tpu.memory_space<vmem_shared>>)
      }
      %scan3A_41 = arith.constant 5 : i32
      %barrier3A_42 = arith.constant 0 : index
      tpu.barrier barrier_id(%barrier3A_42)
      %mul3A = arith.constant 640 : i32
      %mul3A_43 = arith.muli %arg1, %mul3A : i32
      %mul3A_44 = arith.constant 640 : i32
      %mul3A_45 = arith.muli %arg1, %mul3A_44 : i32
      "tpu.region"() ({
        %run_scoped3A = tpu.sem_alloc : memref<!tpu.dma_semaphore, #tpu.memory_space<semaphore_mem>>
        %dma_start3A_46 = arith.constant 0 : i32
        %dma_start3A_47 = tpu.memref_slice %arg7[%mul3A_45, %dma_start3A_46] : memref<10240x128xf32, #tpu.memory_space<hbm>> -> memref<640x128xf32, #tpu.memory_space<hbm>>
        %dma_start3A_48 = arith.constant 0 : i32
        %dma_start3A_49 = tpu.memref_slice %arg16[%mul3A_43, %dma_start3A_48] : memref<10240x128xf32, #tpu.memory_space<vmem_shared>> -> memref<640x128xf32, #tpu.memory_space<vmem_shared>>
        tpu.enqueue_dma source(%dma_start3A_49 : memref<640x128xf32, #tpu.memory_space<vmem_shared>>) target(%dma_start3A_47 : memref<640x128xf32, #tpu.memory_space<hbm>>) target_semaphore(%run_scoped3A : memref<!tpu.dma_semaphore, #tpu.memory_space<semaphore_mem>>)
        %dma_wait3A = arith.constant 0 : i32
        %dma_wait3A_50 = tpu.memref_slice %arg7[%mul3A_45, %dma_wait3A] : memref<10240x128xf32, #tpu.memory_space<hbm>> -> memref<640x128xf32, #tpu.memory_space<hbm>>
        %dma_wait3A_51 = arith.constant 0 : i32
        %dma_wait3A_52 = tpu.memref_slice %arg16[%mul3A_43, %dma_wait3A_51] : memref<10240x128xf32, #tpu.memory_space<vmem_shared>> -> memref<640x128xf32, #tpu.memory_space<vmem_shared>>
        tpu.wait_dma2 semaphore(%run_scoped3A : memref<!tpu.dma_semaphore, #tpu.memory_space<semaphore_mem>>) src(%dma_wait3A_52 : memref<640x128xf32, #tpu.memory_space<vmem_shared>>) dst(%dma_wait3A_50 : memref<640x128xf32, #tpu.memory_space<hbm>>)
        tpu.yield
      }) : () -> ()
    } else {
    }
    return
  }
}

#map = affine_map<(d0, d1) -> (0, 0, 0)>
#map1 = affine_map<(d0, d1) -> (0, 0)>
module attributes {stable_mosaic.version = 14 : i64} {
  func.func @_deg_body(%arg0: i32, %arg1: i32, %arg2: memref<16x100x100xi32, #tpu.memory_space<hbm>>, %arg3: memref<10240x128xf32, #tpu.memory_space<hbm>>, %arg4: memref<10240x128xf32, #tpu.memory_space<hbm>>, %arg5: memref<100x100xi32, #tpu.memory_space<vmem>>, %arg6: memref<100x128xf32, #tpu.memory_space<vmem>>, %arg7: memref<8x128xf32, #tpu.memory_space<vmem>>, %arg8: memref<10240x128xf32, #tpu.memory_space<vmem_shared>>, %arg9: memref<!tpu.dma_semaphore, #tpu.memory_space<semaphore_mem>>, %arg10: memref<!tpu.dma_semaphore, #tpu.memory_space<semaphore_mem>>) attributes {dimension_semantics = [#tpu.dimension_semantics<core_parallel>, #tpu.dimension_semantics<subcore_parallel>], iteration_bounds = array<i64: 2, 16>, scalar_prefetch = 0 : i64, scratch_operands = 6 : i64, tpu.core_type = #tpu.core_type<sc_vector_subcore>, window_params = [{transform_indices = #map}, {transform_indices = #map1}, {transform_indices = #map1}]} {
    "tpu.region"() ({
      %run_scoped3A = tpu.sem_alloc : memref<!tpu.dma_semaphore, #tpu.memory_space<semaphore_mem>>
      %dma_start3A = arith.constant 0 : i32
      %dma_start3A_35 = arith.constant 0 : i32
      %dma_start3A_36 = tpu.memref_slice %arg2[%arg1, %dma_start3A, %dma_start3A_35] : memref<16x100x100xi32, #tpu.memory_space<hbm>> -> memref<1x100x100xi32, #tpu.memory_space<hbm>>
      %dma_start3A_37 = tpu.memref_squeeze %dma_start3A_36 : memref<1x100x100xi32, #tpu.memory_space<hbm>> -> memref<100x100xi32, #tpu.memory_space<hbm>>
      %dma_start3A_38 = arith.constant 0 : i32
      %dma_start3A_39 = arith.constant 0 : i32
      %dma_start3A_40 = tpu.memref_slice %arg2[%arg1, %dma_start3A_38, %dma_start3A_39] : memref<16x100x100xi32, #tpu.memory_space<hbm>> -> memref<1x100x100xi32, #tpu.memory_space<hbm>>
      %dma_start3A_41 = tpu.memref_squeeze %dma_start3A_40 : memref<1x100x100xi32, #tpu.memory_space<hbm>> -> memref<100x100xi32, #tpu.memory_space<hbm>>
      tpu.enqueue_dma source(%dma_start3A_41 : memref<100x100xi32, #tpu.memory_space<hbm>>) target(%arg5 : memref<100x100xi32, #tpu.memory_space<vmem>>) target_semaphore(%run_scoped3A : memref<!tpu.dma_semaphore, #tpu.memory_space<semaphore_mem>>)
      %dma_wait3A = arith.constant 0 : i32
      %dma_wait3A_42 = arith.constant 0 : i32
      %dma_wait3A_43 = tpu.memref_slice %arg2[%arg1, %dma_wait3A, %dma_wait3A_42] : memref<16x100x100xi32, #tpu.memory_space<hbm>> -> memref<1x100x100xi32, #tpu.memory_space<hbm>>
      %dma_wait3A_44 = tpu.memref_squeeze %dma_wait3A_43 : memref<1x100x100xi32, #tpu.memory_space<hbm>> -> memref<100x100xi32, #tpu.memory_space<hbm>>
      %dma_wait3A_45 = arith.constant 0 : i32
      %dma_wait3A_46 = arith.constant 0 : i32
      %dma_wait3A_47 = tpu.memref_slice %arg2[%arg1, %dma_wait3A_45, %dma_wait3A_46] : memref<16x100x100xi32, #tpu.memory_space<hbm>> -> memref<1x100x100xi32, #tpu.memory_space<hbm>>
      %dma_wait3A_48 = tpu.memref_squeeze %dma_wait3A_47 : memref<1x100x100xi32, #tpu.memory_space<hbm>> -> memref<100x100xi32, #tpu.memory_space<hbm>>
      tpu.wait_dma2 semaphore(%run_scoped3A : memref<!tpu.dma_semaphore, #tpu.memory_space<semaphore_mem>>) src(%dma_wait3A_48 : memref<100x100xi32, #tpu.memory_space<hbm>>) dst(%arg5 : memref<100x100xi32, #tpu.memory_space<vmem>>)
      tpu.yield
    }) : () -> ()
    %broadcast_in_dim3A = arith.constant 1.000000e+00 : f32
    %broadcast_in_dim3A_0 = vector.broadcast %broadcast_in_dim3A : f32 to vector<16xf32>
    %broadcast_in_dim3A_1 = arith.constant 0.000000e+00 : f32
    %broadcast_in_dim3A_2 = vector.broadcast %broadcast_in_dim3A_1 : f32 to vector<16xf32>
    %scan3A = arith.constant 0 : i32
    %scan3A_3 = arith.constant 0 : i32
    %scan3A_4 = arith.constant 100 : i32
    %scan3A_5 = arith.addi %scan3A_3, %scan3A_4 : i32
    %scan3A_6 = arith.constant 1 : i32
    scf.for %scan3A_35 = %scan3A_3 to %scan3A_5 step %scan3A_6  : i32 {
      %swap3A = arith.index_cast %scan3A_35 : i32 to index
      %swap3A_36 = arith.constant 0 : index
      %swap3A_37 = tpu.vector_load %arg6[%swap3A, %swap3A_36] {strides = array<i32>} : memref<100x128xf32, #tpu.memory_space<vmem>>, vector<1x16xf32>,
      %swap3A_38 = vector.shape_cast %swap3A_37 : vector<1x16xf32> to vector<16xf32>
      %swap3A_39 = vector.shape_cast %broadcast_in_dim3A_0 : vector<16xf32> to vector<1x16xf32>
      tpu.vector_store %arg6[%swap3A, %swap3A_36], %swap3A_39 {strides = array<i32>} : memref<100x128xf32, #tpu.memory_space<vmem>>, vector<1x16xf32>,
      %swap3A_40 = arith.index_cast %scan3A_35 : i32 to index
      %swap3A_41 = arith.constant 16 : index
      %swap3A_42 = tpu.vector_load %arg6[%swap3A_40, %swap3A_41] {strides = array<i32>} : memref<100x128xf32, #tpu.memory_space<vmem>>, vector<1x16xf32>,
      %swap3A_43 = vector.shape_cast %swap3A_42 : vector<1x16xf32> to vector<16xf32>
      %swap3A_44 = vector.shape_cast %broadcast_in_dim3A_0 : vector<16xf32> to vector<1x16xf32>
      tpu.vector_store %arg6[%swap3A_40, %swap3A_41], %swap3A_44 {strides = array<i32>} : memref<100x128xf32, #tpu.memory_space<vmem>>, vector<1x16xf32>,
      %swap3A_45 = arith.index_cast %scan3A_35 : i32 to index
      %swap3A_46 = arith.constant 32 : index
      %swap3A_47 = tpu.vector_load %arg6[%swap3A_45, %swap3A_46] {strides = array<i32>} : memref<100x128xf32, #tpu.memory_space<vmem>>, vector<1x16xf32>,
      %swap3A_48 = vector.shape_cast %swap3A_47 : vector<1x16xf32> to vector<16xf32>
      %swap3A_49 = vector.shape_cast %broadcast_in_dim3A_0 : vector<16xf32> to vector<1x16xf32>
      tpu.vector_store %arg6[%swap3A_45, %swap3A_46], %swap3A_49 {strides = array<i32>} : memref<100x128xf32, #tpu.memory_space<vmem>>, vector<1x16xf32>,
      %swap3A_50 = arith.index_cast %scan3A_35 : i32 to index
      %swap3A_51 = arith.constant 48 : index
      %swap3A_52 = tpu.vector_load %arg6[%swap3A_50, %swap3A_51] {strides = array<i32>} : memref<100x128xf32, #tpu.memory_space<vmem>>, vector<1x16xf32>,
      %swap3A_53 = vector.shape_cast %swap3A_52 : vector<1x16xf32> to vector<16xf32>
      %swap3A_54 = vector.shape_cast %broadcast_in_dim3A_0 : vector<16xf32> to vector<1x16xf32>
      tpu.vector_store %arg6[%swap3A_50, %swap3A_51], %swap3A_54 {strides = array<i32>} : memref<100x128xf32, #tpu.memory_space<vmem>>, vector<1x16xf32>,
      %swap3A_55 = arith.index_cast %scan3A_35 : i32 to index
      %swap3A_56 = arith.constant 64 : index
      %swap3A_57 = tpu.vector_load %arg6[%swap3A_55, %swap3A_56] {strides = array<i32>} : memref<100x128xf32, #tpu.memory_space<vmem>>, vector<1x16xf32>,
      %swap3A_58 = vector.shape_cast %swap3A_57 : vector<1x16xf32> to vector<16xf32>
      %swap3A_59 = vector.shape_cast %broadcast_in_dim3A_0 : vector<16xf32> to vector<1x16xf32>
      tpu.vector_store %arg6[%swap3A_55, %swap3A_56], %swap3A_59 {strides = array<i32>} : memref<100x128xf32, #tpu.memory_space<vmem>>, vector<1x16xf32>,
      %swap3A_60 = arith.index_cast %scan3A_35 : i32 to index
      %swap3A_61 = arith.constant 80 : index
      %swap3A_62 = tpu.vector_load %arg6[%swap3A_60, %swap3A_61] {strides = array<i32>} : memref<100x128xf32, #tpu.memory_space<vmem>>, vector<1x16xf32>,
      %swap3A_63 = vector.shape_cast %swap3A_62 : vector<1x16xf32> to vector<16xf32>
      %swap3A_64 = vector.shape_cast %broadcast_in_dim3A_0 : vector<16xf32> to vector<1x16xf32>
      tpu.vector_store %arg6[%swap3A_60, %swap3A_61], %swap3A_64 {strides = array<i32>} : memref<100x128xf32, #tpu.memory_space<vmem>>, vector<1x16xf32>,
      %swap3A_65 = arith.index_cast %scan3A_35 : i32 to index
      %swap3A_66 = arith.constant 96 : index
      %swap3A_67 = tpu.vector_load %arg6[%swap3A_65, %swap3A_66] {strides = array<i32>} : memref<100x128xf32, #tpu.memory_space<vmem>>, vector<1x16xf32>,
      %swap3A_68 = vector.shape_cast %swap3A_67 : vector<1x16xf32> to vector<16xf32>
      %swap3A_69 = vector.shape_cast %broadcast_in_dim3A_0 : vector<16xf32> to vector<1x16xf32>
      tpu.vector_store %arg6[%swap3A_65, %swap3A_66], %swap3A_69 {strides = array<i32>} : memref<100x128xf32, #tpu.memory_space<vmem>>, vector<1x16xf32>,
      %swap3A_70 = arith.index_cast %scan3A_35 : i32 to index
      %swap3A_71 = arith.constant 112 : index
      %swap3A_72 = tpu.vector_load %arg6[%swap3A_70, %swap3A_71] {strides = array<i32>} : memref<100x128xf32, #tpu.memory_space<vmem>>, vector<1x16xf32>,
      %swap3A_73 = vector.shape_cast %swap3A_72 : vector<1x16xf32> to vector<16xf32>
      %swap3A_74 = vector.shape_cast %broadcast_in_dim3A_0 : vector<16xf32> to vector<1x16xf32>
      tpu.vector_store %arg6[%swap3A_70, %swap3A_71], %swap3A_74 {strides = array<i32>} : memref<100x128xf32, #tpu.memory_space<vmem>>, vector<1x16xf32>,
    }
    %scan3A_7 = arith.constant 100 : i32
    %scan3A_8 = arith.constant 0 : i32
    %scan3A_9 = arith.constant 0 : i32
    %scan3A_10 = arith.constant 8 : i32
    %scan3A_11 = arith.addi %scan3A_9, %scan3A_10 : i32
    %scan3A_12 = arith.constant 1 : i32
    scf.for %scan3A_35 = %scan3A_9 to %scan3A_11 step %scan3A_12  : i32 {
      %swap3A = arith.index_cast %scan3A_35 : i32 to index
      %swap3A_36 = arith.constant 0 : index
      %swap3A_37 = tpu.vector_load %arg7[%swap3A, %swap3A_36] {strides = array<i32>} : memref<8x128xf32, #tpu.memory_space<vmem>>, vector<1x16xf32>,
      %swap3A_38 = vector.shape_cast %swap3A_37 : vector<1x16xf32> to vector<16xf32>
      %swap3A_39 = vector.shape_cast %broadcast_in_dim3A_2 : vector<16xf32> to vector<1x16xf32>
      tpu.vector_store %arg7[%swap3A, %swap3A_36], %swap3A_39 {strides = array<i32>} : memref<8x128xf32, #tpu.memory_space<vmem>>, vector<1x16xf32>,
      %swap3A_40 = arith.index_cast %scan3A_35 : i32 to index
      %swap3A_41 = arith.constant 16 : index
      %swap3A_42 = tpu.vector_load %arg7[%swap3A_40, %swap3A_41] {strides = array<i32>} : memref<8x128xf32, #tpu.memory_space<vmem>>, vector<1x16xf32>,
      %swap3A_43 = vector.shape_cast %swap3A_42 : vector<1x16xf32> to vector<16xf32>
      %swap3A_44 = vector.shape_cast %broadcast_in_dim3A_2 : vector<16xf32> to vector<1x16xf32>
      tpu.vector_store %arg7[%swap3A_40, %swap3A_41], %swap3A_44 {strides = array<i32>} : memref<8x128xf32, #tpu.memory_space<vmem>>, vector<1x16xf32>,
      %swap3A_45 = arith.index_cast %scan3A_35 : i32 to index
      %swap3A_46 = arith.constant 32 : index
      %swap3A_47 = tpu.vector_load %arg7[%swap3A_45, %swap3A_46] {strides = array<i32>} : memref<8x128xf32, #tpu.memory_space<vmem>>, vector<1x16xf32>,
      %swap3A_48 = vector.shape_cast %swap3A_47 : vector<1x16xf32> to vector<16xf32>
      %swap3A_49 = vector.shape_cast %broadcast_in_dim3A_2 : vector<16xf32> to vector<1x16xf32>
      tpu.vector_store %arg7[%swap3A_45, %swap3A_46], %swap3A_49 {strides = array<i32>} : memref<8x128xf32, #tpu.memory_space<vmem>>, vector<1x16xf32>,
      %swap3A_50 = arith.index_cast %scan3A_35 : i32 to index
      %swap3A_51 = arith.constant 48 : index
      %swap3A_52 = tpu.vector_load %arg7[%swap3A_50, %swap3A_51] {strides = array<i32>} : memref<8x128xf32, #tpu.memory_space<vmem>>, vector<1x16xf32>,
      %swap3A_53 = vector.shape_cast %swap3A_52 : vector<1x16xf32> to vector<16xf32>
      %swap3A_54 = vector.shape_cast %broadcast_in_dim3A_2 : vector<16xf32> to vector<1x16xf32>
      tpu.vector_store %arg7[%swap3A_50, %swap3A_51], %swap3A_54 {strides = array<i32>} : memref<8x128xf32, #tpu.memory_space<vmem>>, vector<1x16xf32>,
      %swap3A_55 = arith.index_cast %scan3A_35 : i32 to index
      %swap3A_56 = arith.constant 64 : index
      %swap3A_57 = tpu.vector_load %arg7[%swap3A_55, %swap3A_56] {strides = array<i32>} : memref<8x128xf32, #tpu.memory_space<vmem>>, vector<1x16xf32>,
      %swap3A_58 = vector.shape_cast %swap3A_57 : vector<1x16xf32> to vector<16xf32>
      %swap3A_59 = vector.shape_cast %broadcast_in_dim3A_2 : vector<16xf32> to vector<1x16xf32>
      tpu.vector_store %arg7[%swap3A_55, %swap3A_56], %swap3A_59 {strides = array<i32>} : memref<8x128xf32, #tpu.memory_space<vmem>>, vector<1x16xf32>,
      %swap3A_60 = arith.index_cast %scan3A_35 : i32 to index
      %swap3A_61 = arith.constant 80 : index
      %swap3A_62 = tpu.vector_load %arg7[%swap3A_60, %swap3A_61] {strides = array<i32>} : memref<8x128xf32, #tpu.memory_space<vmem>>, vector<1x16xf32>,
      %swap3A_63 = vector.shape_cast %swap3A_62 : vector<1x16xf32> to vector<16xf32>
      %swap3A_64 = vector.shape_cast %broadcast_in_dim3A_2 : vector<16xf32> to vector<1x16xf32>
      tpu.vector_store %arg7[%swap3A_60, %swap3A_61], %swap3A_64 {strides = array<i32>} : memref<8x128xf32, #tpu.memory_space<vmem>>, vector<1x16xf32>,
      %swap3A_65 = arith.index_cast %scan3A_35 : i32 to index
      %swap3A_66 = arith.constant 96 : index
      %swap3A_67 = tpu.vector_load %arg7[%swap3A_65, %swap3A_66] {strides = array<i32>} : memref<8x128xf32, #tpu.memory_space<vmem>>, vector<1x16xf32>,
      %swap3A_68 = vector.shape_cast %swap3A_67 : vector<1x16xf32> to vector<16xf32>
      %swap3A_69 = vector.shape_cast %broadcast_in_dim3A_2 : vector<16xf32> to vector<1x16xf32>
      tpu.vector_store %arg7[%swap3A_65, %swap3A_66], %swap3A_69 {strides = array<i32>} : memref<8x128xf32, #tpu.memory_space<vmem>>, vector<1x16xf32>,
      %swap3A_70 = arith.index_cast %scan3A_35 : i32 to index
      %swap3A_71 = arith.constant 112 : index
      %swap3A_72 = tpu.vector_load %arg7[%swap3A_70, %swap3A_71] {strides = array<i32>} : memref<8x128xf32, #tpu.memory_space<vmem>>, vector<1x16xf32>,
      %swap3A_73 = vector.shape_cast %swap3A_72 : vector<1x16xf32> to vector<16xf32>
      %swap3A_74 = vector.shape_cast %broadcast_in_dim3A_2 : vector<16xf32> to vector<1x16xf32>
      tpu.vector_store %arg7[%swap3A_70, %swap3A_71], %swap3A_74 {strides = array<i32>} : memref<8x128xf32, #tpu.memory_space<vmem>>, vector<1x16xf32>,
    }
    %scan3A_13 = arith.constant 8 : i32
    %scan3A_14 = arith.constant 0 : i32
    %scan3A_15 = arith.constant 0 : i32
    %scan3A_16 = arith.constant 10 : i32
    %scan3A_17 = arith.addi %scan3A_15, %scan3A_16 : i32
    %scan3A_18 = arith.constant 1 : i32
    scf.for %scan3A_35 = %scan3A_15 to %scan3A_17 step %scan3A_18  : i32 {
      %mul3A_36 = arith.constant 640 : i32
      %mul3A_37 = arith.muli %arg1, %mul3A_36 : i32
      %mul3A_38 = arith.constant 8 : i32
      %mul3A_39 = arith.muli %mul3A_38, %scan3A_35 : i32
      %add3A = arith.constant 0 : i32
      %add3A_40 = arith.addi %mul3A_39, %add3A : i32
      %mul3A_41 = arith.constant 8 : i32
      %mul3A_42 = arith.muli %add3A_40, %mul3A_41 : i32
      %add3A_43 = arith.addi %mul3A_37, %mul3A_42 : i32
      %dma_start3A = arith.constant 0 : i32
      %dma_start3A_44 = tpu.memref_slice %arg8[%add3A_43, %dma_start3A] : memref<10240x128xf32, #tpu.memory_space<vmem_shared>> -> memref<8x128xf32, #tpu.memory_space<vmem_shared>>
      %dma_start3A_45 = arith.constant 0 : i32
      %dma_start3A_46 = tpu.memref_slice %arg8[%add3A_43, %dma_start3A_45] : memref<10240x128xf32, #tpu.memory_space<vmem_shared>> -> memref<8x128xf32, #tpu.memory_space<vmem_shared>>
      tpu.enqueue_dma source(%arg7 : memref<8x128xf32, #tpu.memory_space<vmem>>) target(%dma_start3A_46 : memref<8x128xf32, #tpu.memory_space<vmem_shared>>) target_semaphore(%arg9 : memref<!tpu.dma_semaphore, #tpu.memory_space<semaphore_mem>>)
      %mul3A_47 = arith.constant 640 : i32
      %mul3A_48 = arith.muli %arg1, %mul3A_47 : i32
      %mul3A_49 = arith.constant 8 : i32
      %mul3A_50 = arith.muli %mul3A_49, %scan3A_35 : i32
      %add3A_51 = arith.constant 1 : i32
      %add3A_52 = arith.addi %mul3A_50, %add3A_51 : i32
      %mul3A_53 = arith.constant 8 : i32
      %mul3A_54 = arith.muli %add3A_52, %mul3A_53 : i32
      %add3A_55 = arith.addi %mul3A_48, %mul3A_54 : i32
      %dma_start3A_56 = arith.constant 0 : i32
      %dma_start3A_57 = tpu.memref_slice %arg8[%add3A_55, %dma_start3A_56] : memref<10240x128xf32, #tpu.memory_space<vmem_shared>> -> memref<8x128xf32, #tpu.memory_space<vmem_shared>>
      %dma_start3A_58 = arith.constant 0 : i32
      %dma_start3A_59 = tpu.memref_slice %arg8[%add3A_55, %dma_start3A_58] : memref<10240x128xf32, #tpu.memory_space<vmem_shared>> -> memref<8x128xf32, #tpu.memory_space<vmem_shared>>
      tpu.enqueue_dma source(%arg7 : memref<8x128xf32, #tpu.memory_space<vmem>>) target(%dma_start3A_59 : memref<8x128xf32, #tpu.memory_space<vmem_shared>>) target_semaphore(%arg9 : memref<!tpu.dma_semaphore, #tpu.memory_space<semaphore_mem>>)
      %mul3A_60 = arith.constant 640 : i32
      %mul3A_61 = arith.muli %arg1, %mul3A_60 : i32
      %mul3A_62 = arith.constant 8 : i32
      %mul3A_63 = arith.muli %mul3A_62, %scan3A_35 : i32
      %add3A_64 = arith.constant 2 : i32
      %add3A_65 = arith.addi %mul3A_63, %add3A_64 : i32
      %mul3A_66 = arith.constant 8 : i32
      %mul3A_67 = arith.muli %add3A_65, %mul3A_66 : i32
      %add3A_68 = arith.addi %mul3A_61, %mul3A_67 : i32
      %dma_start3A_69 = arith.constant 0 : i32
      %dma_start3A_70 = tpu.memref_slice %arg8[%add3A_68, %dma_start3A_69] : memref<10240x128xf32, #tpu.memory_space<vmem_shared>> -> memref<8x128xf32, #tpu.memory_space<vmem_shared>>
      %dma_start3A_71 = arith.constant 0 : i32
      %dma_start3A_72 = tpu.memref_slice %arg8[%add3A_68, %dma_start3A_71] : memref<10240x128xf32, #tpu.memory_space<vmem_shared>> -> memref<8x128xf32, #tpu.memory_space<vmem_shared>>
      tpu.enqueue_dma source(%arg7 : memref<8x128xf32, #tpu.memory_space<vmem>>) target(%dma_start3A_72 : memref<8x128xf32, #tpu.memory_space<vmem_shared>>) target_semaphore(%arg9 : memref<!tpu.dma_semaphore, #tpu.memory_space<semaphore_mem>>)
      %mul3A_73 = arith.constant 640 : i32
      %mul3A_74 = arith.muli %arg1, %mul3A_73 : i32
      %mul3A_75 = arith.constant 8 : i32
      %mul3A_76 = arith.muli %mul3A_75, %scan3A_35 : i32
      %add3A_77 = arith.constant 3 : i32
      %add3A_78 = arith.addi %mul3A_76, %add3A_77 : i32
      %mul3A_79 = arith.constant 8 : i32
      %mul3A_80 = arith.muli %add3A_78, %mul3A_79 : i32
      %add3A_81 = arith.addi %mul3A_74, %mul3A_80 : i32
      %dma_start3A_82 = arith.constant 0 : i32
      %dma_start3A_83 = tpu.memref_slice %arg8[%add3A_81, %dma_start3A_82] : memref<10240x128xf32, #tpu.memory_space<vmem_shared>> -> memref<8x128xf32, #tpu.memory_space<vmem_shared>>
      %dma_start3A_84 = arith.constant 0 : i32
      %dma_start3A_85 = tpu.memref_slice %arg8[%add3A_81, %dma_start3A_84] : memref<10240x128xf32, #tpu.memory_space<vmem_shared>> -> memref<8x128xf32, #tpu.memory_space<vmem_shared>>
      tpu.enqueue_dma source(%arg7 : memref<8x128xf32, #tpu.memory_space<vmem>>) target(%dma_start3A_85 : memref<8x128xf32, #tpu.memory_space<vmem_shared>>) target_semaphore(%arg9 : memref<!tpu.dma_semaphore, #tpu.memory_space<semaphore_mem>>)
      %mul3A_86 = arith.constant 640 : i32
      %mul3A_87 = arith.muli %arg1, %mul3A_86 : i32
      %mul3A_88 = arith.constant 8 : i32
      %mul3A_89 = arith.muli %mul3A_88, %scan3A_35 : i32
      %add3A_90 = arith.constant 4 : i32
      %add3A_91 = arith.addi %mul3A_89, %add3A_90 : i32
      %mul3A_92 = arith.constant 8 : i32
      %mul3A_93 = arith.muli %add3A_91, %mul3A_92 : i32
      %add3A_94 = arith.addi %mul3A_87, %mul3A_93 : i32
      %dma_start3A_95 = arith.constant 0 : i32
      %dma_start3A_96 = tpu.memref_slice %arg8[%add3A_94, %dma_start3A_95] : memref<10240x128xf32, #tpu.memory_space<vmem_shared>> -> memref<8x128xf32, #tpu.memory_space<vmem_shared>>
      %dma_start3A_97 = arith.constant 0 : i32
      %dma_start3A_98 = tpu.memref_slice %arg8[%add3A_94, %dma_start3A_97] : memref<10240x128xf32, #tpu.memory_space<vmem_shared>> -> memref<8x128xf32, #tpu.memory_space<vmem_shared>>
      tpu.enqueue_dma source(%arg7 : memref<8x128xf32, #tpu.memory_space<vmem>>) target(%dma_start3A_98 : memref<8x128xf32, #tpu.memory_space<vmem_shared>>) target_semaphore(%arg9 : memref<!tpu.dma_semaphore, #tpu.memory_space<semaphore_mem>>)
      %mul3A_99 = arith.constant 640 : i32
      %mul3A_100 = arith.muli %arg1, %mul3A_99 : i32
      %mul3A_101 = arith.constant 8 : i32
      %mul3A_102 = arith.muli %mul3A_101, %scan3A_35 : i32
      %add3A_103 = arith.constant 5 : i32
      %add3A_104 = arith.addi %mul3A_102, %add3A_103 : i32
      %mul3A_105 = arith.constant 8 : i32
      %mul3A_106 = arith.muli %add3A_104, %mul3A_105 : i32
      %add3A_107 = arith.addi %mul3A_100, %mul3A_106 : i32
      %dma_start3A_108 = arith.constant 0 : i32
      %dma_start3A_109 = tpu.memref_slice %arg8[%add3A_107, %dma_start3A_108] : memref<10240x128xf32, #tpu.memory_space<vmem_shared>> -> memref<8x128xf32, #tpu.memory_space<vmem_shared>>
      %dma_start3A_110 = arith.constant 0 : i32
      %dma_start3A_111 = tpu.memref_slice %arg8[%add3A_107, %dma_start3A_110] : memref<10240x128xf32, #tpu.memory_space<vmem_shared>> -> memref<8x128xf32, #tpu.memory_space<vmem_shared>>
      tpu.enqueue_dma source(%arg7 : memref<8x128xf32, #tpu.memory_space<vmem>>) target(%dma_start3A_111 : memref<8x128xf32, #tpu.memory_space<vmem_shared>>) target_semaphore(%arg9 : memref<!tpu.dma_semaphore, #tpu.memory_space<semaphore_mem>>)
      %mul3A_112 = arith.constant 640 : i32
      %mul3A_113 = arith.muli %arg1, %mul3A_112 : i32
      %mul3A_114 = arith.constant 8 : i32
      %mul3A_115 = arith.muli %mul3A_114, %scan3A_35 : i32
      %add3A_116 = arith.constant 6 : i32
      %add3A_117 = arith.addi %mul3A_115, %add3A_116 : i32
      %mul3A_118 = arith.constant 8 : i32
      %mul3A_119 = arith.muli %add3A_117, %mul3A_118 : i32
      %add3A_120 = arith.addi %mul3A_113, %mul3A_119 : i32
      %dma_start3A_121 = arith.constant 0 : i32
      %dma_start3A_122 = tpu.memref_slice %arg8[%add3A_120, %dma_start3A_121] : memref<10240x128xf32, #tpu.memory_space<vmem_shared>> -> memref<8x128xf32, #tpu.memory_space<vmem_shared>>
      %dma_start3A_123 = arith.constant 0 : i32
      %dma_start3A_124 = tpu.memref_slice %arg8[%add3A_120, %dma_start3A_123] : memref<10240x128xf32, #tpu.memory_space<vmem_shared>> -> memref<8x128xf32, #tpu.memory_space<vmem_shared>>
      tpu.enqueue_dma source(%arg7 : memref<8x128xf32, #tpu.memory_space<vmem>>) target(%dma_start3A_124 : memref<8x128xf32, #tpu.memory_space<vmem_shared>>) target_semaphore(%arg9 : memref<!tpu.dma_semaphore, #tpu.memory_space<semaphore_mem>>)
      %mul3A_125 = arith.constant 640 : i32
      %mul3A_126 = arith.muli %arg1, %mul3A_125 : i32
      %mul3A_127 = arith.constant 8 : i32
      %mul3A_128 = arith.muli %mul3A_127, %scan3A_35 : i32
      %add3A_129 = arith.constant 7 : i32
      %add3A_130 = arith.addi %mul3A_128, %add3A_129 : i32
      %mul3A_131 = arith.constant 8 : i32
      %mul3A_132 = arith.muli %add3A_130, %mul3A_131 : i32
      %add3A_133 = arith.addi %mul3A_126, %mul3A_132 : i32
      %dma_start3A_134 = arith.constant 0 : i32
      %dma_start3A_135 = tpu.memref_slice %arg8[%add3A_133, %dma_start3A_134] : memref<10240x128xf32, #tpu.memory_space<vmem_shared>> -> memref<8x128xf32, #tpu.memory_space<vmem_shared>>
      %dma_start3A_136 = arith.constant 0 : i32
      %dma_start3A_137 = tpu.memref_slice %arg8[%add3A_133, %dma_start3A_136] : memref<10240x128xf32, #tpu.memory_space<vmem_shared>> -> memref<8x128xf32, #tpu.memory_space<vmem_shared>>
      tpu.enqueue_dma source(%arg7 : memref<8x128xf32, #tpu.memory_space<vmem>>) target(%dma_start3A_137 : memref<8x128xf32, #tpu.memory_space<vmem_shared>>) target_semaphore(%arg9 : memref<!tpu.dma_semaphore, #tpu.memory_space<semaphore_mem>>)
      %dma_wait3A = arith.constant 0 : i32
      %dma_wait3A_138 = tpu.memref_slice %arg8[%add3A_43, %dma_wait3A] : memref<10240x128xf32, #tpu.memory_space<vmem_shared>> -> memref<8x128xf32, #tpu.memory_space<vmem_shared>>
      %dma_wait3A_139 = arith.constant 0 : i32
      %dma_wait3A_140 = tpu.memref_slice %arg8[%add3A_43, %dma_wait3A_139] : memref<10240x128xf32, #tpu.memory_space<vmem_shared>> -> memref<8x128xf32, #tpu.memory_space<vmem_shared>>
      tpu.wait_dma2 semaphore(%arg9 : memref<!tpu.dma_semaphore, #tpu.memory_space<semaphore_mem>>) src(%arg7 : memref<8x128xf32, #tpu.memory_space<vmem>>) dst(%dma_wait3A_140 : memref<8x128xf32, #tpu.memory_space<vmem_shared>>)
      %dma_wait3A_141 = arith.constant 0 : i32
      %dma_wait3A_142 = tpu.memref_slice %arg8[%add3A_55, %dma_wait3A_141] : memref<10240x128xf32, #tpu.memory_space<vmem_shared>> -> memref<8x128xf32, #tpu.memory_space<vmem_shared>>
      %dma_wait3A_143 = arith.constant 0 : i32
      %dma_wait3A_144 = tpu.memref_slice %arg8[%add3A_55, %dma_wait3A_143] : memref<10240x128xf32, #tpu.memory_space<vmem_shared>> -> memref<8x128xf32, #tpu.memory_space<vmem_shared>>
      tpu.wait_dma2 semaphore(%arg9 : memref<!tpu.dma_semaphore, #tpu.memory_space<semaphore_mem>>) src(%arg7 : memref<8x128xf32, #tpu.memory_space<vmem>>) dst(%dma_wait3A_144 : memref<8x128xf32, #tpu.memory_space<vmem_shared>>)
      %dma_wait3A_145 = arith.constant 0 : i32
      %dma_wait3A_146 = tpu.memref_slice %arg8[%add3A_68, %dma_wait3A_145] : memref<10240x128xf32, #tpu.memory_space<vmem_shared>> -> memref<8x128xf32, #tpu.memory_space<vmem_shared>>
      %dma_wait3A_147 = arith.constant 0 : i32
      %dma_wait3A_148 = tpu.memref_slice %arg8[%add3A_68, %dma_wait3A_147] : memref<10240x128xf32, #tpu.memory_space<vmem_shared>> -> memref<8x128xf32, #tpu.memory_space<vmem_shared>>
      tpu.wait_dma2 semaphore(%arg9 : memref<!tpu.dma_semaphore, #tpu.memory_space<semaphore_mem>>) src(%arg7 : memref<8x128xf32, #tpu.memory_space<vmem>>) dst(%dma_wait3A_148 : memref<8x128xf32, #tpu.memory_space<vmem_shared>>)
      %dma_wait3A_149 = arith.constant 0 : i32
      %dma_wait3A_150 = tpu.memref_slice %arg8[%add3A_81, %dma_wait3A_149] : memref<10240x128xf32, #tpu.memory_space<vmem_shared>> -> memref<8x128xf32, #tpu.memory_space<vmem_shared>>
      %dma_wait3A_151 = arith.constant 0 : i32
      %dma_wait3A_152 = tpu.memref_slice %arg8[%add3A_81, %dma_wait3A_151] : memref<10240x128xf32, #tpu.memory_space<vmem_shared>> -> memref<8x128xf32, #tpu.memory_space<vmem_shared>>
      tpu.wait_dma2 semaphore(%arg9 : memref<!tpu.dma_semaphore, #tpu.memory_space<semaphore_mem>>) src(%arg7 : memref<8x128xf32, #tpu.memory_space<vmem>>) dst(%dma_wait3A_152 : memref<8x128xf32, #tpu.memory_space<vmem_shared>>)
      %dma_wait3A_153 = arith.constant 0 : i32
      %dma_wait3A_154 = tpu.memref_slice %arg8[%add3A_94, %dma_wait3A_153] : memref<10240x128xf32, #tpu.memory_space<vmem_shared>> -> memref<8x128xf32, #tpu.memory_space<vmem_shared>>
      %dma_wait3A_155 = arith.constant 0 : i32
      %dma_wait3A_156 = tpu.memref_slice %arg8[%add3A_94, %dma_wait3A_155] : memref<10240x128xf32, #tpu.memory_space<vmem_shared>> -> memref<8x128xf32, #tpu.memory_space<vmem_shared>>
      tpu.wait_dma2 semaphore(%arg9 : memref<!tpu.dma_semaphore, #tpu.memory_space<semaphore_mem>>) src(%arg7 : memref<8x128xf32, #tpu.memory_space<vmem>>) dst(%dma_wait3A_156 : memref<8x128xf32, #tpu.memory_space<vmem_shared>>)
      %dma_wait3A_157 = arith.constant 0 : i32
      %dma_wait3A_158 = tpu.memref_slice %arg8[%add3A_107, %dma_wait3A_157] : memref<10240x128xf32, #tpu.memory_space<vmem_shared>> -> memref<8x128xf32, #tpu.memory_space<vmem_shared>>
      %dma_wait3A_159 = arith.constant 0 : i32
      %dma_wait3A_160 = tpu.memref_slice %arg8[%add3A_107, %dma_wait3A_159] : memref<10240x128xf32, #tpu.memory_space<vmem_shared>> -> memref<8x128xf32, #tpu.memory_space<vmem_shared>>
      tpu.wait_dma2 semaphore(%arg9 : memref<!tpu.dma_semaphore, #tpu.memory_space<semaphore_mem>>) src(%arg7 : memref<8x128xf32, #tpu.memory_space<vmem>>) dst(%dma_wait3A_160 : memref<8x128xf32, #tpu.memory_space<vmem_shared>>)
      %dma_wait3A_161 = arith.constant 0 : i32
      %dma_wait3A_162 = tpu.memref_slice %arg8[%add3A_120, %dma_wait3A_161] : memref<10240x128xf32, #tpu.memory_space<vmem_shared>> -> memref<8x128xf32, #tpu.memory_space<vmem_shared>>
      %dma_wait3A_163 = arith.constant 0 : i32
      %dma_wait3A_164 = tpu.memref_slice %arg8[%add3A_120, %dma_wait3A_163] : memref<10240x128xf32, #tpu.memory_space<vmem_shared>> -> memref<8x128xf32, #tpu.memory_space<vmem_shared>>
      tpu.wait_dma2 semaphore(%arg9 : memref<!tpu.dma_semaphore, #tpu.memory_space<semaphore_mem>>) src(%arg7 : memref<8x128xf32, #tpu.memory_space<vmem>>) dst(%dma_wait3A_164 : memref<8x128xf32, #tpu.memory_space<vmem_shared>>)
      %dma_wait3A_165 = arith.constant 0 : i32
      %dma_wait3A_166 = tpu.memref_slice %arg8[%add3A_133, %dma_wait3A_165] : memref<10240x128xf32, #tpu.memory_space<vmem_shared>> -> memref<8x128xf32, #tpu.memory_space<vmem_shared>>
      %dma_wait3A_167 = arith.constant 0 : i32
      %dma_wait3A_168 = tpu.memref_slice %arg8[%add3A_133, %dma_wait3A_167] : memref<10240x128xf32, #tpu.memory_space<vmem_shared>> -> memref<8x128xf32, #tpu.memory_space<vmem_shared>>
      tpu.wait_dma2 semaphore(%arg9 : memref<!tpu.dma_semaphore, #tpu.memory_space<semaphore_mem>>) src(%arg7 : memref<8x128xf32, #tpu.memory_space<vmem>>) dst(%dma_wait3A_168 : memref<8x128xf32, #tpu.memory_space<vmem_shared>>)
    }
    %scan3A_19 = arith.constant 10 : i32
    %barrier3A = arith.constant 0 : index
    tpu.barrier barrier_id(%barrier3A)
    %mul3A = arith.constant 50 : i32
    %mul3A_20 = arith.muli %arg0, %mul3A : i32
    %scan3A_21 = arith.constant 0 : i32
    %scan3A_22 = arith.constant 0 : i32
    %scan3A_23 = arith.constant 5 : i32
    %scan3A_24 = arith.addi %scan3A_22, %scan3A_23 : i32
    %scan3A_25 = arith.constant 1 : i32
    scf.for %scan3A_35 = %scan3A_22 to %scan3A_24 step %scan3A_25  : i32 {
      %mul3A_36 = arith.constant 10 : i32
      %mul3A_37 = arith.muli %scan3A_35, %mul3A_36 : i32
      %add3A = arith.addi %mul3A_20, %mul3A_37 : i32
      %add3A_38 = arith.constant 0 : i32
      %add3A_39 = arith.addi %add3A, %add3A_38 : i32
      %dma_start3A = arith.constant 0 : i32
      %dma_start3A_40 = tpu.memref_slice %arg5[%add3A_39, %dma_start3A] : memref<100x100xi32, #tpu.memory_space<vmem>> -> memref<1x100xi32, #tpu.memory_space<vmem>>
      %dma_start3A_41 = tpu.memref_squeeze %dma_start3A_40 : memref<1x100xi32, #tpu.memory_space<vmem>> -> memref<100xi32, #tpu.memory_space<vmem>>
      %dma_start3A_42 = arith.constant 0 : i32
      %dma_start3A_43 = arith.constant 0 : i32
      %dma_start3A_44 = tpu.memref_slice %arg8[%dma_start3A_42, %dma_start3A_43] : memref<10240x128xf32, #tpu.memory_space<vmem_shared>> -> memref<10240x128xf32, #tpu.memory_space<vmem_shared>>
      tpu.enqueue_indirect_dma source(%arg6 : memref<100x128xf32, #tpu.memory_space<vmem>>) target(%dma_start3A_44 : memref<10240x128xf32, #tpu.memory_space<vmem_shared>>) offsets(%dma_start3A_41 : memref<100xi32, #tpu.memory_space<vmem>>) semaphore(%arg10 : memref<!tpu.dma_semaphore, #tpu.memory_space<semaphore_mem>>) {add = true}
      %mul3A_45 = arith.constant 10 : i32
      %mul3A_46 = arith.muli %scan3A_35, %mul3A_45 : i32
      %add3A_47 = arith.addi %mul3A_20, %mul3A_46 : i32
      %add3A_48 = arith.constant 1 : i32
      %add3A_49 = arith.addi %add3A_47, %add3A_48 : i32
      %dma_start3A_50 = arith.constant 0 : i32
      %dma_start3A_51 = tpu.memref_slice %arg5[%add3A_49, %dma_start3A_50] : memref<100x100xi32, #tpu.memory_space<vmem>> -> memref<1x100xi32, #tpu.memory_space<vmem>>
      %dma_start3A_52 = tpu.memref_squeeze %dma_start3A_51 : memref<1x100xi32, #tpu.memory_space<vmem>> -> memref<100xi32, #tpu.memory_space<vmem>>
      %dma_start3A_53 = arith.constant 0 : i32
      %dma_start3A_54 = arith.constant 0 : i32
      %dma_start3A_55 = tpu.memref_slice %arg8[%dma_start3A_53, %dma_start3A_54] : memref<10240x128xf32, #tpu.memory_space<vmem_shared>> -> memref<10240x128xf32, #tpu.memory_space<vmem_shared>>
      tpu.enqueue_indirect_dma source(%arg6 : memref<100x128xf32, #tpu.memory_space<vmem>>) target(%dma_start3A_55 : memref<10240x128xf32, #tpu.memory_space<vmem_shared>>) offsets(%dma_start3A_52 : memref<100xi32, #tpu.memory_space<vmem>>) semaphore(%arg10 : memref<!tpu.dma_semaphore, #tpu.memory_space<semaphore_mem>>) {add = true}
      %mul3A_56 = arith.constant 10 : i32
      %mul3A_57 = arith.muli %scan3A_35, %mul3A_56 : i32
      %add3A_58 = arith.addi %mul3A_20, %mul3A_57 : i32
      %add3A_59 = arith.constant 2 : i32
      %add3A_60 = arith.addi %add3A_58, %add3A_59 : i32
      %dma_start3A_61 = arith.constant 0 : i32
      %dma_start3A_62 = tpu.memref_slice %arg5[%add3A_60, %dma_start3A_61] : memref<100x100xi32, #tpu.memory_space<vmem>> -> memref<1x100xi32, #tpu.memory_space<vmem>>
      %dma_start3A_63 = tpu.memref_squeeze %dma_start3A_62 : memref<1x100xi32, #tpu.memory_space<vmem>> -> memref<100xi32, #tpu.memory_space<vmem>>
      %dma_start3A_64 = arith.constant 0 : i32
      %dma_start3A_65 = arith.constant 0 : i32
      %dma_start3A_66 = tpu.memref_slice %arg8[%dma_start3A_64, %dma_start3A_65] : memref<10240x128xf32, #tpu.memory_space<vmem_shared>> -> memref<10240x128xf32, #tpu.memory_space<vmem_shared>>
      tpu.enqueue_indirect_dma source(%arg6 : memref<100x128xf32, #tpu.memory_space<vmem>>) target(%dma_start3A_66 : memref<10240x128xf32, #tpu.memory_space<vmem_shared>>) offsets(%dma_start3A_63 : memref<100xi32, #tpu.memory_space<vmem>>) semaphore(%arg10 : memref<!tpu.dma_semaphore, #tpu.memory_space<semaphore_mem>>) {add = true}
      %mul3A_67 = arith.constant 10 : i32
      %mul3A_68 = arith.muli %scan3A_35, %mul3A_67 : i32
      %add3A_69 = arith.addi %mul3A_20, %mul3A_68 : i32
      %add3A_70 = arith.constant 3 : i32
      %add3A_71 = arith.addi %add3A_69, %add3A_70 : i32
      %dma_start3A_72 = arith.constant 0 : i32
      %dma_start3A_73 = tpu.memref_slice %arg5[%add3A_71, %dma_start3A_72] : memref<100x100xi32, #tpu.memory_space<vmem>> -> memref<1x100xi32, #tpu.memory_space<vmem>>
      %dma_start3A_74 = tpu.memref_squeeze %dma_start3A_73 : memref<1x100xi32, #tpu.memory_space<vmem>> -> memref<100xi32, #tpu.memory_space<vmem>>
      %dma_start3A_75 = arith.constant 0 : i32
      %dma_start3A_76 = arith.constant 0 : i32
      %dma_start3A_77 = tpu.memref_slice %arg8[%dma_start3A_75, %dma_start3A_76] : memref<10240x128xf32, #tpu.memory_space<vmem_shared>> -> memref<10240x128xf32, #tpu.memory_space<vmem_shared>>
      tpu.enqueue_indirect_dma source(%arg6 : memref<100x128xf32, #tpu.memory_space<vmem>>) target(%dma_start3A_77 : memref<10240x128xf32, #tpu.memory_space<vmem_shared>>) offsets(%dma_start3A_74 : memref<100xi32, #tpu.memory_space<vmem>>) semaphore(%arg10 : memref<!tpu.dma_semaphore, #tpu.memory_space<semaphore_mem>>) {add = true}
      %mul3A_78 = arith.constant 10 : i32
      %mul3A_79 = arith.muli %scan3A_35, %mul3A_78 : i32
      %add3A_80 = arith.addi %mul3A_20, %mul3A_79 : i32
      %add3A_81 = arith.constant 4 : i32
      %add3A_82 = arith.addi %add3A_80, %add3A_81 : i32
      %dma_start3A_83 = arith.constant 0 : i32
      %dma_start3A_84 = tpu.memref_slice %arg5[%add3A_82, %dma_start3A_83] : memref<100x100xi32, #tpu.memory_space<vmem>> -> memref<1x100xi32, #tpu.memory_space<vmem>>
      %dma_start3A_85 = tpu.memref_squeeze %dma_start3A_84 : memref<1x100xi32, #tpu.memory_space<vmem>> -> memref<100xi32, #tpu.memory_space<vmem>>
      %dma_start3A_86 = arith.constant 0 : i32
      %dma_start3A_87 = arith.constant 0 : i32
      %dma_start3A_88 = tpu.memref_slice %arg8[%dma_start3A_86, %dma_start3A_87] : memref<10240x128xf32, #tpu.memory_space<vmem_shared>> -> memref<10240x128xf32, #tpu.memory_space<vmem_shared>>
      tpu.enqueue_indirect_dma source(%arg6 : memref<100x128xf32, #tpu.memory_space<vmem>>) target(%dma_start3A_88 : memref<10240x128xf32, #tpu.memory_space<vmem_shared>>) offsets(%dma_start3A_85 : memref<100xi32, #tpu.memory_space<vmem>>) semaphore(%arg10 : memref<!tpu.dma_semaphore, #tpu.memory_space<semaphore_mem>>) {add = true}
      %mul3A_89 = arith.constant 10 : i32
      %mul3A_90 = arith.muli %scan3A_35, %mul3A_89 : i32
      %add3A_91 = arith.addi %mul3A_20, %mul3A_90 : i32
      %add3A_92 = arith.constant 5 : i32
      %add3A_93 = arith.addi %add3A_91, %add3A_92 : i32
      %dma_start3A_94 = arith.constant 0 : i32
      %dma_start3A_95 = tpu.memref_slice %arg5[%add3A_93, %dma_start3A_94] : memref<100x100xi32, #tpu.memory_space<vmem>> -> memref<1x100xi32, #tpu.memory_space<vmem>>
      %dma_start3A_96 = tpu.memref_squeeze %dma_start3A_95 : memref<1x100xi32, #tpu.memory_space<vmem>> -> memref<100xi32, #tpu.memory_space<vmem>>
      %dma_start3A_97 = arith.constant 0 : i32
      %dma_start3A_98 = arith.constant 0 : i32
      %dma_start3A_99 = tpu.memref_slice %arg8[%dma_start3A_97, %dma_start3A_98] : memref<10240x128xf32, #tpu.memory_space<vmem_shared>> -> memref<10240x128xf32, #tpu.memory_space<vmem_shared>>
      tpu.enqueue_indirect_dma source(%arg6 : memref<100x128xf32, #tpu.memory_space<vmem>>) target(%dma_start3A_99 : memref<10240x128xf32, #tpu.memory_space<vmem_shared>>) offsets(%dma_start3A_96 : memref<100xi32, #tpu.memory_space<vmem>>) semaphore(%arg10 : memref<!tpu.dma_semaphore, #tpu.memory_space<semaphore_mem>>) {add = true}
      %mul3A_100 = arith.constant 10 : i32
      %mul3A_101 = arith.muli %scan3A_35, %mul3A_100 : i32
      %add3A_102 = arith.addi %mul3A_20, %mul3A_101 : i32
      %add3A_103 = arith.constant 6 : i32
      %add3A_104 = arith.addi %add3A_102, %add3A_103 : i32
      %dma_start3A_105 = arith.constant 0 : i32
      %dma_start3A_106 = tpu.memref_slice %arg5[%add3A_104, %dma_start3A_105] : memref<100x100xi32, #tpu.memory_space<vmem>> -> memref<1x100xi32, #tpu.memory_space<vmem>>
      %dma_start3A_107 = tpu.memref_squeeze %dma_start3A_106 : memref<1x100xi32, #tpu.memory_space<vmem>> -> memref<100xi32, #tpu.memory_space<vmem>>
      %dma_start3A_108 = arith.constant 0 : i32
      %dma_start3A_109 = arith.constant 0 : i32
      %dma_start3A_110 = tpu.memref_slice %arg8[%dma_start3A_108, %dma_start3A_109] : memref<10240x128xf32, #tpu.memory_space<vmem_shared>> -> memref<10240x128xf32, #tpu.memory_space<vmem_shared>>
      tpu.enqueue_indirect_dma source(%arg6 : memref<100x128xf32, #tpu.memory_space<vmem>>) target(%dma_start3A_110 : memref<10240x128xf32, #tpu.memory_space<vmem_shared>>) offsets(%dma_start3A_107 : memref<100xi32, #tpu.memory_space<vmem>>) semaphore(%arg10 : memref<!tpu.dma_semaphore, #tpu.memory_space<semaphore_mem>>) {add = true}
      %mul3A_111 = arith.constant 10 : i32
      %mul3A_112 = arith.muli %scan3A_35, %mul3A_111 : i32
      %add3A_113 = arith.addi %mul3A_20, %mul3A_112 : i32
      %add3A_114 = arith.constant 7 : i32
      %add3A_115 = arith.addi %add3A_113, %add3A_114 : i32
      %dma_start3A_116 = arith.constant 0 : i32
      %dma_start3A_117 = tpu.memref_slice %arg5[%add3A_115, %dma_start3A_116] : memref<100x100xi32, #tpu.memory_space<vmem>> -> memref<1x100xi32, #tpu.memory_space<vmem>>
      %dma_start3A_118 = tpu.memref_squeeze %dma_start3A_117 : memref<1x100xi32, #tpu.memory_space<vmem>> -> memref<100xi32, #tpu.memory_space<vmem>>
      %dma_start3A_119 = arith.constant 0 : i32
      %dma_start3A_120 = arith.constant 0 : i32
      %dma_start3A_121 = tpu.memref_slice %arg8[%dma_start3A_119, %dma_start3A_120] : memref<10240x128xf32, #tpu.memory_space<vmem_shared>> -> memref<10240x128xf32, #tpu.memory_space<vmem_shared>>
      tpu.enqueue_indirect_dma source(%arg6 : memref<100x128xf32, #tpu.memory_space<vmem>>) target(%dma_start3A_121 : memref<10240x128xf32, #tpu.memory_space<vmem_shared>>) offsets(%dma_start3A_118 : memref<100xi32, #tpu.memory_space<vmem>>) semaphore(%arg10 : memref<!tpu.dma_semaphore, #tpu.memory_space<semaphore_mem>>) {add = true}
      %mul3A_122 = arith.constant 10 : i32
      %mul3A_123 = arith.muli %scan3A_35, %mul3A_122 : i32
      %add3A_124 = arith.addi %mul3A_20, %mul3A_123 : i32
      %add3A_125 = arith.constant 8 : i32
      %add3A_126 = arith.addi %add3A_124, %add3A_125 : i32
      %dma_start3A_127 = arith.constant 0 : i32
      %dma_start3A_128 = tpu.memref_slice %arg5[%add3A_126, %dma_start3A_127] : memref<100x100xi32, #tpu.memory_space<vmem>> -> memref<1x100xi32, #tpu.memory_space<vmem>>
      %dma_start3A_129 = tpu.memref_squeeze %dma_start3A_128 : memref<1x100xi32, #tpu.memory_space<vmem>> -> memref<100xi32, #tpu.memory_space<vmem>>
      %dma_start3A_130 = arith.constant 0 : i32
      %dma_start3A_131 = arith.constant 0 : i32
      %dma_start3A_132 = tpu.memref_slice %arg8[%dma_start3A_130, %dma_start3A_131] : memref<10240x128xf32, #tpu.memory_space<vmem_shared>> -> memref<10240x128xf32, #tpu.memory_space<vmem_shared>>
      tpu.enqueue_indirect_dma source(%arg6 : memref<100x128xf32, #tpu.memory_space<vmem>>) target(%dma_start3A_132 : memref<10240x128xf32, #tpu.memory_space<vmem_shared>>) offsets(%dma_start3A_129 : memref<100xi32, #tpu.memory_space<vmem>>) semaphore(%arg10 : memref<!tpu.dma_semaphore, #tpu.memory_space<semaphore_mem>>) {add = true}
      %mul3A_133 = arith.constant 10 : i32
      %mul3A_134 = arith.muli %scan3A_35, %mul3A_133 : i32
      %add3A_135 = arith.addi %mul3A_20, %mul3A_134 : i32
      %add3A_136 = arith.constant 9 : i32
      %add3A_137 = arith.addi %add3A_135, %add3A_136 : i32
      %dma_start3A_138 = arith.constant 0 : i32
      %dma_start3A_139 = tpu.memref_slice %arg5[%add3A_137, %dma_start3A_138] : memref<100x100xi32, #tpu.memory_space<vmem>> -> memref<1x100xi32, #tpu.memory_space<vmem>>
      %dma_start3A_140 = tpu.memref_squeeze %dma_start3A_139 : memref<1x100xi32, #tpu.memory_space<vmem>> -> memref<100xi32, #tpu.memory_space<vmem>>
      %dma_start3A_141 = arith.constant 0 : i32
      %dma_start3A_142 = arith.constant 0 : i32
      %dma_start3A_143 = tpu.memref_slice %arg8[%dma_start3A_141, %dma_start3A_142] : memref<10240x128xf32, #tpu.memory_space<vmem_shared>> -> memref<10240x128xf32, #tpu.memory_space<vmem_shared>>
      tpu.enqueue_indirect_dma source(%arg6 : memref<100x128xf32, #tpu.memory_space<vmem>>) target(%dma_start3A_143 : memref<10240x128xf32, #tpu.memory_space<vmem_shared>>) offsets(%dma_start3A_140 : memref<100xi32, #tpu.memory_space<vmem>>) semaphore(%arg10 : memref<!tpu.dma_semaphore, #tpu.memory_space<semaphore_mem>>) {add = true}
      %dma_wait3A = arith.constant 0 : i32
      %dma_wait3A_144 = tpu.memref_slice %arg5[%add3A_39, %dma_wait3A] : memref<100x100xi32, #tpu.memory_space<vmem>> -> memref<1x100xi32, #tpu.memory_space<vmem>>
      %dma_wait3A_145 = tpu.memref_squeeze %dma_wait3A_144 : memref<1x100xi32, #tpu.memory_space<vmem>> -> memref<100xi32, #tpu.memory_space<vmem>>
      %dma_wait3A_146 = arith.constant 0 : i32
      %dma_wait3A_147 = arith.constant 0 : i32
      %dma_wait3A_148 = tpu.memref_slice %arg8[%dma_wait3A_146, %dma_wait3A_147] : memref<10240x128xf32, #tpu.memory_space<vmem_shared>> -> memref<10240x128xf32, #tpu.memory_space<vmem_shared>>
      tpu.wait_indirect_dma semaphore(%arg10 : memref<!tpu.dma_semaphore, #tpu.memory_space<semaphore_mem>>) src(%arg6 : memref<100x128xf32, #tpu.memory_space<vmem>>) dst(%dma_wait3A_148 : memref<10240x128xf32, #tpu.memory_space<vmem_shared>>)
      %dma_wait3A_149 = arith.constant 0 : i32
      %dma_wait3A_150 = tpu.memref_slice %arg5[%add3A_49, %dma_wait3A_149] : memref<100x100xi32, #tpu.memory_space<vmem>> -> memref<1x100xi32, #tpu.memory_space<vmem>>
      %dma_wait3A_151 = tpu.memref_squeeze %dma_wait3A_150 : memref<1x100xi32, #tpu.memory_space<vmem>> -> memref<100xi32, #tpu.memory_space<vmem>>
      %dma_wait3A_152 = arith.constant 0 : i32
      %dma_wait3A_153 = arith.constant 0 : i32
      %dma_wait3A_154 = tpu.memref_slice %arg8[%dma_wait3A_152, %dma_wait3A_153] : memref<10240x128xf32, #tpu.memory_space<vmem_shared>> -> memref<10240x128xf32, #tpu.memory_space<vmem_shared>>
      tpu.wait_indirect_dma semaphore(%arg10 : memref<!tpu.dma_semaphore, #tpu.memory_space<semaphore_mem>>) src(%arg6 : memref<100x128xf32, #tpu.memory_space<vmem>>) dst(%dma_wait3A_154 : memref<10240x128xf32, #tpu.memory_space<vmem_shared>>)
      %dma_wait3A_155 = arith.constant 0 : i32
      %dma_wait3A_156 = tpu.memref_slice %arg5[%add3A_60, %dma_wait3A_155] : memref<100x100xi32, #tpu.memory_space<vmem>> -> memref<1x100xi32, #tpu.memory_space<vmem>>
      %dma_wait3A_157 = tpu.memref_squeeze %dma_wait3A_156 : memref<1x100xi32, #tpu.memory_space<vmem>> -> memref<100xi32, #tpu.memory_space<vmem>>
      %dma_wait3A_158 = arith.constant 0 : i32
      %dma_wait3A_159 = arith.constant 0 : i32
      %dma_wait3A_160 = tpu.memref_slice %arg8[%dma_wait3A_158, %dma_wait3A_159] : memref<10240x128xf32, #tpu.memory_space<vmem_shared>> -> memref<10240x128xf32, #tpu.memory_space<vmem_shared>>
      tpu.wait_indirect_dma semaphore(%arg10 : memref<!tpu.dma_semaphore, #tpu.memory_space<semaphore_mem>>) src(%arg6 : memref<100x128xf32, #tpu.memory_space<vmem>>) dst(%dma_wait3A_160 : memref<10240x128xf32, #tpu.memory_space<vmem_shared>>)
      %dma_wait3A_161 = arith.constant 0 : i32
      %dma_wait3A_162 = tpu.memref_slice %arg5[%add3A_71, %dma_wait3A_161] : memref<100x100xi32, #tpu.memory_space<vmem>> -> memref<1x100xi32, #tpu.memory_space<vmem>>
      %dma_wait3A_163 = tpu.memref_squeeze %dma_wait3A_162 : memref<1x100xi32, #tpu.memory_space<vmem>> -> memref<100xi32, #tpu.memory_space<vmem>>
      %dma_wait3A_164 = arith.constant 0 : i32
      %dma_wait3A_165 = arith.constant 0 : i32
      %dma_wait3A_166 = tpu.memref_slice %arg8[%dma_wait3A_164, %dma_wait3A_165] : memref<10240x128xf32, #tpu.memory_space<vmem_shared>> -> memref<10240x128xf32, #tpu.memory_space<vmem_shared>>
      tpu.wait_indirect_dma semaphore(%arg10 : memref<!tpu.dma_semaphore, #tpu.memory_space<semaphore_mem>>) src(%arg6 : memref<100x128xf32, #tpu.memory_space<vmem>>) dst(%dma_wait3A_166 : memref<10240x128xf32, #tpu.memory_space<vmem_shared>>)
      %dma_wait3A_167 = arith.constant 0 : i32
      %dma_wait3A_168 = tpu.memref_slice %arg5[%add3A_82, %dma_wait3A_167] : memref<100x100xi32, #tpu.memory_space<vmem>> -> memref<1x100xi32, #tpu.memory_space<vmem>>
      %dma_wait3A_169 = tpu.memref_squeeze %dma_wait3A_168 : memref<1x100xi32, #tpu.memory_space<vmem>> -> memref<100xi32, #tpu.memory_space<vmem>>
      %dma_wait3A_170 = arith.constant 0 : i32
      %dma_wait3A_171 = arith.constant 0 : i32
      %dma_wait3A_172 = tpu.memref_slice %arg8[%dma_wait3A_170, %dma_wait3A_171] : memref<10240x128xf32, #tpu.memory_space<vmem_shared>> -> memref<10240x128xf32, #tpu.memory_space<vmem_shared>>
      tpu.wait_indirect_dma semaphore(%arg10 : memref<!tpu.dma_semaphore, #tpu.memory_space<semaphore_mem>>) src(%arg6 : memref<100x128xf32, #tpu.memory_space<vmem>>) dst(%dma_wait3A_172 : memref<10240x128xf32, #tpu.memory_space<vmem_shared>>)
      %dma_wait3A_173 = arith.constant 0 : i32
      %dma_wait3A_174 = tpu.memref_slice %arg5[%add3A_93, %dma_wait3A_173] : memref<100x100xi32, #tpu.memory_space<vmem>> -> memref<1x100xi32, #tpu.memory_space<vmem>>
      %dma_wait3A_175 = tpu.memref_squeeze %dma_wait3A_174 : memref<1x100xi32, #tpu.memory_space<vmem>> -> memref<100xi32, #tpu.memory_space<vmem>>
      %dma_wait3A_176 = arith.constant 0 : i32
      %dma_wait3A_177 = arith.constant 0 : i32
      %dma_wait3A_178 = tpu.memref_slice %arg8[%dma_wait3A_176, %dma_wait3A_177] : memref<10240x128xf32, #tpu.memory_space<vmem_shared>> -> memref<10240x128xf32, #tpu.memory_space<vmem_shared>>
      tpu.wait_indirect_dma semaphore(%arg10 : memref<!tpu.dma_semaphore, #tpu.memory_space<semaphore_mem>>) src(%arg6 : memref<100x128xf32, #tpu.memory_space<vmem>>) dst(%dma_wait3A_178 : memref<10240x128xf32, #tpu.memory_space<vmem_shared>>)
      %dma_wait3A_179 = arith.constant 0 : i32
      %dma_wait3A_180 = tpu.memref_slice %arg5[%add3A_104, %dma_wait3A_179] : memref<100x100xi32, #tpu.memory_space<vmem>> -> memref<1x100xi32, #tpu.memory_space<vmem>>
      %dma_wait3A_181 = tpu.memref_squeeze %dma_wait3A_180 : memref<1x100xi32, #tpu.memory_space<vmem>> -> memref<100xi32, #tpu.memory_space<vmem>>
      %dma_wait3A_182 = arith.constant 0 : i32
      %dma_wait3A_183 = arith.constant 0 : i32
      %dma_wait3A_184 = tpu.memref_slice %arg8[%dma_wait3A_182, %dma_wait3A_183] : memref<10240x128xf32, #tpu.memory_space<vmem_shared>> -> memref<10240x128xf32, #tpu.memory_space<vmem_shared>>
      tpu.wait_indirect_dma semaphore(%arg10 : memref<!tpu.dma_semaphore, #tpu.memory_space<semaphore_mem>>) src(%arg6 : memref<100x128xf32, #tpu.memory_space<vmem>>) dst(%dma_wait3A_184 : memref<10240x128xf32, #tpu.memory_space<vmem_shared>>)
      %dma_wait3A_185 = arith.constant 0 : i32
      %dma_wait3A_186 = tpu.memref_slice %arg5[%add3A_115, %dma_wait3A_185] : memref<100x100xi32, #tpu.memory_space<vmem>> -> memref<1x100xi32, #tpu.memory_space<vmem>>
      %dma_wait3A_187 = tpu.memref_squeeze %dma_wait3A_186 : memref<1x100xi32, #tpu.memory_space<vmem>> -> memref<100xi32, #tpu.memory_space<vmem>>
      %dma_wait3A_188 = arith.constant 0 : i32
      %dma_wait3A_189 = arith.constant 0 : i32
      %dma_wait3A_190 = tpu.memref_slice %arg8[%dma_wait3A_188, %dma_wait3A_189] : memref<10240x128xf32, #tpu.memory_space<vmem_shared>> -> memref<10240x128xf32, #tpu.memory_space<vmem_shared>>
      tpu.wait_indirect_dma semaphore(%arg10 : memref<!tpu.dma_semaphore, #tpu.memory_space<semaphore_mem>>) src(%arg6 : memref<100x128xf32, #tpu.memory_space<vmem>>) dst(%dma_wait3A_190 : memref<10240x128xf32, #tpu.memory_space<vmem_shared>>)
      %dma_wait3A_191 = arith.constant 0 : i32
      %dma_wait3A_192 = tpu.memref_slice %arg5[%add3A_126, %dma_wait3A_191] : memref<100x100xi32, #tpu.memory_space<vmem>> -> memref<1x100xi32, #tpu.memory_space<vmem>>
      %dma_wait3A_193 = tpu.memref_squeeze %dma_wait3A_192 : memref<1x100xi32, #tpu.memory_space<vmem>> -> memref<100xi32, #tpu.memory_space<vmem>>
      %dma_wait3A_194 = arith.constant 0 : i32
      %dma_wait3A_195 = arith.constant 0 : i32
      %dma_wait3A_196 = tpu.memref_slice %arg8[%dma_wait3A_194, %dma_wait3A_195] : memref<10240x128xf32, #tpu.memory_space<vmem_shared>> -> memref<10240x128xf32, #tpu.memory_space<vmem_shared>>
      tpu.wait_indirect_dma semaphore(%arg10 : memref<!tpu.dma_semaphore, #tpu.memory_space<semaphore_mem>>) src(%arg6 : memref<100x128xf32, #tpu.memory_space<vmem>>) dst(%dma_wait3A_196 : memref<10240x128xf32, #tpu.memory_space<vmem_shared>>)
      %dma_wait3A_197 = arith.constant 0 : i32
      %dma_wait3A_198 = tpu.memref_slice %arg5[%add3A_137, %dma_wait3A_197] : memref<100x100xi32, #tpu.memory_space<vmem>> -> memref<1x100xi32, #tpu.memory_space<vmem>>
      %dma_wait3A_199 = tpu.memref_squeeze %dma_wait3A_198 : memref<1x100xi32, #tpu.memory_space<vmem>> -> memref<100xi32, #tpu.memory_space<vmem>>
      %dma_wait3A_200 = arith.constant 0 : i32
      %dma_wait3A_201 = arith.constant 0 : i32
      %dma_wait3A_202 = tpu.memref_slice %arg8[%dma_wait3A_200, %dma_wait3A_201] : memref<10240x128xf32, #tpu.memory_space<vmem_shared>> -> memref<10240x128xf32, #tpu.memory_space<vmem_shared>>
      tpu.wait_indirect_dma semaphore(%arg10 : memref<!tpu.dma_semaphore, #tpu.memory_space<semaphore_mem>>) src(%arg6 : memref<100x128xf32, #tpu.memory_space<vmem>>) dst(%dma_wait3A_202 : memref<10240x128xf32, #tpu.memory_space<vmem_shared>>)
    }
    %scan3A_26 = arith.constant 5 : i32
    %barrier3A_27 = arith.constant 0 : index
    tpu.barrier barrier_id(%barrier3A_27)
    %eq3A = arith.constant 0 : i32
    %eq3A_28 = arith.cmpi eq, %arg0, %eq3A : i32
    %convert_element_type3A = arith.extui %eq3A_28 : i1 to i32
    %cond3A = arith.constant 0 : i32
    %cond3A_29 = arith.cmpi ne, %convert_element_type3A, %cond3A : i32
    scf.if %cond3A_29 {
      %mul3A_35 = arith.constant 640 : i32
      %mul3A_36 = arith.muli %arg1, %mul3A_35 : i32
      %mul3A_37 = arith.constant 640 : i32
      %mul3A_38 = arith.muli %arg1, %mul3A_37 : i32
      "tpu.region"() ({
        %run_scoped3A = tpu.sem_alloc : memref<!tpu.dma_semaphore, #tpu.memory_space<semaphore_mem>>
        %dma_start3A = arith.constant 0 : i32
        %dma_start3A_39 = tpu.memref_slice %arg3[%mul3A_38, %dma_start3A] : memref<10240x128xf32, #tpu.memory_space<hbm>> -> memref<640x128xf32, #tpu.memory_space<hbm>>
        %dma_start3A_40 = arith.constant 0 : i32
        %dma_start3A_41 = tpu.memref_slice %arg8[%mul3A_36, %dma_start3A_40] : memref<10240x128xf32, #tpu.memory_space<vmem_shared>> -> memref<640x128xf32, #tpu.memory_space<vmem_shared>>
        tpu.enqueue_dma source(%dma_start3A_41 : memref<640x128xf32, #tpu.memory_space<vmem_shared>>) target(%dma_start3A_39 : memref<640x128xf32, #tpu.memory_space<hbm>>) target_semaphore(%run_scoped3A : memref<!tpu.dma_semaphore, #tpu.memory_space<semaphore_mem>>)
        %dma_wait3A = arith.constant 0 : i32
        %dma_wait3A_42 = tpu.memref_slice %arg3[%mul3A_38, %dma_wait3A] : memref<10240x128xf32, #tpu.memory_space<hbm>> -> memref<640x128xf32, #tpu.memory_space<hbm>>
        %dma_wait3A_43 = arith.constant 0 : i32
        %dma_wait3A_44 = tpu.memref_slice %arg8[%mul3A_36, %dma_wait3A_43] : memref<10240x128xf32, #tpu.memory_space<vmem_shared>> -> memref<640x128xf32, #tpu.memory_space<vmem_shared>>
        tpu.wait_dma2 semaphore(%run_scoped3A : memref<!tpu.dma_semaphore, #tpu.memory_space<semaphore_mem>>) src(%dma_wait3A_44 : memref<640x128xf32, #tpu.memory_space<vmem_shared>>) dst(%dma_wait3A_42 : memref<640x128xf32, #tpu.memory_space<hbm>>)
        tpu.yield
      }) : () -> ()
    } else {
    }
    %eq3A_30 = arith.constant 1 : i32
    %eq3A_31 = arith.cmpi eq, %arg0, %eq3A_30 : i32
    %convert_element_type3A_32 = arith.extui %eq3A_31 : i1 to i32
    %cond3A_33 = arith.constant 0 : i32
    %cond3A_34 = arith.cmpi ne, %convert_element_type3A_32, %cond3A_33 : i32
    scf.if %cond3A_34 {
      %mul3A_35 = arith.constant 640 : i32
      %mul3A_36 = arith.muli %arg1, %mul3A_35 : i32
      %mul3A_37 = arith.constant 640 : i32
      %mul3A_38 = arith.muli %arg1, %mul3A_37 : i32
      "tpu.region"() ({
        %run_scoped3A = tpu.sem_alloc : memref<!tpu.dma_semaphore, #tpu.memory_space<semaphore_mem>>
        %dma_start3A = arith.constant 0 : i32
        %dma_start3A_39 = tpu.memref_slice %arg4[%mul3A_38, %dma_start3A] : memref<10240x128xf32, #tpu.memory_space<hbm>> -> memref<640x128xf32, #tpu.memory_space<hbm>>
        %dma_start3A_40 = arith.constant 0 : i32
        %dma_start3A_41 = tpu.memref_slice %arg8[%mul3A_36, %dma_start3A_40] : memref<10240x128xf32, #tpu.memory_space<vmem_shared>> -> memref<640x128xf32, #tpu.memory_space<vmem_shared>>
        tpu.enqueue_dma source(%dma_start3A_41 : memref<640x128xf32, #tpu.memory_space<vmem_shared>>) target(%dma_start3A_39 : memref<640x128xf32, #tpu.memory_space<hbm>>) target_semaphore(%run_scoped3A : memref<!tpu.dma_semaphore, #tpu.memory_space<semaphore_mem>>)
        %dma_wait3A = arith.constant 0 : i32
        %dma_wait3A_42 = tpu.memref_slice %arg4[%mul3A_38, %dma_wait3A] : memref<10240x128xf32, #tpu.memory_space<hbm>> -> memref<640x128xf32, #tpu.memory_space<hbm>>
        %dma_wait3A_43 = arith.constant 0 : i32
        %dma_wait3A_44 = tpu.memref_slice %arg8[%mul3A_36, %dma_wait3A_43] : memref<10240x128xf32, #tpu.memory_space<vmem_shared>> -> memref<640x128xf32, #tpu.memory_space<vmem_shared>>
        tpu.wait_dma2 semaphore(%run_scoped3A : memref<!tpu.dma_semaphore, #tpu.memory_space<semaphore_mem>>) src(%dma_wait3A_44 : memref<640x128xf32, #tpu.memory_space<vmem_shared>>) dst(%dma_wait3A_42 : memref<640x128xf32, #tpu.memory_space<hbm>>)
        tpu.yield
      }) : () -> ()
    } else {
    }
    return
  }
}

module attributes {stable_mosaic.version = 14 : i64} {
  func.func @_update_body(%arg0: i32, %arg1: memref<1000x128xf32, #tpu.memory_space<vmem>>, %arg2: memref<1000x128xf32, #tpu.memory_space<vmem>>, %arg3: memref<1000x128xf32, #tpu.memory_space<vmem>>, %arg4: memref<1000x128xf32, #tpu.memory_space<vmem>>, %arg5: memref<256x256xf32, #tpu.memory_space<vmem>>, %arg6: memref<1000x128xf32, #tpu.memory_space<vmem>>, %arg7: memref<1000x128xf32, #tpu.memory_space<vmem>>) attributes {dimension_semantics = [#tpu.dimension_semantics<arbitrary>], iteration_bounds = array<i64: 10>, scalar_prefetch = 0 : i64, scratch_operands = 0 : i64, tpu.core_type = #tpu.core_type<tc>, window_params = [{transform_indices = @transform_0, window_bounds = array<i64: 1000, 128>}, {transform_indices = @transform_1, window_bounds = array<i64: 1000, 128>}, {transform_indices = @transform_2, window_bounds = array<i64: 1000, 128>}, {transform_indices = @transform_3, window_bounds = array<i64: 1000, 128>}, {pipeline_mode = #tpu.pipeline_mode<synchronous>, transform_indices = @transform_4, window_bounds = array<i64: 256, 256>}, {transform_indices = @transform_5, window_bounds = array<i64: 1000, 128>}, {transform_indices = @transform_6, window_bounds = array<i64: 1000, 128>}]} {
    %get3A = arith.constant 0 : index
    %get3A_0 = arith.constant 0 : index
    %get3A_1 = vector.load %arg3[%get3A, %get3A_0] : memref<1000x128xf32, #tpu.memory_space<vmem>>, vector<1000x1xf32>
    %get3A_2 = arith.constant 0 : index
    %get3A_3 = arith.constant 0 : index
    %get3A_4 = vector.load %arg4[%get3A_2, %get3A_3] : memref<1000x128xf32, #tpu.memory_space<vmem>>, vector<1000x1xf32>
    %add3A = arith.addf %get3A_1, %get3A_4 : vector<1000x1xf32>
    %max3A = arith.constant 1.000000e+00 : f32
    %max3A_5 = vector.broadcast %max3A : f32 to vector<1000x1xf32>
    %max3A_6 = arith.maximumf %add3A, %max3A_5 : vector<1000x1xf32>
    %div3A = arith.constant 1.000000e+00 : f32
    %div3A_7 = vector.broadcast %div3A : f32 to vector<1000x1xf32>
    %div3A_8 = arith.divf %div3A_7, %max3A_6 : vector<1000x1xf32>
    %get3A_9 = arith.constant 0 : index
    %get3A_10 = arith.constant 0 : index
    %get3A_11 = vector.load %arg1[%get3A_9, %get3A_10] : memref<1000x128xf32, #tpu.memory_space<vmem>>, vector<1000x128xf32>
    %mul3A = vector.broadcast %div3A_8 : vector<1000x1xf32> to vector<1000x128xf32>
    %mul3A_12 = arith.mulf %get3A_11, %mul3A : vector<1000x128xf32>
    %get3A_13 = arith.constant 0 : index
    %get3A_14 = arith.constant 0 : index
    %get3A_15 = vector.load %arg2[%get3A_13, %get3A_14] : memref<1000x128xf32, #tpu.memory_space<vmem>>, vector<1000x128xf32>
    %mul3A_16 = vector.broadcast %div3A_8 : vector<1000x1xf32> to vector<1000x128xf32>
    %mul3A_17 = arith.mulf %get3A_15, %mul3A_16 : vector<1000x128xf32>
    %get3A_18 = arith.constant 0 : index
    %get3A_19 = arith.constant 0 : index
    %get3A_20 = vector.load %arg5[%get3A_18, %get3A_19] : memref<256x256xf32, #tpu.memory_space<vmem>>, vector<128x256xf32>
    %dot_general3A = arith.constant dense<0.000000e+00> : vector<1000x256xf32>
    %dot_general3A_21 = tpu.matmul %mul3A_12, %get3A_20, %dot_general3A {dimension_numbers = #tpu.dot_dimension_numbers<[1], [0], [0], [1], [0, 0, 1, 1], [], []>, transpose_lhs_hint = false} : vector<1000x128xf32>, vector<128x256xf32>, vector<1000x256xf32> -> vector<1000x256xf32>
    %get3A_22 = arith.constant 128 : index
    %get3A_23 = arith.constant 0 : index
    %get3A_24 = vector.load %arg5[%get3A_22, %get3A_23] : memref<256x256xf32, #tpu.memory_space<vmem>>, vector<128x256xf32>
    %dot_general3A_25 = arith.constant dense<0.000000e+00> : vector<1000x256xf32>
    %dot_general3A_26 = tpu.matmul %mul3A_17, %get3A_24, %dot_general3A_25 {dimension_numbers = #tpu.dot_dimension_numbers<[1], [0], [0], [1], [0, 0, 1, 1], [], []>, transpose_lhs_hint = false} : vector<1000x128xf32>, vector<128x256xf32>, vector<1000x256xf32> -> vector<1000x256xf32>
    %add3A_27 = arith.addf %dot_general3A_21, %dot_general3A_26 : vector<1000x256xf32>
    %max3A_28 = arith.constant 0.000000e+00 : f32
    %max3A_29 = vector.broadcast %max3A_28 : f32 to vector<1000x256xf32>
    %max3A_30 = arith.maximumf %add3A_27, %max3A_29 : vector<1000x256xf32>
    %slice3A = vector.extract_strided_slice %max3A_30 {offsets = [0, 0], sizes = [1000, 128], strides = [1, 1]} : vector<1000x256xf32> to vector<1000x128xf32>
    %swap3A = arith.constant 0 : index
    %swap3A_31 = arith.constant 0 : index
    %swap3A_32 = vector.load %arg6[%swap3A, %swap3A_31] : memref<1000x128xf32, #tpu.memory_space<vmem>>, vector<1000x128xf32>
    tpu.vector_store %arg6[%swap3A, %swap3A_31], %slice3A {strides = array<i32>} : memref<1000x128xf32, #tpu.memory_space<vmem>>, vector<1000x128xf32>,
    %slice3A_33 = vector.extract_strided_slice %max3A_30 {offsets = [0, 128], sizes = [1000, 128], strides = [1, 1]} : vector<1000x256xf32> to vector<1000x128xf32>
    %swap3A_34 = arith.constant 0 : index
    %swap3A_35 = arith.constant 0 : index
    %swap3A_36 = vector.load %arg7[%swap3A_34, %swap3A_35] : memref<1000x128xf32, #tpu.memory_space<vmem>>, vector<1000x128xf32>
    tpu.vector_store %arg7[%swap3A_34, %swap3A_35], %slice3A_33 {strides = array<i32>} : memref<1000x128xf32, #tpu.memory_space<vmem>>, vector<1000x128xf32>,
    return
  }
  func.func @transform_0(%arg0: i32) -> (i32, i32) {
    %c0_i32 = arith.constant 0 : i32
    %c0_i32_0 = arith.constant 0 : i32
    return %arg0, %c0_i32 : i32, i32
  }
  func.func @transform_1(%arg0: i32) -> (i32, i32) {
    %c0_i32 = arith.constant 0 : i32
    %c0_i32_0 = arith.constant 0 : i32
    return %arg0, %c0_i32 : i32, i32
  }
  func.func @transform_2(%arg0: i32) -> (i32, i32) {
    %c0_i32 = arith.constant 0 : i32
    %c0_i32_0 = arith.constant 0 : i32
    return %arg0, %c0_i32 : i32, i32
  }
  func.func @transform_3(%arg0: i32) -> (i32, i32) {
    %c0_i32 = arith.constant 0 : i32
    %c0_i32_0 = arith.constant 0 : i32
    return %arg0, %c0_i32 : i32, i32
  }
  func.func @transform_4(%arg0: i32) -> (i32, i32) {
    %c0_i32 = arith.constant 0 : i32
    %c0_i32_0 = arith.constant 0 : i32
    %c0_i32_1 = arith.constant 0 : i32
    return %c0_i32, %c0_i32_0 : i32, i32
  }
  func.func @transform_5(%arg0: i32) -> (i32, i32) {
    %c0_i32 = arith.constant 0 : i32
    %c0_i32_0 = arith.constant 0 : i32
    return %arg0, %c0_i32 : i32, i32
  }
  func.func @transform_6(%arg0: i32) -> (i32, i32) {
    %c0_i32 = arith.constant 0 : i32
    %c0_i32_0 = arith.constant 0 : i32
    return %arg0, %c0_i32 : i32, i32
  }
}

</mosaic_0001>

<sc_bundles>
// kernel: body.8.cloned.1.call-start
scs
__scs_entry_jumppad:
0x0: {  	(pc) =	sbr.rel $0x88, $3  }
0x1: {  	(tag) =	ssettag $0x0;
	lr =	simm.s32 $0x1  }
0x2: {  	[smem:$0x3F9D] =	sst lr;
	_ =	strace $0xD0000000  }
0x3: {  	_ = 	snop  }
0x4: {  	_ = 	snop  }
0x5: {  	_ = 	snop  }
0x6: {  	_ = 	snop  }
0x7: {  	_ = 	snop  }
__scs_overlays_trampoline_lowered:
0x8: {  	[smem:$0x3FAC] =	sst s0  }
0x9: {  	[smem:$0x3FAD] =	sst s1  }
0xa: {  	[smem:$0x3FAE] =	sst s2  }
0xb: {  	[smem:$0x3FAF] =	sst s3  }
0xc: {  	[smem:$0x3FB0] =	sst s4  }
0xd: {  	[smem:$0x3FB1] =	sst s5  }
0xe: {  	[smem:$0x3FB2] =	sst s6  }
0xf: {  	[smem:$0x3FB3] =	sst s7  }
0x10: {  	[smem:$0x3FB4] =	sst s8  }
0x11: {  	[smem:$0x3FB5] =	sst s9;
	s0 =	simm.s32 @!p0 $0x0  }
0x12: {  	s1 =	sld [smem:$0x3F9B];
	s0 =	simm.s32 @p0 $0x1  }
0x13: {  	[smem:$0x3FB6] =	sst s0;
	s0 =	simm.s32 @!p1 $0x0  }
0x14: {  	s2 =	sld [smem:$0x3F9A];
	s0 =	simm.s32 @p1 $0x1  }
0x15: {  	[smem:$0x3FB7] =	sst s0;
	s0 =	simm.s32 @!p2 $0x0  }
0x16: {  	s3 =	sld [smem:$0x3FDB];
	s0 =	simm.s32 @p2 $0x1  }
0x17: {  	s4 =	simm.s32 $0x1BF5;
	[smem:$0x3FB9] =	sst s0  }
0x18: {  	s0 =	sld [smem:$0x3F9C];
	_ =	swait.ge [sflag:s4], $0x0  }
0x19: {  	s7 =	sld [smem:$0x3F9D]  }
0x1a: {  	s8 =	sadd.s32 $0xFFFFE003, lr  }
0x1b: {  	s9 =	sadd.s32 $0xFFFFFEF7, lr;
	s5 =	simm.s32 $0xFFFFFFFF;
	p2 =	slt.u32 s8, $0xFFFFF086  }
0x1c: {  	p1 =	slt.u32 s9, $0xF7A;
	s5 =	simm.s32 @!p2 $0x0  }
0x1d: {  	s5 =	simm.s32 @p1 $0x1;
	p0 =	seq.s32 s7, s2  }
0x1e: {  	s7 =	smul.u32 @!p0 $0xF7A, s2;
	p2 =	seq.s32 @!p0 s5, $0x0  }
0x1f: {  	s9 =	smul.u32 $0xF7A, s1;
	s8 =	simm.s32 @!p0 $0x1BF5;
	p2 =	por !p2, p0  }
0x20: {  	[sflag:s8] =	ssyncset.s32 @!p0 $0xFFFFF086;
	s6 =	sadd.s32 @!p0 s3, s7;
	s7 =	simm.s32 @!p0 $0x108  }
0x21: {  	s3 =	sadd.s32 s3, s9;
	s6 =	sadd.s32 @!p0 $0x88, s6;
	s7 =	simm.s32 @p2 $0x1082  }
0x22: {  	[simem:s7], [sflag:s8] =	dma.local @!p0 [hbm:s6], $0xF7A  }
0x23: {  	s9 =	sor.u32 $0xD0000000, s2;
	s6 =	simm.s32 $0x108;
	_ =	swait.ge @!p0 [sflag:s8], $0x0  }
0x24: {  	s3 =	sadd.s32 $0x88, s3;
	s6 =	simm.s32 @!p1 $0x1082;
	[sflag:s4] =	ssyncset.s32 $0xFFFFF086  }
0x25: {  	[simem:s6], [sflag:s4] =	dma.local [hbm:s3], $0xF7A  }
0x26: {  	[smem:$0x3F9D] =	sst s1;
	(tag) =	ssettag s2;
	_ =	strace s9  }
0x27: {  	s1 =	sld [smem:$0x3FAD]  }
0x28: {  	s2 =	sld [smem:$0x3FAE]  }
0x29: {  	s4 =	sld [smem:$0x3FB0]  }
0x2a: {  	p0 =	seq.s32 s5, $0x0;
	s5 =	sld [smem:$0x3FB1]  }
0x2b: {  	s6 =	sld [smem:$0x3FB2]  }
0x2c: {  	s7 =	sld [smem:$0x3FB3]  }
0x2d: {  	s3 =	simm.s32 $0x108;
	s8 =	sld [smem:$0x3FB4]  }
0x2e: {  	s3 =	simm.s32 @!p0 $0x1082;
	s9 =	sld [smem:$0x3FB5]  }
0x2f: {  	lr =	sadd.s32 s0, s3;
	s0 =	sld [smem:$0x3FAC]  }
0x30: {  	s3 =	sld [smem:$0x3FAF]  }
0x31: {  	[smem:$0x3FB8] =	sst s10  }
0x32: {  	s10 =	sld [smem:$0x3FB6];
	_ =	sdelay $0x3  }
0x33: {  	p0 =	seq.s32 s10, $0x1;
	s10 =	sld [smem:$0x3FB8];
	_ =	sdelay $0x3  }
0x34: {  	[smem:$0x3FB8] =	sst s10  }
0x35: {  	s10 =	sld [smem:$0x3FB7];
	_ =	sdelay $0x3  }
0x36: {  	p1 =	seq.s32 s10, $0x1;
	s10 =	sld [smem:$0x3FB8];
	_ =	sdelay $0x3  }
0x37: {  	[smem:$0x3FB8] =	sst s10  }
0x38: {  	s10 =	sld [smem:$0x3FB9]  }
0x39: {  	_ = 	snop;
	(pc) =	sbr.ind lr, $3  }
0x3a: {  	_ = 	snop  }
0x3b: {  	_ = 	snop  }
0x3c: {  	p2 =	seq.s32 s10, $0x1;
	s10 =	sld [smem:$0x3FB8]  }
0x3d: {  	_ =	shalt  }
0x3e: {  	_ =	shalt  }
0x3f: {  	_ =	shalt  }
0x40: {  	_ =	shalt  }
0x41: {  	_ =	shalt  }
0x42: {  	_ =	shalt  }
0x43: {  	_ =	shalt  }
0x44: {  	_ =	shalt  }
0x45: {  	_ =	shalt  }
0x46: {  	_ =	shalt  }
0x47: {  	_ =	shalt  }
0x48: {  	_ =	shalt  }
0x49: {  	_ =	shalt  }
0x4a: {  	_ =	shalt  }
0x4b: {  	_ =	shalt  }
0x4c: {  	_ =	shalt  }
0x4d: {  	_ =	shalt  }
0x4e: {  	_ =	shalt  }
0x4f: {  	_ =	shalt  }
0x50: {  	_ =	shalt  }
0x51: {  	_ =	shalt  }
0x52: {  	_ =	shalt  }
0x53: {  	_ =	shalt  }
0x54: {  	_ =	shalt  }
0x55: {  	_ =	shalt  }
0x56: {  	_ =	shalt  }
0x57: {  	_ =	shalt  }
0x58: {  	_ =	shalt  }
0x59: {  	_ =	shalt  }
0x5a: {  	_ =	shalt  }
0x5b: {  	_ =	shalt  }
0x5c: {  	_ =	shalt  }
0x5d: {  	_ =	shalt  }
0x5e: {  	_ =	shalt  }
0x5f: {  	_ =	shalt  }
0x60: {  	_ =	shalt  }
0x61: {  	_ =	shalt  }
0x62: {  	_ =	shalt  }
0x63: {  	_ =	shalt  }
0x64: {  	_ =	shalt  }
0x65: {  	_ =	shalt  }
0x66: {  	_ =	shalt  }
0x67: {  	_ =	shalt  }
0x68: {  	_ =	shalt  }
0x69: {  	_ =	shalt  }
0x6a: {  	_ =	shalt  }
0x6b: {  	_ =	shalt  }
0x6c: {  	_ =	shalt  }
0x6d: {  	_ =	shalt  }
0x6e: {  	_ =	shalt  }
0x6f: {  	_ =	shalt  }
0x70: {  	_ =	shalt  }
0x71: {  	_ =	shalt  }
0x72: {  	_ =	shalt  }
0x73: {  	_ =	shalt  }
0x74: {  	_ =	shalt  }
0x75: {  	_ =	shalt  }
0x76: {  	_ =	shalt  }
0x77: {  	_ =	shalt  }
0x78: {  	_ =	shalt  }
0x79: {  	_ =	shalt  }
0x7a: {  	_ =	shalt  }
0x7b: {  	_ =	shalt  }
0x7c: {  	_ =	shalt  }
0x7d: {  	_ =	shalt  }
0x7e: {  	_ =	shalt  }
0x7f: {  	_ =	shalt  }
0x80: {  	_ =	shalt  }
0x81: {  	_ =	shalt  }
0x82: {  	_ =	shalt  }
0x83: {  	_ =	shalt  }
0x84: {  	_ =	shalt  }
0x85: {  	_ =	shalt  }
0x86: {  	_ =	shalt  }
0x87: {  	_ =	shalt  }
.Lfunc_end0:
.L_simem_size_0:
called_computation_lowered:
.L_overlay_start_0:
0x88: {  	s2 =	sld [smem:$0x3FD9]  }
0x89: {  	s3 =	sld [smem:$0x3FFE];
	_ =	sdelay $0x1  }
0x8a: {  	s1 =	srdreg.scid  }
0x8b: {  	s0 =	sand.u32 $0x1, s1  }
0x8c: {  	s17 =	sshll.u32 s0, $0xA;
	s2 =	sadd.s32 s3, s2  }
0x8d: {  	s2 =	sadd.s32 s2, s17  }
0x8e: {  	[smem:$0x3FC4] =	sst s2  }
0x8f: {  	_ = 	snop  }
0x90: {  	s2 =	sld [smem:$0x3FD0];
	(tm) =	ssettm $0x1  }
0x91: {  	s18 =	sld [smem:$0x3FFB];
	_ =	sdelay $0x3  }
0x92: {  	_ =	strace s18  }
0x93: {  	s3 =	sld [smem:$0x3FFC];
	_ =	sdelay $0x3  }
0x94: {  	_ =	strace s3  }
0x95: {  	s3 =	sld [smem:$0x3FFD];
	_ =	sdelay $0x3  }
0x96: {  	_ =	strace s3  }
0x97: {  	_ =	strace $0x8FFFFFFF  }
0x98: {  	s19 =	sld [smem:$0x3FDB];
	_ =	sdelay $0x1  }
0x99: {  	s4 =	simm.s32 $_scs_section_size  }
0x9a: {  	s5 =	simm.s32 $_size__tile_overlayer_lowered;
	s6 =	simm.s32 $_tile_overlayer_lowered  }
0x9b: {  	s22 =	simm.s32 $0x1BFF;
	s21 =	sshll.u32 s6, $0x1;
	s3 =	sadd.s32 s4, s19  }
0x9c: {  	s7 =	simm.s32 $0x0;
	s20 =	sshll.u32 s5, $0x1;
	s5 =	sadd.s32 s21, s3  }
0x9d: {  	[timem:s7], [sflag:s22] =	dma.local [hbm:s5], s20  }
0x9e: {  	_ =	swait.ge [sflag:s22], s20  }
0x9f: {  	s4 =	ssub.s32 $0x0, s20;
	[sflag:s22] =	ssyncset.done $0x0  }
0xa0: {  	[sflag:s22] =	ssyncadd.s32 s4;
	_ =	sdelay $0x1  }
0xa1: {  	s23 =	simm.s32 $0x1B8B  }
0xa2: {  	_ =	swait.ge [sflag:s23], $0x1  }
0xa3: {  	[sflag:s23] =	ssyncset.done $0x0  }
0xa4: {  	s25 =	simm.s32 $0x1B8E;
	s24 =	sld [smem:$0x3FFE];
	[sflag:s23] =	ssyncadd.s32 $0xFFFFFFFF  }
0xa5: {  	s26 =	simm.s32 $execute0_lowered;
	[smem:$0x3FD2] =	sst s25  }
0xa6: {  	s5 =	sshll.u32 s26, $0x1;
	_ =	strace $0x80000049;
	[dreg:$0x1] =	wrdreg $0xFFFFFFFF  }
0xa7: {  	s28 =	simm.s32 $_size_execute0_lowered;
	s3 =	sadd.s32 s3, s5;
	[dreg:$0x0] =	wrdreg $0x0  }
0xa8: {  	s5 =	sshll.u32 s28, $0x1;
	[dreg:$0x2] =	wrdreg s3  }
0xa9: {  	[dreg:$0x3] =	wrdreg s5  }
0xaa: {  	[dreg:$0x4] =	wrdreg $0xC0  }
0xab: {  	_ =	task [dreg:s7], $0x5FFFF  }
0xac: {  	[dreg:$0x1] =	wrdreg $0xFFFFFFFF  }
0xad: {  	[dreg:$0x0] =	wrdreg $0x60  }
0xae: {  	[dreg:$0x2] =	wrdreg s24  }
0xaf: {  	[dreg:$0x3] =	wrdreg s2  }
0xb0: {  	[dreg:$0x4] =	wrdreg $0xC0000  }
0xb1: {  	[dreg:$0x5] =	wrdreg $0x9  }
0xb2: {  	_ =	task.clear_ibuf [dreg:s7], $0x6FFFF;
	_ =	strace $0x90000049  }
0xb3: {  	s29 =	simm.s32 $0x9;
	_ =	strace $0x8000004B  }
0xb4: {  	_ =	swait.ge [sflag:s29], $0x1  }
0xb5: {  	[sflag:s29] =	ssyncadd.s32 $0xFFFFFFFF  }
0xb6: {  	_ =	strace $0x9000004B  }
0xb7: {  	_ =	sfence  }
0xb8: {  	s30 =	sld [smem:$0x0];
	_ =	sdelay $0x2  }
0xb9: {  	s31 =	sshll.u32 s1, $0xD;
	s1 =	sshrl.u32 s1, $0x2  }
0xba: {  	s3 =	sand.u32 $0x4000, s31;
	s1 =	sadd.s32 s1, s30  }
0xbb: {  	s0 =	sor.u32 s3, s0;
	s1 =	sshll.u32 s1, $0x11  }
0xbc: {  	s0 =	sor.u32 s1, s0  }
0xbd: {  	s0 =	sadd.s32 $0x8F2B, s0  }
0xbe: {  	[sflag:s0] =	ssyncadd.remote.s32 $0x1  }
0xbf: {  	_ =	sfence.sel $0xFFFF  }
0xc0: {  	[dreg:$0x0] =	wrdreg $0xFFFFFFFF;
	(pc) =	sbr.abs _section_cstart, $3  }
0xc1: {  	[dreg:$0x1] =	wrdreg $0xFFFFFFFF  }
0xc2: {  	_ =	task.clear_ibuf [dreg:s7], $0x2FFFF;
	_ =	strace $0x9FFFFFFF  }
0xc3: {  	(tm) =	ssettm $0x7FFFFFFF  }
tec
execute0_lowered:
.L_overlay_start_1:
0x0: {  	(tag) =	ssettag $0x1  }
0x1: {  	s0 =	rddreg [dreg:$0x0]  }
0x2: {  	s2 =	rddreg [dreg:$0x2];
	s3 =	simm.s32 $0x0;
	s1 =	srdreg.scid  }
0x3: {  	s11 =	stileid.u32;
	s16 =	simm.s32 $0xBC00;
	s17 =	simm.s32 $0x9  }
0x4: {  	s18 =	simm.s32 $0x7;
	s19 =	simm.s32 $0x1000;
	s20 =	simm.s32 $0x1800  }
0x5: {  	s21 =	simm.s32 $0x64;
	s22 =	simm.s32 $0x2000;
	s12 =	simm.s32 $0x80  }
0x6: {  	s15 =	simm.s32 $0x100;
	s28 =	simm.s32 $0x1;
	s29 =	simm.s32 $0x4  }
0x7: {  	s31 =	simm.s32 $0x2;
	[smem:$0x7FF] =	sst s3;
	s7 =	smul.u32 $0x5000, s11  }
0x8: {  	s5 =	sadd.s32 $0x52600, s0;
	s6 =	sadd.s32 $0x79800, s0;
	s10 =	smul.u32 $0x50000, s11  }
0x9: {  	s4 =	sadd.s32 $0xAAA00, s0;
	s1 =	sand.u32 $0x1, s1;
	s26 =	smul.u32 $0xA00, s11  }
0xa: {  	s8 =	sadd.s32 $0xA0A00, s0;
	s0 =	sadd.s32 $0xB4A00, s0;
	s30 =	smul.u32 $0x2800, s11  }
0xb: {  	s11 =	simm.s32 $0x0;
	_ =	strace $0x8000004A;
	s9 =	ssub.s32 $0x2, s1  }
0xc: {  	[dreg:$0x4] =	wrdreg s0;
	p0 =	seq.s32 s1, $0x1;
	s1 =	simm.s32 $0x5  }
0xd: {  	s23 =	sshrl.u32 s9, $0x1;
	s7 =	sshrl.u32 s7, $0x3;
	s25 =	sshrl.u32 s10, $0x2  }
0xe: {  	[dreg:$0x7] =	wrdreg s30;
	s13 =	sadd.s32 s26, s8;
	s14 =	sadd.s32 s26, s4  }
.Ltmp0:
0xf: {  	s26 =	simm.s32 $0x8800;
	s0 =	ssub.s32 s9, s23;
	(pc) =	sbr.rel .LBB2_1-.Ltmp0, $4  }
0x10: {  	s24 =	sadd.s32 s4, s7;
	s7 =	sadd.s32 s8, s7;
	s10 =	sadd.s32 s25, s2  }
0x11: {  	s4 =	simm.s32 $0x3;
	s9 =	simm.s32 $0x6;
	[dreg:$0x5] =	wrdreg s24  }
0x12: {  	s23 =	simm.s32 $0x8;
	[dreg:$0x6] =	wrdreg s7;
	s0 =	smax.u32 s0, $0x1  }
0x13: {  	v0 =	vimm.f32 $0.0e+00;
	s7 =	simm.s32 $0x800;
	s24 =	simm.s32 $0x5400;
	[dreg:$0x8] =	wrdreg s0  }
.LBB2_6:
0x14: {  	[sflag:s9] =	ssyncadd.s32 $0xFFFFCE00;
	s11 =	rddreg [dreg:$0x9]  }
0x15: {  	s0 =	rddreg [dreg:$0x1]  }
.LBB2_10:
0x16: {  	s7 =	rddreg [dreg:$0x7];
	s15 =	stileid.u32  }
0x17: {  	[bflag:$0x0] =	sbarrier.arrive $0xFFFF;
	s0 =	sadd.s32 s0, s7;
	s7 =	sshll.u32 s15, $0x6  }
0x18: {  	s8 =	sshrl.u32 s10, $0x3;
	s25 =	simm.s32 $0xA;
	s7 =	sor.u32 $0x1C0A, s7  }
0x19: {  	[hbm:s0], [sflag:s7] =	dma.local [spmem:s8], $0x2800  }
0x1a: {  	_ =	swait.ge [sflag:s25], $0x2800  }
0x1b: {  	s11 =	sadd.s32 $0x1, s11;
	s30 =	rddreg [dreg:$0x8]  }
0x1c: {  	p1 =	sne.s32 s11, s30  }
.Ltmp1:
0x1d: {  	_ = 	snop;
	(pc) =	sbr.rel @!p1 .LBB2_11-.Ltmp1, $3  }
0x1e: {  	_ =	sdelay $0x1  }
0x1f: {  	s12 =	simm.s32 $0x80;
	[sflag:s25] =	ssyncset.done $0x0  }
0x20: {  	s15 =	simm.s32 $0x100;
	s7 =	simm.s32 $0x800;
	[sflag:s25] =	ssyncadd.s32 $0xFFFFD800  }
.LBB2_1:
0x21: {  	[dreg:$0x9] =	wrdreg s11  }
0x22: {  	s0 =	rddreg [dreg:$0x5]  }
0x23: {  	[tilespmem:s3], [sflag:$0x7] =	stream.linear.gather [hbm4b:s0+s3], $0x500, $0x38;
	v63 =	vld [tilespmem:$0x0]  }
0x24: {  	s11 =	rddreg [dreg:$0x6]  }
0x25: {  	[tilespmem:s7], [sflag:$0x7] =	stream.linear.gather [hbm4b:s11+s3], $0x500, $0x38;
	v63 =	vld [tilespmem:$0x0]  }
0x26: {  	[tilespmem:$0xBC00] =	vst v0  }
0x27: {  	[tilespmem:$0xBC10] =	vst v0  }
0x28: {  	[tilespmem:$0xBC20] =	vst v0  }
0x29: {  	[tilespmem:$0xBC30] =	vst v0  }
0x2a: {  	[tilespmem:$0xBC40] =	vst v0  }
0x2b: {  	[tilespmem:$0xBC50] =	vst v0  }
0x2c: {  	[tilespmem:$0xBC60] =	vst v0  }
0x2d: {  	[tilespmem:$0xBC70] =	vst v0  }
0x2e: {  	[tilespmem:$0xBC80] =	vst v0  }
0x2f: {  	[tilespmem:$0xBC90] =	vst v0  }
0x30: {  	[tilespmem:$0xBCA0] =	vst v0  }
0x31: {  	[tilespmem:$0xBCB0] =	vst v0  }
0x32: {  	[tilespmem:$0xBCC0] =	vst v0  }
0x33: {  	[tilespmem:$0xBCD0] =	vst v0  }
0x34: {  	[tilespmem:$0xBCE0] =	vst v0  }
0x35: {  	[tilespmem:$0xBCF0] =	vst v0  }
0x36: {  	[tilespmem:$0xBD00] =	vst v0  }
0x37: {  	[tilespmem:$0xBD10] =	vst v0  }
0x38: {  	[tilespmem:$0xBD20] =	vst v0  }
0x39: {  	[tilespmem:$0xBD30] =	vst v0  }
0x3a: {  	[tilespmem:$0xBD40] =	vst v0  }
0x3b: {  	[tilespmem:$0xBD50] =	vst v0  }
0x3c: {  	[tilespmem:$0xBD60] =	vst v0  }
0x3d: {  	[tilespmem:$0xBD70] =	vst v0  }
0x3e: {  	[tilespmem:$0xBD80] =	vst v0  }
0x3f: {  	[tilespmem:$0xBD90] =	vst v0  }
0x40: {  	[tilespmem:$0xBDA0] =	vst v0  }
0x41: {  	[tilespmem:$0xBDB0] =	vst v0  }
0x42: {  	[tilespmem:$0xBDC0] =	vst v0  }
0x43: {  	[tilespmem:$0xBDD0] =	vst v0  }
0x44: {  	[tilespmem:$0xBDE0] =	vst v0  }
0x45: {  	[tilespmem:$0xBDF0] =	vst v0  }
0x46: {  	[tilespmem:$0xBE00] =	vst v0  }
0x47: {  	[tilespmem:$0xBE10] =	vst v0  }
0x48: {  	[tilespmem:$0xBE20] =	vst v0  }
0x49: {  	[tilespmem:$0xBE30] =	vst v0  }
0x4a: {  	[tilespmem:$0xBE40] =	vst v0  }
0x4b: {  	[tilespmem:$0xBE50] =	vst v0  }
0x4c: {  	[tilespmem:$0xBE60] =	vst v0  }
0x4d: {  	[tilespmem:$0xBE70] =	vst v0  }
0x4e: {  	[tilespmem:$0xBE80] =	vst v0  }
0x4f: {  	[tilespmem:$0xBE90] =	vst v0  }
0x50: {  	[tilespmem:$0xBEA0] =	vst v0  }
0x51: {  	[tilespmem:$0xBEB0] =	vst v0  }
0x52: {  	[tilespmem:$0xBEC0] =	vst v0  }
0x53: {  	[tilespmem:$0xBED0] =	vst v0  }
0x54: {  	[tilespmem:$0xBEE0] =	vst v0  }
0x55: {  	[tilespmem:$0xBEF0] =	vst v0  }
0x56: {  	[tilespmem:$0xBF00] =	vst v0  }
0x57: {  	[tilespmem:$0xBF10] =	vst v0  }
0x58: {  	[tilespmem:$0xBF20] =	vst v0  }
0x59: {  	[tilespmem:$0xBF30] =	vst v0  }
0x5a: {  	[tilespmem:$0xBF40] =	vst v0  }
0x5b: {  	[tilespmem:$0xBF50] =	vst v0  }
0x5c: {  	[tilespmem:$0xBF60] =	vst v0  }
0x5d: {  	[tilespmem:$0xBF70] =	vst v0  }
0x5e: {  	[tilespmem:$0xBF80] =	vst v0  }
0x5f: {  	[tilespmem:$0xBF90] =	vst v0  }
0x60: {  	[tilespmem:$0xBFA0] =	vst v0  }
0x61: {  	[tilespmem:$0xBFB0] =	vst v0  }
0x62: {  	[tilespmem:$0xBFC0] =	vst v0  }
0x63: {  	[tilespmem:$0xBFD0] =	vst v0  }
0x64: {  	[tilespmem:$0xBFE0] =	vst v0  }
0x65: {  	s0 =	sadd.s32 $0x0, s10;
	[tilespmem:$0xBFF0] =	vst v0  }
0x66: {  	[spmem:s0] =	stream.linear.scatter [tilespmem:s16], [sflag:$0x9], $0x400, $0x38;
	v63 =	vld [tilespmem:$0x0]  }
0x67: {  	s25 =	sadd.s32 $0x400, s0  }
0x68: {  	[spmem:s25] =	stream.linear.scatter [tilespmem:s16], [sflag:$0x9], $0x400, $0x38;
	v63 =	vld [tilespmem:$0x0]  }
0x69: {  	s30 =	sadd.s32 $0x800, s0  }
0x6a: {  	[spmem:s30] =	stream.linear.scatter [tilespmem:s16], [sflag:$0x9], $0x400, $0x38;
	v63 =	vld [tilespmem:$0x0]  }
0x6b: {  	s8 =	sadd.s32 $0xC00, s0  }
0x6c: {  	[spmem:s8] =	stream.linear.scatter [tilespmem:s16], [sflag:$0x9], $0x400, $0x38;
	v63 =	vld [tilespmem:$0x0]  }
0x6d: {  	s11 =	sadd.s32 $0x1000, s0  }
0x6e: {  	[spmem:s11] =	stream.linear.scatter [tilespmem:s16], [sflag:$0x9], $0x400, $0x38;
	v63 =	vld [tilespmem:$0x0]  }
0x6f: {  	s25 =	sadd.s32 $0x1400, s0  }
0x70: {  	[spmem:s25] =	stream.linear.scatter [tilespmem:s16], [sflag:$0x9], $0x400, $0x38;
	v63 =	vld [tilespmem:$0x0]  }
0x71: {  	s30 =	sadd.s32 $0x1800, s0  }
0x72: {  	[spmem:s30] =	stream.linear.scatter [tilespmem:s16], [sflag:$0x9], $0x400, $0x38;
	v63 =	vld [tilespmem:$0x0]  }
0x73: {  	s0 =	sadd.s32 $0x1C00, s0  }
0x74: {  	[spmem:s0] =	stream.linear.scatter [tilespmem:s16], [sflag:$0x9], $0x400, $0x38;
	v63 =	vld [tilespmem:$0x0]  }
0x75: {  	_ =	swait.ge [sflag:s17], $0x400  }
0x76: {  	[sflag:s17] =	ssyncset.done $0x0  }
0x77: {  	[sflag:s17] =	ssyncadd.s32 $0xFFFFFC00  }
0x78: {  	_ =	swait.ge [sflag:s17], $0x400  }
0x79: {  	[sflag:s17] =	ssyncset.done $0x0  }
0x7a: {  	[sflag:s17] =	ssyncadd.s32 $0xFFFFFC00  }
0x7b: {  	_ =	swait.ge [sflag:s17], $0x400  }
0x7c: {  	[sflag:s17] =	ssyncset.done $0x0  }
0x7d: {  	[sflag:s17] =	ssyncadd.s32 $0xFFFFFC00  }
0x7e: {  	_ =	swait.ge [sflag:s17], $0x400  }
0x7f: {  	[sflag:s17] =	ssyncset.done $0x0  }
0x80: {  	[sflag:s17] =	ssyncadd.s32 $0xFFFFFC00  }
0x81: {  	_ =	swait.ge [sflag:s17], $0x400  }
0x82: {  	[sflag:s17] =	ssyncset.done $0x0  }
0x83: {  	[sflag:s17] =	ssyncadd.s32 $0xFFFFFC00  }
0x84: {  	_ =	swait.ge [sflag:s17], $0x400  }
0x85: {  	[sflag:s17] =	ssyncset.done $0x0  }
0x86: {  	[sflag:s17] =	ssyncadd.s32 $0xFFFFFC00  }
0x87: {  	_ =	swait.ge [sflag:s17], $0x400  }
0x88: {  	[sflag:s17] =	ssyncset.done $0x0  }
0x89: {  	[sflag:s17] =	ssyncadd.s32 $0xFFFFFC00  }
0x8a: {  	_ =	swait.ge [sflag:s17], $0x400  }
0x8b: {  	s7 =	simm.s32 $0x2000;
	s0 =	simm.s32 $0x10000;
	[sflag:s17] =	ssyncset.done $0x0  }
.LBB2_2:
0x8c: {  	s11 =	sadd.s32 s7, s10  }
0x8d: {  	[sflag:s17] =	ssyncadd.s32 $0xFFFFFC00;
	s7 =	smov.u32 s0;
	s8 =	sadd.s32 $0x8000, s0  }
0x8e: {  	[spmem:s11] =	stream.linear.scatter [tilespmem:s16], [sflag:$0x9], $0x400, $0x38;
	v63 =	vld [tilespmem:$0x0]  }
0x8f: {  	p1 =	sne.s32 s0, $0x48000;
	s0 =	sadd.s32 $0x400, s11  }
0x90: {  	[spmem:s0] =	stream.linear.scatter [tilespmem:s16], [sflag:$0x9], $0x400, $0x38;
	v63 =	vld [tilespmem:$0x0]  }
0x91: {  	s0 =	sadd.s32 $0x800, s11  }
0x92: {  	[spmem:s0] =	stream.linear.scatter [tilespmem:s16], [sflag:$0x9], $0x400, $0x38;
	v63 =	vld [tilespmem:$0x0]  }
0x93: {  	s0 =	sadd.s32 $0xC00, s11  }
0x94: {  	[spmem:s0] =	stream.linear.scatter [tilespmem:s16], [sflag:$0x9], $0x400, $0x38;
	v63 =	vld [tilespmem:$0x0]  }
0x95: {  	s0 =	sadd.s32 $0x1000, s11  }
0x96: {  	[spmem:s0] =	stream.linear.scatter [tilespmem:s16], [sflag:$0x9], $0x400, $0x38;
	v63 =	vld [tilespmem:$0x0]  }
0x97: {  	s0 =	sadd.s32 $0x1400, s11  }
0x98: {  	[spmem:s0] =	stream.linear.scatter [tilespmem:s16], [sflag:$0x9], $0x400, $0x38;
	v63 =	vld [tilespmem:$0x0]  }
0x99: {  	s0 =	sadd.s32 $0x1800, s11  }
0x9a: {  	[spmem:s0] =	stream.linear.scatter [tilespmem:s16], [sflag:$0x9], $0x400, $0x38;
	v63 =	vld [tilespmem:$0x0]  }
0x9b: {  	s0 =	sadd.s32 $0x1C00, s11  }
0x9c: {  	[spmem:s0] =	stream.linear.scatter [tilespmem:s16], [sflag:$0x9], $0x400, $0x38;
	v63 =	vld [tilespmem:$0x0]  }
0x9d: {  	_ =	swait.ge [sflag:s17], $0x400  }
0x9e: {  	[sflag:s17] =	ssyncset.done $0x0  }
0x9f: {  	[sflag:s17] =	ssyncadd.s32 $0xFFFFFC00  }
0xa0: {  	_ =	swait.ge [sflag:s17], $0x400  }
0xa1: {  	[sflag:s17] =	ssyncset.done $0x0  }
0xa2: {  	[sflag:s17] =	ssyncadd.s32 $0xFFFFFC00  }
0xa3: {  	_ =	swait.ge [sflag:s17], $0x400  }
0xa4: {  	[sflag:s17] =	ssyncset.done $0x0  }
0xa5: {  	[sflag:s17] =	ssyncadd.s32 $0xFFFFFC00  }
0xa6: {  	_ =	swait.ge [sflag:s17], $0x400  }
0xa7: {  	[sflag:s17] =	ssyncset.done $0x0  }
0xa8: {  	[sflag:s17] =	ssyncadd.s32 $0xFFFFFC00  }
0xa9: {  	_ =	swait.ge [sflag:s17], $0x400  }
0xaa: {  	[sflag:s17] =	ssyncset.done $0x0  }
0xab: {  	[sflag:s17] =	ssyncadd.s32 $0xFFFFFC00  }
0xac: {  	_ =	swait.ge [sflag:s17], $0x400  }
0xad: {  	[sflag:s17] =	ssyncset.done $0x0  }
0xae: {  	[sflag:s17] =	ssyncadd.s32 $0xFFFFFC00  }
.Ltmp2:
0xaf: {  	_ =	swait.ge [sflag:s17], $0x400;
	(pc) =	sbr.rel @p1 .LBB2_2-.Ltmp2, $4  }
0xb0: {  	[sflag:s17] =	ssyncset.done $0x0  }
0xb1: {  	[sflag:s17] =	ssyncadd.s32 $0xFFFFFC00  }
0xb2: {  	_ =	swait.ge [sflag:s17], $0x400  }
0xb3: {  	s7 =	sshra.s32 s7, $0x2;
	s0 =	smov.u32 s8;
	[sflag:s17] =	ssyncset.done $0x0  }
0xb4: {  	s0 =	sadd.s32 s7, s10;
	[sflag:s17] =	ssyncadd.s32 $0xFFFFFC00  }
0xb5: {  	[spmem:s0] =	stream.linear.scatter [tilespmem:s16], [sflag:$0x9], $0x400, $0x38;
	v63 =	vld [tilespmem:$0x0]  }
0xb6: {  	s7 =	sadd.s32 $0x400, s0  }
0xb7: {  	[spmem:s7] =	stream.linear.scatter [tilespmem:s16], [sflag:$0x9], $0x400, $0x38;
	v63 =	vld [tilespmem:$0x0]  }
0xb8: {  	s30 =	sadd.s32 $0x800, s0  }
0xb9: {  	[spmem:s30] =	stream.linear.scatter [tilespmem:s16], [sflag:$0x9], $0x400, $0x38;
	v63 =	vld [tilespmem:$0x0]  }
0xba: {  	s8 =	sadd.s32 $0xC00, s0  }
0xbb: {  	[spmem:s8] =	stream.linear.scatter [tilespmem:s16], [sflag:$0x9], $0x400, $0x38;
	v63 =	vld [tilespmem:$0x0]  }
0xbc: {  	s11 =	sadd.s32 $0x1000, s0  }
0xbd: {  	[spmem:s11] =	stream.linear.scatter [tilespmem:s16], [sflag:$0x9], $0x400, $0x38;
	v63 =	vld [tilespmem:$0x0]  }
0xbe: {  	s25 =	sadd.s32 $0x1400, s0  }
0xbf: {  	[spmem:s25] =	stream.linear.scatter [tilespmem:s16], [sflag:$0x9], $0x400, $0x38;
	v63 =	vld [tilespmem:$0x0]  }
0xc0: {  	s30 =	sadd.s32 $0x1800, s0  }
0xc1: {  	[spmem:s30] =	stream.linear.scatter [tilespmem:s16], [sflag:$0x9], $0x400, $0x38;
	v63 =	vld [tilespmem:$0x0]  }
0xc2: {  	s0 =	sadd.s32 $0x1C00, s0  }
0xc3: {  	[spmem:s0] =	stream.linear.scatter [tilespmem:s16], [sflag:$0x9], $0x400, $0x38;
	v63 =	vld [tilespmem:$0x0]  }
0xc4: {  	_ =	swait.ge [sflag:s17], $0x400  }
0xc5: {  	[sflag:s17] =	ssyncset.done $0x0  }
0xc6: {  	[sflag:s17] =	ssyncadd.s32 $0xFFFFFC00  }
0xc7: {  	_ =	swait.ge [sflag:s17], $0x400  }
0xc8: {  	[sflag:s17] =	ssyncset.done $0x0  }
0xc9: {  	[sflag:s17] =	ssyncadd.s32 $0xFFFFFC00  }
0xca: {  	_ =	swait.ge [sflag:s17], $0x400  }
0xcb: {  	[sflag:s17] =	ssyncset.done $0x0  }
0xcc: {  	[sflag:s17] =	ssyncadd.s32 $0xFFFFFC00  }
0xcd: {  	_ =	swait.ge [sflag:s17], $0x400  }
0xce: {  	[sflag:s17] =	ssyncset.done $0x0  }
0xcf: {  	[sflag:s17] =	ssyncadd.s32 $0xFFFFFC00  }
0xd0: {  	_ =	swait.ge [sflag:s17], $0x400  }
0xd1: {  	[sflag:s17] =	ssyncset.done $0x0  }
0xd2: {  	[sflag:s17] =	ssyncadd.s32 $0xFFFFFC00  }
0xd3: {  	_ =	swait.ge [sflag:s17], $0x400  }
0xd4: {  	[sflag:s17] =	ssyncset.done $0x0  }
0xd5: {  	[sflag:s17] =	ssyncadd.s32 $0xFFFFFC00  }
0xd6: {  	_ =	swait.ge [sflag:s17], $0x400  }
0xd7: {  	[sflag:s17] =	ssyncset.done $0x0  }
0xd8: {  	[sflag:s17] =	ssyncadd.s32 $0xFFFFFC00  }
.Ltmp3:
0xd9: {  	_ =	swait.ge [sflag:s17], $0x400;
	(pc) =	sbr.rel @!p0 .LBB2_4-.Ltmp3, $3  }
0xda: {  	[sflag:s17] =	ssyncset.done $0x0  }
0xdb: {  	[sflag:s17] =	ssyncadd.s32 $0xFFFFFC00  }
0xdc: {  	[bflag:$0x0] =	sbarrier.arrive $0xFFFF;
	_ =	sdelay $0x1  }
0xdd: {  	_ =	swait.ge [sflag:s18], $0x500  }
0xde: {  	[sflag:s18] =	ssyncset.done $0x0  }
0xdf: {  	[sflag:s18] =	ssyncadd.s32 $0xFFFFFB00  }
0xe0: {  	_ =	swait.ge [sflag:s18], $0x500  }
0xe1: {  	s0 =	sadd.s32 $0x0, s14;
	[sflag:s18] =	ssyncset.done $0x0  }
0xe2: {  	s7 =	sadd.s32 $0x0, s13;
	s0 =	sadd.s32 $0x100, s0;
	[sflag:s18] =	ssyncadd.s32 $0xFFFFFB00  }
0xe3: {  	[tilespmem:s19], [sflag:$0x8] =	stream.linear.gather [hbm4b:s0+s3], $0x500, $0x38;
	v63 =	vld [tilespmem:$0x0]  }
0xe4: {  	s11 =	sadd.s32 $0x100, s7  }
0xe5: {  	[tilespmem:s20], [sflag:$0x8] =	stream.linear.gather [hbm4b:s11+s3], $0x500, $0x38;
	v63 =	vld [tilespmem:$0x0]  }
0xe6: {  	_ = 	snop  }
0xe7: {  	[tilespmem:s22], [sflag:$0x1] =	stream.indirect.gather [hbm4b:s6+s21], $0x80, s3, s21, $0xb8;
	v63 =	vld [tilespmem:$0x0]  }
0xe8: {  	_ = 	snop  }
0xe9: {  	[tilespmem:s24], [sflag:$0x2] =	stream.indirect.gather [hbm4b:s6+s21], $0x80, s12, s21, $0xb8;
	v63 =	vld [tilespmem:$0x0]  }
0xea: {  	_ = 	snop  }
0xeb: {  	[tilespmem:s26], [sflag:$0x3] =	stream.indirect.gather [hbm4b:s6+s21], $0x80, s15, s21, $0xb8;
	v63 =	vld [tilespmem:$0x0]  }
0xec: {  	_ =	swait.ge [sflag:s28], $0x3200  }
0xed: {  	[sflag:s28] =	ssyncset.done $0x0  }
0xee: {  	s25 =	simm.s32 $0x800;
	[sflag:s28] =	ssyncadd.s32 $0xFFFFCE00  }
0xef: {  	[spmem:s2] =	stream.indirect.scatter.add.f32 [tilespmem:s22], [sflag:$0x4], $0x80, s25, s21, $0xb8;
	v63 =	vld [tilespmem:$0x0]  }
0xf0: {  	_ =	swait.ge [sflag:s29], $0x3200  }
0xf1: {  	[sflag:s29] =	ssyncset.done $0x0  }
0xf2: {  	s7 =	simm.s32 $0x180;
	[sflag:s29] =	ssyncadd.s32 $0xFFFFCE00  }
0xf3: {  	[tilespmem:s22], [sflag:$0x1] =	stream.indirect.gather [hbm4b:s6+s21], $0x80, s7, s21, $0xb8;
	v63 =	vld [tilespmem:$0x0]  }
0xf4: {  	_ =	swait.ge [sflag:s31], $0x3200  }
0xf5: {  	[sflag:s31] =	ssyncset.done $0x0  }
0xf6: {  	s8 =	simm.s32 $0x880;
	[sflag:s31] =	ssyncadd.s32 $0xFFFFCE00  }
0xf7: {  	[spmem:s2] =	stream.indirect.scatter.add.f32 [tilespmem:s24], [sflag:$0x5], $0x80, s8, s21, $0xb8;
	v63 =	vld [tilespmem:$0x0]  }
0xf8: {  	_ =	swait.ge [sflag:s1], $0x3200  }
0xf9: {  	[sflag:s1] =	ssyncset.done $0x0  }
0xfa: {  	s11 =	simm.s32 $0x200;
	[sflag:s1] =	ssyncadd.s32 $0xFFFFCE00  }
0xfb: {  	[tilespmem:s24], [sflag:$0x2] =	stream.indirect.gather [hbm4b:s6+s21], $0x80, s11, s21, $0xb8;
	v63 =	vld [tilespmem:$0x0]  }
0xfc: {  	_ =	swait.ge [sflag:s4], $0x3200  }
0xfd: {  	[sflag:s4] =	ssyncset.done $0x0  }
0xfe: {  	s12 =	simm.s32 $0x900;
	[sflag:s4] =	ssyncadd.s32 $0xFFFFCE00  }
0xff: {  	[spmem:s2] =	stream.indirect.scatter.add.f32 [tilespmem:s26], [sflag:$0x6], $0x80, s12, s21, $0xb8;
	v63 =	vld [tilespmem:$0x0]  }
0x100: {  	_ =	swait.ge [sflag:s9], $0x3200  }
0x101: {  	[sflag:s9] =	ssyncset.done $0x0  }
0x102: {  	s15 =	simm.s32 $0x280;
	[sflag:s9] =	ssyncadd.s32 $0xFFFFCE00  }
0x103: {  	[tilespmem:s26], [sflag:$0x3] =	stream.indirect.gather [hbm4b:s6+s21], $0x80, s15, s21, $0xb8;
	v63 =	vld [tilespmem:$0x0]  }
0x104: {  	_ =	swait.ge [sflag:s28], $0x3200  }
0x105: {  	[sflag:s28] =	ssyncset.done $0x0  }
0x106: {  	s25 =	simm.s32 $0x980;
	[sflag:s28] =	ssyncadd.s32 $0xFFFFCE00  }
0x107: {  	[spmem:s2] =	stream.indirect.scatter.add.f32 [tilespmem:s22], [sflag:$0x4], $0x80, s25, s21, $0xb8;
	v63 =	vld [tilespmem:$0x0]  }
0x108: {  	_ =	swait.ge [sflag:s29], $0x3200  }
0x109: {  	[sflag:s29] =	ssyncset.done $0x0  }
0x10a: {  	s7 =	simm.s32 $0x300;
	[sflag:s29] =	ssyncadd.s32 $0xFFFFCE00  }
0x10b: {  	[tilespmem:s22], [sflag:$0x1] =	stream.indirect.gather [hbm4b:s6+s21], $0x80, s7, s21, $0xb8;
	v63 =	vld [tilespmem:$0x0]  }
0x10c: {  	_ =	swait.ge [sflag:s31], $0x3200  }
0x10d: {  	[sflag:s31] =	ssyncset.done $0x0  }
0x10e: {  	s8 =	simm.s32 $0xA00;
	[sflag:s31] =	ssyncadd.s32 $0xFFFFCE00  }
0x10f: {  	[spmem:s2] =	stream.indirect.scatter.add.f32 [tilespmem:s24], [sflag:$0x5], $0x80, s8, s21, $0xb8;
	v63 =	vld [tilespmem:$0x0]  }
0x110: {  	_ =	swait.ge [sflag:s1], $0x3200  }
0x111: {  	[sflag:s1] =	ssyncset.done $0x0  }
0x112: {  	s11 =	simm.s32 $0x380;
	[sflag:s1] =	ssyncadd.s32 $0xFFFFCE00  }
0x113: {  	[tilespmem:s24], [sflag:$0x2] =	stream.indirect.gather [hbm4b:s6+s21], $0x80, s11, s21, $0xb8;
	v63 =	vld [tilespmem:$0x0]  }
0x114: {  	_ =	swait.ge [sflag:s4], $0x3200  }
0x115: {  	[sflag:s4] =	ssyncset.done $0x0  }
0x116: {  	s12 =	simm.s32 $0xA80;
	[sflag:s4] =	ssyncadd.s32 $0xFFFFCE00  }
0x117: {  	[spmem:s2] =	stream.indirect.scatter.add.f32 [tilespmem:s26], [sflag:$0x6], $0x80, s12, s21, $0xb8;
	v63 =	vld [tilespmem:$0x0]  }
0x118: {  	_ =	swait.ge [sflag:s9], $0x3200  }
0x119: {  	[sflag:s9] =	ssyncset.done $0x0  }
0x11a: {  	s15 =	simm.s32 $0x400;
	[sflag:s9] =	ssyncadd.s32 $0xFFFFCE00  }
0x11b: {  	[tilespmem:s26], [sflag:$0x3] =	stream.indirect.gather [hbm4b:s6+s21], $0x80, s15, s21, $0xb8;
	v63 =	vld [tilespmem:$0x0]  }
0x11c: {  	_ =	swait.ge [sflag:s28], $0x3200  }
0x11d: {  	[sflag:s28] =	ssyncset.done $0x0  }
0x11e: {  	s25 =	simm.s32 $0xB00;
	[sflag:s28] =	ssyncadd.s32 $0xFFFFCE00  }
0x11f: {  	[spmem:s2] =	stream.indirect.scatter.add.f32 [tilespmem:s22], [sflag:$0x4], $0x80, s25, s21, $0xb8;
	v63 =	vld [tilespmem:$0x0]  }
0x120: {  	_ =	swait.ge [sflag:s29], $0x3200  }
0x121: {  	[sflag:s29] =	ssyncset.done $0x0  }
0x122: {  	s30 =	simm.s32 $0x480;
	[sflag:s29] =	ssyncadd.s32 $0xFFFFCE00  }
0x123: {  	[tilespmem:s22], [sflag:$0x1] =	stream.indirect.gather [hbm4b:s6+s21], $0x80, s30, s21, $0xb8;
	v63 =	vld [tilespmem:$0x0]  }
0x124: {  	_ =	swait.ge [sflag:s31], $0x3200  }
0x125: {  	[sflag:s31] =	ssyncset.done $0x0  }
0x126: {  	s15 =	simm.s32 $0xB80;
	[sflag:s31] =	ssyncadd.s32 $0xFFFFCE00  }
0x127: {  	[spmem:s2] =	stream.indirect.scatter.add.f32 [tilespmem:s24], [sflag:$0x5], $0x80, s15, s21, $0xb8;
	v63 =	vld [tilespmem:$0x0]  }
0x128: {  	_ =	swait.ge [sflag:s4], $0x3200  }
0x129: {  	[sflag:s4] =	ssyncset.done $0x0  }
0x12a: {  	s25 =	simm.s32 $0xC00;
	[sflag:s4] =	ssyncadd.s32 $0xFFFFCE00  }
0x12b: {  	[spmem:s2] =	stream.indirect.scatter.add.f32 [tilespmem:s26], [sflag:$0x6], $0x80, s25, s21, $0xb8;
	v63 =	vld [tilespmem:$0x0]  }
0x12c: {  	_ =	swait.ge [sflag:s28], $0x3200  }
0x12d: {  	[sflag:s28] =	ssyncset.done $0x0  }
0x12e: {  	s12 =	simm.s32 $0xC80;
	[sflag:s28] =	ssyncadd.s32 $0xFFFFCE00  }
0x12f: {  	[spmem:s2] =	stream.indirect.scatter.add.f32 [tilespmem:s22], [sflag:$0x4], $0x80, s12, s21, $0xb8;
	v63 =	vld [tilespmem:$0x0]  }
0x130: {  	_ =	swait.ge [sflag:s29], $0x3200  }
0x131: {  	[sflag:s29] =	ssyncset.done $0x0  }
0x132: {  	[sflag:s29] =	ssyncadd.s32 $0xFFFFCE00  }
0x133: {  	_ =	swait.ge [sflag:s1], $0x3200  }
0x134: {  	[sflag:s1] =	ssyncset.done $0x0  }
0x135: {  	p1 =	por $0x0, $0x0;
	[sflag:s1] =	ssyncadd.s32 $0xFFFFCE00  }
0x136: {  	s0 =	sadd.s32 @!p1 $0x0, s14;
	_ =	swait.ge [sflag:s9], $0x3200  }
0x137: {  	s0 =	sadd.s32 @!p1 $0x200, s0;
	[sflag:s9] =	ssyncset.done $0x0  }
0x138: {  	s7 =	sadd.s32 @!p1 $0x0, s13;
	s8 =	simm.s32 @!p1 $0x0;
	[sflag:s9] =	ssyncadd.s32 $0xFFFFCE00  }
0x139: {  	[tilespmem:s8], [sflag:$0x7] =	stream.linear.gather @!p1 [hbm4b:s0+s8], $0x500, $0x38;
	v63 =	vld [tilespmem:$0x0]  }
0x13a: {  	s0 =	sadd.s32 @!p1 $0x200, s7;
	s7 =	simm.s32 @!p1 $0x800  }
0x13b: {  	[tilespmem:s7], [sflag:$0x7] =	stream.linear.gather @!p1 [hbm4b:s0+s8], $0x500, $0x38;
	v63 =	vld [tilespmem:$0x0]  }
0x13c: {  	_ =	swait.ge [sflag:s23], $0x500  }
0x13d: {  	[sflag:s23] =	ssyncset.done $0x0  }
0x13e: {  	[sflag:s23] =	ssyncadd.s32 $0xFFFFFB00  }
0x13f: {  	_ =	swait.ge [sflag:s23], $0x500  }
0x140: {  	[sflag:s23] =	ssyncset.done $0x0  }
0x141: {  	[sflag:s23] =	ssyncadd.s32 $0xFFFFFB00  }
0x142: {  	[tilespmem:s22], [sflag:$0x1] =	stream.indirect.gather [hbm4b:s6+s21], $0x80, s19, s21, $0xb8;
	v63 =	vld [tilespmem:$0x0]  }
0x143: {  	s7 =	simm.s32 $0x1080  }
0x144: {  	[tilespmem:s24], [sflag:$0x2] =	stream.indirect.gather [hbm4b:s6+s21], $0x80, s7, s21, $0xb8;
	v63 =	vld [tilespmem:$0x0]  }
0x145: {  	s8 =	simm.s32 $0x1100  }
0x146: {  	[tilespmem:s26], [sflag:$0x3] =	stream.indirect.gather [hbm4b:s6+s21], $0x80, s8, s21, $0xb8;
	v63 =	vld [tilespmem:$0x0]  }
0x147: {  	_ =	swait.ge [sflag:s28], $0x3200  }
0x148: {  	[sflag:s28] =	ssyncset.done $0x0  }
0x149: {  	[sflag:s28] =	ssyncadd.s32 $0xFFFFCE00  }
0x14a: {  	[spmem:s2] =	stream.indirect.scatter.add.f32 [tilespmem:s22], [sflag:$0x4], $0x80, s20, s21, $0xb8;
	v63 =	vld [tilespmem:$0x0]  }
0x14b: {  	_ =	swait.ge [sflag:s29], $0x3200  }
0x14c: {  	[sflag:s29] =	ssyncset.done $0x0  }
0x14d: {  	s11 =	simm.s32 $0x1180;
	[sflag:s29] =	ssyncadd.s32 $0xFFFFCE00  }
0x14e: {  	[tilespmem:s22], [sflag:$0x1] =	stream.indirect.gather [hbm4b:s6+s21], $0x80, s11, s21, $0xb8;
	v63 =	vld [tilespmem:$0x0]  }
0x14f: {  	_ =	swait.ge [sflag:s31], $0x3200  }
0x150: {  	[sflag:s31] =	ssyncset.done $0x0  }
0x151: {  	s7 =	simm.s32 $0x1880;
	[sflag:s31] =	ssyncadd.s32 $0xFFFFCE00  }
0x152: {  	[spmem:s2] =	stream.indirect.scatter.add.f32 [tilespmem:s24], [sflag:$0x5], $0x80, s7, s21, $0xb8;
	v63 =	vld [tilespmem:$0x0]  }
0x153: {  	_ =	swait.ge [sflag:s1], $0x3200  }
0x154: {  	[sflag:s1] =	ssyncset.done $0x0  }
0x155: {  	s8 =	simm.s32 $0x1200;
	[sflag:s1] =	ssyncadd.s32 $0xFFFFCE00  }
0x156: {  	[tilespmem:s24], [sflag:$0x2] =	stream.indirect.gather [hbm4b:s6+s21], $0x80, s8, s21, $0xb8;
	v63 =	vld [tilespmem:$0x0]  }
0x157: {  	_ =	swait.ge [sflag:s4], $0x3200  }
0x158: {  	[sflag:s4] =	ssyncset.done $0x0  }
0x159: {  	s11 =	simm.s32 $0x1900;
	[sflag:s4] =	ssyncadd.s32 $0xFFFFCE00  }
0x15a: {  	[spmem:s2] =	stream.indirect.scatter.add.f32 [tilespmem:s26], [sflag:$0x6], $0x80, s11, s21, $0xb8;
	v63 =	vld [tilespmem:$0x0]  }
0x15b: {  	_ =	swait.ge [sflag:s9], $0x3200  }
0x15c: {  	[sflag:s9] =	ssyncset.done $0x0  }
0x15d: {  	s7 =	simm.s32 $0x1280;
	[sflag:s9] =	ssyncadd.s32 $0xFFFFCE00  }
0x15e: {  	[tilespmem:s26], [sflag:$0x3] =	stream.indirect.gather [hbm4b:s6+s21], $0x80, s7, s21, $0xb8;
	v63 =	vld [tilespmem:$0x0]  }
0x15f: {  	_ =	swait.ge [sflag:s28], $0x3200  }
0x160: {  	[sflag:s28] =	ssyncset.done $0x0  }
0x161: {  	s8 =	simm.s32 $0x1980;
	[sflag:s28] =	ssyncadd.s32 $0xFFFFCE00  }
0x162: {  	[spmem:s2] =	stream.indirect.scatter.add.f32 [tilespmem:s22], [sflag:$0x4], $0x80, s8, s21, $0xb8;
	v63 =	vld [tilespmem:$0x0]  }
0x163: {  	_ =	swait.ge [sflag:s29], $0x3200  }
0x164: {  	[sflag:s29] =	ssyncset.done $0x0  }
0x165: {  	s11 =	simm.s32 $0x1300;
	[sflag:s29] =	ssyncadd.s32 $0xFFFFCE00  }
0x166: {  	[tilespmem:s22], [sflag:$0x1] =	stream.indirect.gather [hbm4b:s6+s21], $0x80, s11, s21, $0xb8;
	v63 =	vld [tilespmem:$0x0]  }
0x167: {  	_ =	swait.ge [sflag:s31], $0x3200  }
0x168: {  	[sflag:s31] =	ssyncset.done $0x0  }
0x169: {  	s7 =	simm.s32 $0x1A00;
	[sflag:s31] =	ssyncadd.s32 $0xFFFFCE00  }
0x16a: {  	[spmem:s2] =	stream.indirect.scatter.add.f32 [tilespmem:s24], [sflag:$0x5], $0x80, s7, s21, $0xb8;
	v63 =	vld [tilespmem:$0x0]  }
0x16b: {  	_ =	swait.ge [sflag:s1], $0x3200  }
0x16c: {  	[sflag:s1] =	ssyncset.done $0x0  }
0x16d: {  	s8 =	simm.s32 $0x1380;
	[sflag:s1] =	ssyncadd.s32 $0xFFFFCE00  }
0x16e: {  	[tilespmem:s24], [sflag:$0x2] =	stream.indirect.gather [hbm4b:s6+s21], $0x80, s8, s21, $0xb8;
	v63 =	vld [tilespmem:$0x0]  }
0x16f: {  	_ =	swait.ge [sflag:s4], $0x3200  }
0x170: {  	[sflag:s4] =	ssyncset.done $0x0  }
0x171: {  	s11 =	simm.s32 $0x1A80;
	[sflag:s4] =	ssyncadd.s32 $0xFFFFCE00  }
0x172: {  	[spmem:s2] =	stream.indirect.scatter.add.f32 [tilespmem:s26], [sflag:$0x6], $0x80, s11, s21, $0xb8;
	v63 =	vld [tilespmem:$0x0]  }
0x173: {  	_ =	swait.ge [sflag:s9], $0x3200  }
0x174: {  	[sflag:s9] =	ssyncset.done $0x0  }
0x175: {  	s7 =	simm.s32 $0x1400;
	[sflag:s9] =	ssyncadd.s32 $0xFFFFCE00  }
0x176: {  	[tilespmem:s26], [sflag:$0x3] =	stream.indirect.gather [hbm4b:s6+s21], $0x80, s7, s21, $0xb8;
	v63 =	vld [tilespmem:$0x0]  }
0x177: {  	_ =	swait.ge [sflag:s28], $0x3200  }
0x178: {  	[sflag:s28] =	ssyncset.done $0x0  }
0x179: {  	s8 =	simm.s32 $0x1B00;
	[sflag:s28] =	ssyncadd.s32 $0xFFFFCE00  }
0x17a: {  	[spmem:s2] =	stream.indirect.scatter.add.f32 [tilespmem:s22], [sflag:$0x4], $0x80, s8, s21, $0xb8;
	v63 =	vld [tilespmem:$0x0]  }
0x17b: {  	_ =	swait.ge [sflag:s29], $0x3200  }
0x17c: {  	[sflag:s29] =	ssyncset.done $0x0  }
0x17d: {  	s11 =	simm.s32 $0x1480;
	[sflag:s29] =	ssyncadd.s32 $0xFFFFCE00  }
0x17e: {  	[tilespmem:s22], [sflag:$0x1] =	stream.indirect.gather [hbm4b:s6+s21], $0x80, s11, s21, $0xb8;
	v63 =	vld [tilespmem:$0x0]  }
0x17f: {  	_ =	swait.ge [sflag:s31], $0x3200  }
0x180: {  	[sflag:s31] =	ssyncset.done $0x0  }
0x181: {  	s7 =	simm.s32 $0x1B80;
	[sflag:s31] =	ssyncadd.s32 $0xFFFFCE00  }
0x182: {  	[spmem:s2] =	stream.indirect.scatter.add.f32 [tilespmem:s24], [sflag:$0x5], $0x80, s7, s21, $0xb8;
	v63 =	vld [tilespmem:$0x0]  }
0x183: {  	_ =	swait.ge [sflag:s4], $0x3200  }
0x184: {  	[sflag:s4] =	ssyncset.done $0x0  }
0x185: {  	s8 =	simm.s32 $0x1C00;
	[sflag:s4] =	ssyncadd.s32 $0xFFFFCE00  }
0x186: {  	[spmem:s2] =	stream.indirect.scatter.add.f32 [tilespmem:s26], [sflag:$0x6], $0x80, s8, s21, $0xb8;
	v63 =	vld [tilespmem:$0x0]  }
0x187: {  	_ =	swait.ge [sflag:s28], $0x3200  }
0x188: {  	[sflag:s28] =	ssyncset.done $0x0  }
0x189: {  	s11 =	simm.s32 $0x1C80;
	[sflag:s28] =	ssyncadd.s32 $0xFFFFCE00  }
0x18a: {  	[spmem:s2] =	stream.indirect.scatter.add.f32 [tilespmem:s22], [sflag:$0x4], $0x80, s11, s21, $0xb8;
	v63 =	vld [tilespmem:$0x0]  }
0x18b: {  	_ =	swait.ge [sflag:s29], $0x3200  }
0x18c: {  	[sflag:s29] =	ssyncset.done $0x0  }
0x18d: {  	[sflag:s29] =	ssyncadd.s32 $0xFFFFCE00  }
0x18e: {  	_ =	swait.ge [sflag:s1], $0x3200  }
0x18f: {  	[sflag:s1] =	ssyncset.done $0x0  }
0x190: {  	[sflag:s1] =	ssyncadd.s32 $0xFFFFCE00  }
0x191: {  	_ =	swait.ge [sflag:s9], $0x3200  }
0x192: {  	s0 =	simm.s32 $0x200;
	[sflag:s9] =	ssyncset.done $0x0  }
.LBB2_8:
0x193: {  	[sflag:s9] =	ssyncadd.s32 $0xFFFFCE00;
	s7 =	smov.u32 s0;
	s0 =	sadd.s32 $0x200, s0  }
0x194: {  	_ =	swait.ge [sflag:s18], $0x500;
	p1 =	sne.s32 s0, $0xA00  }
0x195: {  	[sflag:s18] =	ssyncset.done $0x0  }
0x196: {  	[sflag:s18] =	ssyncadd.s32 $0xFFFFFB00  }
0x197: {  	_ =	swait.ge [sflag:s18], $0x500  }
0x198: {  	s8 =	sadd.s32 s7, s14;
	[sflag:s18] =	ssyncset.done $0x0  }
0x199: {  	s11 =	sadd.s32 s7, s13;
	s8 =	sadd.s32 $0x100, s8;
	[sflag:s18] =	ssyncadd.s32 $0xFFFFFB00  }
0x19a: {  	[tilespmem:s19], [sflag:$0x8] =	stream.linear.gather [hbm4b:s8+s3], $0x500, $0x38;
	v63 =	vld [tilespmem:$0x0]  }
0x19b: {  	s8 =	sadd.s32 $0x100, s11  }
0x19c: {  	[tilespmem:s20], [sflag:$0x8] =	stream.linear.gather [hbm4b:s8+s3], $0x500, $0x38;
	v63 =	vld [tilespmem:$0x0]  }
0x19d: {  	_ = 	snop  }
0x19e: {  	[tilespmem:s22], [sflag:$0x1] =	stream.indirect.gather [hbm4b:s6+s21], $0x80, s3, s21, $0xb8;
	v63 =	vld [tilespmem:$0x0]  }
0x19f: {  	s8 =	simm.s32 $0x80  }
0x1a0: {  	[tilespmem:s24], [sflag:$0x2] =	stream.indirect.gather [hbm4b:s6+s21], $0x80, s8, s21, $0xb8;
	v63 =	vld [tilespmem:$0x0]  }
0x1a1: {  	s8 =	simm.s32 $0x100  }
0x1a2: {  	[tilespmem:s26], [sflag:$0x3] =	stream.indirect.gather [hbm4b:s6+s21], $0x80, s8, s21, $0xb8;
	v63 =	vld [tilespmem:$0x0]  }
0x1a3: {  	_ =	swait.ge [sflag:s28], $0x3200  }
0x1a4: {  	[sflag:s28] =	ssyncset.done $0x0  }
0x1a5: {  	s8 =	simm.s32 $0x800;
	[sflag:s28] =	ssyncadd.s32 $0xFFFFCE00  }
0x1a6: {  	[spmem:s2] =	stream.indirect.scatter.add.f32 [tilespmem:s22], [sflag:$0x4], $0x80, s8, s21, $0xb8;
	v63 =	vld [tilespmem:$0x0]  }
0x1a7: {  	_ =	swait.ge [sflag:s29], $0x3200  }
0x1a8: {  	[sflag:s29] =	ssyncset.done $0x0  }
0x1a9: {  	s8 =	simm.s32 $0x180;
	[sflag:s29] =	ssyncadd.s32 $0xFFFFCE00  }
0x1aa: {  	[tilespmem:s22], [sflag:$0x1] =	stream.indirect.gather [hbm4b:s6+s21], $0x80, s8, s21, $0xb8;
	v63 =	vld [tilespmem:$0x0]  }
0x1ab: {  	_ =	swait.ge [sflag:s31], $0x3200  }
0x1ac: {  	[sflag:s31] =	ssyncset.done $0x0  }
0x1ad: {  	s8 =	simm.s32 $0x880;
	[sflag:s31] =	ssyncadd.s32 $0xFFFFCE00  }
0x1ae: {  	[spmem:s2] =	stream.indirect.scatter.add.f32 [tilespmem:s24], [sflag:$0x5], $0x80, s8, s21, $0xb8;
	v63 =	vld [tilespmem:$0x0]  }
0x1af: {  	_ =	swait.ge [sflag:s1], $0x3200  }
0x1b0: {  	[sflag:s1] =	ssyncset.done $0x0  }
0x1b1: {  	s8 =	simm.s32 $0x200;
	[sflag:s1] =	ssyncadd.s32 $0xFFFFCE00  }
0x1b2: {  	[tilespmem:s24], [sflag:$0x2] =	stream.indirect.gather [hbm4b:s6+s21], $0x80, s8, s21, $0xb8;
	v63 =	vld [tilespmem:$0x0]  }
0x1b3: {  	_ =	swait.ge [sflag:s4], $0x3200  }
0x1b4: {  	[sflag:s4] =	ssyncset.done $0x0  }
0x1b5: {  	s8 =	simm.s32 $0x900;
	[sflag:s4] =	ssyncadd.s32 $0xFFFFCE00  }
0x1b6: {  	[spmem:s2] =	stream.indirect.scatter.add.f32 [tilespmem:s26], [sflag:$0x6], $0x80, s8, s21, $0xb8;
	v63 =	vld [tilespmem:$0x0]  }
0x1b7: {  	_ =	swait.ge [sflag:s9], $0x3200  }
0x1b8: {  	[sflag:s9] =	ssyncset.done $0x0  }
0x1b9: {  	s8 =	simm.s32 $0x280;
	[sflag:s9] =	ssyncadd.s32 $0xFFFFCE00  }
0x1ba: {  	[tilespmem:s26], [sflag:$0x3] =	stream.indirect.gather [hbm4b:s6+s21], $0x80, s8, s21, $0xb8;
	v63 =	vld [tilespmem:$0x0]  }
0x1bb: {  	_ =	swait.ge [sflag:s28], $0x3200  }
0x1bc: {  	[sflag:s28] =	ssyncset.done $0x0  }
0x1bd: {  	s8 =	simm.s32 $0x980;
	[sflag:s28] =	ssyncadd.s32 $0xFFFFCE00  }
0x1be: {  	[spmem:s2] =	stream.indirect.scatter.add.f32 [tilespmem:s22], [sflag:$0x4], $0x80, s8, s21, $0xb8;
	v63 =	vld [tilespmem:$0x0]  }
0x1bf: {  	_ =	swait.ge [sflag:s29], $0x3200  }
0x1c0: {  	[sflag:s29] =	ssyncset.done $0x0  }
0x1c1: {  	s8 =	simm.s32 $0x300;
	[sflag:s29] =	ssyncadd.s32 $0xFFFFCE00  }
0x1c2: {  	[tilespmem:s22], [sflag:$0x1] =	stream.indirect.gather [hbm4b:s6+s21], $0x80, s8, s21, $0xb8;
	v63 =	vld [tilespmem:$0x0]  }
0x1c3: {  	_ =	swait.ge [sflag:s31], $0x3200  }
0x1c4: {  	[sflag:s31] =	ssyncset.done $0x0  }
0x1c5: {  	s8 =	simm.s32 $0xA00;
	[sflag:s31] =	ssyncadd.s32 $0xFFFFCE00  }
0x1c6: {  	[spmem:s2] =	stream.indirect.scatter.add.f32 [tilespmem:s24], [sflag:$0x5], $0x80, s8, s21, $0xb8;
	v63 =	vld [tilespmem:$0x0]  }
0x1c7: {  	_ =	swait.ge [sflag:s1], $0x3200  }
0x1c8: {  	[sflag:s1] =	ssyncset.done $0x0  }
0x1c9: {  	s8 =	simm.s32 $0x380;
	[sflag:s1] =	ssyncadd.s32 $0xFFFFCE00  }
0x1ca: {  	[tilespmem:s24], [sflag:$0x2] =	stream.indirect.gather [hbm4b:s6+s21], $0x80, s8, s21, $0xb8;
	v63 =	vld [tilespmem:$0x0]  }
0x1cb: {  	_ =	swait.ge [sflag:s4], $0x3200  }
0x1cc: {  	[sflag:s4] =	ssyncset.done $0x0  }
0x1cd: {  	s8 =	simm.s32 $0xA80;
	[sflag:s4] =	ssyncadd.s32 $0xFFFFCE00  }
0x1ce: {  	[spmem:s2] =	stream.indirect.scatter.add.f32 [tilespmem:s26], [sflag:$0x6], $0x80, s8, s21, $0xb8;
	v63 =	vld [tilespmem:$0x0]  }
0x1cf: {  	_ =	swait.ge [sflag:s9], $0x3200  }
0x1d0: {  	[sflag:s9] =	ssyncset.done $0x0  }
0x1d1: {  	s8 =	simm.s32 $0x400;
	[sflag:s9] =	ssyncadd.s32 $0xFFFFCE00  }
0x1d2: {  	[tilespmem:s26], [sflag:$0x3] =	stream.indirect.gather [hbm4b:s6+s21], $0x80, s8, s21, $0xb8;
	v63 =	vld [tilespmem:$0x0]  }
0x1d3: {  	_ =	swait.ge [sflag:s28], $0x3200  }
0x1d4: {  	[sflag:s28] =	ssyncset.done $0x0  }
0x1d5: {  	s8 =	simm.s32 $0xB00;
	[sflag:s28] =	ssyncadd.s32 $0xFFFFCE00  }
0x1d6: {  	[spmem:s2] =	stream.indirect.scatter.add.f32 [tilespmem:s22], [sflag:$0x4], $0x80, s8, s21, $0xb8;
	v63 =	vld [tilespmem:$0x0]  }
0x1d7: {  	_ =	swait.ge [sflag:s29], $0x3200  }
0x1d8: {  	[sflag:s29] =	ssyncset.done $0x0  }
0x1d9: {  	[sflag:s29] =	ssyncadd.s32 $0xFFFFCE00  }
0x1da: {  	[tilespmem:s22], [sflag:$0x1] =	stream.indirect.gather [hbm4b:s6+s21], $0x80, s30, s21, $0xb8;
	v63 =	vld [tilespmem:$0x0]  }
0x1db: {  	_ =	swait.ge [sflag:s31], $0x3200  }
0x1dc: {  	[sflag:s31] =	ssyncset.done $0x0  }
0x1dd: {  	[sflag:s31] =	ssyncadd.s32 $0xFFFFCE00  }
0x1de: {  	[spmem:s2] =	stream.indirect.scatter.add.f32 [tilespmem:s24], [sflag:$0x5], $0x80, s15, s21, $0xb8;
	v63 =	vld [tilespmem:$0x0]  }
0x1df: {  	_ =	swait.ge [sflag:s4], $0x3200  }
0x1e0: {  	[sflag:s4] =	ssyncset.done $0x0  }
0x1e1: {  	[sflag:s4] =	ssyncadd.s32 $0xFFFFCE00  }
0x1e2: {  	[spmem:s2] =	stream.indirect.scatter.add.f32 [tilespmem:s26], [sflag:$0x6], $0x80, s25, s21, $0xb8;
	v63 =	vld [tilespmem:$0x0]  }
0x1e3: {  	_ =	swait.ge [sflag:s28], $0x3200  }
0x1e4: {  	[sflag:s28] =	ssyncset.done $0x0  }
0x1e5: {  	[sflag:s28] =	ssyncadd.s32 $0xFFFFCE00  }
0x1e6: {  	[spmem:s2] =	stream.indirect.scatter.add.f32 [tilespmem:s22], [sflag:$0x4], $0x80, s12, s21, $0xb8;
	v63 =	vld [tilespmem:$0x0]  }
0x1e7: {  	_ =	swait.ge [sflag:s29], $0x3200  }
0x1e8: {  	[sflag:s29] =	ssyncset.done $0x0  }
0x1e9: {  	[sflag:s29] =	ssyncadd.s32 $0xFFFFCE00  }
0x1ea: {  	_ =	swait.ge [sflag:s1], $0x3200  }
0x1eb: {  	[sflag:s1] =	ssyncset.done $0x0  }
0x1ec: {  	[sflag:s1] =	ssyncadd.s32 $0xFFFFCE00  }
0x1ed: {  	p2 =	seq.s32 s7, $0x800;
	_ =	swait.ge [sflag:s9], $0x3200  }
0x1ee: {  	s8 =	sadd.s32 @!p2 s7, s14;
	s7 =	sadd.s32 @!p2 s7, s13;
	[sflag:s9] =	ssyncset.done $0x0  }
0x1ef: {  	s11 =	simm.s32 @!p2 $0x0;
	s8 =	sadd.s32 @!p2 $0x200, s8;
	[sflag:s9] =	ssyncadd.s32 $0xFFFFCE00  }
0x1f0: {  	[tilespmem:s11], [sflag:$0x7] =	stream.linear.gather @!p2 [hbm4b:s8+s11], $0x500, $0x38;
	v63 =	vld [tilespmem:$0x0]  }
0x1f1: {  	s7 =	sadd.s32 @!p2 $0x200, s7;
	s8 =	simm.s32 @!p2 $0x800  }
0x1f2: {  	[tilespmem:s8], [sflag:$0x7] =	stream.linear.gather @!p2 [hbm4b:s7+s11], $0x500, $0x38;
	v63 =	vld [tilespmem:$0x0]  }
0x1f3: {  	s11 =	simm.s32 $0x1180;
	s8 =	simm.s32 $0x1100;
	s7 =	simm.s32 $0x1080  }
0x1f4: {  	_ =	swait.ge [sflag:s23], $0x500  }
0x1f5: {  	[sflag:s23] =	ssyncset.done $0x0  }
0x1f6: {  	[sflag:s23] =	ssyncadd.s32 $0xFFFFFB00  }
0x1f7: {  	_ =	swait.ge [sflag:s23], $0x500  }
0x1f8: {  	[sflag:s23] =	ssyncset.done $0x0  }
0x1f9: {  	[sflag:s23] =	ssyncadd.s32 $0xFFFFFB00  }
0x1fa: {  	[tilespmem:s22], [sflag:$0x1] =	stream.indirect.gather [hbm4b:s6+s21], $0x80, s19, s21, $0xb8;
	v63 =	vld [tilespmem:$0x0]  }
0x1fb: {  	_ = 	snop  }
0x1fc: {  	[tilespmem:s24], [sflag:$0x2] =	stream.indirect.gather [hbm4b:s6+s21], $0x80, s7, s21, $0xb8;
	v63 =	vld [tilespmem:$0x0]  }
0x1fd: {  	_ = 	snop  }
0x1fe: {  	[tilespmem:s26], [sflag:$0x3] =	stream.indirect.gather [hbm4b:s6+s21], $0x80, s8, s21, $0xb8;
	v63 =	vld [tilespmem:$0x0]  }
0x1ff: {  	_ =	swait.ge [sflag:s28], $0x3200  }
0x200: {  	[sflag:s28] =	ssyncset.done $0x0  }
0x201: {  	[sflag:s28] =	ssyncadd.s32 $0xFFFFCE00  }
0x202: {  	[spmem:s2] =	stream.indirect.scatter.add.f32 [tilespmem:s22], [sflag:$0x4], $0x80, s20, s21, $0xb8;
	v63 =	vld [tilespmem:$0x0]  }
0x203: {  	_ =	swait.ge [sflag:s29], $0x3200  }
0x204: {  	[sflag:s29] =	ssyncset.done $0x0  }
0x205: {  	[sflag:s29] =	ssyncadd.s32 $0xFFFFCE00  }
0x206: {  	[tilespmem:s22], [sflag:$0x1] =	stream.indirect.gather [hbm4b:s6+s21], $0x80, s11, s21, $0xb8;
	v63 =	vld [tilespmem:$0x0]  }
0x207: {  	s7 =	simm.s32 $0x1880;
	s8 =	simm.s32 $0x1200;
	s11 =	simm.s32 $0x1900  }
0x208: {  	_ =	swait.ge [sflag:s31], $0x3200  }
0x209: {  	[sflag:s31] =	ssyncset.done $0x0  }
0x20a: {  	[sflag:s31] =	ssyncadd.s32 $0xFFFFCE00  }
0x20b: {  	[spmem:s2] =	stream.indirect.scatter.add.f32 [tilespmem:s24], [sflag:$0x5], $0x80, s7, s21, $0xb8;
	v63 =	vld [tilespmem:$0x0]  }
0x20c: {  	_ =	swait.ge [sflag:s1], $0x3200  }
0x20d: {  	[sflag:s1] =	ssyncset.done $0x0  }
0x20e: {  	[sflag:s1] =	ssyncadd.s32 $0xFFFFCE00  }
0x20f: {  	[tilespmem:s24], [sflag:$0x2] =	stream.indirect.gather [hbm4b:s6+s21], $0x80, s8, s21, $0xb8;
	v63 =	vld [tilespmem:$0x0]  }
0x210: {  	_ =	swait.ge [sflag:s4], $0x3200  }
0x211: {  	[sflag:s4] =	ssyncset.done $0x0  }
0x212: {  	[sflag:s4] =	ssyncadd.s32 $0xFFFFCE00  }
0x213: {  	[spmem:s2] =	stream.indirect.scatter.add.f32 [tilespmem:s26], [sflag:$0x6], $0x80, s11, s21, $0xb8;
	v63 =	vld [tilespmem:$0x0]  }
0x214: {  	s7 =	simm.s32 $0x1280;
	s8 =	simm.s32 $0x1980;
	s11 =	simm.s32 $0x1300  }
0x215: {  	_ =	swait.ge [sflag:s9], $0x3200  }
0x216: {  	[sflag:s9] =	ssyncset.done $0x0  }
0x217: {  	[sflag:s9] =	ssyncadd.s32 $0xFFFFCE00  }
0x218: {  	[tilespmem:s26], [sflag:$0x3] =	stream.indirect.gather [hbm4b:s6+s21], $0x80, s7, s21, $0xb8;
	v63 =	vld [tilespmem:$0x0]  }
0x219: {  	_ =	swait.ge [sflag:s28], $0x3200  }
0x21a: {  	[sflag:s28] =	ssyncset.done $0x0  }
0x21b: {  	[sflag:s28] =	ssyncadd.s32 $0xFFFFCE00  }
0x21c: {  	[spmem:s2] =	stream.indirect.scatter.add.f32 [tilespmem:s22], [sflag:$0x4], $0x80, s8, s21, $0xb8;
	v63 =	vld [tilespmem:$0x0]  }
0x21d: {  	_ =	swait.ge [sflag:s29], $0x3200  }
0x21e: {  	[sflag:s29] =	ssyncset.done $0x0  }
0x21f: {  	[sflag:s29] =	ssyncadd.s32 $0xFFFFCE00  }
0x220: {  	[tilespmem:s22], [sflag:$0x1] =	stream.indirect.gather [hbm4b:s6+s21], $0x80, s11, s21, $0xb8;
	v63 =	vld [tilespmem:$0x0]  }
0x221: {  	s7 =	simm.s32 $0x1A00;
	s8 =	simm.s32 $0x1380;
	s11 =	simm.s32 $0x1A80  }
0x222: {  	_ =	swait.ge [sflag:s31], $0x3200  }
0x223: {  	[sflag:s31] =	ssyncset.done $0x0  }
0x224: {  	[sflag:s31] =	ssyncadd.s32 $0xFFFFCE00  }
0x225: {  	[spmem:s2] =	stream.indirect.scatter.add.f32 [tilespmem:s24], [sflag:$0x5], $0x80, s7, s21, $0xb8;
	v63 =	vld [tilespmem:$0x0]  }
0x226: {  	_ =	swait.ge [sflag:s1], $0x3200  }
0x227: {  	[sflag:s1] =	ssyncset.done $0x0  }
0x228: {  	[sflag:s1] =	ssyncadd.s32 $0xFFFFCE00  }
0x229: {  	[tilespmem:s24], [sflag:$0x2] =	stream.indirect.gather [hbm4b:s6+s21], $0x80, s8, s21, $0xb8;
	v63 =	vld [tilespmem:$0x0]  }
0x22a: {  	_ =	swait.ge [sflag:s4], $0x3200  }
0x22b: {  	[sflag:s4] =	ssyncset.done $0x0  }
0x22c: {  	[sflag:s4] =	ssyncadd.s32 $0xFFFFCE00  }
0x22d: {  	[spmem:s2] =	stream.indirect.scatter.add.f32 [tilespmem:s26], [sflag:$0x6], $0x80, s11, s21, $0xb8;
	v63 =	vld [tilespmem:$0x0]  }
0x22e: {  	s7 =	simm.s32 $0x1400;
	s8 =	simm.s32 $0x1B00;
	s11 =	simm.s32 $0x1480  }
0x22f: {  	_ =	swait.ge [sflag:s9], $0x3200  }
0x230: {  	[sflag:s9] =	ssyncset.done $0x0  }
0x231: {  	[sflag:s9] =	ssyncadd.s32 $0xFFFFCE00  }
0x232: {  	[tilespmem:s26], [sflag:$0x3] =	stream.indirect.gather [hbm4b:s6+s21], $0x80, s7, s21, $0xb8;
	v63 =	vld [tilespmem:$0x0]  }
0x233: {  	_ =	swait.ge [sflag:s28], $0x3200  }
0x234: {  	[sflag:s28] =	ssyncset.done $0x0  }
0x235: {  	[sflag:s28] =	ssyncadd.s32 $0xFFFFCE00  }
0x236: {  	[spmem:s2] =	stream.indirect.scatter.add.f32 [tilespmem:s22], [sflag:$0x4], $0x80, s8, s21, $0xb8;
	v63 =	vld [tilespmem:$0x0]  }
0x237: {  	_ =	swait.ge [sflag:s29], $0x3200  }
0x238: {  	[sflag:s29] =	ssyncset.done $0x0  }
0x239: {  	[sflag:s29] =	ssyncadd.s32 $0xFFFFCE00  }
0x23a: {  	[tilespmem:s22], [sflag:$0x1] =	stream.indirect.gather [hbm4b:s6+s21], $0x80, s11, s21, $0xb8;
	v63 =	vld [tilespmem:$0x0]  }
0x23b: {  	s7 =	simm.s32 $0x1B80;
	s8 =	simm.s32 $0x1C00;
	s11 =	simm.s32 $0x1C80  }
0x23c: {  	_ =	swait.ge [sflag:s31], $0x3200  }
0x23d: {  	[sflag:s31] =	ssyncset.done $0x0  }
0x23e: {  	[sflag:s31] =	ssyncadd.s32 $0xFFFFCE00  }
0x23f: {  	[spmem:s2] =	stream.indirect.scatter.add.f32 [tilespmem:s24], [sflag:$0x5], $0x80, s7, s21, $0xb8;
	v63 =	vld [tilespmem:$0x0]  }
0x240: {  	_ =	swait.ge [sflag:s4], $0x3200  }
0x241: {  	[sflag:s4] =	ssyncset.done $0x0  }
0x242: {  	[sflag:s4] =	ssyncadd.s32 $0xFFFFCE00  }
0x243: {  	[spmem:s2] =	stream.indirect.scatter.add.f32 [tilespmem:s26], [sflag:$0x6], $0x80, s8, s21, $0xb8;
	v63 =	vld [tilespmem:$0x0]  }
0x244: {  	_ =	swait.ge [sflag:s28], $0x3200  }
0x245: {  	[sflag:s28] =	ssyncset.done $0x0  }
0x246: {  	[sflag:s28] =	ssyncadd.s32 $0xFFFFCE00  }
0x247: {  	[spmem:s2] =	stream.indirect.scatter.add.f32 [tilespmem:s22], [sflag:$0x4], $0x80, s11, s21, $0xb8;
	v63 =	vld [tilespmem:$0x0]  }
0x248: {  	_ =	swait.ge [sflag:s29], $0x3200  }
0x249: {  	[sflag:s29] =	ssyncset.done $0x0  }
0x24a: {  	[sflag:s29] =	ssyncadd.s32 $0xFFFFCE00  }
.Ltmp4:
0x24b: {  	_ =	swait.ge [sflag:s1], $0x3200;
	(pc) =	sbr.rel @p1 .LBB2_8-.Ltmp4, $4  }
0x24c: {  	[sflag:s1] =	ssyncset.done $0x0  }
0x24d: {  	[sflag:s1] =	ssyncadd.s32 $0xFFFFCE00  }
0x24e: {  	_ =	swait.ge [sflag:s9], $0x3200  }
0x24f: {  	[sflag:s9] =	ssyncset.done $0x0  }
.Ltmp5:
0x250: {  	(pc) =	sbr.rel .LBB2_10-.Ltmp5, $3  }
0x251: {  	_ =	sdelay $0x1  }
0x252: {  	s0 =	rddreg [dreg:$0x4]  }
0x253: {  	[sflag:s9] =	ssyncadd.s32 $0xFFFFCE00;
	s11 =	rddreg [dreg:$0x9]  }
.LBB2_4:
0x254: {  	_ =	swait.ge [sflag:s18], $0x500  }
0x255: {  	[sflag:s18] =	ssyncset.done $0x0  }
0x256: {  	[sflag:s18] =	ssyncadd.s32 $0xFFFFFB00  }
0x257: {  	_ =	swait.ge [sflag:s18], $0x500  }
0x258: {  	s0 =	sadd.s32 $0x0, s14;
	[sflag:s18] =	ssyncset.done $0x0  }
0x259: {  	s7 =	sadd.s32 $0x0, s13;
	s0 =	sadd.s32 $0x100, s0;
	[sflag:s18] =	ssyncadd.s32 $0xFFFFFB00  }
0x25a: {  	[tilespmem:s19], [sflag:$0x8] =	stream.linear.gather [hbm4b:s0+s3], $0x500, $0x38;
	v63 =	vld [tilespmem:$0x0]  }
0x25b: {  	s11 =	sadd.s32 $0x100, s7  }
0x25c: {  	[tilespmem:s20], [sflag:$0x8] =	stream.linear.gather [hbm4b:s11+s3], $0x500, $0x38;
	v63 =	vld [tilespmem:$0x0]  }
0x25d: {  	_ = 	snop  }
0x25e: {  	[tilespmem:s22], [sflag:$0x1] =	stream.indirect.gather [hbm4b:s5+s21], $0x80, s3, s21, $0xb8;
	v63 =	vld [tilespmem:$0x0]  }
0x25f: {  	_ = 	snop  }
0x260: {  	[tilespmem:s24], [sflag:$0x2] =	stream.indirect.gather [hbm4b:s5+s21], $0x80, s12, s21, $0xb8;
	v63 =	vld [tilespmem:$0x0]  }
0x261: {  	_ = 	snop  }
0x262: {  	[tilespmem:s26], [sflag:$0x3] =	stream.indirect.gather [hbm4b:s5+s21], $0x80, s15, s21, $0xb8;
	v63 =	vld [tilespmem:$0x0]  }
0x263: {  	_ =	swait.ge [sflag:s28], $0x3200  }
0x264: {  	[sflag:s28] =	ssyncset.done $0x0  }
0x265: {  	s25 =	simm.s32 $0x800;
	[sflag:s28] =	ssyncadd.s32 $0xFFFFCE00  }
0x266: {  	[spmem:s2] =	stream.indirect.scatter.add.f32 [tilespmem:s22], [sflag:$0x4], $0x80, s25, s21, $0xb8;
	v63 =	vld [tilespmem:$0x0]  }
0x267: {  	_ =	swait.ge [sflag:s29], $0x3200  }
0x268: {  	[sflag:s29] =	ssyncset.done $0x0  }
0x269: {  	s7 =	simm.s32 $0x180;
	[sflag:s29] =	ssyncadd.s32 $0xFFFFCE00  }
0x26a: {  	[tilespmem:s22], [sflag:$0x1] =	stream.indirect.gather [hbm4b:s5+s21], $0x80, s7, s21, $0xb8;
	v63 =	vld [tilespmem:$0x0]  }
0x26b: {  	_ =	swait.ge [sflag:s31], $0x3200  }
0x26c: {  	[sflag:s31] =	ssyncset.done $0x0  }
0x26d: {  	s8 =	simm.s32 $0x880;
	[sflag:s31] =	ssyncadd.s32 $0xFFFFCE00  }
0x26e: {  	[spmem:s2] =	stream.indirect.scatter.add.f32 [tilespmem:s24], [sflag:$0x5], $0x80, s8, s21, $0xb8;
	v63 =	vld [tilespmem:$0x0]  }
0x26f: {  	_ =	swait.ge [sflag:s1], $0x3200  }
0x270: {  	[sflag:s1] =	ssyncset.done $0x0  }
0x271: {  	s11 =	simm.s32 $0x200;
	[sflag:s1] =	ssyncadd.s32 $0xFFFFCE00  }
0x272: {  	[tilespmem:s24], [sflag:$0x2] =	stream.indirect.gather [hbm4b:s5+s21], $0x80, s11, s21, $0xb8;
	v63 =	vld [tilespmem:$0x0]  }
0x273: {  	_ =	swait.ge [sflag:s4], $0x3200  }
0x274: {  	[sflag:s4] =	ssyncset.done $0x0  }
0x275: {  	s12 =	simm.s32 $0x900;
	[sflag:s4] =	ssyncadd.s32 $0xFFFFCE00  }
0x276: {  	[spmem:s2] =	stream.indirect.scatter.add.f32 [tilespmem:s26], [sflag:$0x6], $0x80, s12, s21, $0xb8;
	v63 =	vld [tilespmem:$0x0]  }
0x277: {  	_ =	swait.ge [sflag:s9], $0x3200  }
0x278: {  	[sflag:s9] =	ssyncset.done $0x0  }
0x279: {  	s15 =	simm.s32 $0x280;
	[sflag:s9] =	ssyncadd.s32 $0xFFFFCE00  }
0x27a: {  	[tilespmem:s26], [sflag:$0x3] =	stream.indirect.gather [hbm4b:s5+s21], $0x80, s15, s21, $0xb8;
	v63 =	vld [tilespmem:$0x0]  }
0x27b: {  	_ =	swait.ge [sflag:s28], $0x3200  }
0x27c: {  	[sflag:s28] =	ssyncset.done $0x0  }
0x27d: {  	s25 =	simm.s32 $0x980;
	[sflag:s28] =	ssyncadd.s32 $0xFFFFCE00  }
0x27e: {  	[spmem:s2] =	stream.indirect.scatter.add.f32 [tilespmem:s22], [sflag:$0x4], $0x80, s25, s21, $0xb8;
	v63 =	vld [tilespmem:$0x0]  }
0x27f: {  	_ =	swait.ge [sflag:s29], $0x3200  }
0x280: {  	[sflag:s29] =	ssyncset.done $0x0  }
0x281: {  	s7 =	simm.s32 $0x300;
	[sflag:s29] =	ssyncadd.s32 $0xFFFFCE00  }
0x282: {  	[tilespmem:s22], [sflag:$0x1] =	stream.indirect.gather [hbm4b:s5+s21], $0x80, s7, s21, $0xb8;
	v63 =	vld [tilespmem:$0x0]  }
0x283: {  	_ =	swait.ge [sflag:s31], $0x3200  }
0x284: {  	[sflag:s31] =	ssyncset.done $0x0  }
0x285: {  	s8 =	simm.s32 $0xA00;
	[sflag:s31] =	ssyncadd.s32 $0xFFFFCE00  }
0x286: {  	[spmem:s2] =	stream.indirect.scatter.add.f32 [tilespmem:s24], [sflag:$0x5], $0x80, s8, s21, $0xb8;
	v63 =	vld [tilespmem:$0x0]  }
0x287: {  	_ =	swait.ge [sflag:s1], $0x3200  }
0x288: {  	[sflag:s1] =	ssyncset.done $0x0  }
0x289: {  	s11 =	simm.s32 $0x380;
	[sflag:s1] =	ssyncadd.s32 $0xFFFFCE00  }
0x28a: {  	[tilespmem:s24], [sflag:$0x2] =	stream.indirect.gather [hbm4b:s5+s21], $0x80, s11, s21, $0xb8;
	v63 =	vld [tilespmem:$0x0]  }
0x28b: {  	_ =	swait.ge [sflag:s4], $0x3200  }
0x28c: {  	[sflag:s4] =	ssyncset.done $0x0  }
0x28d: {  	s12 =	simm.s32 $0xA80;
	[sflag:s4] =	ssyncadd.s32 $0xFFFFCE00  }
0x28e: {  	[spmem:s2] =	stream.indirect.scatter.add.f32 [tilespmem:s26], [sflag:$0x6], $0x80, s12, s21, $0xb8;
	v63 =	vld [tilespmem:$0x0]  }
0x28f: {  	_ =	swait.ge [sflag:s9], $0x3200  }
0x290: {  	[sflag:s9] =	ssyncset.done $0x0  }
0x291: {  	s15 =	simm.s32 $0x400;
	[sflag:s9] =	ssyncadd.s32 $0xFFFFCE00  }
0x292: {  	[tilespmem:s26], [sflag:$0x3] =	stream.indirect.gather [hbm4b:s5+s21], $0x80, s15, s21, $0xb8;
	v63 =	vld [tilespmem:$0x0]  }
0x293: {  	_ =	swait.ge [sflag:s28], $0x3200  }
0x294: {  	[sflag:s28] =	ssyncset.done $0x0  }
0x295: {  	s25 =	simm.s32 $0xB00;
	[sflag:s28] =	ssyncadd.s32 $0xFFFFCE00  }
0x296: {  	[spmem:s2] =	stream.indirect.scatter.add.f32 [tilespmem:s22], [sflag:$0x4], $0x80, s25, s21, $0xb8;
	v63 =	vld [tilespmem:$0x0]  }
0x297: {  	_ =	swait.ge [sflag:s29], $0x3200  }
0x298: {  	[sflag:s29] =	ssyncset.done $0x0  }
0x299: {  	s30 =	simm.s32 $0x480;
	[sflag:s29] =	ssyncadd.s32 $0xFFFFCE00  }
0x29a: {  	[tilespmem:s22], [sflag:$0x1] =	stream.indirect.gather [hbm4b:s5+s21], $0x80, s30, s21, $0xb8;
	v63 =	vld [tilespmem:$0x0]  }
0x29b: {  	_ =	swait.ge [sflag:s31], $0x3200  }
0x29c: {  	[sflag:s31] =	ssyncset.done $0x0  }
0x29d: {  	s15 =	simm.s32 $0xB80;
	[sflag:s31] =	ssyncadd.s32 $0xFFFFCE00  }
0x29e: {  	[spmem:s2] =	stream.indirect.scatter.add.f32 [tilespmem:s24], [sflag:$0x5], $0x80, s15, s21, $0xb8;
	v63 =	vld [tilespmem:$0x0]  }
0x29f: {  	_ =	swait.ge [sflag:s4], $0x3200  }
0x2a0: {  	[sflag:s4] =	ssyncset.done $0x0  }
0x2a1: {  	s25 =	simm.s32 $0xC00;
	[sflag:s4] =	ssyncadd.s32 $0xFFFFCE00  }
0x2a2: {  	[spmem:s2] =	stream.indirect.scatter.add.f32 [tilespmem:s26], [sflag:$0x6], $0x80, s25, s21, $0xb8;
	v63 =	vld [tilespmem:$0x0]  }
0x2a3: {  	_ =	swait.ge [sflag:s28], $0x3200  }
0x2a4: {  	[sflag:s28] =	ssyncset.done $0x0  }
0x2a5: {  	s12 =	simm.s32 $0xC80;
	[sflag:s28] =	ssyncadd.s32 $0xFFFFCE00  }
0x2a6: {  	[spmem:s2] =	stream.indirect.scatter.add.f32 [tilespmem:s22], [sflag:$0x4], $0x80, s12, s21, $0xb8;
	v63 =	vld [tilespmem:$0x0]  }
0x2a7: {  	_ =	swait.ge [sflag:s29], $0x3200  }
0x2a8: {  	[sflag:s29] =	ssyncset.done $0x0  }
0x2a9: {  	[sflag:s29] =	ssyncadd.s32 $0xFFFFCE00  }
0x2aa: {  	_ =	swait.ge [sflag:s1], $0x3200  }
0x2ab: {  	[sflag:s1] =	ssyncset.done $0x0  }
0x2ac: {  	p1 =	por $0x0, $0x0;
	[sflag:s1] =	ssyncadd.s32 $0xFFFFCE00  }
0x2ad: {  	s0 =	sadd.s32 @!p1 $0x0, s14;
	_ =	swait.ge [sflag:s9], $0x3200  }
0x2ae: {  	s0 =	sadd.s32 @!p1 $0x200, s0;
	[sflag:s9] =	ssyncset.done $0x0  }
0x2af: {  	s7 =	sadd.s32 @!p1 $0x0, s13;
	s8 =	simm.s32 @!p1 $0x0;
	[sflag:s9] =	ssyncadd.s32 $0xFFFFCE00  }
0x2b0: {  	[tilespmem:s8], [sflag:$0x7] =	stream.linear.gather @!p1 [hbm4b:s0+s8], $0x500, $0x38;
	v63 =	vld [tilespmem:$0x0]  }
0x2b1: {  	s0 =	sadd.s32 @!p1 $0x200, s7;
	s7 =	simm.s32 @!p1 $0x800  }
0x2b2: {  	[tilespmem:s7], [sflag:$0x7] =	stream.linear.gather @!p1 [hbm4b:s0+s8], $0x500, $0x38;
	v63 =	vld [tilespmem:$0x0]  }
0x2b3: {  	_ =	swait.ge [sflag:s23], $0x500  }
0x2b4: {  	[sflag:s23] =	ssyncset.done $0x0  }
0x2b5: {  	[sflag:s23] =	ssyncadd.s32 $0xFFFFFB00  }
0x2b6: {  	_ =	swait.ge [sflag:s23], $0x500  }
0x2b7: {  	[sflag:s23] =	ssyncset.done $0x0  }
0x2b8: {  	[sflag:s23] =	ssyncadd.s32 $0xFFFFFB00  }
0x2b9: {  	[tilespmem:s22], [sflag:$0x1] =	stream.indirect.gather [hbm4b:s5+s21], $0x80, s19, s21, $0xb8;
	v63 =	vld [tilespmem:$0x0]  }
0x2ba: {  	s7 =	simm.s32 $0x1080  }
0x2bb: {  	[tilespmem:s24], [sflag:$0x2] =	stream.indirect.gather [hbm4b:s5+s21], $0x80, s7, s21, $0xb8;
	v63 =	vld [tilespmem:$0x0]  }
0x2bc: {  	s8 =	simm.s32 $0x1100  }
0x2bd: {  	[tilespmem:s26], [sflag:$0x3] =	stream.indirect.gather [hbm4b:s5+s21], $0x80, s8, s21, $0xb8;
	v63 =	vld [tilespmem:$0x0]  }
0x2be: {  	_ =	swait.ge [sflag:s28], $0x3200  }
0x2bf: {  	[sflag:s28] =	ssyncset.done $0x0  }
0x2c0: {  	[sflag:s28] =	ssyncadd.s32 $0xFFFFCE00  }
0x2c1: {  	[spmem:s2] =	stream.indirect.scatter.add.f32 [tilespmem:s22], [sflag:$0x4], $0x80, s20, s21, $0xb8;
	v63 =	vld [tilespmem:$0x0]  }
0x2c2: {  	_ =	swait.ge [sflag:s29], $0x3200  }
0x2c3: {  	[sflag:s29] =	ssyncset.done $0x0  }
0x2c4: {  	s11 =	simm.s32 $0x1180;
	[sflag:s29] =	ssyncadd.s32 $0xFFFFCE00  }
0x2c5: {  	[tilespmem:s22], [sflag:$0x1] =	stream.indirect.gather [hbm4b:s5+s21], $0x80, s11, s21, $0xb8;
	v63 =	vld [tilespmem:$0x0]  }
0x2c6: {  	_ =	swait.ge [sflag:s31], $0x3200  }
0x2c7: {  	[sflag:s31] =	ssyncset.done $0x0  }
0x2c8: {  	s7 =	simm.s32 $0x1880;
	[sflag:s31] =	ssyncadd.s32 $0xFFFFCE00  }
0x2c9: {  	[spmem:s2] =	stream.indirect.scatter.add.f32 [tilespmem:s24], [sflag:$0x5], $0x80, s7, s21, $0xb8;
	v63 =	vld [tilespmem:$0x0]  }
0x2ca: {  	_ =	swait.ge [sflag:s1], $0x3200  }
0x2cb: {  	[sflag:s1] =	ssyncset.done $0x0  }
0x2cc: {  	s8 =	simm.s32 $0x1200;
	[sflag:s1] =	ssyncadd.s32 $0xFFFFCE00  }
0x2cd: {  	[tilespmem:s24], [sflag:$0x2] =	stream.indirect.gather [hbm4b:s5+s21], $0x80, s8, s21, $0xb8;
	v63 =	vld [tilespmem:$0x0]  }
0x2ce: {  	_ =	swait.ge [sflag:s4], $0x3200  }
0x2cf: {  	[sflag:s4] =	ssyncset.done $0x0  }
0x2d0: {  	s11 =	simm.s32 $0x1900;
	[sflag:s4] =	ssyncadd.s32 $0xFFFFCE00  }
0x2d1: {  	[spmem:s2] =	stream.indirect.scatter.add.f32 [tilespmem:s26], [sflag:$0x6], $0x80, s11, s21, $0xb8;
	v63 =	vld [tilespmem:$0x0]  }
0x2d2: {  	_ =	swait.ge [sflag:s9], $0x3200  }
0x2d3: {  	[sflag:s9] =	ssyncset.done $0x0  }
0x2d4: {  	s7 =	simm.s32 $0x1280;
	[sflag:s9] =	ssyncadd.s32 $0xFFFFCE00  }
0x2d5: {  	[tilespmem:s26], [sflag:$0x3] =	stream.indirect.gather [hbm4b:s5+s21], $0x80, s7, s21, $0xb8;
	v63 =	vld [tilespmem:$0x0]  }
0x2d6: {  	_ =	swait.ge [sflag:s28], $0x3200  }
0x2d7: {  	[sflag:s28] =	ssyncset.done $0x0  }
0x2d8: {  	s8 =	simm.s32 $0x1980;
	[sflag:s28] =	ssyncadd.s32 $0xFFFFCE00  }
0x2d9: {  	[spmem:s2] =	stream.indirect.scatter.add.f32 [tilespmem:s22], [sflag:$0x4], $0x80, s8, s21, $0xb8;
	v63 =	vld [tilespmem:$0x0]  }
0x2da: {  	_ =	swait.ge [sflag:s29], $0x3200  }
0x2db: {  	[sflag:s29] =	ssyncset.done $0x0  }
0x2dc: {  	s11 =	simm.s32 $0x1300;
	[sflag:s29] =	ssyncadd.s32 $0xFFFFCE00  }
0x2dd: {  	[tilespmem:s22], [sflag:$0x1] =	stream.indirect.gather [hbm4b:s5+s21], $0x80, s11, s21, $0xb8;
	v63 =	vld [tilespmem:$0x0]  }
0x2de: {  	_ =	swait.ge [sflag:s31], $0x3200  }
0x2df: {  	[sflag:s31] =	ssyncset.done $0x0  }
0x2e0: {  	s7 =	simm.s32 $0x1A00;
	[sflag:s31] =	ssyncadd.s32 $0xFFFFCE00  }
0x2e1: {  	[spmem:s2] =	stream.indirect.scatter.add.f32 [tilespmem:s24], [sflag:$0x5], $0x80, s7, s21, $0xb8;
	v63 =	vld [tilespmem:$0x0]  }
0x2e2: {  	_ =	swait.ge [sflag:s1], $0x3200  }
0x2e3: {  	[sflag:s1] =	ssyncset.done $0x0  }
0x2e4: {  	s8 =	simm.s32 $0x1380;
	[sflag:s1] =	ssyncadd.s32 $0xFFFFCE00  }
0x2e5: {  	[tilespmem:s24], [sflag:$0x2] =	stream.indirect.gather [hbm4b:s5+s21], $0x80, s8, s21, $0xb8;
	v63 =	vld [tilespmem:$0x0]  }
0x2e6: {  	_ =	swait.ge [sflag:s4], $0x3200  }
0x2e7: {  	[sflag:s4] =	ssyncset.done $0x0  }
0x2e8: {  	s11 =	simm.s32 $0x1A80;
	[sflag:s4] =	ssyncadd.s32 $0xFFFFCE00  }
0x2e9: {  	[spmem:s2] =	stream.indirect.scatter.add.f32 [tilespmem:s26], [sflag:$0x6], $0x80, s11, s21, $0xb8;
	v63 =	vld [tilespmem:$0x0]  }
0x2ea: {  	_ =	swait.ge [sflag:s9], $0x3200  }
0x2eb: {  	[sflag:s9] =	ssyncset.done $0x0  }
0x2ec: {  	s7 =	simm.s32 $0x1400;
	[sflag:s9] =	ssyncadd.s32 $0xFFFFCE00  }
0x2ed: {  	[tilespmem:s26], [sflag:$0x3] =	stream.indirect.gather [hbm4b:s5+s21], $0x80, s7, s21, $0xb8;
	v63 =	vld [tilespmem:$0x0]  }
0x2ee: {  	_ =	swait.ge [sflag:s28], $0x3200  }
0x2ef: {  	[sflag:s28] =	ssyncset.done $0x0  }
0x2f0: {  	s8 =	simm.s32 $0x1B00;
	[sflag:s28] =	ssyncadd.s32 $0xFFFFCE00  }
0x2f1: {  	[spmem:s2] =	stream.indirect.scatter.add.f32 [tilespmem:s22], [sflag:$0x4], $0x80, s8, s21, $0xb8;
	v63 =	vld [tilespmem:$0x0]  }
0x2f2: {  	_ =	swait.ge [sflag:s29], $0x3200  }
0x2f3: {  	[sflag:s29] =	ssyncset.done $0x0  }
0x2f4: {  	s11 =	simm.s32 $0x1480;
	[sflag:s29] =	ssyncadd.s32 $0xFFFFCE00  }
0x2f5: {  	[tilespmem:s22], [sflag:$0x1] =	stream.indirect.gather [hbm4b:s5+s21], $0x80, s11, s21, $0xb8;
	v63 =	vld [tilespmem:$0x0]  }
0x2f6: {  	_ =	swait.ge [sflag:s31], $0x3200  }
0x2f7: {  	[sflag:s31] =	ssyncset.done $0x0  }
0x2f8: {  	s7 =	simm.s32 $0x1B80;
	[sflag:s31] =	ssyncadd.s32 $0xFFFFCE00  }
0x2f9: {  	[spmem:s2] =	stream.indirect.scatter.add.f32 [tilespmem:s24], [sflag:$0x5], $0x80, s7, s21, $0xb8;
	v63 =	vld [tilespmem:$0x0]  }
0x2fa: {  	_ =	swait.ge [sflag:s4], $0x3200  }
0x2fb: {  	[sflag:s4] =	ssyncset.done $0x0  }
0x2fc: {  	s8 =	simm.s32 $0x1C00;
	[sflag:s4] =	ssyncadd.s32 $0xFFFFCE00  }
0x2fd: {  	[spmem:s2] =	stream.indirect.scatter.add.f32 [tilespmem:s26], [sflag:$0x6], $0x80, s8, s21, $0xb8;
	v63 =	vld [tilespmem:$0x0]  }
0x2fe: {  	_ =	swait.ge [sflag:s28], $0x3200  }
0x2ff: {  	[sflag:s28] =	ssyncset.done $0x0  }
0x300: {  	s11 =	simm.s32 $0x1C80;
	[sflag:s28] =	ssyncadd.s32 $0xFFFFCE00  }
0x301: {  	[spmem:s2] =	stream.indirect.scatter.add.f32 [tilespmem:s22], [sflag:$0x4], $0x80, s11, s21, $0xb8;
	v63 =	vld [tilespmem:$0x0]  }
0x302: {  	_ =	swait.ge [sflag:s29], $0x3200  }
0x303: {  	[sflag:s29] =	ssyncset.done $0x0  }
0x304: {  	[sflag:s29] =	ssyncadd.s32 $0xFFFFCE00  }
0x305: {  	_ =	swait.ge [sflag:s1], $0x3200  }
0x306: {  	[sflag:s1] =	ssyncset.done $0x0  }
0x307: {  	[sflag:s1] =	ssyncadd.s32 $0xFFFFCE00  }
0x308: {  	_ =	swait.ge [sflag:s9], $0x3200  }
0x309: {  	s0 =	simm.s32 $0x200;
	[sflag:s9] =	ssyncset.done $0x0  }
.LBB2_5:
0x30a: {  	[sflag:s9] =	ssyncadd.s32 $0xFFFFCE00;
	s7 =	smov.u32 s0;
	s0 =	sadd.s32 $0x200, s0  }
0x30b: {  	_ =	swait.ge [sflag:s18], $0x500;
	p1 =	seq.s32 s0, $0xA00  }
0x30c: {  	[sflag:s18] =	ssyncset.done $0x0  }
0x30d: {  	[sflag:s18] =	ssyncadd.s32 $0xFFFFFB00  }
0x30e: {  	_ =	swait.ge [sflag:s18], $0x500  }
0x30f: {  	s8 =	sadd.s32 s7, s14;
	[sflag:s18] =	ssyncset.done $0x0  }
0x310: {  	s11 =	sadd.s32 s7, s13;
	s8 =	sadd.s32 $0x100, s8;
	[sflag:s18] =	ssyncadd.s32 $0xFFFFFB00  }
0x311: {  	[tilespmem:s19], [sflag:$0x8] =	stream.linear.gather [hbm4b:s8+s3], $0x500, $0x38;
	v63 =	vld [tilespmem:$0x0]  }
0x312: {  	s8 =	sadd.s32 $0x100, s11  }
0x313: {  	[tilespmem:s20], [sflag:$0x8] =	stream.linear.gather [hbm4b:s8+s3], $0x500, $0x38;
	v63 =	vld [tilespmem:$0x0]  }
0x314: {  	_ = 	snop  }
0x315: {  	[tilespmem:s22], [sflag:$0x1] =	stream.indirect.gather [hbm4b:s5+s21], $0x80, s3, s21, $0xb8;
	v63 =	vld [tilespmem:$0x0]  }
0x316: {  	s8 =	simm.s32 $0x80  }
0x317: {  	[tilespmem:s24], [sflag:$0x2] =	stream.indirect.gather [hbm4b:s5+s21], $0x80, s8, s21, $0xb8;
	v63 =	vld [tilespmem:$0x0]  }
0x318: {  	s8 =	simm.s32 $0x100  }
0x319: {  	[tilespmem:s26], [sflag:$0x3] =	stream.indirect.gather [hbm4b:s5+s21], $0x80, s8, s21, $0xb8;
	v63 =	vld [tilespmem:$0x0]  }
0x31a: {  	_ =	swait.ge [sflag:s28], $0x3200  }
0x31b: {  	[sflag:s28] =	ssyncset.done $0x0  }
0x31c: {  	s8 =	simm.s32 $0x800;
	[sflag:s28] =	ssyncadd.s32 $0xFFFFCE00  }
0x31d: {  	[spmem:s2] =	stream.indirect.scatter.add.f32 [tilespmem:s22], [sflag:$0x4], $0x80, s8, s21, $0xb8;
	v63 =	vld [tilespmem:$0x0]  }
0x31e: {  	_ =	swait.ge [sflag:s29], $0x3200  }
0x31f: {  	[sflag:s29] =	ssyncset.done $0x0  }
0x320: {  	s8 =	simm.s32 $0x180;
	[sflag:s29] =	ssyncadd.s32 $0xFFFFCE00  }
0x321: {  	[tilespmem:s22], [sflag:$0x1] =	stream.indirect.gather [hbm4b:s5+s21], $0x80, s8, s21, $0xb8;
	v63 =	vld [tilespmem:$0x0]  }
0x322: {  	_ =	swait.ge [sflag:s31], $0x3200  }
0x323: {  	[sflag:s31] =	ssyncset.done $0x0  }
0x324: {  	s8 =	simm.s32 $0x880;
	[sflag:s31] =	ssyncadd.s32 $0xFFFFCE00  }
0x325: {  	[spmem:s2] =	stream.indirect.scatter.add.f32 [tilespmem:s24], [sflag:$0x5], $0x80, s8, s21, $0xb8;
	v63 =	vld [tilespmem:$0x0]  }
0x326: {  	_ =	swait.ge [sflag:s1], $0x3200  }
0x327: {  	[sflag:s1] =	ssyncset.done $0x0  }
0x328: {  	s8 =	simm.s32 $0x200;
	[sflag:s1] =	ssyncadd.s32 $0xFFFFCE00  }
0x329: {  	[tilespmem:s24], [sflag:$0x2] =	stream.indirect.gather [hbm4b:s5+s21], $0x80, s8, s21, $0xb8;
	v63 =	vld [tilespmem:$0x0]  }
0x32a: {  	_ =	swait.ge [sflag:s4], $0x3200  }
0x32b: {  	[sflag:s4] =	ssyncset.done $0x0  }
0x32c: {  	s8 =	simm.s32 $0x900;
	[sflag:s4] =	ssyncadd.s32 $0xFFFFCE00  }
0x32d: {  	[spmem:s2] =	stream.indirect.scatter.add.f32 [tilespmem:s26], [sflag:$0x6], $0x80, s8, s21, $0xb8;
	v63 =	vld [tilespmem:$0x0]  }
0x32e: {  	_ =	swait.ge [sflag:s9], $0x3200  }
0x32f: {  	[sflag:s9] =	ssyncset.done $0x0  }
0x330: {  	s8 =	simm.s32 $0x280;
	[sflag:s9] =	ssyncadd.s32 $0xFFFFCE00  }
0x331: {  	[tilespmem:s26], [sflag:$0x3] =	stream.indirect.gather [hbm4b:s5+s21], $0x80, s8, s21, $0xb8;
	v63 =	vld [tilespmem:$0x0]  }
0x332: {  	_ =	swait.ge [sflag:s28], $0x3200  }
0x333: {  	[sflag:s28] =	ssyncset.done $0x0  }
0x334: {  	s8 =	simm.s32 $0x980;
	[sflag:s28] =	ssyncadd.s32 $0xFFFFCE00  }
0x335: {  	[spmem:s2] =	stream.indirect.scatter.add.f32 [tilespmem:s22], [sflag:$0x4], $0x80, s8, s21, $0xb8;
	v63 =	vld [tilespmem:$0x0]  }
0x336: {  	_ =	swait.ge [sflag:s29], $0x3200  }
0x337: {  	[sflag:s29] =	ssyncset.done $0x0  }
0x338: {  	s8 =	simm.s32 $0x300;
	[sflag:s29] =	ssyncadd.s32 $0xFFFFCE00  }
0x339: {  	[tilespmem:s22], [sflag:$0x1] =	stream.indirect.gather [hbm4b:s5+s21], $0x80, s8, s21, $0xb8;
	v63 =	vld [tilespmem:$0x0]  }
0x33a: {  	_ =	swait.ge [sflag:s31], $0x3200  }
0x33b: {  	[sflag:s31] =	ssyncset.done $0x0  }
0x33c: {  	s8 =	simm.s32 $0xA00;
	[sflag:s31] =	ssyncadd.s32 $0xFFFFCE00  }
0x33d: {  	[spmem:s2] =	stream.indirect.scatter.add.f32 [tilespmem:s24], [sflag:$0x5], $0x80, s8, s21, $0xb8;
	v63 =	vld [tilespmem:$0x0]  }
0x33e: {  	_ =	swait.ge [sflag:s1], $0x3200  }
0x33f: {  	[sflag:s1] =	ssyncset.done $0x0  }
0x340: {  	s8 =	simm.s32 $0x380;
	[sflag:s1] =	ssyncadd.s32 $0xFFFFCE00  }
0x341: {  	[tilespmem:s24], [sflag:$0x2] =	stream.indirect.gather [hbm4b:s5+s21], $0x80, s8, s21, $0xb8;
	v63 =	vld [tilespmem:$0x0]  }
0x342: {  	_ =	swait.ge [sflag:s4], $0x3200  }
0x343: {  	[sflag:s4] =	ssyncset.done $0x0  }
0x344: {  	s8 =	simm.s32 $0xA80;
	[sflag:s4] =	ssyncadd.s32 $0xFFFFCE00  }
0x345: {  	[spmem:s2] =	stream.indirect.scatter.add.f32 [tilespmem:s26], [sflag:$0x6], $0x80, s8, s21, $0xb8;
	v63 =	vld [tilespmem:$0x0]  }
0x346: {  	_ =	swait.ge [sflag:s9], $0x3200  }
0x347: {  	[sflag:s9] =	ssyncset.done $0x0  }
0x348: {  	s8 =	simm.s32 $0x400;
	[sflag:s9] =	ssyncadd.s32 $0xFFFFCE00  }
0x349: {  	[tilespmem:s26], [sflag:$0x3] =	stream.indirect.gather [hbm4b:s5+s21], $0x80, s8, s21, $0xb8;
	v63 =	vld [tilespmem:$0x0]  }
0x34a: {  	_ =	swait.ge [sflag:s28], $0x3200  }
0x34b: {  	[sflag:s28] =	ssyncset.done $0x0  }
0x34c: {  	s8 =	simm.s32 $0xB00;
	[sflag:s28] =	ssyncadd.s32 $0xFFFFCE00  }
0x34d: {  	[spmem:s2] =	stream.indirect.scatter.add.f32 [tilespmem:s22], [sflag:$0x4], $0x80, s8, s21, $0xb8;
	v63 =	vld [tilespmem:$0x0]  }
0x34e: {  	_ =	swait.ge [sflag:s29], $0x3200  }
0x34f: {  	[sflag:s29] =	ssyncset.done $0x0  }
0x350: {  	[sflag:s29] =	ssyncadd.s32 $0xFFFFCE00  }
0x351: {  	[tilespmem:s22], [sflag:$0x1] =	stream.indirect.gather [hbm4b:s5+s21], $0x80, s30, s21, $0xb8;
	v63 =	vld [tilespmem:$0x0]  }
0x352: {  	_ =	swait.ge [sflag:s31], $0x3200  }
0x353: {  	[sflag:s31] =	ssyncset.done $0x0  }
0x354: {  	[sflag:s31] =	ssyncadd.s32 $0xFFFFCE00  }
0x355: {  	[spmem:s2] =	stream.indirect.scatter.add.f32 [tilespmem:s24], [sflag:$0x5], $0x80, s15, s21, $0xb8;
	v63 =	vld [tilespmem:$0x0]  }
0x356: {  	_ =	swait.ge [sflag:s4], $0x3200  }
0x357: {  	[sflag:s4] =	ssyncset.done $0x0  }
0x358: {  	[sflag:s4] =	ssyncadd.s32 $0xFFFFCE00  }
0x359: {  	[spmem:s2] =	stream.indirect.scatter.add.f32 [tilespmem:s26], [sflag:$0x6], $0x80, s25, s21, $0xb8;
	v63 =	vld [tilespmem:$0x0]  }
0x35a: {  	_ =	swait.ge [sflag:s28], $0x3200  }
0x35b: {  	[sflag:s28] =	ssyncset.done $0x0  }
0x35c: {  	[sflag:s28] =	ssyncadd.s32 $0xFFFFCE00  }
0x35d: {  	[spmem:s2] =	stream.indirect.scatter.add.f32 [tilespmem:s22], [sflag:$0x4], $0x80, s12, s21, $0xb8;
	v63 =	vld [tilespmem:$0x0]  }
0x35e: {  	_ =	swait.ge [sflag:s29], $0x3200  }
0x35f: {  	[sflag:s29] =	ssyncset.done $0x0  }
0x360: {  	[sflag:s29] =	ssyncadd.s32 $0xFFFFCE00  }
0x361: {  	_ =	swait.ge [sflag:s1], $0x3200  }
0x362: {  	[sflag:s1] =	ssyncset.done $0x0  }
0x363: {  	[sflag:s1] =	ssyncadd.s32 $0xFFFFCE00  }
0x364: {  	p2 =	seq.s32 s7, $0x800;
	_ =	swait.ge [sflag:s9], $0x3200  }
0x365: {  	s8 =	sadd.s32 @!p2 s7, s14;
	s7 =	sadd.s32 @!p2 s7, s13;
	[sflag:s9] =	ssyncset.done $0x0  }
0x366: {  	s11 =	simm.s32 @!p2 $0x0;
	s8 =	sadd.s32 @!p2 $0x200, s8;
	[sflag:s9] =	ssyncadd.s32 $0xFFFFCE00  }
0x367: {  	[tilespmem:s11], [sflag:$0x7] =	stream.linear.gather @!p2 [hbm4b:s8+s11], $0x500, $0x38;
	v63 =	vld [tilespmem:$0x0]  }
0x368: {  	s7 =	sadd.s32 @!p2 $0x200, s7;
	s8 =	simm.s32 @!p2 $0x800  }
0x369: {  	[tilespmem:s8], [sflag:$0x7] =	stream.linear.gather @!p2 [hbm4b:s7+s11], $0x500, $0x38;
	v63 =	vld [tilespmem:$0x0]  }
0x36a: {  	s11 =	simm.s32 $0x1180;
	s8 =	simm.s32 $0x1100;
	s7 =	simm.s32 $0x1080  }
0x36b: {  	_ =	swait.ge [sflag:s23], $0x500  }
0x36c: {  	[sflag:s23] =	ssyncset.done $0x0  }
0x36d: {  	[sflag:s23] =	ssyncadd.s32 $0xFFFFFB00  }
0x36e: {  	_ =	swait.ge [sflag:s23], $0x500  }
0x36f: {  	[sflag:s23] =	ssyncset.done $0x0  }
0x370: {  	[sflag:s23] =	ssyncadd.s32 $0xFFFFFB00  }
0x371: {  	[tilespmem:s22], [sflag:$0x1] =	stream.indirect.gather [hbm4b:s5+s21], $0x80, s19, s21, $0xb8;
	v63 =	vld [tilespmem:$0x0]  }
0x372: {  	_ = 	snop  }
0x373: {  	[tilespmem:s24], [sflag:$0x2] =	stream.indirect.gather [hbm4b:s5+s21], $0x80, s7, s21, $0xb8;
	v63 =	vld [tilespmem:$0x0]  }
0x374: {  	_ = 	snop  }
0x375: {  	[tilespmem:s26], [sflag:$0x3] =	stream.indirect.gather [hbm4b:s5+s21], $0x80, s8, s21, $0xb8;
	v63 =	vld [tilespmem:$0x0]  }
0x376: {  	_ =	swait.ge [sflag:s28], $0x3200  }
0x377: {  	[sflag:s28] =	ssyncset.done $0x0  }
0x378: {  	[sflag:s28] =	ssyncadd.s32 $0xFFFFCE00  }
0x379: {  	[spmem:s2] =	stream.indirect.scatter.add.f32 [tilespmem:s22], [sflag:$0x4], $0x80, s20, s21, $0xb8;
	v63 =	vld [tilespmem:$0x0]  }
0x37a: {  	_ =	swait.ge [sflag:s29], $0x3200  }
0x37b: {  	[sflag:s29] =	ssyncset.done $0x0  }
0x37c: {  	[sflag:s29] =	ssyncadd.s32 $0xFFFFCE00  }
0x37d: {  	[tilespmem:s22], [sflag:$0x1] =	stream.indirect.gather [hbm4b:s5+s21], $0x80, s11, s21, $0xb8;
	v63 =	vld [tilespmem:$0x0]  }
0x37e: {  	s7 =	simm.s32 $0x1880;
	s8 =	simm.s32 $0x1200;
	s11 =	simm.s32 $0x1900  }
0x37f: {  	_ =	swait.ge [sflag:s31], $0x3200  }
0x380: {  	[sflag:s31] =	ssyncset.done $0x0  }
0x381: {  	[sflag:s31] =	ssyncadd.s32 $0xFFFFCE00  }
0x382: {  	[spmem:s2] =	stream.indirect.scatter.add.f32 [tilespmem:s24], [sflag:$0x5], $0x80, s7, s21, $0xb8;
	v63 =	vld [tilespmem:$0x0]  }
0x383: {  	_ =	swait.ge [sflag:s1], $0x3200  }
0x384: {  	[sflag:s1] =	ssyncset.done $0x0  }
0x385: {  	[sflag:s1] =	ssyncadd.s32 $0xFFFFCE00  }
0x386: {  	[tilespmem:s24], [sflag:$0x2] =	stream.indirect.gather [hbm4b:s5+s21], $0x80, s8, s21, $0xb8;
	v63 =	vld [tilespmem:$0x0]  }
0x387: {  	_ =	swait.ge [sflag:s4], $0x3200  }
0x388: {  	[sflag:s4] =	ssyncset.done $0x0  }
0x389: {  	[sflag:s4] =	ssyncadd.s32 $0xFFFFCE00  }
0x38a: {  	[spmem:s2] =	stream.indirect.scatter.add.f32 [tilespmem:s26], [sflag:$0x6], $0x80, s11, s21, $0xb8;
	v63 =	vld [tilespmem:$0x0]  }
0x38b: {  	s7 =	simm.s32 $0x1280;
	s8 =	simm.s32 $0x1980;
	s11 =	simm.s32 $0x1300  }
0x38c: {  	_ =	swait.ge [sflag:s9], $0x3200  }
0x38d: {  	[sflag:s9] =	ssyncset.done $0x0  }
0x38e: {  	[sflag:s9] =	ssyncadd.s32 $0xFFFFCE00  }
0x38f: {  	[tilespmem:s26], [sflag:$0x3] =	stream.indirect.gather [hbm4b:s5+s21], $0x80, s7, s21, $0xb8;
	v63 =	vld [tilespmem:$0x0]  }
0x390: {  	_ =	swait.ge [sflag:s28], $0x3200  }
0x391: {  	[sflag:s28] =	ssyncset.done $0x0  }
0x392: {  	[sflag:s28] =	ssyncadd.s32 $0xFFFFCE00  }
0x393: {  	[spmem:s2] =	stream.indirect.scatter.add.f32 [tilespmem:s22], [sflag:$0x4], $0x80, s8, s21, $0xb8;
	v63 =	vld [tilespmem:$0x0]  }
0x394: {  	_ =	swait.ge [sflag:s29], $0x3200  }
0x395: {  	[sflag:s29] =	ssyncset.done $0x0  }
0x396: {  	[sflag:s29] =	ssyncadd.s32 $0xFFFFCE00  }
0x397: {  	[tilespmem:s22], [sflag:$0x1] =	stream.indirect.gather [hbm4b:s5+s21], $0x80, s11, s21, $0xb8;
	v63 =	vld [tilespmem:$0x0]  }
0x398: {  	s7 =	simm.s32 $0x1A00;
	s8 =	simm.s32 $0x1380;
	s11 =	simm.s32 $0x1A80  }
0x399: {  	_ =	swait.ge [sflag:s31], $0x3200  }
0x39a: {  	[sflag:s31] =	ssyncset.done $0x0  }
0x39b: {  	[sflag:s31] =	ssyncadd.s32 $0xFFFFCE00  }
0x39c: {  	[spmem:s2] =	stream.indirect.scatter.add.f32 [tilespmem:s24], [sflag:$0x5], $0x80, s7, s21, $0xb8;
	v63 =	vld [tilespmem:$0x0]  }
0x39d: {  	_ =	swait.ge [sflag:s1], $0x3200  }
0x39e: {  	[sflag:s1] =	ssyncset.done $0x0  }
0x39f: {  	[sflag:s1] =	ssyncadd.s32 $0xFFFFCE00  }
0x3a0: {  	[tilespmem:s24], [sflag:$0x2] =	stream.indirect.gather [hbm4b:s5+s21], $0x80, s8, s21, $0xb8;
	v63 =	vld [tilespmem:$0x0]  }
0x3a1: {  	_ =	swait.ge [sflag:s4], $0x3200  }
0x3a2: {  	[sflag:s4] =	ssyncset.done $0x0  }
0x3a3: {  	[sflag:s4] =	ssyncadd.s32 $0xFFFFCE00  }
0x3a4: {  	[spmem:s2] =	stream.indirect.scatter.add.f32 [tilespmem:s26], [sflag:$0x6], $0x80, s11, s21, $0xb8;
	v63 =	vld [tilespmem:$0x0]  }
0x3a5: {  	s7 =	simm.s32 $0x1400;
	s8 =	simm.s32 $0x1B00;
	s11 =	simm.s32 $0x1480  }
0x3a6: {  	_ =	swait.ge [sflag:s9], $0x3200  }
0x3a7: {  	[sflag:s9] =	ssyncset.done $0x0  }
0x3a8: {  	[sflag:s9] =	ssyncadd.s32 $0xFFFFCE00  }
0x3a9: {  	[tilespmem:s26], [sflag:$0x3] =	stream.indirect.gather [hbm4b:s5+s21], $0x80, s7, s21, $0xb8;
	v63 =	vld [tilespmem:$0x0]  }
0x3aa: {  	_ =	swait.ge [sflag:s28], $0x3200  }
0x3ab: {  	[sflag:s28] =	ssyncset.done $0x0  }
0x3ac: {  	[sflag:s28] =	ssyncadd.s32 $0xFFFFCE00  }
0x3ad: {  	[spmem:s2] =	stream.indirect.scatter.add.f32 [tilespmem:s22], [sflag:$0x4], $0x80, s8, s21, $0xb8;
	v63 =	vld [tilespmem:$0x0]  }
0x3ae: {  	_ =	swait.ge [sflag:s29], $0x3200  }
0x3af: {  	[sflag:s29] =	ssyncset.done $0x0  }
0x3b0: {  	[sflag:s29] =	ssyncadd.s32 $0xFFFFCE00  }
0x3b1: {  	[tilespmem:s22], [sflag:$0x1] =	stream.indirect.gather [hbm4b:s5+s21], $0x80, s11, s21, $0xb8;
	v63 =	vld [tilespmem:$0x0]  }
0x3b2: {  	s7 =	simm.s32 $0x1B80;
	s8 =	simm.s32 $0x1C00;
	s11 =	simm.s32 $0x1C80  }
0x3b3: {  	_ =	swait.ge [sflag:s31], $0x3200  }
0x3b4: {  	[sflag:s31] =	ssyncset.done $0x0  }
0x3b5: {  	[sflag:s31] =	ssyncadd.s32 $0xFFFFCE00  }
0x3b6: {  	[spmem:s2] =	stream.indirect.scatter.add.f32 [tilespmem:s24], [sflag:$0x5], $0x80, s7, s21, $0xb8;
	v63 =	vld [tilespmem:$0x0]  }
0x3b7: {  	_ =	swait.ge [sflag:s4], $0x3200  }
0x3b8: {  	[sflag:s4] =	ssyncset.done $0x0  }
0x3b9: {  	[sflag:s4] =	ssyncadd.s32 $0xFFFFCE00  }
0x3ba: {  	[spmem:s2] =	stream.indirect.scatter.add.f32 [tilespmem:s26], [sflag:$0x6], $0x80, s8, s21, $0xb8;
	v63 =	vld [tilespmem:$0x0]  }
0x3bb: {  	_ =	swait.ge [sflag:s28], $0x3200  }
0x3bc: {  	[sflag:s28] =	ssyncset.done $0x0  }
0x3bd: {  	[sflag:s28] =	ssyncadd.s32 $0xFFFFCE00  }
0x3be: {  	[spmem:s2] =	stream.indirect.scatter.add.f32 [tilespmem:s22], [sflag:$0x4], $0x80, s11, s21, $0xb8;
	v63 =	vld [tilespmem:$0x0]  }
0x3bf: {  	_ =	swait.ge [sflag:s29], $0x3200  }
0x3c0: {  	[sflag:s29] =	ssyncset.done $0x0  }
0x3c1: {  	[sflag:s29] =	ssyncadd.s32 $0xFFFFCE00  }
.Ltmp6:
0x3c2: {  	_ =	swait.ge [sflag:s1], $0x3200;
	(pc) =	sbr.rel @!p1 .LBB2_5-.Ltmp6, $4  }
0x3c3: {  	[sflag:s1] =	ssyncset.done $0x0  }
0x3c4: {  	[sflag:s1] =	ssyncadd.s32 $0xFFFFCE00  }
0x3c5: {  	_ =	swait.ge [sflag:s9], $0x3200  }
0x3c6: {  	[sflag:s9] =	ssyncset.done $0x0  }
.Ltmp7:
0x3c7: {  	_ = 	snop;
	(pc) =	sbr.rel .LBB2_6-.Ltmp7, $1  }
0x3c8: {  	_ =	sdelay $0x3  }
.LBB2_11:
0x3c9: {  	_ =	sfence.sel $0x180000  }
0x3ca: {  	[bflag:$0x0] =	sbarrier.arrive $0xFFFF  }
0x3cb: {  	_ =	strace $0x9000004A  }
0x3cc: {  	s0 =	stileid.u32;
	[bflag:$0x2] =	sbarrier.arrive $0xFFFF  }
0x3cd: {  	p0 =	sne.s32 s0, $0x0;
	s0 =	rddreg [dreg:$0x3]  }
0x3ce: {  	s0 =	sadd.s32 @!p0 $0x100000, s0  }
0x3cf: {  	[sflag:s0] =	ssyncadd.tile.s32 @!p0 $0x1;
	_ =	shalt  }
.Lfunc_end2:
_tile_overlayer_lowered:
.L_overlay_start_2:
0x3d0: {  	(tag) =	ssettag $0x2  }
0x3d1: {  	s0 =	rddreg [dreg:$0x0];
	s2 =	stileid.u32  }
0x3d2: {  	s1 =	rddreg [dreg:$0x1];
	p0 =	sne.s32 s2, $0x0  }
0x3d3: {  	s3 =	rddreg [dreg:$0x2];
	[bflag:$0x3] =	sbarrier.arrive $0xFFFF;
	s2 =	simm.s32 @!p0 $0x1C0A  }
0x3d4: {  	[timem:s3], [sflag:s2] =	dma.local @!p0 [hbm:s0], s1  }
0x3d5: {  	s0 =	simm.s32 @!p0 $0xA  }
0x3d6: {  	_ =	swait.ge @!p0 [sflag:s0], s1  }
0x3d7: {  	s1 =	ssub.s32 @!p0 $0x0, s1;
	[sflag:s0] =	ssyncset.done @!p0 $0x0  }
0x3d8: {  	[sflag:s0] =	ssyncadd.s32 @!p0 s1  }
0x3d9: {  	[bflag:$0x3] =	sbarrier.arrive $0xFFFF  }
0x3da: {  	_ =	shalt  }

// kernel: kernel.3.cloned.1.call-start
scs
__scs_entry_jumppad:
0x0: {  	(pc) =	sbr.rel $0x88, $3  }
0x1: {  	(tag) =	ssettag $0x0;
	lr =	simm.s32 $0x1  }
0x2: {  	[smem:$0x3F9D] =	sst lr;
	_ =	strace $0xD0000000  }
0x3: {  	_ = 	snop  }
0x4: {  	_ = 	snop  }
0x5: {  	_ = 	snop  }
0x6: {  	_ = 	snop  }
0x7: {  	_ = 	snop  }
__scs_overlays_trampoline_lowered:
0x8: {  	[smem:$0x3FAC] =	sst s0  }
0x9: {  	[smem:$0x3FAD] =	sst s1  }
0xa: {  	[smem:$0x3FAE] =	sst s2  }
0xb: {  	[smem:$0x3FAF] =	sst s3  }
0xc: {  	[smem:$0x3FB0] =	sst s4  }
0xd: {  	[smem:$0x3FB1] =	sst s5  }
0xe: {  	[smem:$0x3FB2] =	sst s6  }
0xf: {  	[smem:$0x3FB3] =	sst s7  }
0x10: {  	[smem:$0x3FB4] =	sst s8  }
0x11: {  	[smem:$0x3FB5] =	sst s9;
	s0 =	simm.s32 @!p0 $0x0  }
0x12: {  	s1 =	sld [smem:$0x3F9B];
	s0 =	simm.s32 @p0 $0x1  }
0x13: {  	[smem:$0x3FB6] =	sst s0;
	s0 =	simm.s32 @!p1 $0x0  }
0x14: {  	s2 =	sld [smem:$0x3F9A];
	s0 =	simm.s32 @p1 $0x1  }
0x15: {  	[smem:$0x3FB7] =	sst s0;
	s0 =	simm.s32 @!p2 $0x0  }
0x16: {  	s3 =	sld [smem:$0x3FDB];
	s0 =	simm.s32 @p2 $0x1  }
0x17: {  	s4 =	simm.s32 $0x1BF5;
	[smem:$0x3FB9] =	sst s0  }
0x18: {  	s0 =	sld [smem:$0x3F9C];
	_ =	swait.ge [sflag:s4], $0x0  }
0x19: {  	s7 =	sld [smem:$0x3F9D]  }
0x1a: {  	s8 =	sadd.s32 $0xFFFFE003, lr  }
0x1b: {  	s9 =	sadd.s32 $0xFFFFFEF7, lr;
	s5 =	simm.s32 $0xFFFFFFFF;
	p2 =	slt.u32 s8, $0xFFFFF086  }
0x1c: {  	p1 =	slt.u32 s9, $0xF7A;
	s5 =	simm.s32 @!p2 $0x0  }
0x1d: {  	s5 =	simm.s32 @p1 $0x1;
	p0 =	seq.s32 s7, s2  }
0x1e: {  	s7 =	smul.u32 @!p0 $0xF7A, s2;
	p2 =	seq.s32 @!p0 s5, $0x0  }
0x1f: {  	s9 =	smul.u32 $0xF7A, s1;
	s8 =	simm.s32 @!p0 $0x1BF5;
	p2 =	por !p2, p0  }
0x20: {  	[sflag:s8] =	ssyncset.s32 @!p0 $0xFFFFF086;
	s6 =	sadd.s32 @!p0 s3, s7;
	s7 =	simm.s32 @!p0 $0x108  }
0x21: {  	s3 =	sadd.s32 s3, s9;
	s6 =	sadd.s32 @!p0 $0x88, s6;
	s7 =	simm.s32 @p2 $0x1082  }
0x22: {  	[simem:s7], [sflag:s8] =	dma.local @!p0 [hbm:s6], $0xF7A  }
0x23: {  	s9 =	sor.u32 $0xD0000000, s2;
	s6 =	simm.s32 $0x108;
	_ =	swait.ge @!p0 [sflag:s8], $0x0  }
0x24: {  	s3 =	sadd.s32 $0x88, s3;
	s6 =	simm.s32 @!p1 $0x1082;
	[sflag:s4] =	ssyncset.s32 $0xFFFFF086  }
0x25: {  	[simem:s6], [sflag:s4] =	dma.local [hbm:s3], $0xF7A  }
0x26: {  	[smem:$0x3F9D] =	sst s1;
	(tag) =	ssettag s2;
	_ =	strace s9  }
0x27: {  	s1 =	sld [smem:$0x3FAD]  }
0x28: {  	s2 =	sld [smem:$0x3FAE]  }
0x29: {  	s4 =	sld [smem:$0x3FB0]  }
0x2a: {  	p0 =	seq.s32 s5, $0x0;
	s5 =	sld [smem:$0x3FB1]  }
0x2b: {  	s6 =	sld [smem:$0x3FB2]  }
0x2c: {  	s7 =	sld [smem:$0x3FB3]  }
0x2d: {  	s3 =	simm.s32 $0x108;
	s8 =	sld [smem:$0x3FB4]  }
0x2e: {  	s3 =	simm.s32 @!p0 $0x1082;
	s9 =	sld [smem:$0x3FB5]  }
0x2f: {  	lr =	sadd.s32 s0, s3;
	s0 =	sld [smem:$0x3FAC]  }
0x30: {  	s3 =	sld [smem:$0x3FAF]  }
0x31: {  	[smem:$0x3FB8] =	sst s10  }
0x32: {  	s10 =	sld [smem:$0x3FB6];
	_ =	sdelay $0x3  }
0x33: {  	p0 =	seq.s32 s10, $0x1;
	s10 =	sld [smem:$0x3FB8];
	_ =	sdelay $0x3  }
0x34: {  	[smem:$0x3FB8] =	sst s10  }
0x35: {  	s10 =	sld [smem:$0x3FB7];
	_ =	sdelay $0x3  }
0x36: {  	p1 =	seq.s32 s10, $0x1;
	s10 =	sld [smem:$0x3FB8];
	_ =	sdelay $0x3  }
0x37: {  	[smem:$0x3FB8] =	sst s10  }
0x38: {  	s10 =	sld [smem:$0x3FB9]  }
0x39: {  	_ = 	snop;
	(pc) =	sbr.ind lr, $3  }
0x3a: {  	_ = 	snop  }
0x3b: {  	_ = 	snop  }
0x3c: {  	p2 =	seq.s32 s10, $0x1;
	s10 =	sld [smem:$0x3FB8]  }
0x3d: {  	_ =	shalt  }
0x3e: {  	_ =	shalt  }
0x3f: {  	_ =	shalt  }
0x40: {  	_ =	shalt  }
0x41: {  	_ =	shalt  }
0x42: {  	_ =	shalt  }
0x43: {  	_ =	shalt  }
0x44: {  	_ =	shalt  }
0x45: {  	_ =	shalt  }
0x46: {  	_ =	shalt  }
0x47: {  	_ =	shalt  }
0x48: {  	_ =	shalt  }
0x49: {  	_ =	shalt  }
0x4a: {  	_ =	shalt  }
0x4b: {  	_ =	shalt  }
0x4c: {  	_ =	shalt  }
0x4d: {  	_ =	shalt  }
0x4e: {  	_ =	shalt  }
0x4f: {  	_ =	shalt  }
0x50: {  	_ =	shalt  }
0x51: {  	_ =	shalt  }
0x52: {  	_ =	shalt  }
0x53: {  	_ =	shalt  }
0x54: {  	_ =	shalt  }
0x55: {  	_ =	shalt  }
0x56: {  	_ =	shalt  }
0x57: {  	_ =	shalt  }
0x58: {  	_ =	shalt  }
0x59: {  	_ =	shalt  }
0x5a: {  	_ =	shalt  }
0x5b: {  	_ =	shalt  }
0x5c: {  	_ =	shalt  }
0x5d: {  	_ =	shalt  }
0x5e: {  	_ =	shalt  }
0x5f: {  	_ =	shalt  }
0x60: {  	_ =	shalt  }
0x61: {  	_ =	shalt  }
0x62: {  	_ =	shalt  }
0x63: {  	_ =	shalt  }
0x64: {  	_ =	shalt  }
0x65: {  	_ =	shalt  }
0x66: {  	_ =	shalt  }
0x67: {  	_ =	shalt  }
0x68: {  	_ =	shalt  }
0x69: {  	_ =	shalt  }
0x6a: {  	_ =	shalt  }
0x6b: {  	_ =	shalt  }
0x6c: {  	_ =	shalt  }
0x6d: {  	_ =	shalt  }
0x6e: {  	_ =	shalt  }
0x6f: {  	_ =	shalt  }
0x70: {  	_ =	shalt  }
0x71: {  	_ =	shalt  }
0x72: {  	_ =	shalt  }
0x73: {  	_ =	shalt  }
0x74: {  	_ =	shalt  }
0x75: {  	_ =	shalt  }
0x76: {  	_ =	shalt  }
0x77: {  	_ =	shalt  }
0x78: {  	_ =	shalt  }
0x79: {  	_ =	shalt  }
0x7a: {  	_ =	shalt  }
0x7b: {  	_ =	shalt  }
0x7c: {  	_ =	shalt  }
0x7d: {  	_ =	shalt  }
0x7e: {  	_ =	shalt  }
0x7f: {  	_ =	shalt  }
0x80: {  	_ =	shalt  }
0x81: {  	_ =	shalt  }
0x82: {  	_ =	shalt  }
0x83: {  	_ =	shalt  }
0x84: {  	_ =	shalt  }
0x85: {  	_ =	shalt  }
0x86: {  	_ =	shalt  }
0x87: {  	_ =	shalt  }
.Lfunc_end0:
.L_simem_size_0:
called_computation.1_lowered:
.L_overlay_start_0:
0x88: {  	s2 =	sld [smem:$0x3FD9]  }
0x89: {  	s3 =	sld [smem:$0x3FFE];
	_ =	sdelay $0x1  }
0x8a: {  	s1 =	srdreg.scid  }
0x8b: {  	s0 =	sand.u32 $0x1, s1  }
0x8c: {  	s17 =	sshll.u32 s0, $0xA;
	s2 =	sadd.s32 s3, s2  }
0x8d: {  	s2 =	sadd.s32 s2, s17  }
0x8e: {  	[smem:$0x3FC4] =	sst s2  }
0x8f: {  	_ = 	snop  }
0x90: {  	s2 =	sld [smem:$0x3FD0];
	(tm) =	ssettm $0x1  }
0x91: {  	s18 =	sld [smem:$0x3FFB];
	_ =	sdelay $0x3  }
0x92: {  	_ =	strace s18  }
0x93: {  	s3 =	sld [smem:$0x3FFC];
	_ =	sdelay $0x3  }
0x94: {  	_ =	strace s3  }
0x95: {  	s3 =	sld [smem:$0x3FFD];
	_ =	sdelay $0x3  }
0x96: {  	_ =	strace s3  }
0x97: {  	_ =	strace $0x8FFFFFFF  }
0x98: {  	s19 =	sld [smem:$0x3FDB];
	_ =	sdelay $0x1  }
0x99: {  	s4 =	simm.s32 $_scs_section_size  }
0x9a: {  	s5 =	simm.s32 $_size__tile_overlayer_lowered;
	s6 =	simm.s32 $_tile_overlayer_lowered  }
0x9b: {  	s22 =	simm.s32 $0x1BFF;
	s21 =	sshll.u32 s6, $0x1;
	s3 =	sadd.s32 s4, s19  }
0x9c: {  	s7 =	simm.s32 $0x0;
	s20 =	sshll.u32 s5, $0x1;
	s5 =	sadd.s32 s21, s3  }
0x9d: {  	[timem:s7], [sflag:s22] =	dma.local [hbm:s5], s20  }
0x9e: {  	_ =	swait.ge [sflag:s22], s20  }
0x9f: {  	s4 =	ssub.s32 $0x0, s20;
	[sflag:s22] =	ssyncset.done $0x0  }
0xa0: {  	[sflag:s22] =	ssyncadd.s32 s4;
	_ =	sdelay $0x1  }
0xa1: {  	s23 =	simm.s32 $0x1B8B  }
0xa2: {  	_ =	swait.ge [sflag:s23], $0x1  }
0xa3: {  	[sflag:s23] =	ssyncset.done $0x0  }
0xa4: {  	s25 =	simm.s32 $0x1B8E;
	s24 =	sld [smem:$0x3FFE];
	[sflag:s23] =	ssyncadd.s32 $0xFFFFFFFF  }
0xa5: {  	s26 =	simm.s32 $execute0_lowered;
	[smem:$0x3FD2] =	sst s25  }
0xa6: {  	s5 =	sshll.u32 s26, $0x1;
	_ =	strace $0x80000046;
	[dreg:$0x1] =	wrdreg $0xFFFFFFFF  }
0xa7: {  	s28 =	simm.s32 $_size_execute0_lowered;
	s3 =	sadd.s32 s3, s5;
	[dreg:$0x0] =	wrdreg $0x0  }
0xa8: {  	s5 =	sshll.u32 s28, $0x1;
	[dreg:$0x2] =	wrdreg s3  }
0xa9: {  	[dreg:$0x3] =	wrdreg s5  }
0xaa: {  	[dreg:$0x4] =	wrdreg $0xC0  }
0xab: {  	_ =	task [dreg:s7], $0x5FFFF  }
0xac: {  	[dreg:$0x1] =	wrdreg $0xFFFFFFFF  }
0xad: {  	[dreg:$0x0] =	wrdreg $0x60  }
0xae: {  	[dreg:$0x2] =	wrdreg s2  }
0xaf: {  	[dreg:$0x3] =	wrdreg s24  }
0xb0: {  	[dreg:$0x4] =	wrdreg $0x6C000  }
0xb1: {  	[dreg:$0x5] =	wrdreg $0x9  }
0xb2: {  	_ =	task.clear_ibuf [dreg:s7], $0x6FFFF;
	_ =	strace $0x90000046  }
0xb3: {  	s29 =	simm.s32 $0x9;
	_ =	strace $0x80000048  }
0xb4: {  	_ =	swait.ge [sflag:s29], $0x1  }
0xb5: {  	[sflag:s29] =	ssyncadd.s32 $0xFFFFFFFF  }
0xb6: {  	_ =	strace $0x90000048  }
0xb7: {  	_ =	sfence  }
0xb8: {  	s30 =	sld [smem:$0x0];
	_ =	sdelay $0x2  }
0xb9: {  	s31 =	sshll.u32 s1, $0xD;
	s1 =	sshrl.u32 s1, $0x2  }
0xba: {  	s3 =	sand.u32 $0x4000, s31;
	s1 =	sadd.s32 s1, s30  }
0xbb: {  	s0 =	sor.u32 s3, s0;
	s1 =	sshll.u32 s1, $0x11  }
0xbc: {  	s0 =	sor.u32 s1, s0  }
0xbd: {  	s0 =	sadd.s32 $0x8F2B, s0  }
0xbe: {  	[sflag:s0] =	ssyncadd.remote.s32 $0x1  }
0xbf: {  	_ =	sfence.sel $0xFFFF  }
0xc0: {  	[dreg:$0x0] =	wrdreg $0xFFFFFFFF;
	(pc) =	sbr.abs _section_cstart, $3  }
0xc1: {  	[dreg:$0x1] =	wrdreg $0xFFFFFFFF  }
0xc2: {  	_ =	task.clear_ibuf [dreg:s7], $0x2FFFF;
	_ =	strace $0x9FFFFFFF  }
0xc3: {  	(tm) =	ssettm $0x7FFFFFFF  }
tec
execute0_lowered:
.L_overlay_start_1:
0x0: {  	(tag) =	ssettag $0x1  }
0x1: {  	s4 =	rddreg [dreg:$0x0]  }
0x2: {  	s7 =	rddreg [dreg:$0x1]  }
0x3: {  	s2 =	rddreg [dreg:$0x2]  }
0x4: {  	s0 =	rddreg [dreg:$0x3]  }
0x5: {  	s5 =	srdreg.scid;
	s3 =	simm.s32 $0x0;
	s1 =	stileid.u32  }
0x6: {  	s10 =	simm.s32 $0x2A400;
	s12 =	simm.s32 $0x64;
	s13 =	simm.s32 $0x3400  }
0x7: {  	s14 =	simm.s32 $0x2;
	s17 =	simm.s32 $0x0;
	s8 =	smul.u32 $0x680, s1  }
0x8: {  	s5 =	sand.u32 $0x1, s5;
	[smem:$0x7FF] =	sst s3;
	s30 =	smul.u32 $0x50000, s1  }
0x9: {  	s31 =	smul.u32 $0x2800, s1;
	s15 =	sshll.u32 s1, $0x6;
	s6 =	ssub.s32 $0x2, s5  }
0xa: {  	_ =	strace $0x80000047;
	p0 =	seq.s32 s5, $0x1;
	s11 =	smul.u32 $0x6400, s5  }
0xb: {  	s15 =	sor.u32 $0x1C03, s15;
	s9 =	sshrl.u32 s6, $0x1;
	s4 =	sadd.s32 s4, s8  }
0xc: {  	s8 =	sshrl.u32 s30, $0x2;
	s10 =	simm.s32 @!p0 $0x2400;
	s6 =	ssub.s32 s6, s9  }
0xd: {  	s5 =	sadd.s32 s8, s2;
	s7 =	sadd.s32 s10, s7;
	s8 =	sshrl.u32 s11, $0x2  }
0xe: {  	s9 =	simm.s32 $0x3;
	s10 =	simm.s32 $0x6800;
	s11 =	simm.s32 $0x1  }
0xf: {  	v0 =	vimm.f32 $1.000000000e+00;
	v1 =	vimm.f32 $0.0e+00;
	s6 =	smax.u32 s6, $0x1;
	s7 =	sadd.s32 s7, s31;
	s16 =	sshrl.u32 s5, $0x3  }
.LBB2_1:
0x10: {  	[tilespmem:s3], [sflag:$0x3] =	stream.linear.gather [hbm4b:s4+s3], $0x3200, $0x38;
	[tilespmem:$0x1AC00] =	vst v63  }
0x11: {  	_ =	swait.ge [sflag:s9], $0x3200  }
0x12: {  	[sflag:s9] =	ssyncset.done $0x0  }
0x13: {  	s18 =	simm.s32 $0x0;
	s19 =	simm.s32 $0x200;
	[sflag:s9] =	ssyncadd.s32 $0xFFFFCE00  }
.LBB2_2:
0x14: {  	p0 =	sne.s32 s19, $0xC600;
	[tilespmem:s18+$0x3470] =	vst v0  }
0x15: {  	[tilespmem:s18+$0x3400] =	vst v0  }
0x16: {  	[tilespmem:s18+$0x3410] =	vst v0  }
.Ltmp0:
0x17: {  	[tilespmem:s18+$0x3420] =	vst v0;
	(pc) =	sbr.rel @p0 .LBB2_2-.Ltmp0, $4  }
0x18: {  	[tilespmem:s18+$0x3430] =	vst v0  }
0x19: {  	[tilespmem:s18+$0x3440] =	vst v0  }
0x1a: {  	[tilespmem:s18+$0x3450] =	vst v0  }
0x1b: {  	[tilespmem:s18+$0x3460] =	vst v0;
	s18 =	sshra.s32 s19, $0x2;
	s19 =	sadd.s32 $0x200, s19  }
0x1c: {  	[tilespmem:s18+$0x3470] =	vst v0  }
0x1d: {  	[tilespmem:s18+$0x3400] =	vst v0  }
0x1e: {  	[tilespmem:s18+$0x3410] =	vst v0  }
0x1f: {  	[tilespmem:s18+$0x3420] =	vst v0  }
0x20: {  	[tilespmem:s18+$0x3430] =	vst v0  }
0x21: {  	[tilespmem:s18+$0x3440] =	vst v0  }
0x22: {  	[tilespmem:s18+$0x3450] =	vst v0  }
0x23: {  	[tilespmem:s18+$0x3460] =	vst v0  }
0x24: {  	[tilespmem:$0x6800] =	vst v1  }
0x25: {  	[tilespmem:$0x6810] =	vst v1  }
0x26: {  	[tilespmem:$0x6820] =	vst v1  }
0x27: {  	[tilespmem:$0x6830] =	vst v1  }
0x28: {  	[tilespmem:$0x6840] =	vst v1  }
0x29: {  	[tilespmem:$0x6850] =	vst v1  }
0x2a: {  	[tilespmem:$0x6860] =	vst v1  }
0x2b: {  	[tilespmem:$0x6870] =	vst v1  }
0x2c: {  	[tilespmem:$0x6880] =	vst v1  }
0x2d: {  	[tilespmem:$0x6890] =	vst v1  }
0x2e: {  	[tilespmem:$0x68A0] =	vst v1  }
0x2f: {  	[tilespmem:$0x68B0] =	vst v1  }
0x30: {  	[tilespmem:$0x68C0] =	vst v1  }
0x31: {  	[tilespmem:$0x68D0] =	vst v1  }
0x32: {  	[tilespmem:$0x68E0] =	vst v1  }
0x33: {  	[tilespmem:$0x68F0] =	vst v1  }
0x34: {  	[tilespmem:$0x6900] =	vst v1  }
0x35: {  	[tilespmem:$0x6910] =	vst v1  }
0x36: {  	[tilespmem:$0x6920] =	vst v1  }
0x37: {  	[tilespmem:$0x6930] =	vst v1  }
0x38: {  	[tilespmem:$0x6940] =	vst v1  }
0x39: {  	[tilespmem:$0x6950] =	vst v1  }
0x3a: {  	[tilespmem:$0x6960] =	vst v1  }
0x3b: {  	[tilespmem:$0x6970] =	vst v1  }
0x3c: {  	[tilespmem:$0x6980] =	vst v1  }
0x3d: {  	[tilespmem:$0x6990] =	vst v1  }
0x3e: {  	[tilespmem:$0x69A0] =	vst v1  }
0x3f: {  	[tilespmem:$0x69B0] =	vst v1  }
0x40: {  	[tilespmem:$0x69C0] =	vst v1  }
0x41: {  	[tilespmem:$0x69D0] =	vst v1  }
0x42: {  	[tilespmem:$0x69E0] =	vst v1  }
0x43: {  	[tilespmem:$0x69F0] =	vst v1  }
0x44: {  	[tilespmem:$0x6A00] =	vst v1  }
0x45: {  	[tilespmem:$0x6A10] =	vst v1  }
0x46: {  	[tilespmem:$0x6A20] =	vst v1  }
0x47: {  	[tilespmem:$0x6A30] =	vst v1  }
0x48: {  	[tilespmem:$0x6A40] =	vst v1  }
0x49: {  	[tilespmem:$0x6A50] =	vst v1  }
0x4a: {  	[tilespmem:$0x6A60] =	vst v1  }
0x4b: {  	[tilespmem:$0x6A70] =	vst v1  }
0x4c: {  	[tilespmem:$0x6A80] =	vst v1  }
0x4d: {  	[tilespmem:$0x6A90] =	vst v1  }
0x4e: {  	[tilespmem:$0x6AA0] =	vst v1  }
0x4f: {  	[tilespmem:$0x6AB0] =	vst v1  }
0x50: {  	[tilespmem:$0x6AC0] =	vst v1  }
0x51: {  	[tilespmem:$0x6AD0] =	vst v1  }
0x52: {  	[tilespmem:$0x6AE0] =	vst v1  }
0x53: {  	[tilespmem:$0x6AF0] =	vst v1  }
0x54: {  	[tilespmem:$0x6B00] =	vst v1  }
0x55: {  	[tilespmem:$0x6B10] =	vst v1  }
0x56: {  	[tilespmem:$0x6B20] =	vst v1  }
0x57: {  	[tilespmem:$0x6B30] =	vst v1  }
0x58: {  	[tilespmem:$0x6B40] =	vst v1  }
0x59: {  	[tilespmem:$0x6B50] =	vst v1  }
0x5a: {  	[tilespmem:$0x6B60] =	vst v1  }
0x5b: {  	[tilespmem:$0x6B70] =	vst v1  }
0x5c: {  	[tilespmem:$0x6B80] =	vst v1  }
0x5d: {  	[tilespmem:$0x6B90] =	vst v1  }
0x5e: {  	[tilespmem:$0x6BA0] =	vst v1  }
0x5f: {  	[tilespmem:$0x6BB0] =	vst v1  }
0x60: {  	[tilespmem:$0x6BC0] =	vst v1  }
0x61: {  	[tilespmem:$0x6BD0] =	vst v1  }
0x62: {  	[tilespmem:$0x6BE0] =	vst v1  }
0x63: {  	s25 =	sadd.s32 $0x0, s5;
	[tilespmem:$0x6BF0] =	vst v1  }
0x64: {  	[spmem:s25] =	stream.linear.scatter [tilespmem:s10], [sflag:$0x1], $0x400, $0x38;
	[tilespmem:$0x1AC00] =	vst v63  }
0x65: {  	s19 =	sadd.s32 $0x400, s25  }
0x66: {  	[spmem:s19] =	stream.linear.scatter [tilespmem:s10], [sflag:$0x1], $0x400, $0x38;
	[tilespmem:$0x1AC00] =	vst v63  }
0x67: {  	s26 =	sadd.s32 $0x800, s25  }
0x68: {  	[spmem:s26] =	stream.linear.scatter [tilespmem:s10], [sflag:$0x1], $0x400, $0x38;
	[tilespmem:$0x1AC00] =	vst v63  }
0x69: {  	s28 =	sadd.s32 $0xC00, s25  }
0x6a: {  	[spmem:s28] =	stream.linear.scatter [tilespmem:s10], [sflag:$0x1], $0x400, $0x38;
	[tilespmem:$0x1AC00] =	vst v63  }
0x6b: {  	s29 =	sadd.s32 $0x1000, s25  }
0x6c: {  	[spmem:s29] =	stream.linear.scatter [tilespmem:s10], [sflag:$0x1], $0x400, $0x38;
	[tilespmem:$0x1AC00] =	vst v63  }
0x6d: {  	s30 =	sadd.s32 $0x1400, s25  }
0x6e: {  	[spmem:s30] =	stream.linear.scatter [tilespmem:s10], [sflag:$0x1], $0x400, $0x38;
	[tilespmem:$0x1AC00] =	vst v63  }
0x6f: {  	s31 =	sadd.s32 $0x1800, s25  }
0x70: {  	[spmem:s31] =	stream.linear.scatter [tilespmem:s10], [sflag:$0x1], $0x400, $0x38;
	[tilespmem:$0x1AC00] =	vst v63  }
0x71: {  	s18 =	sadd.s32 $0x1C00, s25  }
0x72: {  	[spmem:s18] =	stream.linear.scatter [tilespmem:s10], [sflag:$0x1], $0x400, $0x38;
	[tilespmem:$0x1AC00] =	vst v63  }
0x73: {  	_ =	swait.ge [sflag:s11], $0x400  }
0x74: {  	[sflag:s11] =	ssyncset.done $0x0  }
0x75: {  	[sflag:s11] =	ssyncadd.s32 $0xFFFFFC00  }
0x76: {  	_ =	swait.ge [sflag:s11], $0x400  }
0x77: {  	[sflag:s11] =	ssyncset.done $0x0  }
0x78: {  	[sflag:s11] =	ssyncadd.s32 $0xFFFFFC00  }
0x79: {  	_ =	swait.ge [sflag:s11], $0x400  }
0x7a: {  	[sflag:s11] =	ssyncset.done $0x0  }
0x7b: {  	[sflag:s11] =	ssyncadd.s32 $0xFFFFFC00  }
0x7c: {  	_ =	swait.ge [sflag:s11], $0x400  }
0x7d: {  	[sflag:s11] =	ssyncset.done $0x0  }
0x7e: {  	[sflag:s11] =	ssyncadd.s32 $0xFFFFFC00  }
0x7f: {  	_ =	swait.ge [sflag:s11], $0x400  }
0x80: {  	[sflag:s11] =	ssyncset.done $0x0  }
0x81: {  	[sflag:s11] =	ssyncadd.s32 $0xFFFFFC00  }
0x82: {  	_ =	swait.ge [sflag:s11], $0x400  }
0x83: {  	[sflag:s11] =	ssyncset.done $0x0  }
0x84: {  	[sflag:s11] =	ssyncadd.s32 $0xFFFFFC00  }
0x85: {  	_ =	swait.ge [sflag:s11], $0x400  }
0x86: {  	[sflag:s11] =	ssyncset.done $0x0  }
0x87: {  	[sflag:s11] =	ssyncadd.s32 $0xFFFFFC00  }
0x88: {  	_ =	swait.ge [sflag:s11], $0x400  }
0x89: {  	s20 =	simm.s32 $0x10000;
	s19 =	simm.s32 $0x2000;
	[sflag:s11] =	ssyncset.done $0x0  }
.LBB2_4:
0x8a: {  	s21 =	sadd.s32 s19, s5  }
0x8b: {  	[sflag:s11] =	ssyncadd.s32 $0xFFFFFC00;
	s19 =	smov.u32 s20;
	s18 =	sadd.s32 $0x8000, s20  }
0x8c: {  	[spmem:s21] =	stream.linear.scatter [tilespmem:s10], [sflag:$0x1], $0x400, $0x38;
	[tilespmem:$0x1AC00] =	vst v63  }
0x8d: {  	p0 =	sne.s32 s20, $0x48000;
	s20 =	sadd.s32 $0x400, s21  }
0x8e: {  	[spmem:s20] =	stream.linear.scatter [tilespmem:s10], [sflag:$0x1], $0x400, $0x38;
	[tilespmem:$0x1AC00] =	vst v63  }
0x8f: {  	s20 =	sadd.s32 $0x800, s21  }
0x90: {  	[spmem:s20] =	stream.linear.scatter [tilespmem:s10], [sflag:$0x1], $0x400, $0x38;
	[tilespmem:$0x1AC00] =	vst v63  }
0x91: {  	s20 =	sadd.s32 $0xC00, s21  }
0x92: {  	[spmem:s20] =	stream.linear.scatter [tilespmem:s10], [sflag:$0x1], $0x400, $0x38;
	[tilespmem:$0x1AC00] =	vst v63  }
0x93: {  	s20 =	sadd.s32 $0x1000, s21  }
0x94: {  	[spmem:s20] =	stream.linear.scatter [tilespmem:s10], [sflag:$0x1], $0x400, $0x38;
	[tilespmem:$0x1AC00] =	vst v63  }
0x95: {  	s20 =	sadd.s32 $0x1400, s21  }
0x96: {  	[spmem:s20] =	stream.linear.scatter [tilespmem:s10], [sflag:$0x1], $0x400, $0x38;
	[tilespmem:$0x1AC00] =	vst v63  }
0x97: {  	s20 =	sadd.s32 $0x1800, s21  }
0x98: {  	[spmem:s20] =	stream.linear.scatter [tilespmem:s10], [sflag:$0x1], $0x400, $0x38;
	[tilespmem:$0x1AC00] =	vst v63  }
0x99: {  	s20 =	sadd.s32 $0x1C00, s21  }
0x9a: {  	[spmem:s20] =	stream.linear.scatter [tilespmem:s10], [sflag:$0x1], $0x400, $0x38;
	[tilespmem:$0x1AC00] =	vst v63  }
0x9b: {  	_ =	swait.ge [sflag:s11], $0x400  }
0x9c: {  	[sflag:s11] =	ssyncset.done $0x0  }
0x9d: {  	[sflag:s11] =	ssyncadd.s32 $0xFFFFFC00  }
0x9e: {  	_ =	swait.ge [sflag:s11], $0x400  }
0x9f: {  	[sflag:s11] =	ssyncset.done $0x0  }
0xa0: {  	[sflag:s11] =	ssyncadd.s32 $0xFFFFFC00  }
0xa1: {  	_ =	swait.ge [sflag:s11], $0x400  }
0xa2: {  	[sflag:s11] =	ssyncset.done $0x0  }
0xa3: {  	[sflag:s11] =	ssyncadd.s32 $0xFFFFFC00  }
0xa4: {  	_ =	swait.ge [sflag:s11], $0x400  }
0xa5: {  	[sflag:s11] =	ssyncset.done $0x0  }
0xa6: {  	[sflag:s11] =	ssyncadd.s32 $0xFFFFFC00  }
0xa7: {  	_ =	swait.ge [sflag:s11], $0x400  }
0xa8: {  	[sflag:s11] =	ssyncset.done $0x0  }
0xa9: {  	[sflag:s11] =	ssyncadd.s32 $0xFFFFFC00  }
0xaa: {  	_ =	swait.ge [sflag:s11], $0x400  }
0xab: {  	[sflag:s11] =	ssyncset.done $0x0  }
0xac: {  	[sflag:s11] =	ssyncadd.s32 $0xFFFFFC00  }
.Ltmp1:
0xad: {  	_ =	swait.ge [sflag:s11], $0x400;
	(pc) =	sbr.rel @p0 .LBB2_4-.Ltmp1, $4  }
0xae: {  	[sflag:s11] =	ssyncset.done $0x0  }
0xaf: {  	[sflag:s11] =	ssyncadd.s32 $0xFFFFFC00  }
0xb0: {  	_ =	swait.ge [sflag:s11], $0x400  }
0xb1: {  	s19 =	sshra.s32 s19, $0x2;
	s20 =	smov.u32 s18;
	[sflag:s11] =	ssyncset.done $0x0  }
0xb2: {  	s18 =	sadd.s32 s19, s5;
	[sflag:s11] =	ssyncadd.s32 $0xFFFFFC00  }
0xb3: {  	[spmem:s18] =	stream.linear.scatter [tilespmem:s10], [sflag:$0x1], $0x400, $0x38;
	[tilespmem:$0x1AC00] =	vst v63  }
0xb4: {  	s19 =	sadd.s32 $0x400, s18  }
0xb5: {  	[spmem:s19] =	stream.linear.scatter [tilespmem:s10], [sflag:$0x1], $0x400, $0x38;
	[tilespmem:$0x1AC00] =	vst v63  }
0xb6: {  	s29 =	sadd.s32 $0x800, s18  }
0xb7: {  	[spmem:s29] =	stream.linear.scatter [tilespmem:s10], [sflag:$0x1], $0x400, $0x38;
	[tilespmem:$0x1AC00] =	vst v63  }
0xb8: {  	s30 =	sadd.s32 $0xC00, s18  }
0xb9: {  	[spmem:s30] =	stream.linear.scatter [tilespmem:s10], [sflag:$0x1], $0x400, $0x38;
	[tilespmem:$0x1AC00] =	vst v63  }
0xba: {  	s31 =	sadd.s32 $0x1000, s18  }
0xbb: {  	[spmem:s31] =	stream.linear.scatter [tilespmem:s10], [sflag:$0x1], $0x400, $0x38;
	[tilespmem:$0x1AC00] =	vst v63  }
0xbc: {  	s20 =	sadd.s32 $0x1400, s18  }
0xbd: {  	[spmem:s20] =	stream.linear.scatter [tilespmem:s10], [sflag:$0x1], $0x400, $0x38;
	[tilespmem:$0x1AC00] =	vst v63  }
0xbe: {  	s21 =	sadd.s32 $0x1800, s18  }
0xbf: {  	[spmem:s21] =	stream.linear.scatter [tilespmem:s10], [sflag:$0x1], $0x400, $0x38;
	[tilespmem:$0x1AC00] =	vst v63  }
0xc0: {  	s18 =	sadd.s32 $0x1C00, s18  }
0xc1: {  	[spmem:s18] =	stream.linear.scatter [tilespmem:s10], [sflag:$0x1], $0x400, $0x38;
	[tilespmem:$0x1AC00] =	vst v63  }
0xc2: {  	_ =	swait.ge [sflag:s11], $0x400  }
0xc3: {  	[sflag:s11] =	ssyncset.done $0x0  }
0xc4: {  	[sflag:s11] =	ssyncadd.s32 $0xFFFFFC00  }
0xc5: {  	_ =	swait.ge [sflag:s11], $0x400  }
0xc6: {  	[sflag:s11] =	ssyncset.done $0x0  }
0xc7: {  	[sflag:s11] =	ssyncadd.s32 $0xFFFFFC00  }
0xc8: {  	_ =	swait.ge [sflag:s11], $0x400  }
0xc9: {  	[sflag:s11] =	ssyncset.done $0x0  }
0xca: {  	[sflag:s11] =	ssyncadd.s32 $0xFFFFFC00  }
0xcb: {  	_ =	swait.ge [sflag:s11], $0x400  }
0xcc: {  	[sflag:s11] =	ssyncset.done $0x0  }
0xcd: {  	[sflag:s11] =	ssyncadd.s32 $0xFFFFFC00  }
0xce: {  	_ =	swait.ge [sflag:s11], $0x400  }
0xcf: {  	[sflag:s11] =	ssyncset.done $0x0  }
0xd0: {  	[sflag:s11] =	ssyncadd.s32 $0xFFFFFC00  }
0xd1: {  	_ =	swait.ge [sflag:s11], $0x400  }
0xd2: {  	[sflag:s11] =	ssyncset.done $0x0  }
0xd3: {  	[sflag:s11] =	ssyncadd.s32 $0xFFFFFC00  }
0xd4: {  	_ =	swait.ge [sflag:s11], $0x400  }
0xd5: {  	[sflag:s11] =	ssyncset.done $0x0  }
0xd6: {  	[sflag:s11] =	ssyncadd.s32 $0xFFFFFC00  }
0xd7: {  	_ =	swait.ge [sflag:s11], $0x400  }
0xd8: {  	[sflag:s11] =	ssyncset.done $0x0  }
0xd9: {  	[sflag:s11] =	ssyncadd.s32 $0xFFFFFC00  }
0xda: {  	s22 =	sadd.s32 $0x0, s8;
	[bflag:$0x0] =	sbarrier.arrive $0xFFFF  }
0xdb: {  	[spmem:s2] =	stream.indirect.scatter.add.f32 [tilespmem:s13], [sflag:$0x2], $0x80, s22, s12, $0xb8;
	[tilespmem:$0x1AC00] =	vst v63  }
0xdc: {  	s23 =	sadd.s32 $0x80, s22  }
0xdd: {  	[spmem:s2] =	stream.indirect.scatter.add.f32 [tilespmem:s13], [sflag:$0x2], $0x80, s23, s12, $0xb8;
	[tilespmem:$0x1AC00] =	vst v63  }
0xde: {  	s24 =	sadd.s32 $0x100, s22  }
0xdf: {  	[spmem:s2] =	stream.indirect.scatter.add.f32 [tilespmem:s13], [sflag:$0x2], $0x80, s24, s12, $0xb8;
	[tilespmem:$0x1AC00] =	vst v63  }
0xe0: {  	s25 =	sadd.s32 $0x180, s22  }
0xe1: {  	[spmem:s2] =	stream.indirect.scatter.add.f32 [tilespmem:s13], [sflag:$0x2], $0x80, s25, s12, $0xb8;
	[tilespmem:$0x1AC00] =	vst v63  }
0xe2: {  	s26 =	sadd.s32 $0x200, s22  }
0xe3: {  	[spmem:s2] =	stream.indirect.scatter.add.f32 [tilespmem:s13], [sflag:$0x2], $0x80, s26, s12, $0xb8;
	[tilespmem:$0x1AC00] =	vst v63  }
0xe4: {  	s28 =	sadd.s32 $0x280, s22  }
0xe5: {  	[spmem:s2] =	stream.indirect.scatter.add.f32 [tilespmem:s13], [sflag:$0x2], $0x80, s28, s12, $0xb8;
	[tilespmem:$0x1AC00] =	vst v63  }
0xe6: {  	s29 =	sadd.s32 $0x300, s22  }
0xe7: {  	[spmem:s2] =	stream.indirect.scatter.add.f32 [tilespmem:s13], [sflag:$0x2], $0x80, s29, s12, $0xb8;
	[tilespmem:$0x1AC00] =	vst v63  }
0xe8: {  	s30 =	sadd.s32 $0x380, s22  }
0xe9: {  	[spmem:s2] =	stream.indirect.scatter.add.f32 [tilespmem:s13], [sflag:$0x2], $0x80, s30, s12, $0xb8;
	[tilespmem:$0x1AC00] =	vst v63  }
0xea: {  	s31 =	sadd.s32 $0x400, s22  }
0xeb: {  	[spmem:s2] =	stream.indirect.scatter.add.f32 [tilespmem:s13], [sflag:$0x2], $0x80, s31, s12, $0xb8;
	[tilespmem:$0x1AC00] =	vst v63  }
0xec: {  	s18 =	sadd.s32 $0x480, s22  }
0xed: {  	[spmem:s2] =	stream.indirect.scatter.add.f32 [tilespmem:s13], [sflag:$0x2], $0x80, s18, s12, $0xb8;
	[tilespmem:$0x1AC00] =	vst v63  }
0xee: {  	_ =	swait.ge [sflag:s14], $0x3200  }
0xef: {  	[sflag:s14] =	ssyncset.done $0x0  }
0xf0: {  	[sflag:s14] =	ssyncadd.s32 $0xFFFFCE00  }
0xf1: {  	_ =	swait.ge [sflag:s14], $0x3200  }
0xf2: {  	[sflag:s14] =	ssyncset.done $0x0  }
0xf3: {  	[sflag:s14] =	ssyncadd.s32 $0xFFFFCE00  }
0xf4: {  	_ =	swait.ge [sflag:s14], $0x3200  }
0xf5: {  	[sflag:s14] =	ssyncset.done $0x0  }
0xf6: {  	[sflag:s14] =	ssyncadd.s32 $0xFFFFCE00  }
0xf7: {  	_ =	swait.ge [sflag:s14], $0x3200  }
0xf8: {  	[sflag:s14] =	ssyncset.done $0x0  }
0xf9: {  	[sflag:s14] =	ssyncadd.s32 $0xFFFFCE00  }
0xfa: {  	_ =	swait.ge [sflag:s14], $0x3200  }
0xfb: {  	[sflag:s14] =	ssyncset.done $0x0  }
0xfc: {  	[sflag:s14] =	ssyncadd.s32 $0xFFFFCE00  }
0xfd: {  	_ =	swait.ge [sflag:s14], $0x3200  }
0xfe: {  	[sflag:s14] =	ssyncset.done $0x0  }
0xff: {  	[sflag:s14] =	ssyncadd.s32 $0xFFFFCE00  }
0x100: {  	_ =	swait.ge [sflag:s14], $0x3200  }
0x101: {  	[sflag:s14] =	ssyncset.done $0x0  }
0x102: {  	[sflag:s14] =	ssyncadd.s32 $0xFFFFCE00  }
0x103: {  	_ =	swait.ge [sflag:s14], $0x3200  }
0x104: {  	[sflag:s14] =	ssyncset.done $0x0  }
0x105: {  	[sflag:s14] =	ssyncadd.s32 $0xFFFFCE00  }
0x106: {  	_ =	swait.ge [sflag:s14], $0x3200  }
0x107: {  	[sflag:s14] =	ssyncset.done $0x0  }
0x108: {  	[sflag:s14] =	ssyncadd.s32 $0xFFFFCE00  }
0x109: {  	_ =	swait.ge [sflag:s14], $0x3200  }
0x10a: {  	s19 =	simm.s32 $0x500;
	s20 =	simm.s32 $0x2800;
	[sflag:s14] =	ssyncset.done $0x0  }
.LBB2_6:
0x10b: {  	s21 =	sadd.s32 s19, s8  }
0x10c: {  	[sflag:s14] =	ssyncadd.s32 $0xFFFFCE00;
	s19 =	smov.u32 s20;
	s18 =	sadd.s32 $0x1400, s20  }
0x10d: {  	[spmem:s2] =	stream.indirect.scatter.add.f32 [tilespmem:s13], [sflag:$0x2], $0x80, s21, s12, $0xb8;
	[tilespmem:$0x1AC00] =	vst v63  }
0x10e: {  	p0 =	sne.s32 s20, $0x5000;
	s20 =	sadd.s32 $0x80, s21  }
0x10f: {  	[spmem:s2] =	stream.indirect.scatter.add.f32 [tilespmem:s13], [sflag:$0x2], $0x80, s20, s12, $0xb8;
	[tilespmem:$0x1AC00] =	vst v63  }
0x110: {  	s20 =	sadd.s32 $0x100, s21  }
0x111: {  	[spmem:s2] =	stream.indirect.scatter.add.f32 [tilespmem:s13], [sflag:$0x2], $0x80, s20, s12, $0xb8;
	[tilespmem:$0x1AC00] =	vst v63  }
0x112: {  	s20 =	sadd.s32 $0x180, s21  }
0x113: {  	[spmem:s2] =	stream.indirect.scatter.add.f32 [tilespmem:s13], [sflag:$0x2], $0x80, s20, s12, $0xb8;
	[tilespmem:$0x1AC00] =	vst v63  }
0x114: {  	s20 =	sadd.s32 $0x200, s21  }
0x115: {  	[spmem:s2] =	stream.indirect.scatter.add.f32 [tilespmem:s13], [sflag:$0x2], $0x80, s20, s12, $0xb8;
	[tilespmem:$0x1AC00] =	vst v63  }
0x116: {  	s20 =	sadd.s32 $0x280, s21  }
0x117: {  	[spmem:s2] =	stream.indirect.scatter.add.f32 [tilespmem:s13], [sflag:$0x2], $0x80, s20, s12, $0xb8;
	[tilespmem:$0x1AC00] =	vst v63  }
0x118: {  	s20 =	sadd.s32 $0x300, s21  }
0x119: {  	[spmem:s2] =	stream.indirect.scatter.add.f32 [tilespmem:s13], [sflag:$0x2], $0x80, s20, s12, $0xb8;
	[tilespmem:$0x1AC00] =	vst v63  }
0x11a: {  	s20 =	sadd.s32 $0x380, s21  }
0x11b: {  	[spmem:s2] =	stream.indirect.scatter.add.f32 [tilespmem:s13], [sflag:$0x2], $0x80, s20, s12, $0xb8;
	[tilespmem:$0x1AC00] =	vst v63  }
0x11c: {  	s20 =	sadd.s32 $0x400, s21  }
0x11d: {  	[spmem:s2] =	stream.indirect.scatter.add.f32 [tilespmem:s13], [sflag:$0x2], $0x80, s20, s12, $0xb8;
	[tilespmem:$0x1AC00] =	vst v63  }
0x11e: {  	s20 =	sadd.s32 $0x480, s21  }
0x11f: {  	[spmem:s2] =	stream.indirect.scatter.add.f32 [tilespmem:s13], [sflag:$0x2], $0x80, s20, s12, $0xb8;
	[tilespmem:$0x1AC00] =	vst v63  }
0x120: {  	_ =	swait.ge [sflag:s14], $0x3200  }
0x121: {  	[sflag:s14] =	ssyncset.done $0x0  }
0x122: {  	[sflag:s14] =	ssyncadd.s32 $0xFFFFCE00  }
0x123: {  	_ =	swait.ge [sflag:s14], $0x3200  }
0x124: {  	[sflag:s14] =	ssyncset.done $0x0  }
0x125: {  	[sflag:s14] =	ssyncadd.s32 $0xFFFFCE00  }
0x126: {  	_ =	swait.ge [sflag:s14], $0x3200  }
0x127: {  	[sflag:s14] =	ssyncset.done $0x0  }
0x128: {  	[sflag:s14] =	ssyncadd.s32 $0xFFFFCE00  }
0x129: {  	_ =	swait.ge [sflag:s14], $0x3200  }
0x12a: {  	[sflag:s14] =	ssyncset.done $0x0  }
0x12b: {  	[sflag:s14] =	ssyncadd.s32 $0xFFFFCE00  }
0x12c: {  	_ =	swait.ge [sflag:s14], $0x3200  }
0x12d: {  	[sflag:s14] =	ssyncset.done $0x0  }
0x12e: {  	[sflag:s14] =	ssyncadd.s32 $0xFFFFCE00  }
0x12f: {  	_ =	swait.ge [sflag:s14], $0x3200  }
0x130: {  	[sflag:s14] =	ssyncset.done $0x0  }
0x131: {  	[sflag:s14] =	ssyncadd.s32 $0xFFFFCE00  }
0x132: {  	_ =	swait.ge [sflag:s14], $0x3200  }
0x133: {  	[sflag:s14] =	ssyncset.done $0x0  }
0x134: {  	[sflag:s14] =	ssyncadd.s32 $0xFFFFCE00  }
0x135: {  	_ =	swait.ge [sflag:s14], $0x3200  }
0x136: {  	[sflag:s14] =	ssyncset.done $0x0  }
0x137: {  	[sflag:s14] =	ssyncadd.s32 $0xFFFFCE00  }
.Ltmp2:
0x138: {  	_ =	swait.ge [sflag:s14], $0x3200;
	(pc) =	sbr.rel @p0 .LBB2_6-.Ltmp2, $4  }
0x139: {  	[sflag:s14] =	ssyncset.done $0x0  }
0x13a: {  	[sflag:s14] =	ssyncadd.s32 $0xFFFFCE00  }
0x13b: {  	_ =	swait.ge [sflag:s14], $0x3200  }
0x13c: {  	s19 =	sshra.s32 s19, $0x2;
	s20 =	smov.u32 s18;
	[sflag:s14] =	ssyncset.done $0x0  }
0x13d: {  	s18 =	sadd.s32 s19, s8;
	[sflag:s14] =	ssyncadd.s32 $0xFFFFCE00  }
0x13e: {  	[spmem:s2] =	stream.indirect.scatter.add.f32 [tilespmem:s13], [sflag:$0x2], $0x80, s18, s12, $0xb8;
	[tilespmem:$0x1AC00] =	vst v63  }
0x13f: {  	s19 =	sadd.s32 $0x80, s18  }
0x140: {  	[spmem:s2] =	stream.indirect.scatter.add.f32 [tilespmem:s13], [sflag:$0x2], $0x80, s19, s12, $0xb8;
	[tilespmem:$0x1AC00] =	vst v63  }
0x141: {  	s24 =	sadd.s32 $0x100, s18  }
0x142: {  	[spmem:s2] =	stream.indirect.scatter.add.f32 [tilespmem:s13], [sflag:$0x2], $0x80, s24, s12, $0xb8;
	[tilespmem:$0x1AC00] =	vst v63  }
0x143: {  	s25 =	sadd.s32 $0x180, s18  }
0x144: {  	[spmem:s2] =	stream.indirect.scatter.add.f32 [tilespmem:s13], [sflag:$0x2], $0x80, s25, s12, $0xb8;
	[tilespmem:$0x1AC00] =	vst v63  }
0x145: {  	s26 =	sadd.s32 $0x200, s18  }
0x146: {  	[spmem:s2] =	stream.indirect.scatter.add.f32 [tilespmem:s13], [sflag:$0x2], $0x80, s26, s12, $0xb8;
	[tilespmem:$0x1AC00] =	vst v63  }
0x147: {  	s28 =	sadd.s32 $0x280, s18  }
0x148: {  	[spmem:s2] =	stream.indirect.scatter.add.f32 [tilespmem:s13], [sflag:$0x2], $0x80, s28, s12, $0xb8;
	[tilespmem:$0x1AC00] =	vst v63  }
0x149: {  	s29 =	sadd.s32 $0x300, s18  }
0x14a: {  	[spmem:s2] =	stream.indirect.scatter.add.f32 [tilespmem:s13], [sflag:$0x2], $0x80, s29, s12, $0xb8;
	[tilespmem:$0x1AC00] =	vst v63  }
0x14b: {  	s30 =	sadd.s32 $0x380, s18  }
0x14c: {  	[spmem:s2] =	stream.indirect.scatter.add.f32 [tilespmem:s13], [sflag:$0x2], $0x80, s30, s12, $0xb8;
	[tilespmem:$0x1AC00] =	vst v63  }
0x14d: {  	s31 =	sadd.s32 $0x400, s18  }
0x14e: {  	[spmem:s2] =	stream.indirect.scatter.add.f32 [tilespmem:s13], [sflag:$0x2], $0x80, s31, s12, $0xb8;
	[tilespmem:$0x1AC00] =	vst v63  }
0x14f: {  	s18 =	sadd.s32 $0x480, s18  }
0x150: {  	[spmem:s2] =	stream.indirect.scatter.add.f32 [tilespmem:s13], [sflag:$0x2], $0x80, s18, s12, $0xb8;
	[tilespmem:$0x1AC00] =	vst v63  }
0x151: {  	_ =	swait.ge [sflag:s14], $0x3200  }
0x152: {  	[sflag:s14] =	ssyncset.done $0x0  }
0x153: {  	[sflag:s14] =	ssyncadd.s32 $0xFFFFCE00  }
0x154: {  	_ =	swait.ge [sflag:s14], $0x3200  }
0x155: {  	[sflag:s14] =	ssyncset.done $0x0  }
0x156: {  	[sflag:s14] =	ssyncadd.s32 $0xFFFFCE00  }
0x157: {  	_ =	swait.ge [sflag:s14], $0x3200  }
0x158: {  	[sflag:s14] =	ssyncset.done $0x0  }
0x159: {  	[sflag:s14] =	ssyncadd.s32 $0xFFFFCE00  }
0x15a: {  	_ =	swait.ge [sflag:s14], $0x3200  }
0x15b: {  	[sflag:s14] =	ssyncset.done $0x0  }
0x15c: {  	[sflag:s14] =	ssyncadd.s32 $0xFFFFCE00  }
0x15d: {  	_ =	swait.ge [sflag:s14], $0x3200  }
0x15e: {  	[sflag:s14] =	ssyncset.done $0x0  }
0x15f: {  	[sflag:s14] =	ssyncadd.s32 $0xFFFFCE00  }
0x160: {  	_ =	swait.ge [sflag:s14], $0x3200  }
0x161: {  	[sflag:s14] =	ssyncset.done $0x0  }
0x162: {  	[sflag:s14] =	ssyncadd.s32 $0xFFFFCE00  }
0x163: {  	_ =	swait.ge [sflag:s14], $0x3200  }
0x164: {  	[sflag:s14] =	ssyncset.done $0x0  }
0x165: {  	[sflag:s14] =	ssyncadd.s32 $0xFFFFCE00  }
0x166: {  	_ =	swait.ge [sflag:s14], $0x3200  }
0x167: {  	[sflag:s14] =	ssyncset.done $0x0  }
0x168: {  	[sflag:s14] =	ssyncadd.s32 $0xFFFFCE00  }
0x169: {  	_ =	swait.ge [sflag:s14], $0x3200  }
0x16a: {  	[sflag:s14] =	ssyncset.done $0x0  }
0x16b: {  	[sflag:s14] =	ssyncadd.s32 $0xFFFFCE00  }
0x16c: {  	_ =	swait.ge [sflag:s14], $0x3200  }
0x16d: {  	s17 =	sadd.s32 $0x1, s17;
	[sflag:s14] =	ssyncset.done $0x0  }
0x16e: {  	p0 =	sne.s32 s17, s6;
	[sflag:s14] =	ssyncadd.s32 $0xFFFFCE00  }
.Ltmp3:
0x16f: {  	[bflag:$0x0] =	sbarrier.arrive $0xFFFF;
	(pc) =	sbr.rel @p0 .LBB2_1-.Ltmp3, $4  }
0x170: {  	[hbm:s7], [sflag:s15] =	dma.local [spmem:s16], $0x2800  }
0x171: {  	_ =	swait.ge [sflag:s9], $0x2800  }
0x172: {  	[sflag:s9] =	ssyncset.done $0x0  }
0x173: {  	[sflag:s9] =	ssyncadd.s32 $0xFFFFD800  }
0x174: {  	_ =	sfence.sel $0x180000  }
0x175: {  	[bflag:$0x0] =	sbarrier.arrive $0xFFFF  }
0x176: {  	p0 =	sne.s32 s1, $0x0;
	_ =	strace $0x90000047  }
0x177: {  	s0 =	sadd.s32 @!p0 $0x100000, s0;
	[bflag:$0x2] =	sbarrier.arrive $0xFFFF  }
0x178: {  	[sflag:s0] =	ssyncadd.tile.s32 @!p0 $0x1;
	_ =	shalt  }
.Lfunc_end2:
_tile_overlayer_lowered:
.L_overlay_start_2:
0x179: {  	(tag) =	ssettag $0x2  }
0x17a: {  	s0 =	rddreg [dreg:$0x0];
	s2 =	stileid.u32  }
0x17b: {  	s1 =	rddreg [dreg:$0x1];
	p0 =	sne.s32 s2, $0x0  }
0x17c: {  	s3 =	rddreg [dreg:$0x2];
	[bflag:$0x3] =	sbarrier.arrive $0xFFFF;
	s2 =	simm.s32 @!p0 $0x1C03  }
0x17d: {  	[timem:s3], [sflag:s2] =	dma.local @!p0 [hbm:s0], s1  }
0x17e: {  	s0 =	simm.s32 @!p0 $0x3  }
0x17f: {  	_ =	swait.ge @!p0 [sflag:s0], s1  }
0x180: {  	s1 =	ssub.s32 @!p0 $0x0, s1;
	[sflag:s0] =	ssyncset.done @!p0 $0x0  }
0x181: {  	[sflag:s0] =	ssyncadd.s32 @!p0 s1  }
0x182: {  	[bflag:$0x3] =	sbarrier.arrive $0xFFFF  }
0x183: {  	_ =	shalt  }

</sc_bundles>
